<compile_context>
chip_gen: v7x
topology: tpu7x:2x2x1
jax: 0.10.2.dev20260603
libtpu: 0.0.44.dev20260713+nightly
codegen_flags: <defaults>
</compile_context>

<pallas_src>
import dataclasses
import functools

import jax
import jax.numpy as jnp
from jax import lax
from jax.experimental import pallas as pl
from jax.experimental.pallas import tpu as pltpu
from jax.experimental.pallas import tpu_sc as plsc

NB, NN = 2, 4096
ROWS = 256
NEG = -3.0e38
GW = 128

_DIMS = lambda: (((1,), (0,)), ((), ()))
_DIMS_T = lambda: (((1,), (1,)), ((), ()))


def _lrelu(x):
    return jnp.where(x >= 0, x, 0.2 * x)


def _mm(a, b):
    return lax.dot_general(a, b, _DIMS(), preferred_element_type=jnp.float32)


def _sq_lanes(x):
    ones = jnp.ones((8, x.shape[1]), jnp.float32)
    q = lax.dot_general(ones, x * x, _DIMS_T(),
                        preferred_element_type=jnp.float32,
                        precision=lax.Precision.HIGHEST)
    return q[0:1]



def _prep_body(x_ref, wu_ref, bu_ref, wv_ref, sq_ref, u_ref, v_ref):
    x = x_ref[0]
    sq_ref[0] = _sq_lanes(x)
    u_ref[0] = _mm(x, wu_ref[...]) + bu_ref[...]
    v_ref[...] = _mm(x, wv_ref[...])


def _prep(x, wu, bu, wv):
    n, c = x.shape[1], x.shape[2]
    o = wu.shape[1]
    full = lambda b: (0, 0)
    return pl.pallas_call(
        _prep_body,
        grid=(NB,),
        in_specs=[
            pl.BlockSpec((1, n, c), lambda b: (b, 0, 0)),
            pl.BlockSpec((c, o), full),
            pl.BlockSpec((1, o), full),
            pl.BlockSpec((c, o), full),
        ],
        out_specs=[
            pl.BlockSpec((1, 1, n), lambda b: (b, 0, 0)),
            pl.BlockSpec((1, n, o), lambda b: (b, 0, 0)),
            pl.BlockSpec((n, o), lambda b: (b, 0)),
        ],
        out_shape=[
            jax.ShapeDtypeStruct((NB, 1, n), jnp.float32),
            jax.ShapeDtypeStruct((NB, n, o), jnp.float32),
            jax.ShapeDtypeStruct((NB * n, o), jnp.float32),
        ],
        compiler_params=pltpu.CompilerParams(
            dimension_semantics=("parallel",)),
    )(x, wu, bu, wv)



def _dist_topk_body(k, kp, xr_ref, xa_ref, sq_ref, idx_ref):
    xr = xr_ref[0]
    xa = xa_ref[0]
    n = xa.shape[0]
    d = 2.0 * lax.dot_general(xr, xa, _DIMS_T(),
                              preferred_element_type=jnp.float32) - sq_ref[0]
    col = lax.broadcasted_iota(jnp.int32, (ROWS, n), 1)
    lane = lax.broadcasted_iota(jnp.int32, (ROWS, kp), 1)
    acc = jnp.zeros((ROWS, kp), jnp.int32)
    for t in range(k):
        m = jnp.max(d, axis=1, keepdims=True)
        cand = jnp.where(d == m, col, n)
        a = jnp.min(cand, axis=1, keepdims=True)
        acc = jnp.where(lane == t, a, acc)
        d = jnp.where(col == a, NEG, d)
    idx_ref[...] = acc + pl.program_id(0) * NN


def _dist_topk(x, sq, k, kp):
    n, c = x.shape[1], x.shape[2]
    return pl.pallas_call(
        functools.partial(_dist_topk_body, k, kp),
        grid=(NB, n // ROWS),
        in_specs=[
            pl.BlockSpec((1, ROWS, c), lambda b, i: (b, i, 0)),
            pl.BlockSpec((1, n, c), lambda b, i: (b, 0, 0)),
            pl.BlockSpec((1, 1, n), lambda b, i: (b, 0, 0)),
        ],
        out_specs=pl.BlockSpec((ROWS, kp), lambda b, i: (b * (n // ROWS) + i, 0)),
        out_shape=jax.ShapeDtypeStruct((NB * n, kp), jnp.int32),
        compiler_params=pltpu.CompilerParams(
            dimension_semantics=("parallel", "parallel")),
    )(x, x, sq)



def _sc_gather(table, idx):
    n = idx.shape[0]
    o = table.shape[1]
    idx2 = idx.reshape(1, n)
    mesh = plsc.VectorSubcoreMesh(core_axis_name="core",
                                  subcore_axis_name="subcore")
    cp = pltpu.CompilerParams()
    if "needs_layout_passes" in pltpu.CompilerParams.__dataclass_fields__:
        cp = dataclasses.replace(cp, needs_layout_passes=False)

    @functools.partial(
        pl.kernel,
        out_type=jax.ShapeDtypeStruct((n, o), table.dtype),
        mesh=mesh,
        compiler_params=cp,
    )
    def _gather_kernel(x_hbm, i_hbm, o_hbm):
        def body(i_vmem, o_vmem):
            pltpu.sync_copy(x_hbm.at[i_vmem.at[0]], o_vmem)

        pltpu.emit_pipeline(
            body,
            grid=(n // GW,),
            in_specs=[pl.BlockSpec((1, GW), index_map=lambda i: (0, i))],
            out_specs=[pl.BlockSpec((GW, o), index_map=lambda i: (i, 0))],
            core_axis_name=("core", "subcore"),
            dimension_semantics=(pltpu.PARALLEL,),
        )(i_hbm, o_hbm)

    return _gather_kernel(table, idx2)


def _edge_max(u, g_ref, w2, b2, k):
    acc = None
    for t in range(k):
        h = _lrelu(u + g_ref[t])
        y = _lrelu(_mm(h, w2) + b2)
        acc = y if acc is None else jnp.maximum(acc, y)
    return acc



def _ec1_body(u_ref, g_ref, w2_ref, b2_ref, wg1_ref, bg1_ref, wg2_ref,
              bg2_ref, wu1_ref, bu1_ref, p2u_ref, b2u_ref, p2v_ref,
              h64_ref, sq2_ref, u2_ref, v2_ref):
    x1 = _edge_max(u_ref[0], g_ref, w2_ref[...], b2_ref[...], 20)
    f1 = _lrelu(_mm(x1, wg1_ref[...]) + bg1_ref[...]) + x1
    f2 = _lrelu(_mm(f1, wg2_ref[...]) + bg2_ref[...]) + f1
    wu1 = wu1_ref[...]
    h64 = jnp.maximum(_mm(f1, wu1[:128]) + _mm(f2, wu1[128:]) + bu1_ref[...],
                      0.0)
    h64_ref[0] = h64
    sq2_ref[0] = _sq_lanes(h64)
    u2_ref[0] = _mm(h64, p2u_ref[...]) + b2u_ref[...]
    v2_ref[...] = _mm(h64, p2v_ref[...])


def _ec2_body(u_ref, g_ref, w2_ref, b2_ref, wu2_ref, bu2_ref, p3u_ref,
              b3u_ref, p3v_ref, h64_ref, sq3_ref, u3_ref, v3_ref):
    x2 = _edge_max(u_ref[0], g_ref, w2_ref[...], b2_ref[...], 12)
    h64 = jnp.maximum(_mm(x2, wu2_ref[...]) + bu2_ref[...], 0.0)
    h64_ref[0] = h64
    sq3_ref[0] = _sq_lanes(h64)
    u3_ref[0] = _mm(h64, p3u_ref[...]) + b3u_ref[...]
    v3_ref[...] = _mm(h64, p3v_ref[...])


def _ec3_body(u_ref, g_ref, w2_ref, b2_ref, wd1_ref, bd1_ref, wd2_ref,
              bd2_ref, wd3_ref, bd3_ref, pos_ref, newp_ref, edge_ref):
    x3 = _edge_max(u_ref[0], g_ref, w2_ref[...], b2_ref[...], 4)
    d1 = jnp.maximum(_mm(x3, wd1_ref[...]) + bd1_ref[...], 0.0)
    d2 = jnp.maximum(_mm(d1, wd2_ref[...]) + bd2_ref[...], 0.0)
    d3 = _mm(d2, wd3_ref[...]) + bd3_ref[...]
    edge_ref[0] = d3
    newp_ref[0] = pos_ref[0] + d3


def _full2(shape):
    return pl.BlockSpec(shape, lambda b, i: (0, 0))


def _edge_call(body, k, cin, cout, u, g, extras, out_specs, out_shapes):
    steps = NN // ROWS
    in_specs = [
        pl.BlockSpec((1, ROWS, cin), lambda b, i: (b, i, 0)),
        pl.BlockSpec((k, ROWS, cout), lambda b, i: (0, b * steps + i, 0)),
    ] + [_full2(e.shape) for e in extras]
    return pl.pallas_call(
        body,
        grid=(NB, steps),
        in_specs=in_specs,
        out_specs=out_specs,
        out_shape=out_shapes,
        compiler_params=pltpu.CompilerParams(
            dimension_semantics=("parallel", "parallel")),
    )(u, g, *extras)


def _flat_idx(idx, k):
    return idx[:, :k].T.reshape(-1)


def kernel(feature, pos, We0a, be0a, We0b, be0b, Wg1, bg1, Wg2, bg2, Wu1,
           bu1, Wue1a, bue1a, Wue1b, bue1b, Wu2, bu2, Wue2a, bue2a, Wue2b,
           bue2b, Wd1, bd1, Wd2, bd2, Wd3, bd3):
    f32 = jnp.float32
    r2 = lambda v: v.reshape(1, -1).astype(f32)
    steps = NN // ROWS

    p1u = (We0a[:, :128] - We0a[:, 128:]).T
    p1v = We0a[:, 128:].T
    sq1, u1, v1 = _prep(feature, p1u, r2(be0a), p1v)
    idx1 = _dist_topk(feature, sq1, 20, 24)
    g1 = _sc_gather(v1, _flat_idx(idx1, 20)).reshape(20, NB * NN, 128)

    p2u = (Wue1a[:, :64] - Wue1a[:, 64:]).T
    p2v = Wue1a[:, 64:].T
    h64a, sq2, u2, v2 = _edge_call(
        _ec1_body, 20, 128, 128, u1, g1,
        [We0b.T, r2(be0b), Wg1.T, r2(bg1), Wg2.T, r2(bg2), Wu1.T, r2(bu1),
         p2u, r2(bue1a), p2v],
        [
            pl.BlockSpec((1, ROWS, 64), lambda b, i: (b, i, 0)),
            pl.BlockSpec((1, 1, ROWS), lambda b, i: (b, 0, i)),
            pl.BlockSpec((1, ROWS, 256), lambda b, i: (b, i, 0)),
            pl.BlockSpec((ROWS, 256), lambda b, i: (b * steps + i, 0)),
        ],
        [
            jax.ShapeDtypeStruct((NB, NN, 64), f32),
            jax.ShapeDtypeStruct((NB, 1, NN), f32),
            jax.ShapeDtypeStruct((NB, NN, 256), f32),
            jax.ShapeDtypeStruct((NB * NN, 256), f32),
        ])

    idx2 = _dist_topk(h64a, sq2, 12, 16)
    g2 = _sc_gather(v2, _flat_idx(idx2, 12)).reshape(12, NB * NN, 256)

    p3u = (Wue2a[:, :64] - Wue2a[:, 64:]).T
    p3v = Wue2a[:, 64:].T
    h64b, sq3, u3, v3 = _edge_call(
        _ec2_body, 12, 256, 256, u2, g2,
        [Wue1b.T, r2(bue1b), Wu2.T, r2(bu2), p3u, r2(bue2a), p3v],
        [
            pl.BlockSpec((1, ROWS, 64), lambda b, i: (b, i, 0)),
            pl.BlockSpec((1, 1, ROWS), lambda b, i: (b, 0, i)),
            pl.BlockSpec((1, ROWS, 256), lambda b, i: (b, i, 0)),
            pl.BlockSpec((ROWS, 256), lambda b, i: (b * steps + i, 0)),
        ],
        [
            jax.ShapeDtypeStruct((NB, NN, 64), f32),
            jax.ShapeDtypeStruct((NB, 1, NN), f32),
            jax.ShapeDtypeStruct((NB, NN, 256), f32),
            jax.ShapeDtypeStruct((NB * NN, 256), f32),
        ])

    idx3 = _dist_topk(h64b, sq3, 4, 8)
    g3 = _sc_gather(v3, _flat_idx(idx3, 4)).reshape(4, NB * NN, 256)

    pos24 = jnp.concatenate([pos] * 8, axis=-1)
    in_specs = [
        pl.BlockSpec((1, ROWS, 256), lambda b, i: (b, i, 0)),
        pl.BlockSpec((4, ROWS, 256), lambda b, i: (0, b * steps + i, 0)),
        _full2(Wue2b.T.shape), _full2((1, 256)),
        _full2(Wd1.T.shape), _full2((1, 12)),
        _full2(Wd2.T.shape), _full2((1, 24)),
        _full2(Wd3.T.shape), _full2((1, 24)),
        pl.BlockSpec((1, ROWS, 24), lambda b, i: (b, i, 0)),
    ]
    newp, edge = pl.pallas_call(
        _ec3_body,
        grid=(NB, steps),
        in_specs=in_specs,
        out_specs=[
            pl.BlockSpec((1, ROWS, 24), lambda b, i: (b, i, 0)),
            pl.BlockSpec((1, ROWS, 24), lambda b, i: (b, i, 0)),
        ],
        out_shape=[
            jax.ShapeDtypeStruct((NB, NN, 24), f32),
            jax.ShapeDtypeStruct((NB, NN, 24), f32),
        ],
        compiler_params=pltpu.CompilerParams(
            dimension_semantics=("parallel", "parallel")),
    )(u3, g3, Wue2b.T, r2(bue2b), Wd1.T, r2(bd1), Wd2.T, r2(bd2), Wd3.T,
      r2(bd3), pos24)

    return (newp.reshape(NB, NN * 8, 3), edge.reshape(NB, NN * 8, 3))

# --- scband reference (transcript-rebuilt; emitter-appended) ---
"""Pipeline reference for scband-no-mask-srnet-5549097746949 (READ-ONLY COPY).

The authoritative reference and input builder live on the scoring server;
editing this copy changes nothing except your own understanding.
"""

import jax, jax.numpy as jnp
import numpy as np

B, N, IN_FEATS, EMB, R = 2, 4096, 128, 128, 8

def _lrelu(x):
    return jax.nn.leaky_relu(x, 0.2)

def _knn(x, k):
    # x: [B, C, N] -> idx [B, N, k] of nearest neighbors in feature space
    xt = jnp.swapaxes(x, 1, 2)
    sq = jnp.sum(xt * xt, axis=-1)
    d = 2.0 * jnp.einsum('bnc,bmc->bnm', xt, xt) - sq[:, :, None] - sq[:, None, :]
    _, idx = jax.lax.top_k(d, k)
    return idx

def _edge_conv(x, k, W1, b1, W2, b2):
    # DGCNN EdgeConv: dynamic kNN graph, edge feat [x_i, x_j - x_i], shared 2-layer MLP, max-aggregate
    idx = _knn(x, k)
    nbr = jax.vmap(lambda xb, ib: xb[:, ib])(x, idx)  # [B, C, N, k] gather
    ctr = jnp.broadcast_to(x[:, :, :, None], nbr.shape)
    e = jnp.concatenate([ctr, nbr - ctr], axis=1)  # [B, 2C, N, k]
    h = _lrelu(jnp.einsum('oc,bcnk->bonk', W1, e) + b1[None, :, None, None])
    h = _lrelu(jnp.einsum('oc,bcnk->bonk', W2, h) + b2[None, :, None, None])
    return jnp.max(h, axis=-1)

def _pw(x, W, b):
    # pointwise (1x1 conv) shared MLP layer on [B, C, N]
    return jnp.einsum('oc,bcn->bon', W, x) + b[None, :, None]

def setup_inputs(seed: int = 0):
    key = jax.random.key(seed)
    def p(i, shape, scale=0.05):
        return jax.random.normal(jax.random.fold_in(key, i), shape, dtype=jnp.float32) * scale
    inp = {
        'feature': jax.random.normal(jax.random.fold_in(key, 100), (B, N, IN_FEATS), dtype=jnp.float32),
        'pos': jax.random.normal(jax.random.fold_in(key, 101), (B, N, 3), dtype=jnp.float32),
        'We0a': p(0, (EMB, 2 * IN_FEATS)), 'be0a': p(1, (EMB,)),
        'We0b': p(2, (EMB, EMB)), 'be0b': p(3, (EMB,)),
        'Wg1': p(4, (EMB, EMB)), 'bg1': p(5, (EMB,)),
        'Wg2': p(6, (EMB, EMB)), 'bg2': p(7, (EMB,)),
        'Wu1': p(8, (64, 256)), 'bu1': p(9, (64,)),
        'Wue1a': p(10, (256, 128)), 'bue1a': p(11, (256,)),
        'Wue1b': p(12, (256, 256)), 'bue1b': p(13, (256,)),
        'Wu2': p(14, (64, 256)), 'bu2': p(15, (64,)),
        'Wue2a': p(16, (256, 128)), 'bue2a': p(17, (256,)),
        'Wue2b': p(18, (256, 256)), 'bue2b': p(19, (256,)),
        'Wd1': p(20, (12, 256)), 'bd1': p(21, (12,)),
        'Wd2': p(22, (24, 12)), 'bd2': p(23, (24,)),
        'Wd3': p(24, (24, 24)), 'bd3': p(25, (24,)),
    }
    return inp

def reference(feature, pos, We0a, be0a, We0b, be0b, Wg1, bg1, Wg2, bg2, Wu1, bu1, Wue1a, bue1a, Wue1b, bue1b, Wu2, bu2, Wue2a, bue2a, Wue2b, bue2b, Wd1, bd1, Wd2, bd2, Wd3, bd3):
    # GCNFeatureExtractor: EdgeConv(k=20) then two residual IDGCN layers; concat of layer outputs
    x = jnp.swapaxes(feature, 1, 2)  # [B, C, N]
    x = _edge_conv(x, 20, We0a, be0a, We0b, be0b)
    f1 = _lrelu(_pw(x, Wg1, bg1)) + x
    f2 = _lrelu(_pw(f1, Wg2, bg2)) + f1
    enc = jnp.concatenate([f1, f2], axis=1)  # [B, 256, N]
    # UpsamplingModule: (conv 256->64, EdgeConv k=12 64->256) x then (conv 256->64, EdgeConv k=4 64->256), decoder MLP [256,12,24] + final conv
    h = jax.nn.relu(_pw(enc, Wu1, bu1))
    h = _edge_conv(h, 12, Wue1a, bue1a, Wue1b, bue1b)
    h = jax.nn.relu(_pw(h, Wu2, bu2))
    h = _edge_conv(h, 4, Wue2a, bue2a, Wue2b, bue2b)
    d = jax.nn.relu(_pw(h, Wd1, bd1))
    d = jax.nn.relu(_pw(d, Wd2, bd2))
    d = _pw(d, Wd3, bd3)  # [B, 3*R, N]
    edge = jnp.swapaxes(d, 1, 2)  # [B, N, 3*R]
    bsz = pos.shape[0]
    pos_dup = jnp.concatenate([pos] * R, axis=-1).reshape(bsz, -1, 3)
    edge3 = edge.reshape(bsz, -1, 3)
    new_pos = pos_dup + edge3
    return (new_pos, edge3)

if __name__ == "__main__":
    import jax
    _d = setup_inputs()
    print(jax.jit(kernel)(*tuple(_d.values())))

</pallas_src>

<mosaic_0001>
#map = affine_map<(d0, d1) -> (0, 0)>
module attributes {stable_mosaic.version = 14 : i64} {
  func.func @_gather_kernel(%arg0: i32, %arg1: i32, %arg2: memref<8192x128xf32, #tpu.memory_space<hbm>>, %arg3: memref<1x163840xi32, #tpu.memory_space<hbm>>, %arg4: memref<163840x128xf32, #tpu.memory_space<hbm>>) attributes {dimension_semantics = [#tpu.dimension_semantics<core_parallel>, #tpu.dimension_semantics<subcore_parallel>], iteration_bounds = array<i64: 2, 16>, scalar_prefetch = 0 : i64, scratch_operands = 0 : i64, tpu.core_type = #tpu.core_type<sc_vector_subcore>, window_params = [{transform_indices = #map}, {transform_indices = #map}, {transform_indices = #map}]} {
    %mul3A = arith.constant 1 : i32
    %mul3A_0 = arith.muli %arg1, %mul3A : i32
    %add3A = arith.constant 0 : i32
    %add3A_1 = arith.addi %add3A, %mul3A_0 : i32
    %mul3A_2 = arith.constant 16 : i32
    %mul3A_3 = arith.muli %arg0, %mul3A_2 : i32
    %add3A_4 = arith.addi %add3A_1, %mul3A_3 : i32
    %mul3A_5 = arith.constant 40 : i32
    %mul3A_6 = arith.muli %add3A_4, %mul3A_5 : i32
    "tpu.region"() ({
      %run_scoped3A = memref.alloca() : memref<2x1x128xi32, #tpu.memory_space<vmem>>
      %run_scoped3A_7 = tpu.sem_alloc : memref<2x!tpu.dma_semaphore, #tpu.memory_space<semaphore_mem>>
      %run_scoped3A_8 = memref.alloca() : memref<2x128x128xf32, #tpu.memory_space<vmem>>
      %run_scoped3A_9 = tpu.sem_alloc : memref<2x!tpu.dma_semaphore, #tpu.memory_space<semaphore_mem>>
      %add3A_10 = arith.constant 0 : i32
      %add3A_11 = arith.addi %add3A_10, %mul3A_6 : i32
      %select_n3A = arith.constant true
      %select_n3A_12 = arith.constant 0 : i32
      %select_n3A_13 = arith.constant -1 : i32
      %select_n3A_14 = arith.select %select_n3A, %select_n3A_13, %select_n3A_12 : i32
      %eq3A = arith.constant -1 : i32
      %eq3A_15 = arith.cmpi eq, %select_n3A_14, %eq3A : i32
      %select_n3A_16 = arith.constant 39 : i32
      %select_n3A_17 = arith.select %eq3A_15, %select_n3A_16, %select_n3A_14 : i32
      %add3A_18 = arith.addi %select_n3A_17, %mul3A_6 : i32
      %select_n3A_19 = arith.constant true
      %select_n3A_20 = arith.constant 0 : i32
      %select_n3A_21 = arith.constant 1 : i32
      %select_n3A_22 = arith.select %select_n3A_19, %select_n3A_21, %select_n3A_20 : i32
      %eq3A_23 = arith.constant 40 : i32
      %eq3A_24 = arith.cmpi eq, %select_n3A_22, %eq3A_23 : i32
      %select_n3A_25 = arith.constant 0 : i32
      %select_n3A_26 = arith.select %eq3A_24, %select_n3A_25, %select_n3A_22 : i32
      %add3A_27 = arith.addi %select_n3A_26, %mul3A_6 : i32
      %add3A_28 = arith.constant 1 : i32
      %add3A_29 = arith.addi %select_n3A_26, %add3A_28 : i32
      %select_n3A_30 = arith.constant true
      %select_n3A_31 = arith.select %select_n3A_30, %add3A_29, %select_n3A_26 : i32
      %eq3A_32 = arith.constant 40 : i32
      %eq3A_33 = arith.cmpi eq, %select_n3A_31, %eq3A_32 : i32
      %select_n3A_34 = arith.constant 0 : i32
      %select_n3A_35 = arith.select %eq3A_33, %select_n3A_34, %select_n3A_31 : i32
      %add3A_36 = arith.addi %select_n3A_35, %mul3A_6 : i32
      "tpu.trace_start"() <{level = 10 : i32, message = "ep_initialize_0"}> : () -> ()
      %rem3A = arith.constant 0 : i32
      %rem3A_37 = arith.constant 2 : i32
      %rem3A_38 = arith.remui %rem3A, %rem3A_37 : i32
      %mul3A_39 = arith.constant 128 : i32
      %mul3A_40 = arith.muli %mul3A_39, %add3A_11 : i32
      %dma_start3A = arith.constant 0 : i32
      %dma_start3A_41 = arith.constant 0 : i32
      %dma_start3A_42 = tpu.memref_slice %run_scoped3A[%rem3A_38, %dma_start3A, %dma_start3A_41] : memref<2x1x128xi32, #tpu.memory_space<vmem>> -> memref<1x1x128xi32, #tpu.memory_space<vmem>>
      %dma_start3A_43 = tpu.memref_squeeze %dma_start3A_42 : memref<1x1x128xi32, #tpu.memory_space<vmem>> -> memref<1x128xi32, #tpu.memory_space<vmem>>
      %dma_start3A_44 = arith.constant 0 : i32
      %dma_start3A_45 = tpu.memref_slice %arg3[%dma_start3A_44, %mul3A_40] : memref<1x163840xi32, #tpu.memory_space<hbm>> -> memref<1x128xi32, #tpu.memory_space<hbm>>
      %dma_start3A_46 = tpu.memref_slice %run_scoped3A_7[%rem3A_38] : memref<2x!tpu.dma_semaphore, #tpu.memory_space<semaphore_mem>> -> memref<1x!tpu.dma_semaphore, #tpu.memory_space<semaphore_mem>>
      %dma_start3A_47 = tpu.memref_squeeze %dma_start3A_46 : memref<1x!tpu.dma_semaphore, #tpu.memory_space<semaphore_mem>> -> memref<!tpu.dma_semaphore, #tpu.memory_space<semaphore_mem>>
      %dma_start3A_48 = arith.constant 0 : i32
      %dma_start3A_49 = arith.constant 0 : i32
      %dma_start3A_50 = tpu.memref_slice %run_scoped3A[%rem3A_38, %dma_start3A_48, %dma_start3A_49] : memref<2x1x128xi32, #tpu.memory_space<vmem>> -> memref<1x1x128xi32, #tpu.memory_space<vmem>>
      %dma_start3A_51 = tpu.memref_squeeze %dma_start3A_50 : memref<1x1x128xi32, #tpu.memory_space<vmem>> -> memref<1x128xi32, #tpu.memory_space<vmem>>
      %dma_start3A_52 = arith.constant 0 : i32
      %dma_start3A_53 = tpu.memref_slice %arg3[%dma_start3A_52, %mul3A_40] : memref<1x163840xi32, #tpu.memory_space<hbm>> -> memref<1x128xi32, #tpu.memory_space<hbm>>
      tpu.enqueue_dma source(%dma_start3A_53 : memref<1x128xi32, #tpu.memory_space<hbm>>) target(%dma_start3A_51 : memref<1x128xi32, #tpu.memory_space<vmem>>) target_semaphore(%dma_start3A_47 : memref<!tpu.dma_semaphore, #tpu.memory_space<semaphore_mem>>)
      %add3A_54 = arith.constant 0 : i32
      %add3A_55 = arith.constant 1 : i32
      %add3A_56 = arith.addi %add3A_54, %add3A_55 : i32
      %select_n3A_57 = arith.constant true
      %select_n3A_58 = arith.constant 0 : i32
      %select_n3A_59 = arith.select %select_n3A_57, %add3A_56, %select_n3A_58 : i32
      "tpu.trace_stop"() : () -> ()
      %scan3A = arith.constant 0 : i32
      %scan3A_60 = arith.constant 0 : i32
      %scan3A_61 = arith.constant 0 : i32
      %scan3A_62 = arith.constant 0 : i32
      %scan3A_63 = arith.constant 0 : i32
      %scan3A_64 = arith.constant 40 : i32
      %scan3A_65 = arith.addi %scan3A_63, %scan3A_64 : i32
      %scan3A_66 = arith.constant 1 : i32
      %scan3A_67:5 = scf.for %scan3A_121 = %scan3A_63 to %scan3A_65 step %scan3A_66 iter_args(%scan3A_122 = %select_n3A_59, %scan3A_123 = %scan3A, %scan3A_124 = %scan3A_60, %scan3A_125 = %scan3A_61, %scan3A_126 = %scan3A_62) -> (i32, i32, i32, i32, i32)  : i32 {
        %eq3A_127 = arith.constant 0 : i32
        %eq3A_128 = arith.cmpi eq, %scan3A_121, %eq3A_127 : i32
        %eq3A_129 = arith.constant 39 : i32
        %eq3A_130 = arith.cmpi eq, %scan3A_121, %eq3A_129 : i32
        %add3A_131 = arith.addi %scan3A_126, %mul3A_6 : i32
        %sub3A_132 = arith.constant 1 : i32
        %sub3A_133 = arith.subi %scan3A_126, %sub3A_132 : i32
        %select_n3A_134 = arith.constant true
        %select_n3A_135 = arith.select %select_n3A_134, %sub3A_133, %scan3A_126 : i32
        %eq3A_136 = arith.constant -1 : i32
        %eq3A_137 = arith.cmpi eq, %select_n3A_135, %eq3A_136 : i32
        %select_n3A_138 = arith.constant 39 : i32
        %select_n3A_139 = arith.select %eq3A_137, %select_n3A_138, %select_n3A_135 : i32
        %add3A_140 = arith.addi %select_n3A_139, %mul3A_6 : i32
        %add3A_141 = arith.constant 1 : i32
        %add3A_142 = arith.addi %scan3A_126, %add3A_141 : i32
        %select_n3A_143 = arith.constant true
        %select_n3A_144 = arith.select %select_n3A_143, %add3A_142, %scan3A_126 : i32
        %eq3A_145 = arith.constant 40 : i32
        %eq3A_146 = arith.cmpi eq, %select_n3A_144, %eq3A_145 : i32
        %select_n3A_147 = arith.constant 0 : i32
        %select_n3A_148 = arith.select %eq3A_146, %select_n3A_147, %select_n3A_144 : i32
        %add3A_149 = arith.addi %select_n3A_148, %mul3A_6 : i32
        %add3A_150 = arith.constant 1 : i32
        %add3A_151 = arith.addi %select_n3A_148, %add3A_150 : i32
        %select_n3A_152 = arith.constant true
        %select_n3A_153 = arith.select %select_n3A_152, %add3A_151, %select_n3A_148 : i32
        %eq3A_154 = arith.constant 40 : i32
        %eq3A_155 = arith.cmpi eq, %select_n3A_153, %eq3A_154 : i32
        %select_n3A_156 = arith.constant 0 : i32
        %select_n3A_157 = arith.select %eq3A_155, %select_n3A_156, %select_n3A_153 : i32
        %add3A_158 = arith.addi %select_n3A_157, %mul3A_6 : i32
        %ne3A = arith.cmpi ne, %add3A_131, %add3A_149 : i32
        %or3A = arith.constant false
        %or3A_159 = arith.ori %or3A, %ne3A : i1
        %ge3A = arith.constant 39 : i32
        %ge3A_160 = arith.cmpi sge, %scan3A_121, %ge3A : i32
        %not3A = arith.constant true
        %not3A_161 = arith.xori %ge3A_160, %not3A : i1
        %and3A = arith.andi %or3A_159, %not3A_161 : i1
        %convert_element_type3A = arith.extui %and3A : i1 to i32
        %cond3A = arith.constant 0 : i32
        %cond3A_162 = arith.cmpi ne, %convert_element_type3A, %cond3A : i32
        scf.if %cond3A_162 {
          "tpu.trace_start"() <{level = 10 : i32, message = "ep_copy_in"}> : () -> ()
          %rem3A_264 = arith.constant 2 : i32
          %rem3A_265 = arith.remui %scan3A_122, %rem3A_264 : i32
          %mul3A_266 = arith.constant 128 : i32
          %mul3A_267 = arith.muli %mul3A_266, %add3A_149 : i32
          %dma_start3A_268 = arith.constant 0 : i32
          %dma_start3A_269 = arith.constant 0 : i32
          %dma_start3A_270 = tpu.memref_slice %run_scoped3A[%rem3A_265, %dma_start3A_268, %dma_start3A_269] : memref<2x1x128xi32, #tpu.memory_space<vmem>> -> memref<1x1x128xi32, #tpu.memory_space<vmem>>
          %dma_start3A_271 = tpu.memref_squeeze %dma_start3A_270 : memref<1x1x128xi32, #tpu.memory_space<vmem>> -> memref<1x128xi32, #tpu.memory_space<vmem>>
          %dma_start3A_272 = arith.constant 0 : i32
          %dma_start3A_273 = tpu.memref_slice %arg3[%dma_start3A_272, %mul3A_267] : memref<1x163840xi32, #tpu.memory_space<hbm>> -> memref<1x128xi32, #tpu.memory_space<hbm>>
          %dma_start3A_274 = tpu.memref_slice %run_scoped3A_7[%rem3A_265] : memref<2x!tpu.dma_semaphore, #tpu.memory_space<semaphore_mem>> -> memref<1x!tpu.dma_semaphore, #tpu.memory_space<semaphore_mem>>
          %dma_start3A_275 = tpu.memref_squeeze %dma_start3A_274 : memref<1x!tpu.dma_semaphore, #tpu.memory_space<semaphore_mem>> -> memref<!tpu.dma_semaphore, #tpu.memory_space<semaphore_mem>>
          %dma_start3A_276 = arith.constant 0 : i32
          %dma_start3A_277 = arith.constant 0 : i32
          %dma_start3A_278 = tpu.memref_slice %run_scoped3A[%rem3A_265, %dma_start3A_276, %dma_start3A_277] : memref<2x1x128xi32, #tpu.memory_space<vmem>> -> memref<1x1x128xi32, #tpu.memory_space<vmem>>
          %dma_start3A_279 = tpu.memref_squeeze %dma_start3A_278 : memref<1x1x128xi32, #tpu.memory_space<vmem>> -> memref<1x128xi32, #tpu.memory_space<vmem>>
          %dma_start3A_280 = arith.constant 0 : i32
          %dma_start3A_281 = tpu.memref_slice %arg3[%dma_start3A_280, %mul3A_267] : memref<1x163840xi32, #tpu.memory_space<hbm>> -> memref<1x128xi32, #tpu.memory_space<hbm>>
          tpu.enqueue_dma source(%dma_start3A_281 : memref<1x128xi32, #tpu.memory_space<hbm>>) target(%dma_start3A_279 : memref<1x128xi32, #tpu.memory_space<vmem>>) target_semaphore(%dma_start3A_275 : memref<!tpu.dma_semaphore, #tpu.memory_space<semaphore_mem>>)
          "tpu.trace_stop"() : () -> ()
        } else {
        }
        %and3A_163 = arith.constant true
        %and3A_164 = arith.andi %and3A, %and3A_163 : i1
        %add3A_165 = arith.constant 1 : i32
        %add3A_166 = arith.addi %scan3A_122, %add3A_165 : i32
        %select_n3A_167 = arith.select %and3A_164, %add3A_166, %scan3A_122 : i32
        %ne3A_168 = arith.cmpi ne, %add3A_131, %add3A_149 : i32
        %or3A_169 = arith.constant false
        %or3A_170 = arith.ori %or3A_169, %ne3A_168 : i1
        %or3A_171 = arith.constant false
        %or3A_172 = arith.ori %or3A_170, %or3A_171 : i1
        %ge3A_173 = arith.constant 39 : i32
        %ge3A_174 = arith.cmpi sge, %scan3A_121, %ge3A_173 : i32
        %not3A_175 = arith.constant true
        %not3A_176 = arith.xori %ge3A_174, %not3A_175 : i1
        %and3A_177 = arith.andi %or3A_172, %not3A_176 : i1
        %ne3A_178 = arith.cmpi ne, %add3A_131, %add3A_140 : i32
        %or3A_179 = arith.constant false
        %or3A_180 = arith.ori %or3A_179, %ne3A_178 : i1
        %or3A_181 = arith.ori %or3A_180, %eq3A_128 : i1
        %convert_element_type3A_182 = arith.extui %or3A_181 : i1 to i32
        %cond3A_183 = arith.constant 0 : i32
        %cond3A_184 = arith.cmpi ne, %convert_element_type3A_182, %cond3A_183 : i32
        scf.if %cond3A_184 {
          "tpu.trace_start"() <{level = 10 : i32, message = "ep_wait_in"}> : () -> ()
          %mul3A_264 = arith.constant 128 : i32
          %mul3A_265 = arith.muli %mul3A_264, %add3A_131 : i32
          %rem3A_266 = arith.constant 2 : i32
          %rem3A_267 = arith.remui %scan3A_123, %rem3A_266 : i32
          %dma_wait3A_268 = arith.constant 0 : i32
          %dma_wait3A_269 = arith.constant 0 : i32
          %dma_wait3A_270 = tpu.memref_slice %run_scoped3A[%rem3A_267, %dma_wait3A_268, %dma_wait3A_269] : memref<2x1x128xi32, #tpu.memory_space<vmem>> -> memref<1x1x128xi32, #tpu.memory_space<vmem>>
          %dma_wait3A_271 = tpu.memref_squeeze %dma_wait3A_270 : memref<1x1x128xi32, #tpu.memory_space<vmem>> -> memref<1x128xi32, #tpu.memory_space<vmem>>
          %dma_wait3A_272 = arith.constant 0 : i32
          %dma_wait3A_273 = tpu.memref_slice %arg3[%dma_wait3A_272, %mul3A_265] : memref<1x163840xi32, #tpu.memory_space<hbm>> -> memref<1x128xi32, #tpu.memory_space<hbm>>
          %dma_wait3A_274 = tpu.memref_slice %run_scoped3A_7[%rem3A_267] : memref<2x!tpu.dma_semaphore, #tpu.memory_space<semaphore_mem>> -> memref<1x!tpu.dma_semaphore, #tpu.memory_space<semaphore_mem>>
          %dma_wait3A_275 = tpu.memref_squeeze %dma_wait3A_274 : memref<1x!tpu.dma_semaphore, #tpu.memory_space<semaphore_mem>> -> memref<!tpu.dma_semaphore, #tpu.memory_space<semaphore_mem>>
          %dma_wait3A_276 = arith.constant 0 : i32
          %dma_wait3A_277 = arith.constant 0 : i32
          %dma_wait3A_278 = tpu.memref_slice %run_scoped3A[%rem3A_267, %dma_wait3A_276, %dma_wait3A_277] : memref<2x1x128xi32, #tpu.memory_space<vmem>> -> memref<1x1x128xi32, #tpu.memory_space<vmem>>
          %dma_wait3A_279 = tpu.memref_squeeze %dma_wait3A_278 : memref<1x1x128xi32, #tpu.memory_space<vmem>> -> memref<1x128xi32, #tpu.memory_space<vmem>>
          %dma_wait3A_280 = arith.constant 0 : i32
          %dma_wait3A_281 = tpu.memref_slice %arg3[%dma_wait3A_280, %mul3A_265] : memref<1x163840xi32, #tpu.memory_space<hbm>> -> memref<1x128xi32, #tpu.memory_space<hbm>>
          tpu.wait_dma2 semaphore(%dma_wait3A_275 : memref<!tpu.dma_semaphore, #tpu.memory_space<semaphore_mem>>) src(%dma_wait3A_281 : memref<1x128xi32, #tpu.memory_space<hbm>>) dst(%dma_wait3A_279 : memref<1x128xi32, #tpu.memory_space<vmem>>)
          "tpu.trace_stop"() : () -> ()
        } else {
        }
        %ne3A_185 = arith.cmpi ne, %add3A_131, %add3A_140 : i32
        %or3A_186 = arith.constant false
        %or3A_187 = arith.ori %or3A_186, %ne3A_185 : i1
        %or3A_188 = arith.constant false
        %or3A_189 = arith.ori %or3A_187, %or3A_188 : i1
        %or3A_190 = arith.ori %or3A_189, %eq3A_128 : i1
        %convert_element_type3A_191 = arith.extui %or3A_190 : i1 to i32
        %cond3A_192 = arith.constant 0 : i32
        %cond3A_193 = arith.cmpi ne, %convert_element_type3A_191, %cond3A_192 : i32
        scf.if %cond3A_193 {
        } else {
        }
        %rem3A_194 = arith.constant 2 : i32
        %rem3A_195 = arith.remui %scan3A_123, %rem3A_194 : i32
        %rem3A_196 = arith.constant 2 : i32
        %rem3A_197 = arith.remui %scan3A_124, %rem3A_196 : i32
        %run_scoped3A_198 = arith.constant 0 : i32
        "tpu.trace_start"() <{level = 10 : i32, message = "ep_run_kernel"}> : () -> ()
        "tpu.region"() ({
          %run_scoped3A_264 = tpu.sem_alloc : memref<!tpu.dma_semaphore, #tpu.memory_space<semaphore_mem>>
          %dma_start3A_265 = arith.constant 0 : i32
          %dma_start3A_266 = arith.constant 0 : i32
          %dma_start3A_267 = tpu.memref_slice %run_scoped3A_8[%rem3A_197, %dma_start3A_265, %dma_start3A_266] : memref<2x128x128xf32, #tpu.memory_space<vmem>> -> memref<1x128x128xf32, #tpu.memory_space<vmem>>
          %dma_start3A_268 = tpu.memref_squeeze %dma_start3A_267 : memref<1x128x128xf32, #tpu.memory_space<vmem>> -> memref<128x128xf32, #tpu.memory_space<vmem>>
          %dma_start3A_269 = arith.constant 0 : i32
          %dma_start3A_270 = arith.constant 0 : i32
          %dma_start3A_271 = tpu.memref_slice %run_scoped3A[%rem3A_195, %dma_start3A_269, %dma_start3A_270] : memref<2x1x128xi32, #tpu.memory_space<vmem>> -> memref<1x1x128xi32, #tpu.memory_space<vmem>>
          %dma_start3A_272 = tpu.memref_squeeze %dma_start3A_271 : memref<1x1x128xi32, #tpu.memory_space<vmem>> -> memref<1x128xi32, #tpu.memory_space<vmem>>
          %dma_start3A_273 = arith.constant 0 : i32
          %dma_start3A_274 = tpu.memref_slice %dma_start3A_272[%run_scoped3A_198, %dma_start3A_273] : memref<1x128xi32, #tpu.memory_space<vmem>> -> memref<1x128xi32, #tpu.memory_space<vmem>>
          %dma_start3A_275 = tpu.memref_squeeze %dma_start3A_274 : memref<1x128xi32, #tpu.memory_space<vmem>> -> memref<128xi32, #tpu.memory_space<vmem>>
          %dma_start3A_276 = arith.constant 0 : i32
          %dma_start3A_277 = arith.constant 0 : i32
          %dma_start3A_278 = tpu.memref_slice %arg2[%dma_start3A_276, %dma_start3A_277] : memref<8192x128xf32, #tpu.memory_space<hbm>> -> memref<8192x128xf32, #tpu.memory_space<hbm>>
          tpu.enqueue_indirect_dma source(%dma_start3A_278 : memref<8192x128xf32, #tpu.memory_space<hbm>>) target(%dma_start3A_268 : memref<128x128xf32, #tpu.memory_space<vmem>>) offsets(%dma_start3A_275 : memref<128xi32, #tpu.memory_space<vmem>>) semaphore(%run_scoped3A_264 : memref<!tpu.dma_semaphore, #tpu.memory_space<semaphore_mem>>)
          %dma_wait3A_279 = arith.constant 0 : i32
          %dma_wait3A_280 = arith.constant 0 : i32
          %dma_wait3A_281 = tpu.memref_slice %run_scoped3A_8[%rem3A_197, %dma_wait3A_279, %dma_wait3A_280] : memref<2x128x128xf32, #tpu.memory_space<vmem>> -> memref<1x128x128xf32, #tpu.memory_space<vmem>>
          %dma_wait3A_282 = tpu.memref_squeeze %dma_wait3A_281 : memref<1x128x128xf32, #tpu.memory_space<vmem>> -> memref<128x128xf32, #tpu.memory_space<vmem>>
          %dma_wait3A_283 = arith.constant 0 : i32
          %dma_wait3A_284 = arith.constant 0 : i32
          %dma_wait3A_285 = tpu.memref_slice %run_scoped3A[%rem3A_195, %dma_wait3A_283, %dma_wait3A_284] : memref<2x1x128xi32, #tpu.memory_space<vmem>> -> memref<1x1x128xi32, #tpu.memory_space<vmem>>
          %dma_wait3A_286 = tpu.memref_squeeze %dma_wait3A_285 : memref<1x1x128xi32, #tpu.memory_space<vmem>> -> memref<1x128xi32, #tpu.memory_space<vmem>>
          %dma_wait3A_287 = arith.constant 0 : i32
          %dma_wait3A_288 = tpu.memref_slice %dma_wait3A_286[%run_scoped3A_198, %dma_wait3A_287] : memref<1x128xi32, #tpu.memory_space<vmem>> -> memref<1x128xi32, #tpu.memory_space<vmem>>
          %dma_wait3A_289 = tpu.memref_squeeze %dma_wait3A_288 : memref<1x128xi32, #tpu.memory_space<vmem>> -> memref<128xi32, #tpu.memory_space<vmem>>
          %dma_wait3A_290 = arith.constant 0 : i32
          %dma_wait3A_291 = arith.constant 0 : i32
          %dma_wait3A_292 = tpu.memref_slice %arg2[%dma_wait3A_290, %dma_wait3A_291] : memref<8192x128xf32, #tpu.memory_space<hbm>> -> memref<8192x128xf32, #tpu.memory_space<hbm>>
          tpu.wait_indirect_dma semaphore(%run_scoped3A_264 : memref<!tpu.dma_semaphore, #tpu.memory_space<semaphore_mem>>) src(%dma_wait3A_292 : memref<8192x128xf32, #tpu.memory_space<hbm>>) dst(%dma_wait3A_282 : memref<128x128xf32, #tpu.memory_space<vmem>>)
          tpu.yield
        }) : () -> ()
        "tpu.trace_stop"() : () -> ()
        %ne3A_199 = arith.cmpi ne, %add3A_131, %add3A_149 : i32
        %or3A_200 = arith.constant false
        %or3A_201 = arith.ori %or3A_200, %ne3A_199 : i1
        %or3A_202 = arith.ori %or3A_201, %eq3A_130 : i1
        %convert_element_type3A_203 = arith.extui %or3A_202 : i1 to i32
        %cond3A_204 = arith.constant 0 : i32
        %cond3A_205 = arith.cmpi ne, %convert_element_type3A_203, %cond3A_204 : i32
        scf.if %cond3A_205 {
        } else {
        }
        %and3A_206 = arith.constant false
        %and3A_207 = arith.andi %or3A_202, %and3A_206 : i1
        %ne3A_208 = arith.cmpi ne, %add3A_131, %add3A_149 : i32
        %or3A_209 = arith.constant false
        %or3A_210 = arith.ori %or3A_209, %ne3A_208 : i1
        %or3A_211 = arith.constant false
        %or3A_212 = arith.ori %or3A_210, %or3A_211 : i1
        %or3A_213 = arith.ori %or3A_212, %eq3A_130 : i1
        %convert_element_type3A_214 = arith.extui %or3A_213 : i1 to i32
        %cond3A_215 = arith.constant 0 : i32
        %cond3A_216 = arith.cmpi ne, %convert_element_type3A_214, %cond3A_215 : i32
        scf.if %cond3A_216 {
          "tpu.trace_start"() <{level = 10 : i32, message = "ep_copy_out"}> : () -> ()
          %rem3A_264 = arith.constant 2 : i32
          %rem3A_265 = arith.remui %scan3A_124, %rem3A_264 : i32
          %mul3A_266 = arith.constant 128 : i32
          %mul3A_267 = arith.muli %mul3A_266, %add3A_131 : i32
          %dma_start3A_268 = arith.constant 0 : i32
          %dma_start3A_269 = arith.constant 0 : i32
          %dma_start3A_270 = tpu.memref_slice %run_scoped3A_8[%rem3A_265, %dma_start3A_268, %dma_start3A_269] : memref<2x128x128xf32, #tpu.memory_space<vmem>> -> memref<1x128x128xf32, #tpu.memory_space<vmem>>
          %dma_start3A_271 = tpu.memref_squeeze %dma_start3A_270 : memref<1x128x128xf32, #tpu.memory_space<vmem>> -> memref<128x128xf32, #tpu.memory_space<vmem>>
          %dma_start3A_272 = arith.constant 0 : i32
          %dma_start3A_273 = tpu.memref_slice %arg4[%mul3A_267, %dma_start3A_272] : memref<163840x128xf32, #tpu.memory_space<hbm>> -> memref<128x128xf32, #tpu.memory_space<hbm>>
          %dma_start3A_274 = tpu.memref_slice %run_scoped3A_9[%rem3A_265] : memref<2x!tpu.dma_semaphore, #tpu.memory_space<semaphore_mem>> -> memref<1x!tpu.dma_semaphore, #tpu.memory_space<semaphore_mem>>
          %dma_start3A_275 = tpu.memref_squeeze %dma_start3A_274 : memref<1x!tpu.dma_semaphore, #tpu.memory_space<semaphore_mem>> -> memref<!tpu.dma_semaphore, #tpu.memory_space<semaphore_mem>>
          %dma_start3A_276 = arith.constant 0 : i32
          %dma_start3A_277 = tpu.memref_slice %arg4[%mul3A_267, %dma_start3A_276] : memref<163840x128xf32, #tpu.memory_space<hbm>> -> memref<128x128xf32, #tpu.memory_space<hbm>>
          %dma_start3A_278 = arith.constant 0 : i32
          %dma_start3A_279 = arith.constant 0 : i32
          %dma_start3A_280 = tpu.memref_slice %run_scoped3A_8[%rem3A_265, %dma_start3A_278, %dma_start3A_279] : memref<2x128x128xf32, #tpu.memory_space<vmem>> -> memref<1x128x128xf32, #tpu.memory_space<vmem>>
          %dma_start3A_281 = tpu.memref_squeeze %dma_start3A_280 : memref<1x128x128xf32, #tpu.memory_space<vmem>> -> memref<128x128xf32, #tpu.memory_space<vmem>>
          tpu.enqueue_dma source(%dma_start3A_281 : memref<128x128xf32, #tpu.memory_space<vmem>>) target(%dma_start3A_277 : memref<128x128xf32, #tpu.memory_space<hbm>>) target_semaphore(%dma_start3A_275 : memref<!tpu.dma_semaphore, #tpu.memory_space<semaphore_mem>>)
          "tpu.trace_stop"() : () -> ()
        } else {
        }
        %and3A_217 = arith.constant true
        %and3A_218 = arith.andi %or3A_213, %and3A_217 : i1
        %add3A_219 = arith.constant 1 : i32
        %add3A_220 = arith.addi %scan3A_124, %add3A_219 : i32
        %select_n3A_221 = arith.select %and3A_218, %add3A_220, %scan3A_124 : i32
        %ne3A_222 = arith.cmpi ne, %add3A_131, %add3A_140 : i32
        %or3A_223 = arith.constant false
        %or3A_224 = arith.ori %or3A_223, %ne3A_222 : i1
        %not3A_225 = arith.constant true
        %not3A_226 = arith.xori %eq3A_128, %not3A_225 : i1
        %and3A_227 = arith.andi %or3A_224, %not3A_226 : i1
        %convert_element_type3A_228 = arith.extui %and3A_227 : i1 to i32
        %cond3A_229 = arith.constant 0 : i32
        %cond3A_230 = arith.cmpi ne, %convert_element_type3A_228, %cond3A_229 : i32
        scf.if %cond3A_230 {
        } else {
        }
        %and3A_231 = arith.constant false
        %and3A_232 = arith.andi %and3A_227, %and3A_231 : i1
        %ne3A_233 = arith.cmpi ne, %add3A_131, %add3A_140 : i32
        %or3A_234 = arith.constant false
        %or3A_235 = arith.ori %or3A_234, %ne3A_233 : i1
        %or3A_236 = arith.constant false
        %or3A_237 = arith.ori %or3A_235, %or3A_236 : i1
        %not3A_238 = arith.constant true
        %not3A_239 = arith.xori %eq3A_128, %not3A_238 : i1
        %and3A_240 = arith.andi %or3A_237, %not3A_239 : i1
        %convert_element_type3A_241 = arith.extui %and3A_240 : i1 to i32
        %cond3A_242 = arith.constant 0 : i32
        %cond3A_243 = arith.cmpi ne, %convert_element_type3A_241, %cond3A_242 : i32
        scf.if %cond3A_243 {
          "tpu.trace_start"() <{level = 10 : i32, message = "ep_wait_out"}> : () -> ()
          %rem3A_264 = arith.constant 2 : i32
          %rem3A_265 = arith.remui %scan3A_125, %rem3A_264 : i32
          %mul3A_266 = arith.constant 128 : i32
          %mul3A_267 = arith.muli %mul3A_266, %add3A_140 : i32
          %dma_wait3A_268 = arith.constant 0 : i32
          %dma_wait3A_269 = arith.constant 0 : i32
          %dma_wait3A_270 = tpu.memref_slice %run_scoped3A_8[%rem3A_265, %dma_wait3A_268, %dma_wait3A_269] : memref<2x128x128xf32, #tpu.memory_space<vmem>> -> memref<1x128x128xf32, #tpu.memory_space<vmem>>
          %dma_wait3A_271 = tpu.memref_squeeze %dma_wait3A_270 : memref<1x128x128xf32, #tpu.memory_space<vmem>> -> memref<128x128xf32, #tpu.memory_space<vmem>>
          %dma_wait3A_272 = arith.constant 0 : i32
          %dma_wait3A_273 = tpu.memref_slice %arg4[%mul3A_267, %dma_wait3A_272] : memref<163840x128xf32, #tpu.memory_space<hbm>> -> memref<128x128xf32, #tpu.memory_space<hbm>>
          %dma_wait3A_274 = tpu.memref_slice %run_scoped3A_9[%rem3A_265] : memref<2x!tpu.dma_semaphore, #tpu.memory_space<semaphore_mem>> -> memref<1x!tpu.dma_semaphore, #tpu.memory_space<semaphore_mem>>
          %dma_wait3A_275 = tpu.memref_squeeze %dma_wait3A_274 : memref<1x!tpu.dma_semaphore, #tpu.memory_space<semaphore_mem>> -> memref<!tpu.dma_semaphore, #tpu.memory_space<semaphore_mem>>
          %dma_wait3A_276 = arith.constant 0 : i32
          %dma_wait3A_277 = tpu.memref_slice %arg4[%mul3A_267, %dma_wait3A_276] : memref<163840x128xf32, #tpu.memory_space<hbm>> -> memref<128x128xf32, #tpu.memory_space<hbm>>
          %dma_wait3A_278 = arith.constant 0 : i32
          %dma_wait3A_279 = arith.constant 0 : i32
          %dma_wait3A_280 = tpu.memref_slice %run_scoped3A_8[%rem3A_265, %dma_wait3A_278, %dma_wait3A_279] : memref<2x128x128xf32, #tpu.memory_space<vmem>> -> memref<1x128x128xf32, #tpu.memory_space<vmem>>
          %dma_wait3A_281 = tpu.memref_squeeze %dma_wait3A_280 : memref<1x128x128xf32, #tpu.memory_space<vmem>> -> memref<128x128xf32, #tpu.memory_space<vmem>>
          tpu.wait_dma2 semaphore(%dma_wait3A_275 : memref<!tpu.dma_semaphore, #tpu.memory_space<semaphore_mem>>) src(%dma_wait3A_281 : memref<128x128xf32, #tpu.memory_space<vmem>>) dst(%dma_wait3A_277 : memref<128x128xf32, #tpu.memory_space<hbm>>)
          "tpu.trace_stop"() : () -> ()
        } else {
        }
        %and3A_244 = arith.constant true
        %and3A_245 = arith.andi %and3A_240, %and3A_244 : i1
        %add3A_246 = arith.constant 1 : i32
        %add3A_247 = arith.addi %scan3A_125, %add3A_246 : i32
        %select_n3A_248 = arith.select %and3A_245, %add3A_247, %scan3A_125 : i32
        %ne3A_249 = arith.cmpi ne, %add3A_131, %add3A_149 : i32
        %or3A_250 = arith.constant false
        %or3A_251 = arith.ori %or3A_250, %ne3A_249 : i1
        %or3A_252 = arith.ori %or3A_251, %eq3A_130 : i1
        %add3A_253 = arith.constant 1 : i32
        %add3A_254 = arith.addi %scan3A_123, %add3A_253 : i32
        %select_n3A_255 = arith.select %or3A_252, %add3A_254, %scan3A_123 : i32
        %add3A_256 = arith.constant 1 : i32
        %add3A_257 = arith.addi %scan3A_126, %add3A_256 : i32
        %select_n3A_258 = arith.constant true
        %select_n3A_259 = arith.select %select_n3A_258, %add3A_257, %scan3A_126 : i32
        %eq3A_260 = arith.constant 40 : i32
        %eq3A_261 = arith.cmpi eq, %select_n3A_259, %eq3A_260 : i32
        %select_n3A_262 = arith.constant 0 : i32
        %select_n3A_263 = arith.select %eq3A_261, %select_n3A_262, %select_n3A_259 : i32
        scf.yield %select_n3A_167, %select_n3A_255, %select_n3A_221, %select_n3A_248, %select_n3A_263 : i32, i32, i32, i32, i32
      }
      %scan3A_68 = arith.constant 40 : i32
      %sub3A = arith.constant 1 : i32
      %sub3A_69 = arith.subi %scan3A_67#4, %sub3A : i32
      %select_n3A_70 = arith.constant true
      %select_n3A_71 = arith.select %select_n3A_70, %sub3A_69, %scan3A_67#4 : i32
      %eq3A_72 = arith.constant -1 : i32
      %eq3A_73 = arith.cmpi eq, %select_n3A_71, %eq3A_72 : i32
      %select_n3A_74 = arith.constant 39 : i32
      %select_n3A_75 = arith.select %eq3A_73, %select_n3A_74, %select_n3A_71 : i32
      %add3A_76 = arith.addi %select_n3A_75, %mul3A_6 : i32
      %sub3A_77 = arith.constant 1 : i32
      %sub3A_78 = arith.subi %select_n3A_75, %sub3A_77 : i32
      %select_n3A_79 = arith.constant true
      %select_n3A_80 = arith.select %select_n3A_79, %sub3A_78, %select_n3A_75 : i32
      %eq3A_81 = arith.constant -1 : i32
      %eq3A_82 = arith.cmpi eq, %select_n3A_80, %eq3A_81 : i32
      %select_n3A_83 = arith.constant 39 : i32
      %select_n3A_84 = arith.select %eq3A_82, %select_n3A_83, %select_n3A_80 : i32
      %add3A_85 = arith.addi %select_n3A_84, %mul3A_6 : i32
      %add3A_86 = arith.constant 1 : i32
      %add3A_87 = arith.addi %select_n3A_75, %add3A_86 : i32
      %select_n3A_88 = arith.constant true
      %select_n3A_89 = arith.select %select_n3A_88, %add3A_87, %select_n3A_75 : i32
      %eq3A_90 = arith.constant 40 : i32
      %eq3A_91 = arith.cmpi eq, %select_n3A_89, %eq3A_90 : i32
      %select_n3A_92 = arith.constant 0 : i32
      %select_n3A_93 = arith.select %eq3A_91, %select_n3A_92, %select_n3A_89 : i32
      %add3A_94 = arith.addi %select_n3A_93, %mul3A_6 : i32
      %add3A_95 = arith.constant 1 : i32
      %add3A_96 = arith.addi %select_n3A_93, %add3A_95 : i32
      %select_n3A_97 = arith.constant true
      %select_n3A_98 = arith.select %select_n3A_97, %add3A_96, %select_n3A_93 : i32
      %eq3A_99 = arith.constant 40 : i32
      %eq3A_100 = arith.cmpi eq, %select_n3A_98, %eq3A_99 : i32
      %select_n3A_101 = arith.constant 0 : i32
      %select_n3A_102 = arith.select %eq3A_100, %select_n3A_101, %select_n3A_98 : i32
      %add3A_103 = arith.addi %select_n3A_102, %mul3A_6 : i32
      "tpu.trace_start"() <{level = 10 : i32, message = "ep_finalize"}> : () -> ()
      %rem3A_104 = arith.constant 2 : i32
      %rem3A_105 = arith.remui %scan3A_67#3, %rem3A_104 : i32
      %mul3A_106 = arith.constant 128 : i32
      %mul3A_107 = arith.muli %mul3A_106, %add3A_76 : i32
      %dma_wait3A = arith.constant 0 : i32
      %dma_wait3A_108 = arith.constant 0 : i32
      %dma_wait3A_109 = tpu.memref_slice %run_scoped3A_8[%rem3A_105, %dma_wait3A, %dma_wait3A_108] : memref<2x128x128xf32, #tpu.memory_space<vmem>> -> memref<1x128x128xf32, #tpu.memory_space<vmem>>
      %dma_wait3A_110 = tpu.memref_squeeze %dma_wait3A_109 : memref<1x128x128xf32, #tpu.memory_space<vmem>> -> memref<128x128xf32, #tpu.memory_space<vmem>>
      %dma_wait3A_111 = arith.constant 0 : i32
      %dma_wait3A_112 = tpu.memref_slice %arg4[%mul3A_107, %dma_wait3A_111] : memref<163840x128xf32, #tpu.memory_space<hbm>> -> memref<128x128xf32, #tpu.memory_space<hbm>>
      %dma_wait3A_113 = tpu.memref_slice %run_scoped3A_9[%rem3A_105] : memref<2x!tpu.dma_semaphore, #tpu.memory_space<semaphore_mem>> -> memref<1x!tpu.dma_semaphore, #tpu.memory_space<semaphore_mem>>
      %dma_wait3A_114 = tpu.memref_squeeze %dma_wait3A_113 : memref<1x!tpu.dma_semaphore, #tpu.memory_space<semaphore_mem>> -> memref<!tpu.dma_semaphore, #tpu.memory_space<semaphore_mem>>
      %dma_wait3A_115 = arith.constant 0 : i32
      %dma_wait3A_116 = tpu.memref_slice %arg4[%mul3A_107, %dma_wait3A_115] : memref<163840x128xf32, #tpu.memory_space<hbm>> -> memref<128x128xf32, #tpu.memory_space<hbm>>
      %dma_wait3A_117 = arith.constant 0 : i32
      %dma_wait3A_118 = arith.constant 0 : i32
      %dma_wait3A_119 = tpu.memref_slice %run_scoped3A_8[%rem3A_105, %dma_wait3A_117, %dma_wait3A_118] : memref<2x128x128xf32, #tpu.memory_space<vmem>> -> memref<1x128x128xf32, #tpu.memory_space<vmem>>
      %dma_wait3A_120 = tpu.memref_squeeze %dma_wait3A_119 : memref<1x128x128xf32, #tpu.memory_space<vmem>> -> memref<128x128xf32, #tpu.memory_space<vmem>>
      tpu.wait_dma2 semaphore(%dma_wait3A_114 : memref<!tpu.dma_semaphore, #tpu.memory_space<semaphore_mem>>) src(%dma_wait3A_120 : memref<128x128xf32, #tpu.memory_space<vmem>>) dst(%dma_wait3A_116 : memref<128x128xf32, #tpu.memory_space<hbm>>)
      "tpu.trace_stop"() : () -> ()
      tpu.yield
    }) : () -> ()
    return
  }
}

#map = affine_map<(d0, d1) -> (0, 0)>
module attributes {stable_mosaic.version = 14 : i64} {
  func.func @_gather_kernel(%arg0: i32, %arg1: i32, %arg2: memref<8192x256xf32, #tpu.memory_space<hbm>>, %arg3: memref<1x98304xi32, #tpu.memory_space<hbm>>, %arg4: memref<98304x256xf32, #tpu.memory_space<hbm>>) attributes {dimension_semantics = [#tpu.dimension_semantics<core_parallel>, #tpu.dimension_semantics<subcore_parallel>], iteration_bounds = array<i64: 2, 16>, scalar_prefetch = 0 : i64, scratch_operands = 0 : i64, tpu.core_type = #tpu.core_type<sc_vector_subcore>, window_params = [{transform_indices = #map}, {transform_indices = #map}, {transform_indices = #map}]} {
    %mul3A = arith.constant 1 : i32
    %mul3A_0 = arith.muli %arg1, %mul3A : i32
    %add3A = arith.constant 0 : i32
    %add3A_1 = arith.addi %add3A, %mul3A_0 : i32
    %mul3A_2 = arith.constant 16 : i32
    %mul3A_3 = arith.muli %arg0, %mul3A_2 : i32
    %add3A_4 = arith.addi %add3A_1, %mul3A_3 : i32
    %mul3A_5 = arith.constant 24 : i32
    %mul3A_6 = arith.muli %add3A_4, %mul3A_5 : i32
    "tpu.region"() ({
      %run_scoped3A = memref.alloca() : memref<2x1x128xi32, #tpu.memory_space<vmem>>
      %run_scoped3A_7 = tpu.sem_alloc : memref<2x!tpu.dma_semaphore, #tpu.memory_space<semaphore_mem>>
      %run_scoped3A_8 = memref.alloca() : memref<2x128x256xf32, #tpu.memory_space<vmem>>
      %run_scoped3A_9 = tpu.sem_alloc : memref<2x!tpu.dma_semaphore, #tpu.memory_space<semaphore_mem>>
      %add3A_10 = arith.constant 0 : i32
      %add3A_11 = arith.addi %add3A_10, %mul3A_6 : i32
      %select_n3A = arith.constant true
      %select_n3A_12 = arith.constant 0 : i32
      %select_n3A_13 = arith.constant -1 : i32
      %select_n3A_14 = arith.select %select_n3A, %select_n3A_13, %select_n3A_12 : i32
      %eq3A = arith.constant -1 : i32
      %eq3A_15 = arith.cmpi eq, %select_n3A_14, %eq3A : i32
      %select_n3A_16 = arith.constant 23 : i32
      %select_n3A_17 = arith.select %eq3A_15, %select_n3A_16, %select_n3A_14 : i32
      %add3A_18 = arith.addi %select_n3A_17, %mul3A_6 : i32
      %select_n3A_19 = arith.constant true
      %select_n3A_20 = arith.constant 0 : i32
      %select_n3A_21 = arith.constant 1 : i32
      %select_n3A_22 = arith.select %select_n3A_19, %select_n3A_21, %select_n3A_20 : i32
      %eq3A_23 = arith.constant 24 : i32
      %eq3A_24 = arith.cmpi eq, %select_n3A_22, %eq3A_23 : i32
      %select_n3A_25 = arith.constant 0 : i32
      %select_n3A_26 = arith.select %eq3A_24, %select_n3A_25, %select_n3A_22 : i32
      %add3A_27 = arith.addi %select_n3A_26, %mul3A_6 : i32
      %add3A_28 = arith.constant 1 : i32
      %add3A_29 = arith.addi %select_n3A_26, %add3A_28 : i32
      %select_n3A_30 = arith.constant true
      %select_n3A_31 = arith.select %select_n3A_30, %add3A_29, %select_n3A_26 : i32
      %eq3A_32 = arith.constant 24 : i32
      %eq3A_33 = arith.cmpi eq, %select_n3A_31, %eq3A_32 : i32
      %select_n3A_34 = arith.constant 0 : i32
      %select_n3A_35 = arith.select %eq3A_33, %select_n3A_34, %select_n3A_31 : i32
      %add3A_36 = arith.addi %select_n3A_35, %mul3A_6 : i32
      "tpu.trace_start"() <{level = 10 : i32, message = "ep_initialize_0"}> : () -> ()
      %rem3A = arith.constant 0 : i32
      %rem3A_37 = arith.constant 2 : i32
      %rem3A_38 = arith.remui %rem3A, %rem3A_37 : i32
      %mul3A_39 = arith.constant 128 : i32
      %mul3A_40 = arith.muli %mul3A_39, %add3A_11 : i32
      %dma_start3A = arith.constant 0 : i32
      %dma_start3A_41 = arith.constant 0 : i32
      %dma_start3A_42 = tpu.memref_slice %run_scoped3A[%rem3A_38, %dma_start3A, %dma_start3A_41] : memref<2x1x128xi32, #tpu.memory_space<vmem>> -> memref<1x1x128xi32, #tpu.memory_space<vmem>>
      %dma_start3A_43 = tpu.memref_squeeze %dma_start3A_42 : memref<1x1x128xi32, #tpu.memory_space<vmem>> -> memref<1x128xi32, #tpu.memory_space<vmem>>
      %dma_start3A_44 = arith.constant 0 : i32
      %dma_start3A_45 = tpu.memref_slice %arg3[%dma_start3A_44, %mul3A_40] : memref<1x98304xi32, #tpu.memory_space<hbm>> -> memref<1x128xi32, #tpu.memory_space<hbm>>
      %dma_start3A_46 = tpu.memref_slice %run_scoped3A_7[%rem3A_38] : memref<2x!tpu.dma_semaphore, #tpu.memory_space<semaphore_mem>> -> memref<1x!tpu.dma_semaphore, #tpu.memory_space<semaphore_mem>>
      %dma_start3A_47 = tpu.memref_squeeze %dma_start3A_46 : memref<1x!tpu.dma_semaphore, #tpu.memory_space<semaphore_mem>> -> memref<!tpu.dma_semaphore, #tpu.memory_space<semaphore_mem>>
      %dma_start3A_48 = arith.constant 0 : i32
      %dma_start3A_49 = arith.constant 0 : i32
      %dma_start3A_50 = tpu.memref_slice %run_scoped3A[%rem3A_38, %dma_start3A_48, %dma_start3A_49] : memref<2x1x128xi32, #tpu.memory_space<vmem>> -> memref<1x1x128xi32, #tpu.memory_space<vmem>>
      %dma_start3A_51 = tpu.memref_squeeze %dma_start3A_50 : memref<1x1x128xi32, #tpu.memory_space<vmem>> -> memref<1x128xi32, #tpu.memory_space<vmem>>
      %dma_start3A_52 = arith.constant 0 : i32
      %dma_start3A_53 = tpu.memref_slice %arg3[%dma_start3A_52, %mul3A_40] : memref<1x98304xi32, #tpu.memory_space<hbm>> -> memref<1x128xi32, #tpu.memory_space<hbm>>
      tpu.enqueue_dma source(%dma_start3A_53 : memref<1x128xi32, #tpu.memory_space<hbm>>) target(%dma_start3A_51 : memref<1x128xi32, #tpu.memory_space<vmem>>) target_semaphore(%dma_start3A_47 : memref<!tpu.dma_semaphore, #tpu.memory_space<semaphore_mem>>)
      %add3A_54 = arith.constant 0 : i32
      %add3A_55 = arith.constant 1 : i32
      %add3A_56 = arith.addi %add3A_54, %add3A_55 : i32
      %select_n3A_57 = arith.constant true
      %select_n3A_58 = arith.constant 0 : i32
      %select_n3A_59 = arith.select %select_n3A_57, %add3A_56, %select_n3A_58 : i32
      "tpu.trace_stop"() : () -> ()
      %scan3A = arith.constant 0 : i32
      %scan3A_60 = arith.constant 0 : i32
      %scan3A_61 = arith.constant 0 : i32
      %scan3A_62 = arith.constant 0 : i32
      %scan3A_63 = arith.constant 0 : i32
      %scan3A_64 = arith.constant 24 : i32
      %scan3A_65 = arith.addi %scan3A_63, %scan3A_64 : i32
      %scan3A_66 = arith.constant 1 : i32
      %scan3A_67:5 = scf.for %scan3A_121 = %scan3A_63 to %scan3A_65 step %scan3A_66 iter_args(%scan3A_122 = %select_n3A_59, %scan3A_123 = %scan3A, %scan3A_124 = %scan3A_60, %scan3A_125 = %scan3A_61, %scan3A_126 = %scan3A_62) -> (i32, i32, i32, i32, i32)  : i32 {
        %eq3A_127 = arith.constant 0 : i32
        %eq3A_128 = arith.cmpi eq, %scan3A_121, %eq3A_127 : i32
        %eq3A_129 = arith.constant 23 : i32
        %eq3A_130 = arith.cmpi eq, %scan3A_121, %eq3A_129 : i32
        %add3A_131 = arith.addi %scan3A_126, %mul3A_6 : i32
        %sub3A_132 = arith.constant 1 : i32
        %sub3A_133 = arith.subi %scan3A_126, %sub3A_132 : i32
        %select_n3A_134 = arith.constant true
        %select_n3A_135 = arith.select %select_n3A_134, %sub3A_133, %scan3A_126 : i32
        %eq3A_136 = arith.constant -1 : i32
        %eq3A_137 = arith.cmpi eq, %select_n3A_135, %eq3A_136 : i32
        %select_n3A_138 = arith.constant 23 : i32
        %select_n3A_139 = arith.select %eq3A_137, %select_n3A_138, %select_n3A_135 : i32
        %add3A_140 = arith.addi %select_n3A_139, %mul3A_6 : i32
        %add3A_141 = arith.constant 1 : i32
        %add3A_142 = arith.addi %scan3A_126, %add3A_141 : i32
        %select_n3A_143 = arith.constant true
        %select_n3A_144 = arith.select %select_n3A_143, %add3A_142, %scan3A_126 : i32
        %eq3A_145 = arith.constant 24 : i32
        %eq3A_146 = arith.cmpi eq, %select_n3A_144, %eq3A_145 : i32
        %select_n3A_147 = arith.constant 0 : i32
        %select_n3A_148 = arith.select %eq3A_146, %select_n3A_147, %select_n3A_144 : i32
        %add3A_149 = arith.addi %select_n3A_148, %mul3A_6 : i32
        %add3A_150 = arith.constant 1 : i32
        %add3A_151 = arith.addi %select_n3A_148, %add3A_150 : i32
        %select_n3A_152 = arith.constant true
        %select_n3A_153 = arith.select %select_n3A_152, %add3A_151, %select_n3A_148 : i32
        %eq3A_154 = arith.constant 24 : i32
        %eq3A_155 = arith.cmpi eq, %select_n3A_153, %eq3A_154 : i32
        %select_n3A_156 = arith.constant 0 : i32
        %select_n3A_157 = arith.select %eq3A_155, %select_n3A_156, %select_n3A_153 : i32
        %add3A_158 = arith.addi %select_n3A_157, %mul3A_6 : i32
        %ne3A = arith.cmpi ne, %add3A_131, %add3A_149 : i32
        %or3A = arith.constant false
        %or3A_159 = arith.ori %or3A, %ne3A : i1
        %ge3A = arith.constant 23 : i32
        %ge3A_160 = arith.cmpi sge, %scan3A_121, %ge3A : i32
        %not3A = arith.constant true
        %not3A_161 = arith.xori %ge3A_160, %not3A : i1
        %and3A = arith.andi %or3A_159, %not3A_161 : i1
        %convert_element_type3A = arith.extui %and3A : i1 to i32
        %cond3A = arith.constant 0 : i32
        %cond3A_162 = arith.cmpi ne, %convert_element_type3A, %cond3A : i32
        scf.if %cond3A_162 {
          "tpu.trace_start"() <{level = 10 : i32, message = "ep_copy_in"}> : () -> ()
          %rem3A_264 = arith.constant 2 : i32
          %rem3A_265 = arith.remui %scan3A_122, %rem3A_264 : i32
          %mul3A_266 = arith.constant 128 : i32
          %mul3A_267 = arith.muli %mul3A_266, %add3A_149 : i32
          %dma_start3A_268 = arith.constant 0 : i32
          %dma_start3A_269 = arith.constant 0 : i32
          %dma_start3A_270 = tpu.memref_slice %run_scoped3A[%rem3A_265, %dma_start3A_268, %dma_start3A_269] : memref<2x1x128xi32, #tpu.memory_space<vmem>> -> memref<1x1x128xi32, #tpu.memory_space<vmem>>
          %dma_start3A_271 = tpu.memref_squeeze %dma_start3A_270 : memref<1x1x128xi32, #tpu.memory_space<vmem>> -> memref<1x128xi32, #tpu.memory_space<vmem>>
          %dma_start3A_272 = arith.constant 0 : i32
          %dma_start3A_273 = tpu.memref_slice %arg3[%dma_start3A_272, %mul3A_267] : memref<1x98304xi32, #tpu.memory_space<hbm>> -> memref<1x128xi32, #tpu.memory_space<hbm>>
          %dma_start3A_274 = tpu.memref_slice %run_scoped3A_7[%rem3A_265] : memref<2x!tpu.dma_semaphore, #tpu.memory_space<semaphore_mem>> -> memref<1x!tpu.dma_semaphore, #tpu.memory_space<semaphore_mem>>
          %dma_start3A_275 = tpu.memref_squeeze %dma_start3A_274 : memref<1x!tpu.dma_semaphore, #tpu.memory_space<semaphore_mem>> -> memref<!tpu.dma_semaphore, #tpu.memory_space<semaphore_mem>>
          %dma_start3A_276 = arith.constant 0 : i32
          %dma_start3A_277 = arith.constant 0 : i32
          %dma_start3A_278 = tpu.memref_slice %run_scoped3A[%rem3A_265, %dma_start3A_276, %dma_start3A_277] : memref<2x1x128xi32, #tpu.memory_space<vmem>> -> memref<1x1x128xi32, #tpu.memory_space<vmem>>
          %dma_start3A_279 = tpu.memref_squeeze %dma_start3A_278 : memref<1x1x128xi32, #tpu.memory_space<vmem>> -> memref<1x128xi32, #tpu.memory_space<vmem>>
          %dma_start3A_280 = arith.constant 0 : i32
          %dma_start3A_281 = tpu.memref_slice %arg3[%dma_start3A_280, %mul3A_267] : memref<1x98304xi32, #tpu.memory_space<hbm>> -> memref<1x128xi32, #tpu.memory_space<hbm>>
          tpu.enqueue_dma source(%dma_start3A_281 : memref<1x128xi32, #tpu.memory_space<hbm>>) target(%dma_start3A_279 : memref<1x128xi32, #tpu.memory_space<vmem>>) target_semaphore(%dma_start3A_275 : memref<!tpu.dma_semaphore, #tpu.memory_space<semaphore_mem>>)
          "tpu.trace_stop"() : () -> ()
        } else {
        }
        %and3A_163 = arith.constant true
        %and3A_164 = arith.andi %and3A, %and3A_163 : i1
        %add3A_165 = arith.constant 1 : i32
        %add3A_166 = arith.addi %scan3A_122, %add3A_165 : i32
        %select_n3A_167 = arith.select %and3A_164, %add3A_166, %scan3A_122 : i32
        %ne3A_168 = arith.cmpi ne, %add3A_131, %add3A_149 : i32
        %or3A_169 = arith.constant false
        %or3A_170 = arith.ori %or3A_169, %ne3A_168 : i1
        %or3A_171 = arith.constant false
        %or3A_172 = arith.ori %or3A_170, %or3A_171 : i1
        %ge3A_173 = arith.constant 23 : i32
        %ge3A_174 = arith.cmpi sge, %scan3A_121, %ge3A_173 : i32
        %not3A_175 = arith.constant true
        %not3A_176 = arith.xori %ge3A_174, %not3A_175 : i1
        %and3A_177 = arith.andi %or3A_172, %not3A_176 : i1
        %ne3A_178 = arith.cmpi ne, %add3A_131, %add3A_140 : i32
        %or3A_179 = arith.constant false
        %or3A_180 = arith.ori %or3A_179, %ne3A_178 : i1
        %or3A_181 = arith.ori %or3A_180, %eq3A_128 : i1
        %convert_element_type3A_182 = arith.extui %or3A_181 : i1 to i32
        %cond3A_183 = arith.constant 0 : i32
        %cond3A_184 = arith.cmpi ne, %convert_element_type3A_182, %cond3A_183 : i32
        scf.if %cond3A_184 {
          "tpu.trace_start"() <{level = 10 : i32, message = "ep_wait_in"}> : () -> ()
          %mul3A_264 = arith.constant 128 : i32
          %mul3A_265 = arith.muli %mul3A_264, %add3A_131 : i32
          %rem3A_266 = arith.constant 2 : i32
          %rem3A_267 = arith.remui %scan3A_123, %rem3A_266 : i32
          %dma_wait3A_268 = arith.constant 0 : i32
          %dma_wait3A_269 = arith.constant 0 : i32
          %dma_wait3A_270 = tpu.memref_slice %run_scoped3A[%rem3A_267, %dma_wait3A_268, %dma_wait3A_269] : memref<2x1x128xi32, #tpu.memory_space<vmem>> -> memref<1x1x128xi32, #tpu.memory_space<vmem>>
          %dma_wait3A_271 = tpu.memref_squeeze %dma_wait3A_270 : memref<1x1x128xi32, #tpu.memory_space<vmem>> -> memref<1x128xi32, #tpu.memory_space<vmem>>
          %dma_wait3A_272 = arith.constant 0 : i32
          %dma_wait3A_273 = tpu.memref_slice %arg3[%dma_wait3A_272, %mul3A_265] : memref<1x98304xi32, #tpu.memory_space<hbm>> -> memref<1x128xi32, #tpu.memory_space<hbm>>
          %dma_wait3A_274 = tpu.memref_slice %run_scoped3A_7[%rem3A_267] : memref<2x!tpu.dma_semaphore, #tpu.memory_space<semaphore_mem>> -> memref<1x!tpu.dma_semaphore, #tpu.memory_space<semaphore_mem>>
          %dma_wait3A_275 = tpu.memref_squeeze %dma_wait3A_274 : memref<1x!tpu.dma_semaphore, #tpu.memory_space<semaphore_mem>> -> memref<!tpu.dma_semaphore, #tpu.memory_space<semaphore_mem>>
          %dma_wait3A_276 = arith.constant 0 : i32
          %dma_wait3A_277 = arith.constant 0 : i32
          %dma_wait3A_278 = tpu.memref_slice %run_scoped3A[%rem3A_267, %dma_wait3A_276, %dma_wait3A_277] : memref<2x1x128xi32, #tpu.memory_space<vmem>> -> memref<1x1x128xi32, #tpu.memory_space<vmem>>
          %dma_wait3A_279 = tpu.memref_squeeze %dma_wait3A_278 : memref<1x1x128xi32, #tpu.memory_space<vmem>> -> memref<1x128xi32, #tpu.memory_space<vmem>>
          %dma_wait3A_280 = arith.constant 0 : i32
          %dma_wait3A_281 = tpu.memref_slice %arg3[%dma_wait3A_280, %mul3A_265] : memref<1x98304xi32, #tpu.memory_space<hbm>> -> memref<1x128xi32, #tpu.memory_space<hbm>>
          tpu.wait_dma2 semaphore(%dma_wait3A_275 : memref<!tpu.dma_semaphore, #tpu.memory_space<semaphore_mem>>) src(%dma_wait3A_281 : memref<1x128xi32, #tpu.memory_space<hbm>>) dst(%dma_wait3A_279 : memref<1x128xi32, #tpu.memory_space<vmem>>)
          "tpu.trace_stop"() : () -> ()
        } else {
        }
        %ne3A_185 = arith.cmpi ne, %add3A_131, %add3A_140 : i32
        %or3A_186 = arith.constant false
        %or3A_187 = arith.ori %or3A_186, %ne3A_185 : i1
        %or3A_188 = arith.constant false
        %or3A_189 = arith.ori %or3A_187, %or3A_188 : i1
        %or3A_190 = arith.ori %or3A_189, %eq3A_128 : i1
        %convert_element_type3A_191 = arith.extui %or3A_190 : i1 to i32
        %cond3A_192 = arith.constant 0 : i32
        %cond3A_193 = arith.cmpi ne, %convert_element_type3A_191, %cond3A_192 : i32
        scf.if %cond3A_193 {
        } else {
        }
        %rem3A_194 = arith.constant 2 : i32
        %rem3A_195 = arith.remui %scan3A_123, %rem3A_194 : i32
        %rem3A_196 = arith.constant 2 : i32
        %rem3A_197 = arith.remui %scan3A_124, %rem3A_196 : i32
        %run_scoped3A_198 = arith.constant 0 : i32
        "tpu.trace_start"() <{level = 10 : i32, message = "ep_run_kernel"}> : () -> ()
        "tpu.region"() ({
          %run_scoped3A_264 = tpu.sem_alloc : memref<!tpu.dma_semaphore, #tpu.memory_space<semaphore_mem>>
          %dma_start3A_265 = arith.constant 0 : i32
          %dma_start3A_266 = arith.constant 0 : i32
          %dma_start3A_267 = tpu.memref_slice %run_scoped3A_8[%rem3A_197, %dma_start3A_265, %dma_start3A_266] : memref<2x128x256xf32, #tpu.memory_space<vmem>> -> memref<1x128x256xf32, #tpu.memory_space<vmem>>
          %dma_start3A_268 = tpu.memref_squeeze %dma_start3A_267 : memref<1x128x256xf32, #tpu.memory_space<vmem>> -> memref<128x256xf32, #tpu.memory_space<vmem>>
          %dma_start3A_269 = arith.constant 0 : i32
          %dma_start3A_270 = arith.constant 0 : i32
          %dma_start3A_271 = tpu.memref_slice %run_scoped3A[%rem3A_195, %dma_start3A_269, %dma_start3A_270] : memref<2x1x128xi32, #tpu.memory_space<vmem>> -> memref<1x1x128xi32, #tpu.memory_space<vmem>>
          %dma_start3A_272 = tpu.memref_squeeze %dma_start3A_271 : memref<1x1x128xi32, #tpu.memory_space<vmem>> -> memref<1x128xi32, #tpu.memory_space<vmem>>
          %dma_start3A_273 = arith.constant 0 : i32
          %dma_start3A_274 = tpu.memref_slice %dma_start3A_272[%run_scoped3A_198, %dma_start3A_273] : memref<1x128xi32, #tpu.memory_space<vmem>> -> memref<1x128xi32, #tpu.memory_space<vmem>>
          %dma_start3A_275 = tpu.memref_squeeze %dma_start3A_274 : memref<1x128xi32, #tpu.memory_space<vmem>> -> memref<128xi32, #tpu.memory_space<vmem>>
          %dma_start3A_276 = arith.constant 0 : i32
          %dma_start3A_277 = arith.constant 0 : i32
          %dma_start3A_278 = tpu.memref_slice %arg2[%dma_start3A_276, %dma_start3A_277] : memref<8192x256xf32, #tpu.memory_space<hbm>> -> memref<8192x256xf32, #tpu.memory_space<hbm>>
          tpu.enqueue_indirect_dma source(%dma_start3A_278 : memref<8192x256xf32, #tpu.memory_space<hbm>>) target(%dma_start3A_268 : memref<128x256xf32, #tpu.memory_space<vmem>>) offsets(%dma_start3A_275 : memref<128xi32, #tpu.memory_space<vmem>>) semaphore(%run_scoped3A_264 : memref<!tpu.dma_semaphore, #tpu.memory_space<semaphore_mem>>)
          %dma_wait3A_279 = arith.constant 0 : i32
          %dma_wait3A_280 = arith.constant 0 : i32
          %dma_wait3A_281 = tpu.memref_slice %run_scoped3A_8[%rem3A_197, %dma_wait3A_279, %dma_wait3A_280] : memref<2x128x256xf32, #tpu.memory_space<vmem>> -> memref<1x128x256xf32, #tpu.memory_space<vmem>>
          %dma_wait3A_282 = tpu.memref_squeeze %dma_wait3A_281 : memref<1x128x256xf32, #tpu.memory_space<vmem>> -> memref<128x256xf32, #tpu.memory_space<vmem>>
          %dma_wait3A_283 = arith.constant 0 : i32
          %dma_wait3A_284 = arith.constant 0 : i32
          %dma_wait3A_285 = tpu.memref_slice %run_scoped3A[%rem3A_195, %dma_wait3A_283, %dma_wait3A_284] : memref<2x1x128xi32, #tpu.memory_space<vmem>> -> memref<1x1x128xi32, #tpu.memory_space<vmem>>
          %dma_wait3A_286 = tpu.memref_squeeze %dma_wait3A_285 : memref<1x1x128xi32, #tpu.memory_space<vmem>> -> memref<1x128xi32, #tpu.memory_space<vmem>>
          %dma_wait3A_287 = arith.constant 0 : i32
          %dma_wait3A_288 = tpu.memref_slice %dma_wait3A_286[%run_scoped3A_198, %dma_wait3A_287] : memref<1x128xi32, #tpu.memory_space<vmem>> -> memref<1x128xi32, #tpu.memory_space<vmem>>
          %dma_wait3A_289 = tpu.memref_squeeze %dma_wait3A_288 : memref<1x128xi32, #tpu.memory_space<vmem>> -> memref<128xi32, #tpu.memory_space<vmem>>
          %dma_wait3A_290 = arith.constant 0 : i32
          %dma_wait3A_291 = arith.constant 0 : i32
          %dma_wait3A_292 = tpu.memref_slice %arg2[%dma_wait3A_290, %dma_wait3A_291] : memref<8192x256xf32, #tpu.memory_space<hbm>> -> memref<8192x256xf32, #tpu.memory_space<hbm>>
          tpu.wait_indirect_dma semaphore(%run_scoped3A_264 : memref<!tpu.dma_semaphore, #tpu.memory_space<semaphore_mem>>) src(%dma_wait3A_292 : memref<8192x256xf32, #tpu.memory_space<hbm>>) dst(%dma_wait3A_282 : memref<128x256xf32, #tpu.memory_space<vmem>>)
          tpu.yield
        }) : () -> ()
        "tpu.trace_stop"() : () -> ()
        %ne3A_199 = arith.cmpi ne, %add3A_131, %add3A_149 : i32
        %or3A_200 = arith.constant false
        %or3A_201 = arith.ori %or3A_200, %ne3A_199 : i1
        %or3A_202 = arith.ori %or3A_201, %eq3A_130 : i1
        %convert_element_type3A_203 = arith.extui %or3A_202 : i1 to i32
        %cond3A_204 = arith.constant 0 : i32
        %cond3A_205 = arith.cmpi ne, %convert_element_type3A_203, %cond3A_204 : i32
        scf.if %cond3A_205 {
        } else {
        }
        %and3A_206 = arith.constant false
        %and3A_207 = arith.andi %or3A_202, %and3A_206 : i1
        %ne3A_208 = arith.cmpi ne, %add3A_131, %add3A_149 : i32
        %or3A_209 = arith.constant false
        %or3A_210 = arith.ori %or3A_209, %ne3A_208 : i1
        %or3A_211 = arith.constant false
        %or3A_212 = arith.ori %or3A_210, %or3A_211 : i1
        %or3A_213 = arith.ori %or3A_212, %eq3A_130 : i1
        %convert_element_type3A_214 = arith.extui %or3A_213 : i1 to i32
        %cond3A_215 = arith.constant 0 : i32
        %cond3A_216 = arith.cmpi ne, %convert_element_type3A_214, %cond3A_215 : i32
        scf.if %cond3A_216 {
          "tpu.trace_start"() <{level = 10 : i32, message = "ep_copy_out"}> : () -> ()
          %rem3A_264 = arith.constant 2 : i32
          %rem3A_265 = arith.remui %scan3A_124, %rem3A_264 : i32
          %mul3A_266 = arith.constant 128 : i32
          %mul3A_267 = arith.muli %mul3A_266, %add3A_131 : i32
          %dma_start3A_268 = arith.constant 0 : i32
          %dma_start3A_269 = arith.constant 0 : i32
          %dma_start3A_270 = tpu.memref_slice %run_scoped3A_8[%rem3A_265, %dma_start3A_268, %dma_start3A_269] : memref<2x128x256xf32, #tpu.memory_space<vmem>> -> memref<1x128x256xf32, #tpu.memory_space<vmem>>
          %dma_start3A_271 = tpu.memref_squeeze %dma_start3A_270 : memref<1x128x256xf32, #tpu.memory_space<vmem>> -> memref<128x256xf32, #tpu.memory_space<vmem>>
          %dma_start3A_272 = arith.constant 0 : i32
          %dma_start3A_273 = tpu.memref_slice %arg4[%mul3A_267, %dma_start3A_272] : memref<98304x256xf32, #tpu.memory_space<hbm>> -> memref<128x256xf32, #tpu.memory_space<hbm>>
          %dma_start3A_274 = tpu.memref_slice %run_scoped3A_9[%rem3A_265] : memref<2x!tpu.dma_semaphore, #tpu.memory_space<semaphore_mem>> -> memref<1x!tpu.dma_semaphore, #tpu.memory_space<semaphore_mem>>
          %dma_start3A_275 = tpu.memref_squeeze %dma_start3A_274 : memref<1x!tpu.dma_semaphore, #tpu.memory_space<semaphore_mem>> -> memref<!tpu.dma_semaphore, #tpu.memory_space<semaphore_mem>>
          %dma_start3A_276 = arith.constant 0 : i32
          %dma_start3A_277 = tpu.memref_slice %arg4[%mul3A_267, %dma_start3A_276] : memref<98304x256xf32, #tpu.memory_space<hbm>> -> memref<128x256xf32, #tpu.memory_space<hbm>>
          %dma_start3A_278 = arith.constant 0 : i32
          %dma_start3A_279 = arith.constant 0 : i32
          %dma_start3A_280 = tpu.memref_slice %run_scoped3A_8[%rem3A_265, %dma_start3A_278, %dma_start3A_279] : memref<2x128x256xf32, #tpu.memory_space<vmem>> -> memref<1x128x256xf32, #tpu.memory_space<vmem>>
          %dma_start3A_281 = tpu.memref_squeeze %dma_start3A_280 : memref<1x128x256xf32, #tpu.memory_space<vmem>> -> memref<128x256xf32, #tpu.memory_space<vmem>>
          tpu.enqueue_dma source(%dma_start3A_281 : memref<128x256xf32, #tpu.memory_space<vmem>>) target(%dma_start3A_277 : memref<128x256xf32, #tpu.memory_space<hbm>>) target_semaphore(%dma_start3A_275 : memref<!tpu.dma_semaphore, #tpu.memory_space<semaphore_mem>>)
          "tpu.trace_stop"() : () -> ()
        } else {
        }
        %and3A_217 = arith.constant true
        %and3A_218 = arith.andi %or3A_213, %and3A_217 : i1
        %add3A_219 = arith.constant 1 : i32
        %add3A_220 = arith.addi %scan3A_124, %add3A_219 : i32
        %select_n3A_221 = arith.select %and3A_218, %add3A_220, %scan3A_124 : i32
        %ne3A_222 = arith.cmpi ne, %add3A_131, %add3A_140 : i32
        %or3A_223 = arith.constant false
        %or3A_224 = arith.ori %or3A_223, %ne3A_222 : i1
        %not3A_225 = arith.constant true
        %not3A_226 = arith.xori %eq3A_128, %not3A_225 : i1
        %and3A_227 = arith.andi %or3A_224, %not3A_226 : i1
        %convert_element_type3A_228 = arith.extui %and3A_227 : i1 to i32
        %cond3A_229 = arith.constant 0 : i32
        %cond3A_230 = arith.cmpi ne, %convert_element_type3A_228, %cond3A_229 : i32
        scf.if %cond3A_230 {
        } else {
        }
        %and3A_231 = arith.constant false
        %and3A_232 = arith.andi %and3A_227, %and3A_231 : i1
        %ne3A_233 = arith.cmpi ne, %add3A_131, %add3A_140 : i32
        %or3A_234 = arith.constant false
        %or3A_235 = arith.ori %or3A_234, %ne3A_233 : i1
        %or3A_236 = arith.constant false
        %or3A_237 = arith.ori %or3A_235, %or3A_236 : i1
        %not3A_238 = arith.constant true
        %not3A_239 = arith.xori %eq3A_128, %not3A_238 : i1
        %and3A_240 = arith.andi %or3A_237, %not3A_239 : i1
        %convert_element_type3A_241 = arith.extui %and3A_240 : i1 to i32
        %cond3A_242 = arith.constant 0 : i32
        %cond3A_243 = arith.cmpi ne, %convert_element_type3A_241, %cond3A_242 : i32
        scf.if %cond3A_243 {
          "tpu.trace_start"() <{level = 10 : i32, message = "ep_wait_out"}> : () -> ()
          %rem3A_264 = arith.constant 2 : i32
          %rem3A_265 = arith.remui %scan3A_125, %rem3A_264 : i32
          %mul3A_266 = arith.constant 128 : i32
          %mul3A_267 = arith.muli %mul3A_266, %add3A_140 : i32
          %dma_wait3A_268 = arith.constant 0 : i32
          %dma_wait3A_269 = arith.constant 0 : i32
          %dma_wait3A_270 = tpu.memref_slice %run_scoped3A_8[%rem3A_265, %dma_wait3A_268, %dma_wait3A_269] : memref<2x128x256xf32, #tpu.memory_space<vmem>> -> memref<1x128x256xf32, #tpu.memory_space<vmem>>
          %dma_wait3A_271 = tpu.memref_squeeze %dma_wait3A_270 : memref<1x128x256xf32, #tpu.memory_space<vmem>> -> memref<128x256xf32, #tpu.memory_space<vmem>>
          %dma_wait3A_272 = arith.constant 0 : i32
          %dma_wait3A_273 = tpu.memref_slice %arg4[%mul3A_267, %dma_wait3A_272] : memref<98304x256xf32, #tpu.memory_space<hbm>> -> memref<128x256xf32, #tpu.memory_space<hbm>>
          %dma_wait3A_274 = tpu.memref_slice %run_scoped3A_9[%rem3A_265] : memref<2x!tpu.dma_semaphore, #tpu.memory_space<semaphore_mem>> -> memref<1x!tpu.dma_semaphore, #tpu.memory_space<semaphore_mem>>
          %dma_wait3A_275 = tpu.memref_squeeze %dma_wait3A_274 : memref<1x!tpu.dma_semaphore, #tpu.memory_space<semaphore_mem>> -> memref<!tpu.dma_semaphore, #tpu.memory_space<semaphore_mem>>
          %dma_wait3A_276 = arith.constant 0 : i32
          %dma_wait3A_277 = tpu.memref_slice %arg4[%mul3A_267, %dma_wait3A_276] : memref<98304x256xf32, #tpu.memory_space<hbm>> -> memref<128x256xf32, #tpu.memory_space<hbm>>
          %dma_wait3A_278 = arith.constant 0 : i32
          %dma_wait3A_279 = arith.constant 0 : i32
          %dma_wait3A_280 = tpu.memref_slice %run_scoped3A_8[%rem3A_265, %dma_wait3A_278, %dma_wait3A_279] : memref<2x128x256xf32, #tpu.memory_space<vmem>> -> memref<1x128x256xf32, #tpu.memory_space<vmem>>
          %dma_wait3A_281 = tpu.memref_squeeze %dma_wait3A_280 : memref<1x128x256xf32, #tpu.memory_space<vmem>> -> memref<128x256xf32, #tpu.memory_space<vmem>>
          tpu.wait_dma2 semaphore(%dma_wait3A_275 : memref<!tpu.dma_semaphore, #tpu.memory_space<semaphore_mem>>) src(%dma_wait3A_281 : memref<128x256xf32, #tpu.memory_space<vmem>>) dst(%dma_wait3A_277 : memref<128x256xf32, #tpu.memory_space<hbm>>)
          "tpu.trace_stop"() : () -> ()
        } else {
        }
        %and3A_244 = arith.constant true
        %and3A_245 = arith.andi %and3A_240, %and3A_244 : i1
        %add3A_246 = arith.constant 1 : i32
        %add3A_247 = arith.addi %scan3A_125, %add3A_246 : i32
        %select_n3A_248 = arith.select %and3A_245, %add3A_247, %scan3A_125 : i32
        %ne3A_249 = arith.cmpi ne, %add3A_131, %add3A_149 : i32
        %or3A_250 = arith.constant false
        %or3A_251 = arith.ori %or3A_250, %ne3A_249 : i1
        %or3A_252 = arith.ori %or3A_251, %eq3A_130 : i1
        %add3A_253 = arith.constant 1 : i32
        %add3A_254 = arith.addi %scan3A_123, %add3A_253 : i32
        %select_n3A_255 = arith.select %or3A_252, %add3A_254, %scan3A_123 : i32
        %add3A_256 = arith.constant 1 : i32
        %add3A_257 = arith.addi %scan3A_126, %add3A_256 : i32
        %select_n3A_258 = arith.constant true
        %select_n3A_259 = arith.select %select_n3A_258, %add3A_257, %scan3A_126 : i32
        %eq3A_260 = arith.constant 24 : i32
        %eq3A_261 = arith.cmpi eq, %select_n3A_259, %eq3A_260 : i32
        %select_n3A_262 = arith.constant 0 : i32
        %select_n3A_263 = arith.select %eq3A_261, %select_n3A_262, %select_n3A_259 : i32
        scf.yield %select_n3A_167, %select_n3A_255, %select_n3A_221, %select_n3A_248, %select_n3A_263 : i32, i32, i32, i32, i32
      }
      %scan3A_68 = arith.constant 24 : i32
      %sub3A = arith.constant 1 : i32
      %sub3A_69 = arith.subi %scan3A_67#4, %sub3A : i32
      %select_n3A_70 = arith.constant true
      %select_n3A_71 = arith.select %select_n3A_70, %sub3A_69, %scan3A_67#4 : i32
      %eq3A_72 = arith.constant -1 : i32
      %eq3A_73 = arith.cmpi eq, %select_n3A_71, %eq3A_72 : i32
      %select_n3A_74 = arith.constant 23 : i32
      %select_n3A_75 = arith.select %eq3A_73, %select_n3A_74, %select_n3A_71 : i32
      %add3A_76 = arith.addi %select_n3A_75, %mul3A_6 : i32
      %sub3A_77 = arith.constant 1 : i32
      %sub3A_78 = arith.subi %select_n3A_75, %sub3A_77 : i32
      %select_n3A_79 = arith.constant true
      %select_n3A_80 = arith.select %select_n3A_79, %sub3A_78, %select_n3A_75 : i32
      %eq3A_81 = arith.constant -1 : i32
      %eq3A_82 = arith.cmpi eq, %select_n3A_80, %eq3A_81 : i32
      %select_n3A_83 = arith.constant 23 : i32
      %select_n3A_84 = arith.select %eq3A_82, %select_n3A_83, %select_n3A_80 : i32
      %add3A_85 = arith.addi %select_n3A_84, %mul3A_6 : i32
      %add3A_86 = arith.constant 1 : i32
      %add3A_87 = arith.addi %select_n3A_75, %add3A_86 : i32
      %select_n3A_88 = arith.constant true
      %select_n3A_89 = arith.select %select_n3A_88, %add3A_87, %select_n3A_75 : i32
      %eq3A_90 = arith.constant 24 : i32
      %eq3A_91 = arith.cmpi eq, %select_n3A_89, %eq3A_90 : i32
      %select_n3A_92 = arith.constant 0 : i32
      %select_n3A_93 = arith.select %eq3A_91, %select_n3A_92, %select_n3A_89 : i32
      %add3A_94 = arith.addi %select_n3A_93, %mul3A_6 : i32
      %add3A_95 = arith.constant 1 : i32
      %add3A_96 = arith.addi %select_n3A_93, %add3A_95 : i32
      %select_n3A_97 = arith.constant true
      %select_n3A_98 = arith.select %select_n3A_97, %add3A_96, %select_n3A_93 : i32
      %eq3A_99 = arith.constant 24 : i32
      %eq3A_100 = arith.cmpi eq, %select_n3A_98, %eq3A_99 : i32
      %select_n3A_101 = arith.constant 0 : i32
      %select_n3A_102 = arith.select %eq3A_100, %select_n3A_101, %select_n3A_98 : i32
      %add3A_103 = arith.addi %select_n3A_102, %mul3A_6 : i32
      "tpu.trace_start"() <{level = 10 : i32, message = "ep_finalize"}> : () -> ()
      %rem3A_104 = arith.constant 2 : i32
      %rem3A_105 = arith.remui %scan3A_67#3, %rem3A_104 : i32
      %mul3A_106 = arith.constant 128 : i32
      %mul3A_107 = arith.muli %mul3A_106, %add3A_76 : i32
      %dma_wait3A = arith.constant 0 : i32
      %dma_wait3A_108 = arith.constant 0 : i32
      %dma_wait3A_109 = tpu.memref_slice %run_scoped3A_8[%rem3A_105, %dma_wait3A, %dma_wait3A_108] : memref<2x128x256xf32, #tpu.memory_space<vmem>> -> memref<1x128x256xf32, #tpu.memory_space<vmem>>
      %dma_wait3A_110 = tpu.memref_squeeze %dma_wait3A_109 : memref<1x128x256xf32, #tpu.memory_space<vmem>> -> memref<128x256xf32, #tpu.memory_space<vmem>>
      %dma_wait3A_111 = arith.constant 0 : i32
      %dma_wait3A_112 = tpu.memref_slice %arg4[%mul3A_107, %dma_wait3A_111] : memref<98304x256xf32, #tpu.memory_space<hbm>> -> memref<128x256xf32, #tpu.memory_space<hbm>>
      %dma_wait3A_113 = tpu.memref_slice %run_scoped3A_9[%rem3A_105] : memref<2x!tpu.dma_semaphore, #tpu.memory_space<semaphore_mem>> -> memref<1x!tpu.dma_semaphore, #tpu.memory_space<semaphore_mem>>
      %dma_wait3A_114 = tpu.memref_squeeze %dma_wait3A_113 : memref<1x!tpu.dma_semaphore, #tpu.memory_space<semaphore_mem>> -> memref<!tpu.dma_semaphore, #tpu.memory_space<semaphore_mem>>
      %dma_wait3A_115 = arith.constant 0 : i32
      %dma_wait3A_116 = tpu.memref_slice %arg4[%mul3A_107, %dma_wait3A_115] : memref<98304x256xf32, #tpu.memory_space<hbm>> -> memref<128x256xf32, #tpu.memory_space<hbm>>
      %dma_wait3A_117 = arith.constant 0 : i32
      %dma_wait3A_118 = arith.constant 0 : i32
      %dma_wait3A_119 = tpu.memref_slice %run_scoped3A_8[%rem3A_105, %dma_wait3A_117, %dma_wait3A_118] : memref<2x128x256xf32, #tpu.memory_space<vmem>> -> memref<1x128x256xf32, #tpu.memory_space<vmem>>
      %dma_wait3A_120 = tpu.memref_squeeze %dma_wait3A_119 : memref<1x128x256xf32, #tpu.memory_space<vmem>> -> memref<128x256xf32, #tpu.memory_space<vmem>>
      tpu.wait_dma2 semaphore(%dma_wait3A_114 : memref<!tpu.dma_semaphore, #tpu.memory_space<semaphore_mem>>) src(%dma_wait3A_120 : memref<128x256xf32, #tpu.memory_space<vmem>>) dst(%dma_wait3A_116 : memref<128x256xf32, #tpu.memory_space<hbm>>)
      "tpu.trace_stop"() : () -> ()
      tpu.yield
    }) : () -> ()
    return
  }
}

#map = affine_map<(d0, d1) -> (0, 0)>
module attributes {stable_mosaic.version = 14 : i64} {
  func.func @_gather_kernel(%arg0: i32, %arg1: i32, %arg2: memref<8192x256xf32, #tpu.memory_space<hbm>>, %arg3: memref<1x32768xi32, #tpu.memory_space<hbm>>, %arg4: memref<32768x256xf32, #tpu.memory_space<hbm>>) attributes {dimension_semantics = [#tpu.dimension_semantics<core_parallel>, #tpu.dimension_semantics<subcore_parallel>], iteration_bounds = array<i64: 2, 16>, scalar_prefetch = 0 : i64, scratch_operands = 0 : i64, tpu.core_type = #tpu.core_type<sc_vector_subcore>, window_params = [{transform_indices = #map}, {transform_indices = #map}, {transform_indices = #map}]} {
    %mul3A = arith.constant 1 : i32
    %mul3A_0 = arith.muli %arg1, %mul3A : i32
    %add3A = arith.constant 0 : i32
    %add3A_1 = arith.addi %add3A, %mul3A_0 : i32
    %mul3A_2 = arith.constant 16 : i32
    %mul3A_3 = arith.muli %arg0, %mul3A_2 : i32
    %add3A_4 = arith.addi %add3A_1, %mul3A_3 : i32
    %mul3A_5 = arith.constant 8 : i32
    %mul3A_6 = arith.muli %add3A_4, %mul3A_5 : i32
    "tpu.region"() ({
      %run_scoped3A = memref.alloca() : memref<2x1x128xi32, #tpu.memory_space<vmem>>
      %run_scoped3A_7 = tpu.sem_alloc : memref<2x!tpu.dma_semaphore, #tpu.memory_space<semaphore_mem>>
      %run_scoped3A_8 = memref.alloca() : memref<2x128x256xf32, #tpu.memory_space<vmem>>
      %run_scoped3A_9 = tpu.sem_alloc : memref<2x!tpu.dma_semaphore, #tpu.memory_space<semaphore_mem>>
      %add3A_10 = arith.constant 0 : i32
      %add3A_11 = arith.addi %add3A_10, %mul3A_6 : i32
      %select_n3A = arith.constant true
      %select_n3A_12 = arith.constant 0 : i32
      %select_n3A_13 = arith.constant -1 : i32
      %select_n3A_14 = arith.select %select_n3A, %select_n3A_13, %select_n3A_12 : i32
      %eq3A = arith.constant -1 : i32
      %eq3A_15 = arith.cmpi eq, %select_n3A_14, %eq3A : i32
      %select_n3A_16 = arith.constant 7 : i32
      %select_n3A_17 = arith.select %eq3A_15, %select_n3A_16, %select_n3A_14 : i32
      %add3A_18 = arith.addi %select_n3A_17, %mul3A_6 : i32
      %select_n3A_19 = arith.constant true
      %select_n3A_20 = arith.constant 0 : i32
      %select_n3A_21 = arith.constant 1 : i32
      %select_n3A_22 = arith.select %select_n3A_19, %select_n3A_21, %select_n3A_20 : i32
      %eq3A_23 = arith.constant 8 : i32
      %eq3A_24 = arith.cmpi eq, %select_n3A_22, %eq3A_23 : i32
      %select_n3A_25 = arith.constant 0 : i32
      %select_n3A_26 = arith.select %eq3A_24, %select_n3A_25, %select_n3A_22 : i32
      %add3A_27 = arith.addi %select_n3A_26, %mul3A_6 : i32
      %add3A_28 = arith.constant 1 : i32
      %add3A_29 = arith.addi %select_n3A_26, %add3A_28 : i32
      %select_n3A_30 = arith.constant true
      %select_n3A_31 = arith.select %select_n3A_30, %add3A_29, %select_n3A_26 : i32
      %eq3A_32 = arith.constant 8 : i32
      %eq3A_33 = arith.cmpi eq, %select_n3A_31, %eq3A_32 : i32
      %select_n3A_34 = arith.constant 0 : i32
      %select_n3A_35 = arith.select %eq3A_33, %select_n3A_34, %select_n3A_31 : i32
      %add3A_36 = arith.addi %select_n3A_35, %mul3A_6 : i32
      "tpu.trace_start"() <{level = 10 : i32, message = "ep_initialize_0"}> : () -> ()
      %rem3A = arith.constant 0 : i32
      %rem3A_37 = arith.constant 2 : i32
      %rem3A_38 = arith.remui %rem3A, %rem3A_37 : i32
      %mul3A_39 = arith.constant 128 : i32
      %mul3A_40 = arith.muli %mul3A_39, %add3A_11 : i32
      %dma_start3A = arith.constant 0 : i32
      %dma_start3A_41 = arith.constant 0 : i32
      %dma_start3A_42 = tpu.memref_slice %run_scoped3A[%rem3A_38, %dma_start3A, %dma_start3A_41] : memref<2x1x128xi32, #tpu.memory_space<vmem>> -> memref<1x1x128xi32, #tpu.memory_space<vmem>>
      %dma_start3A_43 = tpu.memref_squeeze %dma_start3A_42 : memref<1x1x128xi32, #tpu.memory_space<vmem>> -> memref<1x128xi32, #tpu.memory_space<vmem>>
      %dma_start3A_44 = arith.constant 0 : i32
      %dma_start3A_45 = tpu.memref_slice %arg3[%dma_start3A_44, %mul3A_40] : memref<1x32768xi32, #tpu.memory_space<hbm>> -> memref<1x128xi32, #tpu.memory_space<hbm>>
      %dma_start3A_46 = tpu.memref_slice %run_scoped3A_7[%rem3A_38] : memref<2x!tpu.dma_semaphore, #tpu.memory_space<semaphore_mem>> -> memref<1x!tpu.dma_semaphore, #tpu.memory_space<semaphore_mem>>
      %dma_start3A_47 = tpu.memref_squeeze %dma_start3A_46 : memref<1x!tpu.dma_semaphore, #tpu.memory_space<semaphore_mem>> -> memref<!tpu.dma_semaphore, #tpu.memory_space<semaphore_mem>>
      %dma_start3A_48 = arith.constant 0 : i32
      %dma_start3A_49 = arith.constant 0 : i32
      %dma_start3A_50 = tpu.memref_slice %run_scoped3A[%rem3A_38, %dma_start3A_48, %dma_start3A_49] : memref<2x1x128xi32, #tpu.memory_space<vmem>> -> memref<1x1x128xi32, #tpu.memory_space<vmem>>
      %dma_start3A_51 = tpu.memref_squeeze %dma_start3A_50 : memref<1x1x128xi32, #tpu.memory_space<vmem>> -> memref<1x128xi32, #tpu.memory_space<vmem>>
      %dma_start3A_52 = arith.constant 0 : i32
      %dma_start3A_53 = tpu.memref_slice %arg3[%dma_start3A_52, %mul3A_40] : memref<1x32768xi32, #tpu.memory_space<hbm>> -> memref<1x128xi32, #tpu.memory_space<hbm>>
      tpu.enqueue_dma source(%dma_start3A_53 : memref<1x128xi32, #tpu.memory_space<hbm>>) target(%dma_start3A_51 : memref<1x128xi32, #tpu.memory_space<vmem>>) target_semaphore(%dma_start3A_47 : memref<!tpu.dma_semaphore, #tpu.memory_space<semaphore_mem>>)
      %add3A_54 = arith.constant 0 : i32
      %add3A_55 = arith.constant 1 : i32
      %add3A_56 = arith.addi %add3A_54, %add3A_55 : i32
      %select_n3A_57 = arith.constant true
      %select_n3A_58 = arith.constant 0 : i32
      %select_n3A_59 = arith.select %select_n3A_57, %add3A_56, %select_n3A_58 : i32
      "tpu.trace_stop"() : () -> ()
      %scan3A = arith.constant 0 : i32
      %scan3A_60 = arith.constant 0 : i32
      %scan3A_61 = arith.constant 0 : i32
      %scan3A_62 = arith.constant 0 : i32
      %scan3A_63 = arith.constant 0 : i32
      %scan3A_64 = arith.constant 8 : i32
      %scan3A_65 = arith.addi %scan3A_63, %scan3A_64 : i32
      %scan3A_66 = arith.constant 1 : i32
      %scan3A_67:5 = scf.for %scan3A_121 = %scan3A_63 to %scan3A_65 step %scan3A_66 iter_args(%scan3A_122 = %select_n3A_59, %scan3A_123 = %scan3A, %scan3A_124 = %scan3A_60, %scan3A_125 = %scan3A_61, %scan3A_126 = %scan3A_62) -> (i32, i32, i32, i32, i32)  : i32 {
        %eq3A_127 = arith.constant 0 : i32
        %eq3A_128 = arith.cmpi eq, %scan3A_121, %eq3A_127 : i32
        %eq3A_129 = arith.constant 7 : i32
        %eq3A_130 = arith.cmpi eq, %scan3A_121, %eq3A_129 : i32
        %add3A_131 = arith.addi %scan3A_126, %mul3A_6 : i32
        %sub3A_132 = arith.constant 1 : i32
        %sub3A_133 = arith.subi %scan3A_126, %sub3A_132 : i32
        %select_n3A_134 = arith.constant true
        %select_n3A_135 = arith.select %select_n3A_134, %sub3A_133, %scan3A_126 : i32
        %eq3A_136 = arith.constant -1 : i32
        %eq3A_137 = arith.cmpi eq, %select_n3A_135, %eq3A_136 : i32
        %select_n3A_138 = arith.constant 7 : i32
        %select_n3A_139 = arith.select %eq3A_137, %select_n3A_138, %select_n3A_135 : i32
        %add3A_140 = arith.addi %select_n3A_139, %mul3A_6 : i32
        %add3A_141 = arith.constant 1 : i32
        %add3A_142 = arith.addi %scan3A_126, %add3A_141 : i32
        %select_n3A_143 = arith.constant true
        %select_n3A_144 = arith.select %select_n3A_143, %add3A_142, %scan3A_126 : i32
        %eq3A_145 = arith.constant 8 : i32
        %eq3A_146 = arith.cmpi eq, %select_n3A_144, %eq3A_145 : i32
        %select_n3A_147 = arith.constant 0 : i32
        %select_n3A_148 = arith.select %eq3A_146, %select_n3A_147, %select_n3A_144 : i32
        %add3A_149 = arith.addi %select_n3A_148, %mul3A_6 : i32
        %add3A_150 = arith.constant 1 : i32
        %add3A_151 = arith.addi %select_n3A_148, %add3A_150 : i32
        %select_n3A_152 = arith.constant true
        %select_n3A_153 = arith.select %select_n3A_152, %add3A_151, %select_n3A_148 : i32
        %eq3A_154 = arith.constant 8 : i32
        %eq3A_155 = arith.cmpi eq, %select_n3A_153, %eq3A_154 : i32
        %select_n3A_156 = arith.constant 0 : i32
        %select_n3A_157 = arith.select %eq3A_155, %select_n3A_156, %select_n3A_153 : i32
        %add3A_158 = arith.addi %select_n3A_157, %mul3A_6 : i32
        %ne3A = arith.cmpi ne, %add3A_131, %add3A_149 : i32
        %or3A = arith.constant false
        %or3A_159 = arith.ori %or3A, %ne3A : i1
        %ge3A = arith.constant 7 : i32
        %ge3A_160 = arith.cmpi sge, %scan3A_121, %ge3A : i32
        %not3A = arith.constant true
        %not3A_161 = arith.xori %ge3A_160, %not3A : i1
        %and3A = arith.andi %or3A_159, %not3A_161 : i1
        %convert_element_type3A = arith.extui %and3A : i1 to i32
        %cond3A = arith.constant 0 : i32
        %cond3A_162 = arith.cmpi ne, %convert_element_type3A, %cond3A : i32
        scf.if %cond3A_162 {
          "tpu.trace_start"() <{level = 10 : i32, message = "ep_copy_in"}> : () -> ()
          %rem3A_264 = arith.constant 2 : i32
          %rem3A_265 = arith.remui %scan3A_122, %rem3A_264 : i32
          %mul3A_266 = arith.constant 128 : i32
          %mul3A_267 = arith.muli %mul3A_266, %add3A_149 : i32
          %dma_start3A_268 = arith.constant 0 : i32
          %dma_start3A_269 = arith.constant 0 : i32
          %dma_start3A_270 = tpu.memref_slice %run_scoped3A[%rem3A_265, %dma_start3A_268, %dma_start3A_269] : memref<2x1x128xi32, #tpu.memory_space<vmem>> -> memref<1x1x128xi32, #tpu.memory_space<vmem>>
          %dma_start3A_271 = tpu.memref_squeeze %dma_start3A_270 : memref<1x1x128xi32, #tpu.memory_space<vmem>> -> memref<1x128xi32, #tpu.memory_space<vmem>>
          %dma_start3A_272 = arith.constant 0 : i32
          %dma_start3A_273 = tpu.memref_slice %arg3[%dma_start3A_272, %mul3A_267] : memref<1x32768xi32, #tpu.memory_space<hbm>> -> memref<1x128xi32, #tpu.memory_space<hbm>>
          %dma_start3A_274 = tpu.memref_slice %run_scoped3A_7[%rem3A_265] : memref<2x!tpu.dma_semaphore, #tpu.memory_space<semaphore_mem>> -> memref<1x!tpu.dma_semaphore, #tpu.memory_space<semaphore_mem>>
          %dma_start3A_275 = tpu.memref_squeeze %dma_start3A_274 : memref<1x!tpu.dma_semaphore, #tpu.memory_space<semaphore_mem>> -> memref<!tpu.dma_semaphore, #tpu.memory_space<semaphore_mem>>
          %dma_start3A_276 = arith.constant 0 : i32
          %dma_start3A_277 = arith.constant 0 : i32
          %dma_start3A_278 = tpu.memref_slice %run_scoped3A[%rem3A_265, %dma_start3A_276, %dma_start3A_277] : memref<2x1x128xi32, #tpu.memory_space<vmem>> -> memref<1x1x128xi32, #tpu.memory_space<vmem>>
          %dma_start3A_279 = tpu.memref_squeeze %dma_start3A_278 : memref<1x1x128xi32, #tpu.memory_space<vmem>> -> memref<1x128xi32, #tpu.memory_space<vmem>>
          %dma_start3A_280 = arith.constant 0 : i32
          %dma_start3A_281 = tpu.memref_slice %arg3[%dma_start3A_280, %mul3A_267] : memref<1x32768xi32, #tpu.memory_space<hbm>> -> memref<1x128xi32, #tpu.memory_space<hbm>>
          tpu.enqueue_dma source(%dma_start3A_281 : memref<1x128xi32, #tpu.memory_space<hbm>>) target(%dma_start3A_279 : memref<1x128xi32, #tpu.memory_space<vmem>>) target_semaphore(%dma_start3A_275 : memref<!tpu.dma_semaphore, #tpu.memory_space<semaphore_mem>>)
          "tpu.trace_stop"() : () -> ()
        } else {
        }
        %and3A_163 = arith.constant true
        %and3A_164 = arith.andi %and3A, %and3A_163 : i1
        %add3A_165 = arith.constant 1 : i32
        %add3A_166 = arith.addi %scan3A_122, %add3A_165 : i32
        %select_n3A_167 = arith.select %and3A_164, %add3A_166, %scan3A_122 : i32
        %ne3A_168 = arith.cmpi ne, %add3A_131, %add3A_149 : i32
        %or3A_169 = arith.constant false
        %or3A_170 = arith.ori %or3A_169, %ne3A_168 : i1
        %or3A_171 = arith.constant false
        %or3A_172 = arith.ori %or3A_170, %or3A_171 : i1
        %ge3A_173 = arith.constant 7 : i32
        %ge3A_174 = arith.cmpi sge, %scan3A_121, %ge3A_173 : i32
        %not3A_175 = arith.constant true
        %not3A_176 = arith.xori %ge3A_174, %not3A_175 : i1
        %and3A_177 = arith.andi %or3A_172, %not3A_176 : i1
        %ne3A_178 = arith.cmpi ne, %add3A_131, %add3A_140 : i32
        %or3A_179 = arith.constant false
        %or3A_180 = arith.ori %or3A_179, %ne3A_178 : i1
        %or3A_181 = arith.ori %or3A_180, %eq3A_128 : i1
        %convert_element_type3A_182 = arith.extui %or3A_181 : i1 to i32
        %cond3A_183 = arith.constant 0 : i32
        %cond3A_184 = arith.cmpi ne, %convert_element_type3A_182, %cond3A_183 : i32
        scf.if %cond3A_184 {
          "tpu.trace_start"() <{level = 10 : i32, message = "ep_wait_in"}> : () -> ()
          %mul3A_264 = arith.constant 128 : i32
          %mul3A_265 = arith.muli %mul3A_264, %add3A_131 : i32
          %rem3A_266 = arith.constant 2 : i32
          %rem3A_267 = arith.remui %scan3A_123, %rem3A_266 : i32
          %dma_wait3A_268 = arith.constant 0 : i32
          %dma_wait3A_269 = arith.constant 0 : i32
          %dma_wait3A_270 = tpu.memref_slice %run_scoped3A[%rem3A_267, %dma_wait3A_268, %dma_wait3A_269] : memref<2x1x128xi32, #tpu.memory_space<vmem>> -> memref<1x1x128xi32, #tpu.memory_space<vmem>>
          %dma_wait3A_271 = tpu.memref_squeeze %dma_wait3A_270 : memref<1x1x128xi32, #tpu.memory_space<vmem>> -> memref<1x128xi32, #tpu.memory_space<vmem>>
          %dma_wait3A_272 = arith.constant 0 : i32
          %dma_wait3A_273 = tpu.memref_slice %arg3[%dma_wait3A_272, %mul3A_265] : memref<1x32768xi32, #tpu.memory_space<hbm>> -> memref<1x128xi32, #tpu.memory_space<hbm>>
          %dma_wait3A_274 = tpu.memref_slice %run_scoped3A_7[%rem3A_267] : memref<2x!tpu.dma_semaphore, #tpu.memory_space<semaphore_mem>> -> memref<1x!tpu.dma_semaphore, #tpu.memory_space<semaphore_mem>>
          %dma_wait3A_275 = tpu.memref_squeeze %dma_wait3A_274 : memref<1x!tpu.dma_semaphore, #tpu.memory_space<semaphore_mem>> -> memref<!tpu.dma_semaphore, #tpu.memory_space<semaphore_mem>>
          %dma_wait3A_276 = arith.constant 0 : i32
          %dma_wait3A_277 = arith.constant 0 : i32
          %dma_wait3A_278 = tpu.memref_slice %run_scoped3A[%rem3A_267, %dma_wait3A_276, %dma_wait3A_277] : memref<2x1x128xi32, #tpu.memory_space<vmem>> -> memref<1x1x128xi32, #tpu.memory_space<vmem>>
          %dma_wait3A_279 = tpu.memref_squeeze %dma_wait3A_278 : memref<1x1x128xi32, #tpu.memory_space<vmem>> -> memref<1x128xi32, #tpu.memory_space<vmem>>
          %dma_wait3A_280 = arith.constant 0 : i32
          %dma_wait3A_281 = tpu.memref_slice %arg3[%dma_wait3A_280, %mul3A_265] : memref<1x32768xi32, #tpu.memory_space<hbm>> -> memref<1x128xi32, #tpu.memory_space<hbm>>
          tpu.wait_dma2 semaphore(%dma_wait3A_275 : memref<!tpu.dma_semaphore, #tpu.memory_space<semaphore_mem>>) src(%dma_wait3A_281 : memref<1x128xi32, #tpu.memory_space<hbm>>) dst(%dma_wait3A_279 : memref<1x128xi32, #tpu.memory_space<vmem>>)
          "tpu.trace_stop"() : () -> ()
        } else {
        }
        %ne3A_185 = arith.cmpi ne, %add3A_131, %add3A_140 : i32
        %or3A_186 = arith.constant false
        %or3A_187 = arith.ori %or3A_186, %ne3A_185 : i1
        %or3A_188 = arith.constant false
        %or3A_189 = arith.ori %or3A_187, %or3A_188 : i1
        %or3A_190 = arith.ori %or3A_189, %eq3A_128 : i1
        %convert_element_type3A_191 = arith.extui %or3A_190 : i1 to i32
        %cond3A_192 = arith.constant 0 : i32
        %cond3A_193 = arith.cmpi ne, %convert_element_type3A_191, %cond3A_192 : i32
        scf.if %cond3A_193 {
        } else {
        }
        %rem3A_194 = arith.constant 2 : i32
        %rem3A_195 = arith.remui %scan3A_123, %rem3A_194 : i32
        %rem3A_196 = arith.constant 2 : i32
        %rem3A_197 = arith.remui %scan3A_124, %rem3A_196 : i32
        %run_scoped3A_198 = arith.constant 0 : i32
        "tpu.trace_start"() <{level = 10 : i32, message = "ep_run_kernel"}> : () -> ()
        "tpu.region"() ({
          %run_scoped3A_264 = tpu.sem_alloc : memref<!tpu.dma_semaphore, #tpu.memory_space<semaphore_mem>>
          %dma_start3A_265 = arith.constant 0 : i32
          %dma_start3A_266 = arith.constant 0 : i32
          %dma_start3A_267 = tpu.memref_slice %run_scoped3A_8[%rem3A_197, %dma_start3A_265, %dma_start3A_266] : memref<2x128x256xf32, #tpu.memory_space<vmem>> -> memref<1x128x256xf32, #tpu.memory_space<vmem>>
          %dma_start3A_268 = tpu.memref_squeeze %dma_start3A_267 : memref<1x128x256xf32, #tpu.memory_space<vmem>> -> memref<128x256xf32, #tpu.memory_space<vmem>>
          %dma_start3A_269 = arith.constant 0 : i32
          %dma_start3A_270 = arith.constant 0 : i32
          %dma_start3A_271 = tpu.memref_slice %run_scoped3A[%rem3A_195, %dma_start3A_269, %dma_start3A_270] : memref<2x1x128xi32, #tpu.memory_space<vmem>> -> memref<1x1x128xi32, #tpu.memory_space<vmem>>
          %dma_start3A_272 = tpu.memref_squeeze %dma_start3A_271 : memref<1x1x128xi32, #tpu.memory_space<vmem>> -> memref<1x128xi32, #tpu.memory_space<vmem>>
          %dma_start3A_273 = arith.constant 0 : i32
          %dma_start3A_274 = tpu.memref_slice %dma_start3A_272[%run_scoped3A_198, %dma_start3A_273] : memref<1x128xi32, #tpu.memory_space<vmem>> -> memref<1x128xi32, #tpu.memory_space<vmem>>
          %dma_start3A_275 = tpu.memref_squeeze %dma_start3A_274 : memref<1x128xi32, #tpu.memory_space<vmem>> -> memref<128xi32, #tpu.memory_space<vmem>>
          %dma_start3A_276 = arith.constant 0 : i32
          %dma_start3A_277 = arith.constant 0 : i32
          %dma_start3A_278 = tpu.memref_slice %arg2[%dma_start3A_276, %dma_start3A_277] : memref<8192x256xf32, #tpu.memory_space<hbm>> -> memref<8192x256xf32, #tpu.memory_space<hbm>>
          tpu.enqueue_indirect_dma source(%dma_start3A_278 : memref<8192x256xf32, #tpu.memory_space<hbm>>) target(%dma_start3A_268 : memref<128x256xf32, #tpu.memory_space<vmem>>) offsets(%dma_start3A_275 : memref<128xi32, #tpu.memory_space<vmem>>) semaphore(%run_scoped3A_264 : memref<!tpu.dma_semaphore, #tpu.memory_space<semaphore_mem>>)
          %dma_wait3A_279 = arith.constant 0 : i32
          %dma_wait3A_280 = arith.constant 0 : i32
          %dma_wait3A_281 = tpu.memref_slice %run_scoped3A_8[%rem3A_197, %dma_wait3A_279, %dma_wait3A_280] : memref<2x128x256xf32, #tpu.memory_space<vmem>> -> memref<1x128x256xf32, #tpu.memory_space<vmem>>
          %dma_wait3A_282 = tpu.memref_squeeze %dma_wait3A_281 : memref<1x128x256xf32, #tpu.memory_space<vmem>> -> memref<128x256xf32, #tpu.memory_space<vmem>>
          %dma_wait3A_283 = arith.constant 0 : i32
          %dma_wait3A_284 = arith.constant 0 : i32
          %dma_wait3A_285 = tpu.memref_slice %run_scoped3A[%rem3A_195, %dma_wait3A_283, %dma_wait3A_284] : memref<2x1x128xi32, #tpu.memory_space<vmem>> -> memref<1x1x128xi32, #tpu.memory_space<vmem>>
          %dma_wait3A_286 = tpu.memref_squeeze %dma_wait3A_285 : memref<1x1x128xi32, #tpu.memory_space<vmem>> -> memref<1x128xi32, #tpu.memory_space<vmem>>
          %dma_wait3A_287 = arith.constant 0 : i32
          %dma_wait3A_288 = tpu.memref_slice %dma_wait3A_286[%run_scoped3A_198, %dma_wait3A_287] : memref<1x128xi32, #tpu.memory_space<vmem>> -> memref<1x128xi32, #tpu.memory_space<vmem>>
          %dma_wait3A_289 = tpu.memref_squeeze %dma_wait3A_288 : memref<1x128xi32, #tpu.memory_space<vmem>> -> memref<128xi32, #tpu.memory_space<vmem>>
          %dma_wait3A_290 = arith.constant 0 : i32
          %dma_wait3A_291 = arith.constant 0 : i32
          %dma_wait3A_292 = tpu.memref_slice %arg2[%dma_wait3A_290, %dma_wait3A_291] : memref<8192x256xf32, #tpu.memory_space<hbm>> -> memref<8192x256xf32, #tpu.memory_space<hbm>>
          tpu.wait_indirect_dma semaphore(%run_scoped3A_264 : memref<!tpu.dma_semaphore, #tpu.memory_space<semaphore_mem>>) src(%dma_wait3A_292 : memref<8192x256xf32, #tpu.memory_space<hbm>>) dst(%dma_wait3A_282 : memref<128x256xf32, #tpu.memory_space<vmem>>)
          tpu.yield
        }) : () -> ()
        "tpu.trace_stop"() : () -> ()
        %ne3A_199 = arith.cmpi ne, %add3A_131, %add3A_149 : i32
        %or3A_200 = arith.constant false
        %or3A_201 = arith.ori %or3A_200, %ne3A_199 : i1
        %or3A_202 = arith.ori %or3A_201, %eq3A_130 : i1
        %convert_element_type3A_203 = arith.extui %or3A_202 : i1 to i32
        %cond3A_204 = arith.constant 0 : i32
        %cond3A_205 = arith.cmpi ne, %convert_element_type3A_203, %cond3A_204 : i32
        scf.if %cond3A_205 {
        } else {
        }
        %and3A_206 = arith.constant false
        %and3A_207 = arith.andi %or3A_202, %and3A_206 : i1
        %ne3A_208 = arith.cmpi ne, %add3A_131, %add3A_149 : i32
        %or3A_209 = arith.constant false
        %or3A_210 = arith.ori %or3A_209, %ne3A_208 : i1
        %or3A_211 = arith.constant false
        %or3A_212 = arith.ori %or3A_210, %or3A_211 : i1
        %or3A_213 = arith.ori %or3A_212, %eq3A_130 : i1
        %convert_element_type3A_214 = arith.extui %or3A_213 : i1 to i32
        %cond3A_215 = arith.constant 0 : i32
        %cond3A_216 = arith.cmpi ne, %convert_element_type3A_214, %cond3A_215 : i32
        scf.if %cond3A_216 {
          "tpu.trace_start"() <{level = 10 : i32, message = "ep_copy_out"}> : () -> ()
          %rem3A_264 = arith.constant 2 : i32
          %rem3A_265 = arith.remui %scan3A_124, %rem3A_264 : i32
          %mul3A_266 = arith.constant 128 : i32
          %mul3A_267 = arith.muli %mul3A_266, %add3A_131 : i32
          %dma_start3A_268 = arith.constant 0 : i32
          %dma_start3A_269 = arith.constant 0 : i32
          %dma_start3A_270 = tpu.memref_slice %run_scoped3A_8[%rem3A_265, %dma_start3A_268, %dma_start3A_269] : memref<2x128x256xf32, #tpu.memory_space<vmem>> -> memref<1x128x256xf32, #tpu.memory_space<vmem>>
          %dma_start3A_271 = tpu.memref_squeeze %dma_start3A_270 : memref<1x128x256xf32, #tpu.memory_space<vmem>> -> memref<128x256xf32, #tpu.memory_space<vmem>>
          %dma_start3A_272 = arith.constant 0 : i32
          %dma_start3A_273 = tpu.memref_slice %arg4[%mul3A_267, %dma_start3A_272] : memref<32768x256xf32, #tpu.memory_space<hbm>> -> memref<128x256xf32, #tpu.memory_space<hbm>>
          %dma_start3A_274 = tpu.memref_slice %run_scoped3A_9[%rem3A_265] : memref<2x!tpu.dma_semaphore, #tpu.memory_space<semaphore_mem>> -> memref<1x!tpu.dma_semaphore, #tpu.memory_space<semaphore_mem>>
          %dma_start3A_275 = tpu.memref_squeeze %dma_start3A_274 : memref<1x!tpu.dma_semaphore, #tpu.memory_space<semaphore_mem>> -> memref<!tpu.dma_semaphore, #tpu.memory_space<semaphore_mem>>
          %dma_start3A_276 = arith.constant 0 : i32
          %dma_start3A_277 = tpu.memref_slice %arg4[%mul3A_267, %dma_start3A_276] : memref<32768x256xf32, #tpu.memory_space<hbm>> -> memref<128x256xf32, #tpu.memory_space<hbm>>
          %dma_start3A_278 = arith.constant 0 : i32
          %dma_start3A_279 = arith.constant 0 : i32
          %dma_start3A_280 = tpu.memref_slice %run_scoped3A_8[%rem3A_265, %dma_start3A_278, %dma_start3A_279] : memref<2x128x256xf32, #tpu.memory_space<vmem>> -> memref<1x128x256xf32, #tpu.memory_space<vmem>>
          %dma_start3A_281 = tpu.memref_squeeze %dma_start3A_280 : memref<1x128x256xf32, #tpu.memory_space<vmem>> -> memref<128x256xf32, #tpu.memory_space<vmem>>
          tpu.enqueue_dma source(%dma_start3A_281 : memref<128x256xf32, #tpu.memory_space<vmem>>) target(%dma_start3A_277 : memref<128x256xf32, #tpu.memory_space<hbm>>) target_semaphore(%dma_start3A_275 : memref<!tpu.dma_semaphore, #tpu.memory_space<semaphore_mem>>)
          "tpu.trace_stop"() : () -> ()
        } else {
        }
        %and3A_217 = arith.constant true
        %and3A_218 = arith.andi %or3A_213, %and3A_217 : i1
        %add3A_219 = arith.constant 1 : i32
        %add3A_220 = arith.addi %scan3A_124, %add3A_219 : i32
        %select_n3A_221 = arith.select %and3A_218, %add3A_220, %scan3A_124 : i32
        %ne3A_222 = arith.cmpi ne, %add3A_131, %add3A_140 : i32
        %or3A_223 = arith.constant false
        %or3A_224 = arith.ori %or3A_223, %ne3A_222 : i1
        %not3A_225 = arith.constant true
        %not3A_226 = arith.xori %eq3A_128, %not3A_225 : i1
        %and3A_227 = arith.andi %or3A_224, %not3A_226 : i1
        %convert_element_type3A_228 = arith.extui %and3A_227 : i1 to i32
        %cond3A_229 = arith.constant 0 : i32
        %cond3A_230 = arith.cmpi ne, %convert_element_type3A_228, %cond3A_229 : i32
        scf.if %cond3A_230 {
        } else {
        }
        %and3A_231 = arith.constant false
        %and3A_232 = arith.andi %and3A_227, %and3A_231 : i1
        %ne3A_233 = arith.cmpi ne, %add3A_131, %add3A_140 : i32
        %or3A_234 = arith.constant false
        %or3A_235 = arith.ori %or3A_234, %ne3A_233 : i1
        %or3A_236 = arith.constant false
        %or3A_237 = arith.ori %or3A_235, %or3A_236 : i1
        %not3A_238 = arith.constant true
        %not3A_239 = arith.xori %eq3A_128, %not3A_238 : i1
        %and3A_240 = arith.andi %or3A_237, %not3A_239 : i1
        %convert_element_type3A_241 = arith.extui %and3A_240 : i1 to i32
        %cond3A_242 = arith.constant 0 : i32
        %cond3A_243 = arith.cmpi ne, %convert_element_type3A_241, %cond3A_242 : i32
        scf.if %cond3A_243 {
          "tpu.trace_start"() <{level = 10 : i32, message = "ep_wait_out"}> : () -> ()
          %rem3A_264 = arith.constant 2 : i32
          %rem3A_265 = arith.remui %scan3A_125, %rem3A_264 : i32
          %mul3A_266 = arith.constant 128 : i32
          %mul3A_267 = arith.muli %mul3A_266, %add3A_140 : i32
          %dma_wait3A_268 = arith.constant 0 : i32
          %dma_wait3A_269 = arith.constant 0 : i32
          %dma_wait3A_270 = tpu.memref_slice %run_scoped3A_8[%rem3A_265, %dma_wait3A_268, %dma_wait3A_269] : memref<2x128x256xf32, #tpu.memory_space<vmem>> -> memref<1x128x256xf32, #tpu.memory_space<vmem>>
          %dma_wait3A_271 = tpu.memref_squeeze %dma_wait3A_270 : memref<1x128x256xf32, #tpu.memory_space<vmem>> -> memref<128x256xf32, #tpu.memory_space<vmem>>
          %dma_wait3A_272 = arith.constant 0 : i32
          %dma_wait3A_273 = tpu.memref_slice %arg4[%mul3A_267, %dma_wait3A_272] : memref<32768x256xf32, #tpu.memory_space<hbm>> -> memref<128x256xf32, #tpu.memory_space<hbm>>
          %dma_wait3A_274 = tpu.memref_slice %run_scoped3A_9[%rem3A_265] : memref<2x!tpu.dma_semaphore, #tpu.memory_space<semaphore_mem>> -> memref<1x!tpu.dma_semaphore, #tpu.memory_space<semaphore_mem>>
          %dma_wait3A_275 = tpu.memref_squeeze %dma_wait3A_274 : memref<1x!tpu.dma_semaphore, #tpu.memory_space<semaphore_mem>> -> memref<!tpu.dma_semaphore, #tpu.memory_space<semaphore_mem>>
          %dma_wait3A_276 = arith.constant 0 : i32
          %dma_wait3A_277 = tpu.memref_slice %arg4[%mul3A_267, %dma_wait3A_276] : memref<32768x256xf32, #tpu.memory_space<hbm>> -> memref<128x256xf32, #tpu.memory_space<hbm>>
          %dma_wait3A_278 = arith.constant 0 : i32
          %dma_wait3A_279 = arith.constant 0 : i32
          %dma_wait3A_280 = tpu.memref_slice %run_scoped3A_8[%rem3A_265, %dma_wait3A_278, %dma_wait3A_279] : memref<2x128x256xf32, #tpu.memory_space<vmem>> -> memref<1x128x256xf32, #tpu.memory_space<vmem>>
          %dma_wait3A_281 = tpu.memref_squeeze %dma_wait3A_280 : memref<1x128x256xf32, #tpu.memory_space<vmem>> -> memref<128x256xf32, #tpu.memory_space<vmem>>
          tpu.wait_dma2 semaphore(%dma_wait3A_275 : memref<!tpu.dma_semaphore, #tpu.memory_space<semaphore_mem>>) src(%dma_wait3A_281 : memref<128x256xf32, #tpu.memory_space<vmem>>) dst(%dma_wait3A_277 : memref<128x256xf32, #tpu.memory_space<hbm>>)
          "tpu.trace_stop"() : () -> ()
        } else {
        }
        %and3A_244 = arith.constant true
        %and3A_245 = arith.andi %and3A_240, %and3A_244 : i1
        %add3A_246 = arith.constant 1 : i32
        %add3A_247 = arith.addi %scan3A_125, %add3A_246 : i32
        %select_n3A_248 = arith.select %and3A_245, %add3A_247, %scan3A_125 : i32
        %ne3A_249 = arith.cmpi ne, %add3A_131, %add3A_149 : i32
        %or3A_250 = arith.constant false
        %or3A_251 = arith.ori %or3A_250, %ne3A_249 : i1
        %or3A_252 = arith.ori %or3A_251, %eq3A_130 : i1
        %add3A_253 = arith.constant 1 : i32
        %add3A_254 = arith.addi %scan3A_123, %add3A_253 : i32
        %select_n3A_255 = arith.select %or3A_252, %add3A_254, %scan3A_123 : i32
        %add3A_256 = arith.constant 1 : i32
        %add3A_257 = arith.addi %scan3A_126, %add3A_256 : i32
        %select_n3A_258 = arith.constant true
        %select_n3A_259 = arith.select %select_n3A_258, %add3A_257, %scan3A_126 : i32
        %eq3A_260 = arith.constant 8 : i32
        %eq3A_261 = arith.cmpi eq, %select_n3A_259, %eq3A_260 : i32
        %select_n3A_262 = arith.constant 0 : i32
        %select_n3A_263 = arith.select %eq3A_261, %select_n3A_262, %select_n3A_259 : i32
        scf.yield %select_n3A_167, %select_n3A_255, %select_n3A_221, %select_n3A_248, %select_n3A_263 : i32, i32, i32, i32, i32
      }
      %scan3A_68 = arith.constant 8 : i32
      %sub3A = arith.constant 1 : i32
      %sub3A_69 = arith.subi %scan3A_67#4, %sub3A : i32
      %select_n3A_70 = arith.constant true
      %select_n3A_71 = arith.select %select_n3A_70, %sub3A_69, %scan3A_67#4 : i32
      %eq3A_72 = arith.constant -1 : i32
      %eq3A_73 = arith.cmpi eq, %select_n3A_71, %eq3A_72 : i32
      %select_n3A_74 = arith.constant 7 : i32
      %select_n3A_75 = arith.select %eq3A_73, %select_n3A_74, %select_n3A_71 : i32
      %add3A_76 = arith.addi %select_n3A_75, %mul3A_6 : i32
      %sub3A_77 = arith.constant 1 : i32
      %sub3A_78 = arith.subi %select_n3A_75, %sub3A_77 : i32
      %select_n3A_79 = arith.constant true
      %select_n3A_80 = arith.select %select_n3A_79, %sub3A_78, %select_n3A_75 : i32
      %eq3A_81 = arith.constant -1 : i32
      %eq3A_82 = arith.cmpi eq, %select_n3A_80, %eq3A_81 : i32
      %select_n3A_83 = arith.constant 7 : i32
      %select_n3A_84 = arith.select %eq3A_82, %select_n3A_83, %select_n3A_80 : i32
      %add3A_85 = arith.addi %select_n3A_84, %mul3A_6 : i32
      %add3A_86 = arith.constant 1 : i32
      %add3A_87 = arith.addi %select_n3A_75, %add3A_86 : i32
      %select_n3A_88 = arith.constant true
      %select_n3A_89 = arith.select %select_n3A_88, %add3A_87, %select_n3A_75 : i32
      %eq3A_90 = arith.constant 8 : i32
      %eq3A_91 = arith.cmpi eq, %select_n3A_89, %eq3A_90 : i32
      %select_n3A_92 = arith.constant 0 : i32
      %select_n3A_93 = arith.select %eq3A_91, %select_n3A_92, %select_n3A_89 : i32
      %add3A_94 = arith.addi %select_n3A_93, %mul3A_6 : i32
      %add3A_95 = arith.constant 1 : i32
      %add3A_96 = arith.addi %select_n3A_93, %add3A_95 : i32
      %select_n3A_97 = arith.constant true
      %select_n3A_98 = arith.select %select_n3A_97, %add3A_96, %select_n3A_93 : i32
      %eq3A_99 = arith.constant 8 : i32
      %eq3A_100 = arith.cmpi eq, %select_n3A_98, %eq3A_99 : i32
      %select_n3A_101 = arith.constant 0 : i32
      %select_n3A_102 = arith.select %eq3A_100, %select_n3A_101, %select_n3A_98 : i32
      %add3A_103 = arith.addi %select_n3A_102, %mul3A_6 : i32
      "tpu.trace_start"() <{level = 10 : i32, message = "ep_finalize"}> : () -> ()
      %rem3A_104 = arith.constant 2 : i32
      %rem3A_105 = arith.remui %scan3A_67#3, %rem3A_104 : i32
      %mul3A_106 = arith.constant 128 : i32
      %mul3A_107 = arith.muli %mul3A_106, %add3A_76 : i32
      %dma_wait3A = arith.constant 0 : i32
      %dma_wait3A_108 = arith.constant 0 : i32
      %dma_wait3A_109 = tpu.memref_slice %run_scoped3A_8[%rem3A_105, %dma_wait3A, %dma_wait3A_108] : memref<2x128x256xf32, #tpu.memory_space<vmem>> -> memref<1x128x256xf32, #tpu.memory_space<vmem>>
      %dma_wait3A_110 = tpu.memref_squeeze %dma_wait3A_109 : memref<1x128x256xf32, #tpu.memory_space<vmem>> -> memref<128x256xf32, #tpu.memory_space<vmem>>
      %dma_wait3A_111 = arith.constant 0 : i32
      %dma_wait3A_112 = tpu.memref_slice %arg4[%mul3A_107, %dma_wait3A_111] : memref<32768x256xf32, #tpu.memory_space<hbm>> -> memref<128x256xf32, #tpu.memory_space<hbm>>
      %dma_wait3A_113 = tpu.memref_slice %run_scoped3A_9[%rem3A_105] : memref<2x!tpu.dma_semaphore, #tpu.memory_space<semaphore_mem>> -> memref<1x!tpu.dma_semaphore, #tpu.memory_space<semaphore_mem>>
      %dma_wait3A_114 = tpu.memref_squeeze %dma_wait3A_113 : memref<1x!tpu.dma_semaphore, #tpu.memory_space<semaphore_mem>> -> memref<!tpu.dma_semaphore, #tpu.memory_space<semaphore_mem>>
      %dma_wait3A_115 = arith.constant 0 : i32
      %dma_wait3A_116 = tpu.memref_slice %arg4[%mul3A_107, %dma_wait3A_115] : memref<32768x256xf32, #tpu.memory_space<hbm>> -> memref<128x256xf32, #tpu.memory_space<hbm>>
      %dma_wait3A_117 = arith.constant 0 : i32
      %dma_wait3A_118 = arith.constant 0 : i32
      %dma_wait3A_119 = tpu.memref_slice %run_scoped3A_8[%rem3A_105, %dma_wait3A_117, %dma_wait3A_118] : memref<2x128x256xf32, #tpu.memory_space<vmem>> -> memref<1x128x256xf32, #tpu.memory_space<vmem>>
      %dma_wait3A_120 = tpu.memref_squeeze %dma_wait3A_119 : memref<1x128x256xf32, #tpu.memory_space<vmem>> -> memref<128x256xf32, #tpu.memory_space<vmem>>
      tpu.wait_dma2 semaphore(%dma_wait3A_114 : memref<!tpu.dma_semaphore, #tpu.memory_space<semaphore_mem>>) src(%dma_wait3A_120 : memref<128x256xf32, #tpu.memory_space<vmem>>) dst(%dma_wait3A_116 : memref<128x256xf32, #tpu.memory_space<hbm>>)
      "tpu.trace_stop"() : () -> ()
      tpu.yield
    }) : () -> ()
    return
  }
}

module attributes {stable_mosaic.version = 14 : i64} {
  func.func @_prep_body(%arg0: i32, %arg1: memref<1x4096x128xf32, #tpu.memory_space<vmem>>, %arg2: memref<128x128xf32, #tpu.memory_space<vmem>>, %arg3: memref<1x128xf32, #tpu.memory_space<vmem>>, %arg4: memref<128x128xf32, #tpu.memory_space<vmem>>, %arg5: memref<1x1x4096xf32, #tpu.memory_space<vmem>>, %arg6: memref<1x4096x128xf32, #tpu.memory_space<vmem>>, %arg7: memref<4096x128xf32, #tpu.memory_space<vmem>>) attributes {dimension_semantics = [#tpu.dimension_semantics<parallel>], iteration_bounds = array<i64: 2>, scalar_prefetch = 0 : i64, scratch_operands = 0 : i64, tpu.core_type = #tpu.core_type<tc>, window_params = [{transform_indices = @transform_0, window_bounds = array<i64: 1, 4096, 128>}, {pipeline_mode = #tpu.pipeline_mode<synchronous>, transform_indices = @transform_1, window_bounds = array<i64: 128, 128>}, {pipeline_mode = #tpu.pipeline_mode<synchronous>, transform_indices = @transform_2, window_bounds = array<i64: 1, 128>}, {pipeline_mode = #tpu.pipeline_mode<synchronous>, transform_indices = @transform_3, window_bounds = array<i64: 128, 128>}, {transform_indices = @transform_4, window_bounds = array<i64: 1, 1, 4096>}, {transform_indices = @transform_5, window_bounds = array<i64: 1, 4096, 128>}, {transform_indices = @transform_6, window_bounds = array<i64: 4096, 128>}]} {
    %get3A = arith.constant 0 : index
    %get3A_0 = arith.constant 0 : index
    %get3A_1 = arith.constant 0 : index
    %get3A_2 = vector.load %arg1[%get3A, %get3A_0, %get3A_1] : memref<1x4096x128xf32, #tpu.memory_space<vmem>>, vector<1x4096x128xf32>
    %get3A_3 = vector.shape_cast %get3A_2 : vector<1x4096x128xf32> to vector<4096x128xf32>
    %broadcast_in_dim3A = arith.constant 1.000000e+00 : f32
    %broadcast_in_dim3A_4 = vector.broadcast %broadcast_in_dim3A : f32 to vector<8x128xf32>
    %mul3A = arith.mulf %get3A_3, %get3A_3 : vector<4096x128xf32>
    %dot_general3A = arith.constant dense<0.000000e+00> : vector<8x4096xf32>
    %dot_general3A_5 = tpu.matmul %broadcast_in_dim3A_4, %mul3A, %dot_general3A {dimension_numbers = #tpu.dot_dimension_numbers<[1], [1], [0], [0], [0, 0, 1, 0], [], []>, precision = #tpu.contract_precision<fp32>, transpose_lhs_hint = false} : vector<8x128xf32>, vector<4096x128xf32>, vector<8x4096xf32> -> vector<8x4096xf32>
    %slice3A = vector.extract_strided_slice %dot_general3A_5 {offsets = [0, 0], sizes = [1, 4096], strides = [1, 1]} : vector<8x4096xf32> to vector<1x4096xf32>
    %swap3A = arith.constant 0 : index
    %swap3A_6 = arith.constant 0 : index
    %swap3A_7 = arith.constant 0 : index
    %swap3A_8 = vector.load %arg5[%swap3A, %swap3A_6, %swap3A_7] : memref<1x1x4096xf32, #tpu.memory_space<vmem>>, vector<1x1x4096xf32>
    %swap3A_9 = vector.shape_cast %swap3A_8 : vector<1x1x4096xf32> to vector<1x4096xf32>
    %swap3A_10 = vector.shape_cast %slice3A : vector<1x4096xf32> to vector<1x1x4096xf32>
    tpu.vector_store %arg5[%swap3A, %swap3A_6, %swap3A_7], %swap3A_10 {strides = array<i32>} : memref<1x1x4096xf32, #tpu.memory_space<vmem>>, vector<1x1x4096xf32>,
    %get3A_11 = arith.constant 0 : index
    %get3A_12 = arith.constant 0 : index
    %get3A_13 = vector.load %arg2[%get3A_11, %get3A_12] : memref<128x128xf32, #tpu.memory_space<vmem>>, vector<128x128xf32>
    %dot_general3A_14 = arith.constant dense<0.000000e+00> : vector<4096x128xf32>
    %dot_general3A_15 = tpu.matmul %get3A_3, %get3A_13, %dot_general3A_14 {dimension_numbers = #tpu.dot_dimension_numbers<[1], [0], [0], [1], [0, 0, 1, 1], [], []>, transpose_lhs_hint = false} : vector<4096x128xf32>, vector<128x128xf32>, vector<4096x128xf32> -> vector<4096x128xf32>
    %get3A_16 = arith.constant 0 : index
    %get3A_17 = arith.constant 0 : index
    %get3A_18 = vector.load %arg3[%get3A_16, %get3A_17] : memref<1x128xf32, #tpu.memory_space<vmem>>, vector<1x128xf32>
    %add3A = vector.broadcast %get3A_18 : vector<1x128xf32> to vector<4096x128xf32>
    %add3A_19 = arith.addf %dot_general3A_15, %add3A : vector<4096x128xf32>
    %swap3A_20 = arith.constant 0 : index
    %swap3A_21 = arith.constant 0 : index
    %swap3A_22 = arith.constant 0 : index
    %swap3A_23 = vector.load %arg6[%swap3A_20, %swap3A_21, %swap3A_22] : memref<1x4096x128xf32, #tpu.memory_space<vmem>>, vector<1x4096x128xf32>
    %swap3A_24 = vector.shape_cast %swap3A_23 : vector<1x4096x128xf32> to vector<4096x128xf32>
    %swap3A_25 = vector.shape_cast %add3A_19 : vector<4096x128xf32> to vector<1x4096x128xf32>
    tpu.vector_store %arg6[%swap3A_20, %swap3A_21, %swap3A_22], %swap3A_25 {strides = array<i32>} : memref<1x4096x128xf32, #tpu.memory_space<vmem>>, vector<1x4096x128xf32>,
    %get3A_26 = arith.constant 0 : index
    %get3A_27 = arith.constant 0 : index
    %get3A_28 = vector.load %arg4[%get3A_26, %get3A_27] : memref<128x128xf32, #tpu.memory_space<vmem>>, vector<128x128xf32>
    %dot_general3A_29 = arith.constant dense<0.000000e+00> : vector<4096x128xf32>
    %dot_general3A_30 = tpu.matmul %get3A_3, %get3A_28, %dot_general3A_29 {dimension_numbers = #tpu.dot_dimension_numbers<[1], [0], [0], [1], [0, 0, 1, 1], [], []>, transpose_lhs_hint = false} : vector<4096x128xf32>, vector<128x128xf32>, vector<4096x128xf32> -> vector<4096x128xf32>
    %swap3A_31 = arith.constant 0 : index
    %swap3A_32 = arith.constant 0 : index
    %swap3A_33 = vector.load %arg7[%swap3A_31, %swap3A_32] : memref<4096x128xf32, #tpu.memory_space<vmem>>, vector<4096x128xf32>
    tpu.vector_store %arg7[%swap3A_31, %swap3A_32], %dot_general3A_30 {strides = array<i32>} : memref<4096x128xf32, #tpu.memory_space<vmem>>, vector<4096x128xf32>,
    return
  }
  func.func @transform_0(%arg0: i32) -> (i32, i32, i32) {
    %c0_i32 = arith.constant 0 : i32
    %c0_i32_0 = arith.constant 0 : i32
    %c0_i32_1 = arith.constant 0 : i32
    return %arg0, %c0_i32, %c0_i32_0 : i32, i32, i32
  }
  func.func @transform_1(%arg0: i32) -> (i32, i32) {
    %c0_i32 = arith.constant 0 : i32
    %c0_i32_0 = arith.constant 0 : i32
    %c0_i32_1 = arith.constant 0 : i32
    return %c0_i32, %c0_i32_0 : i32, i32
  }
  func.func @transform_2(%arg0: i32) -> (i32, i32) {
    %c0_i32 = arith.constant 0 : i32
    %c0_i32_0 = arith.constant 0 : i32
    %c0_i32_1 = arith.constant 0 : i32
    return %c0_i32, %c0_i32_0 : i32, i32
  }
  func.func @transform_3(%arg0: i32) -> (i32, i32) {
    %c0_i32 = arith.constant 0 : i32
    %c0_i32_0 = arith.constant 0 : i32
    %c0_i32_1 = arith.constant 0 : i32
    return %c0_i32, %c0_i32_0 : i32, i32
  }
  func.func @transform_4(%arg0: i32) -> (i32, i32, i32) {
    %c0_i32 = arith.constant 0 : i32
    %c0_i32_0 = arith.constant 0 : i32
    %c0_i32_1 = arith.constant 0 : i32
    return %arg0, %c0_i32, %c0_i32_0 : i32, i32, i32
  }
  func.func @transform_5(%arg0: i32) -> (i32, i32, i32) {
    %c0_i32 = arith.constant 0 : i32
    %c0_i32_0 = arith.constant 0 : i32
    %c0_i32_1 = arith.constant 0 : i32
    return %arg0, %c0_i32, %c0_i32_0 : i32, i32, i32
  }
  func.func @transform_6(%arg0: i32) -> (i32, i32) {
    %c0_i32 = arith.constant 0 : i32
    %c0_i32_0 = arith.constant 0 : i32
    return %arg0, %c0_i32 : i32, i32
  }
}

module attributes {stable_mosaic.version = 14 : i64} {
  func.func @_dist_topk_body(%arg0: i32, %arg1: i32, %arg2: memref<1x256x128xf32, #tpu.memory_space<vmem>>, %arg3: memref<1x4096x128xf32, #tpu.memory_space<vmem>>, %arg4: memref<1x1x4096xf32, #tpu.memory_space<vmem>>, %arg5: memref<256x24xi32, #tpu.memory_space<vmem>>) attributes {dimension_semantics = [#tpu.dimension_semantics<parallel>, #tpu.dimension_semantics<parallel>], iteration_bounds = array<i64: 2, 16>, scalar_prefetch = 0 : i64, scratch_operands = 0 : i64, tpu.core_type = #tpu.core_type<tc>, window_params = [{transform_indices = @transform_0, window_bounds = array<i64: 1, 256, 128>}, {transform_indices = @transform_1, window_bounds = array<i64: 1, 4096, 128>}, {transform_indices = @transform_2, window_bounds = array<i64: 1, 1, 4096>}, {transform_indices = @transform_3, window_bounds = array<i64: 256, 24>}]} {
    %get3A = arith.constant 0 : index
    %get3A_0 = arith.constant 0 : index
    %get3A_1 = arith.constant 0 : index
    %get3A_2 = vector.load %arg2[%get3A, %get3A_0, %get3A_1] : memref<1x256x128xf32, #tpu.memory_space<vmem>>, vector<1x256x128xf32>
    %get3A_3 = vector.shape_cast %get3A_2 : vector<1x256x128xf32> to vector<256x128xf32>
    %get3A_4 = arith.constant 0 : index
    %get3A_5 = arith.constant 0 : index
    %get3A_6 = arith.constant 0 : index
    %get3A_7 = vector.load %arg3[%get3A_4, %get3A_5, %get3A_6] : memref<1x4096x128xf32, #tpu.memory_space<vmem>>, vector<1x4096x128xf32>
    %get3A_8 = vector.shape_cast %get3A_7 : vector<1x4096x128xf32> to vector<4096x128xf32>
    %dot_general3A = arith.constant dense<0.000000e+00> : vector<256x4096xf32>
    %dot_general3A_9 = tpu.matmul %get3A_3, %get3A_8, %dot_general3A {dimension_numbers = #tpu.dot_dimension_numbers<[1], [1], [0], [0], [0, 0, 1, 0], [], []>, transpose_lhs_hint = false} : vector<256x128xf32>, vector<4096x128xf32>, vector<256x4096xf32> -> vector<256x4096xf32>
    %mul3A = arith.constant 2.000000e+00 : f32
    %mul3A_10 = vector.broadcast %mul3A : f32 to vector<256x4096xf32>
    %mul3A_11 = arith.mulf %mul3A_10, %dot_general3A_9 : vector<256x4096xf32>
    %get3A_12 = arith.constant 0 : index
    %get3A_13 = arith.constant 0 : index
    %get3A_14 = arith.constant 0 : index
    %get3A_15 = vector.load %arg4[%get3A_12, %get3A_13, %get3A_14] : memref<1x1x4096xf32, #tpu.memory_space<vmem>>, vector<1x1x4096xf32>
    %get3A_16 = vector.shape_cast %get3A_15 : vector<1x1x4096xf32> to vector<1x4096xf32>
    %sub3A = vector.broadcast %get3A_16 : vector<1x4096xf32> to vector<256x4096xf32>
    %sub3A_17 = arith.subf %mul3A_11, %sub3A : vector<256x4096xf32>
    %iota3A = tpu.iota {dimensions = array<i32: 1>} : vector<256x4096xi32>
    %iota3A_18 = tpu.iota {dimensions = array<i32: 1>} : vector<256x24xi32>
    %broadcast_in_dim3A = arith.constant 0 : i32
    %broadcast_in_dim3A_19 = vector.broadcast %broadcast_in_dim3A : i32 to vector<256x24xi32>
    %reduce_max3A = arith.constant dense<0xFF800000> : vector<256xf32>
    %reduce_max3A_20 = vector.multi_reduction <maximumf>, %sub3A_17, %reduce_max3A [1] : vector<256x4096xf32> to vector<256xf32>
    %broadcast_in_dim3A_21 = vector.shape_cast %reduce_max3A_20 : vector<256xf32> to vector<256x1xf32>
    %eq3A = vector.broadcast %broadcast_in_dim3A_21 : vector<256x1xf32> to vector<256x4096xf32>
    %eq3A_22 = arith.cmpf oeq, %sub3A_17, %eq3A : vector<256x4096xf32>
    %jit3A = arith.constant 4096 : i32
    %broadcast_in_dim3A_23 = vector.broadcast %jit3A : i32 to vector<256x4096xi32>
    %select_n3A = arith.select %eq3A_22, %iota3A, %broadcast_in_dim3A_23 : vector<256x4096xi1>, vector<256x4096xi32>
    %reduce_min3A = arith.constant dense<2147483647> : vector<256xi32>
    %reduce_min3A_24 = vector.multi_reduction <minsi>, %select_n3A, %reduce_min3A [1] : vector<256x4096xi32> to vector<256xi32>
    %broadcast_in_dim3A_25 = vector.shape_cast %reduce_min3A_24 : vector<256xi32> to vector<256x1xi32>
    %eq3A_26 = arith.constant 0 : i32
    %eq3A_27 = vector.broadcast %eq3A_26 : i32 to vector<256x24xi32>
    %eq3A_28 = arith.cmpi eq, %iota3A_18, %eq3A_27 : vector<256x24xi32>
    %broadcast_in_dim3A_29 = vector.shape_cast %broadcast_in_dim3A_25 : vector<256x1xi32> to vector<256x1xi32>
    %broadcast_in_dim3A_30 = vector.broadcast %broadcast_in_dim3A_29 : vector<256x1xi32> to vector<256x24xi32>
    %select_n3A_31 = arith.select %eq3A_28, %broadcast_in_dim3A_30, %broadcast_in_dim3A_19 : vector<256x24xi1>, vector<256x24xi32>
    %eq3A_32 = vector.broadcast %broadcast_in_dim3A_25 : vector<256x1xi32> to vector<256x4096xi32>
    %eq3A_33 = arith.cmpi eq, %iota3A, %eq3A_32 : vector<256x4096xi32>
    %jit3A_34 = arith.constant -3.000000e+38 : f32
    %broadcast_in_dim3A_35 = vector.broadcast %jit3A_34 : f32 to vector<256x4096xf32>
    %select_n3A_36 = arith.select %eq3A_33, %broadcast_in_dim3A_35, %sub3A_17 : vector<256x4096xi1>, vector<256x4096xf32>
    %reduce_max3A_37 = arith.constant dense<0xFF800000> : vector<256xf32>
    %reduce_max3A_38 = vector.multi_reduction <maximumf>, %select_n3A_36, %reduce_max3A_37 [1] : vector<256x4096xf32> to vector<256xf32>
    %broadcast_in_dim3A_39 = vector.shape_cast %reduce_max3A_38 : vector<256xf32> to vector<256x1xf32>
    %eq3A_40 = vector.broadcast %broadcast_in_dim3A_39 : vector<256x1xf32> to vector<256x4096xf32>
    %eq3A_41 = arith.cmpf oeq, %select_n3A_36, %eq3A_40 : vector<256x4096xf32>
    %jit3A_42 = arith.constant 4096 : i32
    %broadcast_in_dim3A_43 = vector.broadcast %jit3A_42 : i32 to vector<256x4096xi32>
    %select_n3A_44 = arith.select %eq3A_41, %iota3A, %broadcast_in_dim3A_43 : vector<256x4096xi1>, vector<256x4096xi32>
    %reduce_min3A_45 = arith.constant dense<2147483647> : vector<256xi32>
    %reduce_min3A_46 = vector.multi_reduction <minsi>, %select_n3A_44, %reduce_min3A_45 [1] : vector<256x4096xi32> to vector<256xi32>
    %broadcast_in_dim3A_47 = vector.shape_cast %reduce_min3A_46 : vector<256xi32> to vector<256x1xi32>
    %eq3A_48 = arith.constant 1 : i32
    %eq3A_49 = vector.broadcast %eq3A_48 : i32 to vector<256x24xi32>
    %eq3A_50 = arith.cmpi eq, %iota3A_18, %eq3A_49 : vector<256x24xi32>
    %broadcast_in_dim3A_51 = vector.shape_cast %broadcast_in_dim3A_47 : vector<256x1xi32> to vector<256x1xi32>
    %broadcast_in_dim3A_52 = vector.broadcast %broadcast_in_dim3A_51 : vector<256x1xi32> to vector<256x24xi32>
    %select_n3A_53 = arith.select %eq3A_50, %broadcast_in_dim3A_52, %select_n3A_31 : vector<256x24xi1>, vector<256x24xi32>
    %eq3A_54 = vector.broadcast %broadcast_in_dim3A_47 : vector<256x1xi32> to vector<256x4096xi32>
    %eq3A_55 = arith.cmpi eq, %iota3A, %eq3A_54 : vector<256x4096xi32>
    %jit3A_56 = arith.constant -3.000000e+38 : f32
    %broadcast_in_dim3A_57 = vector.broadcast %jit3A_56 : f32 to vector<256x4096xf32>
    %select_n3A_58 = arith.select %eq3A_55, %broadcast_in_dim3A_57, %select_n3A_36 : vector<256x4096xi1>, vector<256x4096xf32>
    %reduce_max3A_59 = arith.constant dense<0xFF800000> : vector<256xf32>
    %reduce_max3A_60 = vector.multi_reduction <maximumf>, %select_n3A_58, %reduce_max3A_59 [1] : vector<256x4096xf32> to vector<256xf32>
    %broadcast_in_dim3A_61 = vector.shape_cast %reduce_max3A_60 : vector<256xf32> to vector<256x1xf32>
    %eq3A_62 = vector.broadcast %broadcast_in_dim3A_61 : vector<256x1xf32> to vector<256x4096xf32>
    %eq3A_63 = arith.cmpf oeq, %select_n3A_58, %eq3A_62 : vector<256x4096xf32>
    %jit3A_64 = arith.constant 4096 : i32
    %broadcast_in_dim3A_65 = vector.broadcast %jit3A_64 : i32 to vector<256x4096xi32>
    %select_n3A_66 = arith.select %eq3A_63, %iota3A, %broadcast_in_dim3A_65 : vector<256x4096xi1>, vector<256x4096xi32>
    %reduce_min3A_67 = arith.constant dense<2147483647> : vector<256xi32>
    %reduce_min3A_68 = vector.multi_reduction <minsi>, %select_n3A_66, %reduce_min3A_67 [1] : vector<256x4096xi32> to vector<256xi32>
    %broadcast_in_dim3A_69 = vector.shape_cast %reduce_min3A_68 : vector<256xi32> to vector<256x1xi32>
    %eq3A_70 = arith.constant 2 : i32
    %eq3A_71 = vector.broadcast %eq3A_70 : i32 to vector<256x24xi32>
    %eq3A_72 = arith.cmpi eq, %iota3A_18, %eq3A_71 : vector<256x24xi32>
    %broadcast_in_dim3A_73 = vector.shape_cast %broadcast_in_dim3A_69 : vector<256x1xi32> to vector<256x1xi32>
    %broadcast_in_dim3A_74 = vector.broadcast %broadcast_in_dim3A_73 : vector<256x1xi32> to vector<256x24xi32>
    %select_n3A_75 = arith.select %eq3A_72, %broadcast_in_dim3A_74, %select_n3A_53 : vector<256x24xi1>, vector<256x24xi32>
    %eq3A_76 = vector.broadcast %broadcast_in_dim3A_69 : vector<256x1xi32> to vector<256x4096xi32>
    %eq3A_77 = arith.cmpi eq, %iota3A, %eq3A_76 : vector<256x4096xi32>
    %jit3A_78 = arith.constant -3.000000e+38 : f32
    %broadcast_in_dim3A_79 = vector.broadcast %jit3A_78 : f32 to vector<256x4096xf32>
    %select_n3A_80 = arith.select %eq3A_77, %broadcast_in_dim3A_79, %select_n3A_58 : vector<256x4096xi1>, vector<256x4096xf32>
    %reduce_max3A_81 = arith.constant dense<0xFF800000> : vector<256xf32>
    %reduce_max3A_82 = vector.multi_reduction <maximumf>, %select_n3A_80, %reduce_max3A_81 [1] : vector<256x4096xf32> to vector<256xf32>
    %broadcast_in_dim3A_83 = vector.shape_cast %reduce_max3A_82 : vector<256xf32> to vector<256x1xf32>
    %eq3A_84 = vector.broadcast %broadcast_in_dim3A_83 : vector<256x1xf32> to vector<256x4096xf32>
    %eq3A_85 = arith.cmpf oeq, %select_n3A_80, %eq3A_84 : vector<256x4096xf32>
    %jit3A_86 = arith.constant 4096 : i32
    %broadcast_in_dim3A_87 = vector.broadcast %jit3A_86 : i32 to vector<256x4096xi32>
    %select_n3A_88 = arith.select %eq3A_85, %iota3A, %broadcast_in_dim3A_87 : vector<256x4096xi1>, vector<256x4096xi32>
    %reduce_min3A_89 = arith.constant dense<2147483647> : vector<256xi32>
    %reduce_min3A_90 = vector.multi_reduction <minsi>, %select_n3A_88, %reduce_min3A_89 [1] : vector<256x4096xi32> to vector<256xi32>
    %broadcast_in_dim3A_91 = vector.shape_cast %reduce_min3A_90 : vector<256xi32> to vector<256x1xi32>
    %eq3A_92 = arith.constant 3 : i32
    %eq3A_93 = vector.broadcast %eq3A_92 : i32 to vector<256x24xi32>
    %eq3A_94 = arith.cmpi eq, %iota3A_18, %eq3A_93 : vector<256x24xi32>
    %broadcast_in_dim3A_95 = vector.shape_cast %broadcast_in_dim3A_91 : vector<256x1xi32> to vector<256x1xi32>
    %broadcast_in_dim3A_96 = vector.broadcast %broadcast_in_dim3A_95 : vector<256x1xi32> to vector<256x24xi32>
    %select_n3A_97 = arith.select %eq3A_94, %broadcast_in_dim3A_96, %select_n3A_75 : vector<256x24xi1>, vector<256x24xi32>
    %eq3A_98 = vector.broadcast %broadcast_in_dim3A_91 : vector<256x1xi32> to vector<256x4096xi32>
    %eq3A_99 = arith.cmpi eq, %iota3A, %eq3A_98 : vector<256x4096xi32>
    %jit3A_100 = arith.constant -3.000000e+38 : f32
    %broadcast_in_dim3A_101 = vector.broadcast %jit3A_100 : f32 to vector<256x4096xf32>
    %select_n3A_102 = arith.select %eq3A_99, %broadcast_in_dim3A_101, %select_n3A_80 : vector<256x4096xi1>, vector<256x4096xf32>
    %reduce_max3A_103 = arith.constant dense<0xFF800000> : vector<256xf32>
    %reduce_max3A_104 = vector.multi_reduction <maximumf>, %select_n3A_102, %reduce_max3A_103 [1] : vector<256x4096xf32> to vector<256xf32>
    %broadcast_in_dim3A_105 = vector.shape_cast %reduce_max3A_104 : vector<256xf32> to vector<256x1xf32>
    %eq3A_106 = vector.broadcast %broadcast_in_dim3A_105 : vector<256x1xf32> to vector<256x4096xf32>
    %eq3A_107 = arith.cmpf oeq, %select_n3A_102, %eq3A_106 : vector<256x4096xf32>
    %jit3A_108 = arith.constant 4096 : i32
    %broadcast_in_dim3A_109 = vector.broadcast %jit3A_108 : i32 to vector<256x4096xi32>
    %select_n3A_110 = arith.select %eq3A_107, %iota3A, %broadcast_in_dim3A_109 : vector<256x4096xi1>, vector<256x4096xi32>
    %reduce_min3A_111 = arith.constant dense<2147483647> : vector<256xi32>
    %reduce_min3A_112 = vector.multi_reduction <minsi>, %select_n3A_110, %reduce_min3A_111 [1] : vector<256x4096xi32> to vector<256xi32>
    %broadcast_in_dim3A_113 = vector.shape_cast %reduce_min3A_112 : vector<256xi32> to vector<256x1xi32>
    %eq3A_114 = arith.constant 4 : i32
    %eq3A_115 = vector.broadcast %eq3A_114 : i32 to vector<256x24xi32>
    %eq3A_116 = arith.cmpi eq, %iota3A_18, %eq3A_115 : vector<256x24xi32>
    %broadcast_in_dim3A_117 = vector.shape_cast %broadcast_in_dim3A_113 : vector<256x1xi32> to vector<256x1xi32>
    %broadcast_in_dim3A_118 = vector.broadcast %broadcast_in_dim3A_117 : vector<256x1xi32> to vector<256x24xi32>
    %select_n3A_119 = arith.select %eq3A_116, %broadcast_in_dim3A_118, %select_n3A_97 : vector<256x24xi1>, vector<256x24xi32>
    %eq3A_120 = vector.broadcast %broadcast_in_dim3A_113 : vector<256x1xi32> to vector<256x4096xi32>
    %eq3A_121 = arith.cmpi eq, %iota3A, %eq3A_120 : vector<256x4096xi32>
    %jit3A_122 = arith.constant -3.000000e+38 : f32
    %broadcast_in_dim3A_123 = vector.broadcast %jit3A_122 : f32 to vector<256x4096xf32>
    %select_n3A_124 = arith.select %eq3A_121, %broadcast_in_dim3A_123, %select_n3A_102 : vector<256x4096xi1>, vector<256x4096xf32>
    %reduce_max3A_125 = arith.constant dense<0xFF800000> : vector<256xf32>
    %reduce_max3A_126 = vector.multi_reduction <maximumf>, %select_n3A_124, %reduce_max3A_125 [1] : vector<256x4096xf32> to vector<256xf32>
    %broadcast_in_dim3A_127 = vector.shape_cast %reduce_max3A_126 : vector<256xf32> to vector<256x1xf32>
    %eq3A_128 = vector.broadcast %broadcast_in_dim3A_127 : vector<256x1xf32> to vector<256x4096xf32>
    %eq3A_129 = arith.cmpf oeq, %select_n3A_124, %eq3A_128 : vector<256x4096xf32>
    %jit3A_130 = arith.constant 4096 : i32
    %broadcast_in_dim3A_131 = vector.broadcast %jit3A_130 : i32 to vector<256x4096xi32>
    %select_n3A_132 = arith.select %eq3A_129, %iota3A, %broadcast_in_dim3A_131 : vector<256x4096xi1>, vector<256x4096xi32>
    %reduce_min3A_133 = arith.constant dense<2147483647> : vector<256xi32>
    %reduce_min3A_134 = vector.multi_reduction <minsi>, %select_n3A_132, %reduce_min3A_133 [1] : vector<256x4096xi32> to vector<256xi32>
    %broadcast_in_dim3A_135 = vector.shape_cast %reduce_min3A_134 : vector<256xi32> to vector<256x1xi32>
    %eq3A_136 = arith.constant 5 : i32
    %eq3A_137 = vector.broadcast %eq3A_136 : i32 to vector<256x24xi32>
    %eq3A_138 = arith.cmpi eq, %iota3A_18, %eq3A_137 : vector<256x24xi32>
    %broadcast_in_dim3A_139 = vector.shape_cast %broadcast_in_dim3A_135 : vector<256x1xi32> to vector<256x1xi32>
    %broadcast_in_dim3A_140 = vector.broadcast %broadcast_in_dim3A_139 : vector<256x1xi32> to vector<256x24xi32>
    %select_n3A_141 = arith.select %eq3A_138, %broadcast_in_dim3A_140, %select_n3A_119 : vector<256x24xi1>, vector<256x24xi32>
    %eq3A_142 = vector.broadcast %broadcast_in_dim3A_135 : vector<256x1xi32> to vector<256x4096xi32>
    %eq3A_143 = arith.cmpi eq, %iota3A, %eq3A_142 : vector<256x4096xi32>
    %jit3A_144 = arith.constant -3.000000e+38 : f32
    %broadcast_in_dim3A_145 = vector.broadcast %jit3A_144 : f32 to vector<256x4096xf32>
    %select_n3A_146 = arith.select %eq3A_143, %broadcast_in_dim3A_145, %select_n3A_124 : vector<256x4096xi1>, vector<256x4096xf32>
    %reduce_max3A_147 = arith.constant dense<0xFF800000> : vector<256xf32>
    %reduce_max3A_148 = vector.multi_reduction <maximumf>, %select_n3A_146, %reduce_max3A_147 [1] : vector<256x4096xf32> to vector<256xf32>
    %broadcast_in_dim3A_149 = vector.shape_cast %reduce_max3A_148 : vector<256xf32> to vector<256x1xf32>
    %eq3A_150 = vector.broadcast %broadcast_in_dim3A_149 : vector<256x1xf32> to vector<256x4096xf32>
    %eq3A_151 = arith.cmpf oeq, %select_n3A_146, %eq3A_150 : vector<256x4096xf32>
    %jit3A_152 = arith.constant 4096 : i32
    %broadcast_in_dim3A_153 = vector.broadcast %jit3A_152 : i32 to vector<256x4096xi32>
    %select_n3A_154 = arith.select %eq3A_151, %iota3A, %broadcast_in_dim3A_153 : vector<256x4096xi1>, vector<256x4096xi32>
    %reduce_min3A_155 = arith.constant dense<2147483647> : vector<256xi32>
    %reduce_min3A_156 = vector.multi_reduction <minsi>, %select_n3A_154, %reduce_min3A_155 [1] : vector<256x4096xi32> to vector<256xi32>
    %broadcast_in_dim3A_157 = vector.shape_cast %reduce_min3A_156 : vector<256xi32> to vector<256x1xi32>
    %eq3A_158 = arith.constant 6 : i32
    %eq3A_159 = vector.broadcast %eq3A_158 : i32 to vector<256x24xi32>
    %eq3A_160 = arith.cmpi eq, %iota3A_18, %eq3A_159 : vector<256x24xi32>
    %broadcast_in_dim3A_161 = vector.shape_cast %broadcast_in_dim3A_157 : vector<256x1xi32> to vector<256x1xi32>
    %broadcast_in_dim3A_162 = vector.broadcast %broadcast_in_dim3A_161 : vector<256x1xi32> to vector<256x24xi32>
    %select_n3A_163 = arith.select %eq3A_160, %broadcast_in_dim3A_162, %select_n3A_141 : vector<256x24xi1>, vector<256x24xi32>
    %eq3A_164 = vector.broadcast %broadcast_in_dim3A_157 : vector<256x1xi32> to vector<256x4096xi32>
    %eq3A_165 = arith.cmpi eq, %iota3A, %eq3A_164 : vector<256x4096xi32>
    %jit3A_166 = arith.constant -3.000000e+38 : f32
    %broadcast_in_dim3A_167 = vector.broadcast %jit3A_166 : f32 to vector<256x4096xf32>
    %select_n3A_168 = arith.select %eq3A_165, %broadcast_in_dim3A_167, %select_n3A_146 : vector<256x4096xi1>, vector<256x4096xf32>
    %reduce_max3A_169 = arith.constant dense<0xFF800000> : vector<256xf32>
    %reduce_max3A_170 = vector.multi_reduction <maximumf>, %select_n3A_168, %reduce_max3A_169 [1] : vector<256x4096xf32> to vector<256xf32>
    %broadcast_in_dim3A_171 = vector.shape_cast %reduce_max3A_170 : vector<256xf32> to vector<256x1xf32>
    %eq3A_172 = vector.broadcast %broadcast_in_dim3A_171 : vector<256x1xf32> to vector<256x4096xf32>
    %eq3A_173 = arith.cmpf oeq, %select_n3A_168, %eq3A_172 : vector<256x4096xf32>
    %jit3A_174 = arith.constant 4096 : i32
    %broadcast_in_dim3A_175 = vector.broadcast %jit3A_174 : i32 to vector<256x4096xi32>
    %select_n3A_176 = arith.select %eq3A_173, %iota3A, %broadcast_in_dim3A_175 : vector<256x4096xi1>, vector<256x4096xi32>
    %reduce_min3A_177 = arith.constant dense<2147483647> : vector<256xi32>
    %reduce_min3A_178 = vector.multi_reduction <minsi>, %select_n3A_176, %reduce_min3A_177 [1] : vector<256x4096xi32> to vector<256xi32>
    %broadcast_in_dim3A_179 = vector.shape_cast %reduce_min3A_178 : vector<256xi32> to vector<256x1xi32>
    %eq3A_180 = arith.constant 7 : i32
    %eq3A_181 = vector.broadcast %eq3A_180 : i32 to vector<256x24xi32>
    %eq3A_182 = arith.cmpi eq, %iota3A_18, %eq3A_181 : vector<256x24xi32>
    %broadcast_in_dim3A_183 = vector.shape_cast %broadcast_in_dim3A_179 : vector<256x1xi32> to vector<256x1xi32>
    %broadcast_in_dim3A_184 = vector.broadcast %broadcast_in_dim3A_183 : vector<256x1xi32> to vector<256x24xi32>
    %select_n3A_185 = arith.select %eq3A_182, %broadcast_in_dim3A_184, %select_n3A_163 : vector<256x24xi1>, vector<256x24xi32>
    %eq3A_186 = vector.broadcast %broadcast_in_dim3A_179 : vector<256x1xi32> to vector<256x4096xi32>
    %eq3A_187 = arith.cmpi eq, %iota3A, %eq3A_186 : vector<256x4096xi32>
    %jit3A_188 = arith.constant -3.000000e+38 : f32
    %broadcast_in_dim3A_189 = vector.broadcast %jit3A_188 : f32 to vector<256x4096xf32>
    %select_n3A_190 = arith.select %eq3A_187, %broadcast_in_dim3A_189, %select_n3A_168 : vector<256x4096xi1>, vector<256x4096xf32>
    %reduce_max3A_191 = arith.constant dense<0xFF800000> : vector<256xf32>
    %reduce_max3A_192 = vector.multi_reduction <maximumf>, %select_n3A_190, %reduce_max3A_191 [1] : vector<256x4096xf32> to vector<256xf32>
    %broadcast_in_dim3A_193 = vector.shape_cast %reduce_max3A_192 : vector<256xf32> to vector<256x1xf32>
    %eq3A_194 = vector.broadcast %broadcast_in_dim3A_193 : vector<256x1xf32> to vector<256x4096xf32>
    %eq3A_195 = arith.cmpf oeq, %select_n3A_190, %eq3A_194 : vector<256x4096xf32>
    %jit3A_196 = arith.constant 4096 : i32
    %broadcast_in_dim3A_197 = vector.broadcast %jit3A_196 : i32 to vector<256x4096xi32>
    %select_n3A_198 = arith.select %eq3A_195, %iota3A, %broadcast_in_dim3A_197 : vector<256x4096xi1>, vector<256x4096xi32>
    %reduce_min3A_199 = arith.constant dense<2147483647> : vector<256xi32>
    %reduce_min3A_200 = vector.multi_reduction <minsi>, %select_n3A_198, %reduce_min3A_199 [1] : vector<256x4096xi32> to vector<256xi32>
    %broadcast_in_dim3A_201 = vector.shape_cast %reduce_min3A_200 : vector<256xi32> to vector<256x1xi32>
    %eq3A_202 = arith.constant 8 : i32
    %eq3A_203 = vector.broadcast %eq3A_202 : i32 to vector<256x24xi32>
    %eq3A_204 = arith.cmpi eq, %iota3A_18, %eq3A_203 : vector<256x24xi32>
    %broadcast_in_dim3A_205 = vector.shape_cast %broadcast_in_dim3A_201 : vector<256x1xi32> to vector<256x1xi32>
    %broadcast_in_dim3A_206 = vector.broadcast %broadcast_in_dim3A_205 : vector<256x1xi32> to vector<256x24xi32>
    %select_n3A_207 = arith.select %eq3A_204, %broadcast_in_dim3A_206, %select_n3A_185 : vector<256x24xi1>, vector<256x24xi32>
    %eq3A_208 = vector.broadcast %broadcast_in_dim3A_201 : vector<256x1xi32> to vector<256x4096xi32>
    %eq3A_209 = arith.cmpi eq, %iota3A, %eq3A_208 : vector<256x4096xi32>
    %jit3A_210 = arith.constant -3.000000e+38 : f32
    %broadcast_in_dim3A_211 = vector.broadcast %jit3A_210 : f32 to vector<256x4096xf32>
    %select_n3A_212 = arith.select %eq3A_209, %broadcast_in_dim3A_211, %select_n3A_190 : vector<256x4096xi1>, vector<256x4096xf32>
    %reduce_max3A_213 = arith.constant dense<0xFF800000> : vector<256xf32>
    %reduce_max3A_214 = vector.multi_reduction <maximumf>, %select_n3A_212, %reduce_max3A_213 [1] : vector<256x4096xf32> to vector<256xf32>
    %broadcast_in_dim3A_215 = vector.shape_cast %reduce_max3A_214 : vector<256xf32> to vector<256x1xf32>
    %eq3A_216 = vector.broadcast %broadcast_in_dim3A_215 : vector<256x1xf32> to vector<256x4096xf32>
    %eq3A_217 = arith.cmpf oeq, %select_n3A_212, %eq3A_216 : vector<256x4096xf32>
    %jit3A_218 = arith.constant 4096 : i32
    %broadcast_in_dim3A_219 = vector.broadcast %jit3A_218 : i32 to vector<256x4096xi32>
    %select_n3A_220 = arith.select %eq3A_217, %iota3A, %broadcast_in_dim3A_219 : vector<256x4096xi1>, vector<256x4096xi32>
    %reduce_min3A_221 = arith.constant dense<2147483647> : vector<256xi32>
    %reduce_min3A_222 = vector.multi_reduction <minsi>, %select_n3A_220, %reduce_min3A_221 [1] : vector<256x4096xi32> to vector<256xi32>
    %broadcast_in_dim3A_223 = vector.shape_cast %reduce_min3A_222 : vector<256xi32> to vector<256x1xi32>
    %eq3A_224 = arith.constant 9 : i32
    %eq3A_225 = vector.broadcast %eq3A_224 : i32 to vector<256x24xi32>
    %eq3A_226 = arith.cmpi eq, %iota3A_18, %eq3A_225 : vector<256x24xi32>
    %broadcast_in_dim3A_227 = vector.shape_cast %broadcast_in_dim3A_223 : vector<256x1xi32> to vector<256x1xi32>
    %broadcast_in_dim3A_228 = vector.broadcast %broadcast_in_dim3A_227 : vector<256x1xi32> to vector<256x24xi32>
    %select_n3A_229 = arith.select %eq3A_226, %broadcast_in_dim3A_228, %select_n3A_207 : vector<256x24xi1>, vector<256x24xi32>
    %eq3A_230 = vector.broadcast %broadcast_in_dim3A_223 : vector<256x1xi32> to vector<256x4096xi32>
    %eq3A_231 = arith.cmpi eq, %iota3A, %eq3A_230 : vector<256x4096xi32>
    %jit3A_232 = arith.constant -3.000000e+38 : f32
    %broadcast_in_dim3A_233 = vector.broadcast %jit3A_232 : f32 to vector<256x4096xf32>
    %select_n3A_234 = arith.select %eq3A_231, %broadcast_in_dim3A_233, %select_n3A_212 : vector<256x4096xi1>, vector<256x4096xf32>
    %reduce_max3A_235 = arith.constant dense<0xFF800000> : vector<256xf32>
    %reduce_max3A_236 = vector.multi_reduction <maximumf>, %select_n3A_234, %reduce_max3A_235 [1] : vector<256x4096xf32> to vector<256xf32>
    %broadcast_in_dim3A_237 = vector.shape_cast %reduce_max3A_236 : vector<256xf32> to vector<256x1xf32>
    %eq3A_238 = vector.broadcast %broadcast_in_dim3A_237 : vector<256x1xf32> to vector<256x4096xf32>
    %eq3A_239 = arith.cmpf oeq, %select_n3A_234, %eq3A_238 : vector<256x4096xf32>
    %jit3A_240 = arith.constant 4096 : i32
    %broadcast_in_dim3A_241 = vector.broadcast %jit3A_240 : i32 to vector<256x4096xi32>
    %select_n3A_242 = arith.select %eq3A_239, %iota3A, %broadcast_in_dim3A_241 : vector<256x4096xi1>, vector<256x4096xi32>
    %reduce_min3A_243 = arith.constant dense<2147483647> : vector<256xi32>
    %reduce_min3A_244 = vector.multi_reduction <minsi>, %select_n3A_242, %reduce_min3A_243 [1] : vector<256x4096xi32> to vector<256xi32>
    %broadcast_in_dim3A_245 = vector.shape_cast %reduce_min3A_244 : vector<256xi32> to vector<256x1xi32>
    %eq3A_246 = arith.constant 10 : i32
    %eq3A_247 = vector.broadcast %eq3A_246 : i32 to vector<256x24xi32>
    %eq3A_248 = arith.cmpi eq, %iota3A_18, %eq3A_247 : vector<256x24xi32>
    %broadcast_in_dim3A_249 = vector.shape_cast %broadcast_in_dim3A_245 : vector<256x1xi32> to vector<256x1xi32>
    %broadcast_in_dim3A_250 = vector.broadcast %broadcast_in_dim3A_249 : vector<256x1xi32> to vector<256x24xi32>
    %select_n3A_251 = arith.select %eq3A_248, %broadcast_in_dim3A_250, %select_n3A_229 : vector<256x24xi1>, vector<256x24xi32>
    %eq3A_252 = vector.broadcast %broadcast_in_dim3A_245 : vector<256x1xi32> to vector<256x4096xi32>
    %eq3A_253 = arith.cmpi eq, %iota3A, %eq3A_252 : vector<256x4096xi32>
    %jit3A_254 = arith.constant -3.000000e+38 : f32
    %broadcast_in_dim3A_255 = vector.broadcast %jit3A_254 : f32 to vector<256x4096xf32>
    %select_n3A_256 = arith.select %eq3A_253, %broadcast_in_dim3A_255, %select_n3A_234 : vector<256x4096xi1>, vector<256x4096xf32>
    %reduce_max3A_257 = arith.constant dense<0xFF800000> : vector<256xf32>
    %reduce_max3A_258 = vector.multi_reduction <maximumf>, %select_n3A_256, %reduce_max3A_257 [1] : vector<256x4096xf32> to vector<256xf32>
    %broadcast_in_dim3A_259 = vector.shape_cast %reduce_max3A_258 : vector<256xf32> to vector<256x1xf32>
    %eq3A_260 = vector.broadcast %broadcast_in_dim3A_259 : vector<256x1xf32> to vector<256x4096xf32>
    %eq3A_261 = arith.cmpf oeq, %select_n3A_256, %eq3A_260 : vector<256x4096xf32>
    %jit3A_262 = arith.constant 4096 : i32
    %broadcast_in_dim3A_263 = vector.broadcast %jit3A_262 : i32 to vector<256x4096xi32>
    %select_n3A_264 = arith.select %eq3A_261, %iota3A, %broadcast_in_dim3A_263 : vector<256x4096xi1>, vector<256x4096xi32>
    %reduce_min3A_265 = arith.constant dense<2147483647> : vector<256xi32>
    %reduce_min3A_266 = vector.multi_reduction <minsi>, %select_n3A_264, %reduce_min3A_265 [1] : vector<256x4096xi32> to vector<256xi32>
    %broadcast_in_dim3A_267 = vector.shape_cast %reduce_min3A_266 : vector<256xi32> to vector<256x1xi32>
    %eq3A_268 = arith.constant 11 : i32
    %eq3A_269 = vector.broadcast %eq3A_268 : i32 to vector<256x24xi32>
    %eq3A_270 = arith.cmpi eq, %iota3A_18, %eq3A_269 : vector<256x24xi32>
    %broadcast_in_dim3A_271 = vector.shape_cast %broadcast_in_dim3A_267 : vector<256x1xi32> to vector<256x1xi32>
    %broadcast_in_dim3A_272 = vector.broadcast %broadcast_in_dim3A_271 : vector<256x1xi32> to vector<256x24xi32>
    %select_n3A_273 = arith.select %eq3A_270, %broadcast_in_dim3A_272, %select_n3A_251 : vector<256x24xi1>, vector<256x24xi32>
    %eq3A_274 = vector.broadcast %broadcast_in_dim3A_267 : vector<256x1xi32> to vector<256x4096xi32>
    %eq3A_275 = arith.cmpi eq, %iota3A, %eq3A_274 : vector<256x4096xi32>
    %jit3A_276 = arith.constant -3.000000e+38 : f32
    %broadcast_in_dim3A_277 = vector.broadcast %jit3A_276 : f32 to vector<256x4096xf32>
    %select_n3A_278 = arith.select %eq3A_275, %broadcast_in_dim3A_277, %select_n3A_256 : vector<256x4096xi1>, vector<256x4096xf32>
    %reduce_max3A_279 = arith.constant dense<0xFF800000> : vector<256xf32>
    %reduce_max3A_280 = vector.multi_reduction <maximumf>, %select_n3A_278, %reduce_max3A_279 [1] : vector<256x4096xf32> to vector<256xf32>
    %broadcast_in_dim3A_281 = vector.shape_cast %reduce_max3A_280 : vector<256xf32> to vector<256x1xf32>
    %eq3A_282 = vector.broadcast %broadcast_in_dim3A_281 : vector<256x1xf32> to vector<256x4096xf32>
    %eq3A_283 = arith.cmpf oeq, %select_n3A_278, %eq3A_282 : vector<256x4096xf32>
    %jit3A_284 = arith.constant 4096 : i32
    %broadcast_in_dim3A_285 = vector.broadcast %jit3A_284 : i32 to vector<256x4096xi32>
    %select_n3A_286 = arith.select %eq3A_283, %iota3A, %broadcast_in_dim3A_285 : vector<256x4096xi1>, vector<256x4096xi32>
    %reduce_min3A_287 = arith.constant dense<2147483647> : vector<256xi32>
    %reduce_min3A_288 = vector.multi_reduction <minsi>, %select_n3A_286, %reduce_min3A_287 [1] : vector<256x4096xi32> to vector<256xi32>
    %broadcast_in_dim3A_289 = vector.shape_cast %reduce_min3A_288 : vector<256xi32> to vector<256x1xi32>
    %eq3A_290 = arith.constant 12 : i32
    %eq3A_291 = vector.broadcast %eq3A_290 : i32 to vector<256x24xi32>
    %eq3A_292 = arith.cmpi eq, %iota3A_18, %eq3A_291 : vector<256x24xi32>
    %broadcast_in_dim3A_293 = vector.shape_cast %broadcast_in_dim3A_289 : vector<256x1xi32> to vector<256x1xi32>
    %broadcast_in_dim3A_294 = vector.broadcast %broadcast_in_dim3A_293 : vector<256x1xi32> to vector<256x24xi32>
    %select_n3A_295 = arith.select %eq3A_292, %broadcast_in_dim3A_294, %select_n3A_273 : vector<256x24xi1>, vector<256x24xi32>
    %eq3A_296 = vector.broadcast %broadcast_in_dim3A_289 : vector<256x1xi32> to vector<256x4096xi32>
    %eq3A_297 = arith.cmpi eq, %iota3A, %eq3A_296 : vector<256x4096xi32>
    %jit3A_298 = arith.constant -3.000000e+38 : f32
    %broadcast_in_dim3A_299 = vector.broadcast %jit3A_298 : f32 to vector<256x4096xf32>
    %select_n3A_300 = arith.select %eq3A_297, %broadcast_in_dim3A_299, %select_n3A_278 : vector<256x4096xi1>, vector<256x4096xf32>
    %reduce_max3A_301 = arith.constant dense<0xFF800000> : vector<256xf32>
    %reduce_max3A_302 = vector.multi_reduction <maximumf>, %select_n3A_300, %reduce_max3A_301 [1] : vector<256x4096xf32> to vector<256xf32>
    %broadcast_in_dim3A_303 = vector.shape_cast %reduce_max3A_302 : vector<256xf32> to vector<256x1xf32>
    %eq3A_304 = vector.broadcast %broadcast_in_dim3A_303 : vector<256x1xf32> to vector<256x4096xf32>
    %eq3A_305 = arith.cmpf oeq, %select_n3A_300, %eq3A_304 : vector<256x4096xf32>
    %jit3A_306 = arith.constant 4096 : i32
    %broadcast_in_dim3A_307 = vector.broadcast %jit3A_306 : i32 to vector<256x4096xi32>
    %select_n3A_308 = arith.select %eq3A_305, %iota3A, %broadcast_in_dim3A_307 : vector<256x4096xi1>, vector<256x4096xi32>
    %reduce_min3A_309 = arith.constant dense<2147483647> : vector<256xi32>
    %reduce_min3A_310 = vector.multi_reduction <minsi>, %select_n3A_308, %reduce_min3A_309 [1] : vector<256x4096xi32> to vector<256xi32>
    %broadcast_in_dim3A_311 = vector.shape_cast %reduce_min3A_310 : vector<256xi32> to vector<256x1xi32>
    %eq3A_312 = arith.constant 13 : i32
    %eq3A_313 = vector.broadcast %eq3A_312 : i32 to vector<256x24xi32>
    %eq3A_314 = arith.cmpi eq, %iota3A_18, %eq3A_313 : vector<256x24xi32>
    %broadcast_in_dim3A_315 = vector.shape_cast %broadcast_in_dim3A_311 : vector<256x1xi32> to vector<256x1xi32>
    %broadcast_in_dim3A_316 = vector.broadcast %broadcast_in_dim3A_315 : vector<256x1xi32> to vector<256x24xi32>
    %select_n3A_317 = arith.select %eq3A_314, %broadcast_in_dim3A_316, %select_n3A_295 : vector<256x24xi1>, vector<256x24xi32>
    %eq3A_318 = vector.broadcast %broadcast_in_dim3A_311 : vector<256x1xi32> to vector<256x4096xi32>
    %eq3A_319 = arith.cmpi eq, %iota3A, %eq3A_318 : vector<256x4096xi32>
    %jit3A_320 = arith.constant -3.000000e+38 : f32
    %broadcast_in_dim3A_321 = vector.broadcast %jit3A_320 : f32 to vector<256x4096xf32>
    %select_n3A_322 = arith.select %eq3A_319, %broadcast_in_dim3A_321, %select_n3A_300 : vector<256x4096xi1>, vector<256x4096xf32>
    %reduce_max3A_323 = arith.constant dense<0xFF800000> : vector<256xf32>
    %reduce_max3A_324 = vector.multi_reduction <maximumf>, %select_n3A_322, %reduce_max3A_323 [1] : vector<256x4096xf32> to vector<256xf32>
    %broadcast_in_dim3A_325 = vector.shape_cast %reduce_max3A_324 : vector<256xf32> to vector<256x1xf32>
    %eq3A_326 = vector.broadcast %broadcast_in_dim3A_325 : vector<256x1xf32> to vector<256x4096xf32>
    %eq3A_327 = arith.cmpf oeq, %select_n3A_322, %eq3A_326 : vector<256x4096xf32>
    %jit3A_328 = arith.constant 4096 : i32
    %broadcast_in_dim3A_329 = vector.broadcast %jit3A_328 : i32 to vector<256x4096xi32>
    %select_n3A_330 = arith.select %eq3A_327, %iota3A, %broadcast_in_dim3A_329 : vector<256x4096xi1>, vector<256x4096xi32>
    %reduce_min3A_331 = arith.constant dense<2147483647> : vector<256xi32>
    %reduce_min3A_332 = vector.multi_reduction <minsi>, %select_n3A_330, %reduce_min3A_331 [1] : vector<256x4096xi32> to vector<256xi32>
    %broadcast_in_dim3A_333 = vector.shape_cast %reduce_min3A_332 : vector<256xi32> to vector<256x1xi32>
    %eq3A_334 = arith.constant 14 : i32
    %eq3A_335 = vector.broadcast %eq3A_334 : i32 to vector<256x24xi32>
    %eq3A_336 = arith.cmpi eq, %iota3A_18, %eq3A_335 : vector<256x24xi32>
    %broadcast_in_dim3A_337 = vector.shape_cast %broadcast_in_dim3A_333 : vector<256x1xi32> to vector<256x1xi32>
    %broadcast_in_dim3A_338 = vector.broadcast %broadcast_in_dim3A_337 : vector<256x1xi32> to vector<256x24xi32>
    %select_n3A_339 = arith.select %eq3A_336, %broadcast_in_dim3A_338, %select_n3A_317 : vector<256x24xi1>, vector<256x24xi32>
    %eq3A_340 = vector.broadcast %broadcast_in_dim3A_333 : vector<256x1xi32> to vector<256x4096xi32>
    %eq3A_341 = arith.cmpi eq, %iota3A, %eq3A_340 : vector<256x4096xi32>
    %jit3A_342 = arith.constant -3.000000e+38 : f32
    %broadcast_in_dim3A_343 = vector.broadcast %jit3A_342 : f32 to vector<256x4096xf32>
    %select_n3A_344 = arith.select %eq3A_341, %broadcast_in_dim3A_343, %select_n3A_322 : vector<256x4096xi1>, vector<256x4096xf32>
    %reduce_max3A_345 = arith.constant dense<0xFF800000> : vector<256xf32>
    %reduce_max3A_346 = vector.multi_reduction <maximumf>, %select_n3A_344, %reduce_max3A_345 [1] : vector<256x4096xf32> to vector<256xf32>
    %broadcast_in_dim3A_347 = vector.shape_cast %reduce_max3A_346 : vector<256xf32> to vector<256x1xf32>
    %eq3A_348 = vector.broadcast %broadcast_in_dim3A_347 : vector<256x1xf32> to vector<256x4096xf32>
    %eq3A_349 = arith.cmpf oeq, %select_n3A_344, %eq3A_348 : vector<256x4096xf32>
    %jit3A_350 = arith.constant 4096 : i32
    %broadcast_in_dim3A_351 = vector.broadcast %jit3A_350 : i32 to vector<256x4096xi32>
    %select_n3A_352 = arith.select %eq3A_349, %iota3A, %broadcast_in_dim3A_351 : vector<256x4096xi1>, vector<256x4096xi32>
    %reduce_min3A_353 = arith.constant dense<2147483647> : vector<256xi32>
    %reduce_min3A_354 = vector.multi_reduction <minsi>, %select_n3A_352, %reduce_min3A_353 [1] : vector<256x4096xi32> to vector<256xi32>
    %broadcast_in_dim3A_355 = vector.shape_cast %reduce_min3A_354 : vector<256xi32> to vector<256x1xi32>
    %eq3A_356 = arith.constant 15 : i32
    %eq3A_357 = vector.broadcast %eq3A_356 : i32 to vector<256x24xi32>
    %eq3A_358 = arith.cmpi eq, %iota3A_18, %eq3A_357 : vector<256x24xi32>
    %broadcast_in_dim3A_359 = vector.shape_cast %broadcast_in_dim3A_355 : vector<256x1xi32> to vector<256x1xi32>
    %broadcast_in_dim3A_360 = vector.broadcast %broadcast_in_dim3A_359 : vector<256x1xi32> to vector<256x24xi32>
    %select_n3A_361 = arith.select %eq3A_358, %broadcast_in_dim3A_360, %select_n3A_339 : vector<256x24xi1>, vector<256x24xi32>
    %eq3A_362 = vector.broadcast %broadcast_in_dim3A_355 : vector<256x1xi32> to vector<256x4096xi32>
    %eq3A_363 = arith.cmpi eq, %iota3A, %eq3A_362 : vector<256x4096xi32>
    %jit3A_364 = arith.constant -3.000000e+38 : f32
    %broadcast_in_dim3A_365 = vector.broadcast %jit3A_364 : f32 to vector<256x4096xf32>
    %select_n3A_366 = arith.select %eq3A_363, %broadcast_in_dim3A_365, %select_n3A_344 : vector<256x4096xi1>, vector<256x4096xf32>
    %reduce_max3A_367 = arith.constant dense<0xFF800000> : vector<256xf32>
    %reduce_max3A_368 = vector.multi_reduction <maximumf>, %select_n3A_366, %reduce_max3A_367 [1] : vector<256x4096xf32> to vector<256xf32>
    %broadcast_in_dim3A_369 = vector.shape_cast %reduce_max3A_368 : vector<256xf32> to vector<256x1xf32>
    %eq3A_370 = vector.broadcast %broadcast_in_dim3A_369 : vector<256x1xf32> to vector<256x4096xf32>
    %eq3A_371 = arith.cmpf oeq, %select_n3A_366, %eq3A_370 : vector<256x4096xf32>
    %jit3A_372 = arith.constant 4096 : i32
    %broadcast_in_dim3A_373 = vector.broadcast %jit3A_372 : i32 to vector<256x4096xi32>
    %select_n3A_374 = arith.select %eq3A_371, %iota3A, %broadcast_in_dim3A_373 : vector<256x4096xi1>, vector<256x4096xi32>
    %reduce_min3A_375 = arith.constant dense<2147483647> : vector<256xi32>
    %reduce_min3A_376 = vector.multi_reduction <minsi>, %select_n3A_374, %reduce_min3A_375 [1] : vector<256x4096xi32> to vector<256xi32>
    %broadcast_in_dim3A_377 = vector.shape_cast %reduce_min3A_376 : vector<256xi32> to vector<256x1xi32>
    %eq3A_378 = arith.constant 16 : i32
    %eq3A_379 = vector.broadcast %eq3A_378 : i32 to vector<256x24xi32>
    %eq3A_380 = arith.cmpi eq, %iota3A_18, %eq3A_379 : vector<256x24xi32>
    %broadcast_in_dim3A_381 = vector.shape_cast %broadcast_in_dim3A_377 : vector<256x1xi32> to vector<256x1xi32>
    %broadcast_in_dim3A_382 = vector.broadcast %broadcast_in_dim3A_381 : vector<256x1xi32> to vector<256x24xi32>
    %select_n3A_383 = arith.select %eq3A_380, %broadcast_in_dim3A_382, %select_n3A_361 : vector<256x24xi1>, vector<256x24xi32>
    %eq3A_384 = vector.broadcast %broadcast_in_dim3A_377 : vector<256x1xi32> to vector<256x4096xi32>
    %eq3A_385 = arith.cmpi eq, %iota3A, %eq3A_384 : vector<256x4096xi32>
    %jit3A_386 = arith.constant -3.000000e+38 : f32
    %broadcast_in_dim3A_387 = vector.broadcast %jit3A_386 : f32 to vector<256x4096xf32>
    %select_n3A_388 = arith.select %eq3A_385, %broadcast_in_dim3A_387, %select_n3A_366 : vector<256x4096xi1>, vector<256x4096xf32>
    %reduce_max3A_389 = arith.constant dense<0xFF800000> : vector<256xf32>
    %reduce_max3A_390 = vector.multi_reduction <maximumf>, %select_n3A_388, %reduce_max3A_389 [1] : vector<256x4096xf32> to vector<256xf32>
    %broadcast_in_dim3A_391 = vector.shape_cast %reduce_max3A_390 : vector<256xf32> to vector<256x1xf32>
    %eq3A_392 = vector.broadcast %broadcast_in_dim3A_391 : vector<256x1xf32> to vector<256x4096xf32>
    %eq3A_393 = arith.cmpf oeq, %select_n3A_388, %eq3A_392 : vector<256x4096xf32>
    %jit3A_394 = arith.constant 4096 : i32
    %broadcast_in_dim3A_395 = vector.broadcast %jit3A_394 : i32 to vector<256x4096xi32>
    %select_n3A_396 = arith.select %eq3A_393, %iota3A, %broadcast_in_dim3A_395 : vector<256x4096xi1>, vector<256x4096xi32>
    %reduce_min3A_397 = arith.constant dense<2147483647> : vector<256xi32>
    %reduce_min3A_398 = vector.multi_reduction <minsi>, %select_n3A_396, %reduce_min3A_397 [1] : vector<256x4096xi32> to vector<256xi32>
    %broadcast_in_dim3A_399 = vector.shape_cast %reduce_min3A_398 : vector<256xi32> to vector<256x1xi32>
    %eq3A_400 = arith.constant 17 : i32
    %eq3A_401 = vector.broadcast %eq3A_400 : i32 to vector<256x24xi32>
    %eq3A_402 = arith.cmpi eq, %iota3A_18, %eq3A_401 : vector<256x24xi32>
    %broadcast_in_dim3A_403 = vector.shape_cast %broadcast_in_dim3A_399 : vector<256x1xi32> to vector<256x1xi32>
    %broadcast_in_dim3A_404 = vector.broadcast %broadcast_in_dim3A_403 : vector<256x1xi32> to vector<256x24xi32>
    %select_n3A_405 = arith.select %eq3A_402, %broadcast_in_dim3A_404, %select_n3A_383 : vector<256x24xi1>, vector<256x24xi32>
    %eq3A_406 = vector.broadcast %broadcast_in_dim3A_399 : vector<256x1xi32> to vector<256x4096xi32>
    %eq3A_407 = arith.cmpi eq, %iota3A, %eq3A_406 : vector<256x4096xi32>
    %jit3A_408 = arith.constant -3.000000e+38 : f32
    %broadcast_in_dim3A_409 = vector.broadcast %jit3A_408 : f32 to vector<256x4096xf32>
    %select_n3A_410 = arith.select %eq3A_407, %broadcast_in_dim3A_409, %select_n3A_388 : vector<256x4096xi1>, vector<256x4096xf32>
    %reduce_max3A_411 = arith.constant dense<0xFF800000> : vector<256xf32>
    %reduce_max3A_412 = vector.multi_reduction <maximumf>, %select_n3A_410, %reduce_max3A_411 [1] : vector<256x4096xf32> to vector<256xf32>
    %broadcast_in_dim3A_413 = vector.shape_cast %reduce_max3A_412 : vector<256xf32> to vector<256x1xf32>
    %eq3A_414 = vector.broadcast %broadcast_in_dim3A_413 : vector<256x1xf32> to vector<256x4096xf32>
    %eq3A_415 = arith.cmpf oeq, %select_n3A_410, %eq3A_414 : vector<256x4096xf32>
    %jit3A_416 = arith.constant 4096 : i32
    %broadcast_in_dim3A_417 = vector.broadcast %jit3A_416 : i32 to vector<256x4096xi32>
    %select_n3A_418 = arith.select %eq3A_415, %iota3A, %broadcast_in_dim3A_417 : vector<256x4096xi1>, vector<256x4096xi32>
    %reduce_min3A_419 = arith.constant dense<2147483647> : vector<256xi32>
    %reduce_min3A_420 = vector.multi_reduction <minsi>, %select_n3A_418, %reduce_min3A_419 [1] : vector<256x4096xi32> to vector<256xi32>
    %broadcast_in_dim3A_421 = vector.shape_cast %reduce_min3A_420 : vector<256xi32> to vector<256x1xi32>
    %eq3A_422 = arith.constant 18 : i32
    %eq3A_423 = vector.broadcast %eq3A_422 : i32 to vector<256x24xi32>
    %eq3A_424 = arith.cmpi eq, %iota3A_18, %eq3A_423 : vector<256x24xi32>
    %broadcast_in_dim3A_425 = vector.shape_cast %broadcast_in_dim3A_421 : vector<256x1xi32> to vector<256x1xi32>
    %broadcast_in_dim3A_426 = vector.broadcast %broadcast_in_dim3A_425 : vector<256x1xi32> to vector<256x24xi32>
    %select_n3A_427 = arith.select %eq3A_424, %broadcast_in_dim3A_426, %select_n3A_405 : vector<256x24xi1>, vector<256x24xi32>
    %eq3A_428 = vector.broadcast %broadcast_in_dim3A_421 : vector<256x1xi32> to vector<256x4096xi32>
    %eq3A_429 = arith.cmpi eq, %iota3A, %eq3A_428 : vector<256x4096xi32>
    %jit3A_430 = arith.constant -3.000000e+38 : f32
    %broadcast_in_dim3A_431 = vector.broadcast %jit3A_430 : f32 to vector<256x4096xf32>
    %select_n3A_432 = arith.select %eq3A_429, %broadcast_in_dim3A_431, %select_n3A_410 : vector<256x4096xi1>, vector<256x4096xf32>
    %reduce_max3A_433 = arith.constant dense<0xFF800000> : vector<256xf32>
    %reduce_max3A_434 = vector.multi_reduction <maximumf>, %select_n3A_432, %reduce_max3A_433 [1] : vector<256x4096xf32> to vector<256xf32>
    %broadcast_in_dim3A_435 = vector.shape_cast %reduce_max3A_434 : vector<256xf32> to vector<256x1xf32>
    %eq3A_436 = vector.broadcast %broadcast_in_dim3A_435 : vector<256x1xf32> to vector<256x4096xf32>
    %eq3A_437 = arith.cmpf oeq, %select_n3A_432, %eq3A_436 : vector<256x4096xf32>
    %jit3A_438 = arith.constant 4096 : i32
    %broadcast_in_dim3A_439 = vector.broadcast %jit3A_438 : i32 to vector<256x4096xi32>
    %select_n3A_440 = arith.select %eq3A_437, %iota3A, %broadcast_in_dim3A_439 : vector<256x4096xi1>, vector<256x4096xi32>
    %reduce_min3A_441 = arith.constant dense<2147483647> : vector<256xi32>
    %reduce_min3A_442 = vector.multi_reduction <minsi>, %select_n3A_440, %reduce_min3A_441 [1] : vector<256x4096xi32> to vector<256xi32>
    %broadcast_in_dim3A_443 = vector.shape_cast %reduce_min3A_442 : vector<256xi32> to vector<256x1xi32>
    %eq3A_444 = arith.constant 19 : i32
    %eq3A_445 = vector.broadcast %eq3A_444 : i32 to vector<256x24xi32>
    %eq3A_446 = arith.cmpi eq, %iota3A_18, %eq3A_445 : vector<256x24xi32>
    %broadcast_in_dim3A_447 = vector.shape_cast %broadcast_in_dim3A_443 : vector<256x1xi32> to vector<256x1xi32>
    %broadcast_in_dim3A_448 = vector.broadcast %broadcast_in_dim3A_447 : vector<256x1xi32> to vector<256x24xi32>
    %select_n3A_449 = arith.select %eq3A_446, %broadcast_in_dim3A_448, %select_n3A_427 : vector<256x24xi1>, vector<256x24xi32>
    %mul3A_450 = arith.constant 4096 : i32
    %mul3A_451 = arith.muli %arg0, %mul3A_450 : i32
    %add3A = vector.broadcast %mul3A_451 : i32 to vector<256x24xi32>
    %add3A_452 = arith.addi %select_n3A_449, %add3A : vector<256x24xi32>
    %swap3A = arith.constant 0 : index
    %swap3A_453 = arith.constant 0 : index
    %swap3A_454 = vector.load %arg5[%swap3A, %swap3A_453] : memref<256x24xi32, #tpu.memory_space<vmem>>, vector<256x24xi32>
    tpu.vector_store %arg5[%swap3A, %swap3A_453], %add3A_452 {strides = array<i32>} : memref<256x24xi32, #tpu.memory_space<vmem>>, vector<256x24xi32>,
    return
  }
  func.func @transform_0(%arg0: i32, %arg1: i32) -> (i32, i32, i32) {
    %c0_i32 = arith.constant 0 : i32
    %c0_i32_0 = arith.constant 0 : i32
    return %arg0, %arg1, %c0_i32 : i32, i32, i32
  }
  func.func @transform_1(%arg0: i32, %arg1: i32) -> (i32, i32, i32) {
    %c0_i32 = arith.constant 0 : i32
    %c0_i32_0 = arith.constant 0 : i32
    %c0_i32_1 = arith.constant 0 : i32
    return %arg0, %c0_i32, %c0_i32_0 : i32, i32, i32
  }
  func.func @transform_2(%arg0: i32, %arg1: i32) -> (i32, i32, i32) {
    %c0_i32 = arith.constant 0 : i32
    %c0_i32_0 = arith.constant 0 : i32
    %c0_i32_1 = arith.constant 0 : i32
    return %arg0, %c0_i32, %c0_i32_0 : i32, i32, i32
  }
  func.func @transform_3(%arg0: i32, %arg1: i32) -> (i32, i32) {
    %mul3A = arith.constant 16 : i32
    %mul3A_0 = arith.muli %arg0, %mul3A : i32
    %add3A = arith.addi %mul3A_0, %arg1 : i32
    %c0_i32 = arith.constant 0 : i32
    %c0_i32_1 = arith.constant 0 : i32
    return %add3A, %c0_i32 : i32, i32
  }
}

module attributes {stable_mosaic.version = 14 : i64} {
  func.func @_ec1_body(%arg0: i32, %arg1: i32, %arg2: memref<1x256x128xf32, #tpu.memory_space<vmem>>, %arg3: memref<20x256x128xf32, #tpu.memory_space<vmem>>, %arg4: memref<128x128xf32, #tpu.memory_space<vmem>>, %arg5: memref<1x128xf32, #tpu.memory_space<vmem>>, %arg6: memref<128x128xf32, #tpu.memory_space<vmem>>, %arg7: memref<1x128xf32, #tpu.memory_space<vmem>>, %arg8: memref<128x128xf32, #tpu.memory_space<vmem>>, %arg9: memref<1x128xf32, #tpu.memory_space<vmem>>, %arg10: memref<256x64xf32, #tpu.memory_space<vmem>>, %arg11: memref<1x64xf32, #tpu.memory_space<vmem>>, %arg12: memref<64x256xf32, #tpu.memory_space<vmem>>, %arg13: memref<1x256xf32, #tpu.memory_space<vmem>>, %arg14: memref<64x256xf32, #tpu.memory_space<vmem>>, %arg15: memref<1x256x64xf32, #tpu.memory_space<vmem>>, %arg16: memref<1x1x256xf32, #tpu.memory_space<vmem>>, %arg17: memref<1x256x256xf32, #tpu.memory_space<vmem>>, %arg18: memref<256x256xf32, #tpu.memory_space<vmem>>) attributes {dimension_semantics = [#tpu.dimension_semantics<parallel>, #tpu.dimension_semantics<parallel>], iteration_bounds = array<i64: 2, 16>, scalar_prefetch = 0 : i64, scratch_operands = 0 : i64, tpu.core_type = #tpu.core_type<tc>, window_params = [{transform_indices = @transform_0, window_bounds = array<i64: 1, 256, 128>}, {transform_indices = @transform_1, window_bounds = array<i64: 20, 256, 128>}, {pipeline_mode = #tpu.pipeline_mode<synchronous>, transform_indices = @transform_2, window_bounds = array<i64: 128, 128>}, {pipeline_mode = #tpu.pipeline_mode<synchronous>, transform_indices = @transform_3, window_bounds = array<i64: 1, 128>}, {pipeline_mode = #tpu.pipeline_mode<synchronous>, transform_indices = @transform_4, window_bounds = array<i64: 128, 128>}, {pipeline_mode = #tpu.pipeline_mode<synchronous>, transform_indices = @transform_5, window_bounds = array<i64: 1, 128>}, {pipeline_mode = #tpu.pipeline_mode<synchronous>, transform_indices = @transform_6, window_bounds = array<i64: 128, 128>}, {pipeline_mode = #tpu.pipeline_mode<synchronous>, transform_indices = @transform_7, window_bounds = array<i64: 1, 128>}, {pipeline_mode = #tpu.pipeline_mode<synchronous>, transform_indices = @transform_8, window_bounds = array<i64: 256, 64>}, {pipeline_mode = #tpu.pipeline_mode<synchronous>, transform_indices = @transform_9, window_bounds = array<i64: 1, 64>}, {pipeline_mode = #tpu.pipeline_mode<synchronous>, transform_indices = @transform_10, window_bounds = array<i64: 64, 256>}, {pipeline_mode = #tpu.pipeline_mode<synchronous>, transform_indices = @transform_11, window_bounds = array<i64: 1, 256>}, {pipeline_mode = #tpu.pipeline_mode<synchronous>, transform_indices = @transform_12, window_bounds = array<i64: 64, 256>}, {transform_indices = @transform_13, window_bounds = array<i64: 1, 256, 64>}, {transform_indices = @transform_14, window_bounds = array<i64: 1, 1, 256>}, {transform_indices = @transform_15, window_bounds = array<i64: 1, 256, 256>}, {transform_indices = @transform_16, window_bounds = array<i64: 256, 256>}]} {
    %get3A = arith.constant 0 : index
    %get3A_0 = arith.constant 0 : index
    %get3A_1 = arith.constant 0 : index
    %get3A_2 = vector.load %arg2[%get3A, %get3A_0, %get3A_1] : memref<1x256x128xf32, #tpu.memory_space<vmem>>, vector<1x256x128xf32>
    %get3A_3 = vector.shape_cast %get3A_2 : vector<1x256x128xf32> to vector<256x128xf32>
    %get3A_4 = arith.constant 0 : index
    %get3A_5 = arith.constant 0 : index
    %get3A_6 = vector.load %arg4[%get3A_4, %get3A_5] : memref<128x128xf32, #tpu.memory_space<vmem>>, vector<128x128xf32>
    %get3A_7 = arith.constant 0 : index
    %get3A_8 = arith.constant 0 : index
    %get3A_9 = vector.load %arg5[%get3A_7, %get3A_8] : memref<1x128xf32, #tpu.memory_space<vmem>>, vector<1x128xf32>
    %get3A_10 = arith.constant 0 : index
    %get3A_11 = arith.constant 0 : index
    %get3A_12 = arith.constant 0 : index
    %get3A_13 = vector.load %arg3[%get3A_10, %get3A_11, %get3A_12] : memref<20x256x128xf32, #tpu.memory_space<vmem>>, vector<1x256x128xf32>
    %get3A_14 = vector.shape_cast %get3A_13 : vector<1x256x128xf32> to vector<256x128xf32>
    %add3A = arith.addf %get3A_3, %get3A_14 : vector<256x128xf32>
    %jit3A = arith.constant 2.000000e-01 : f32
    %ge3A = arith.constant 0.000000e+00 : f32
    %ge3A_15 = vector.broadcast %ge3A : f32 to vector<256x128xf32>
    %ge3A_16 = arith.cmpf oge, %add3A, %ge3A_15 : vector<256x128xf32>
    %mul3A = vector.broadcast %jit3A : f32 to vector<256x128xf32>
    %mul3A_17 = arith.mulf %mul3A, %add3A : vector<256x128xf32>
    %select_n3A = arith.select %ge3A_16, %add3A, %mul3A_17 : vector<256x128xi1>, vector<256x128xf32>
    %dot_general3A = arith.constant dense<0.000000e+00> : vector<256x128xf32>
    %dot_general3A_18 = tpu.matmul %select_n3A, %get3A_6, %dot_general3A {dimension_numbers = #tpu.dot_dimension_numbers<[1], [0], [0], [1], [0, 0, 1, 1], [], []>, transpose_lhs_hint = false} : vector<256x128xf32>, vector<128x128xf32>, vector<256x128xf32> -> vector<256x128xf32>
    %add3A_19 = vector.broadcast %get3A_9 : vector<1x128xf32> to vector<256x128xf32>
    %add3A_20 = arith.addf %dot_general3A_18, %add3A_19 : vector<256x128xf32>
    %jit3A_21 = arith.constant 2.000000e-01 : f32
    %ge3A_22 = arith.constant 0.000000e+00 : f32
    %ge3A_23 = vector.broadcast %ge3A_22 : f32 to vector<256x128xf32>
    %ge3A_24 = arith.cmpf oge, %add3A_20, %ge3A_23 : vector<256x128xf32>
    %mul3A_25 = vector.broadcast %jit3A_21 : f32 to vector<256x128xf32>
    %mul3A_26 = arith.mulf %mul3A_25, %add3A_20 : vector<256x128xf32>
    %select_n3A_27 = arith.select %ge3A_24, %add3A_20, %mul3A_26 : vector<256x128xi1>, vector<256x128xf32>
    %get3A_28 = arith.constant 1 : index
    %get3A_29 = arith.constant 0 : index
    %get3A_30 = arith.constant 0 : index
    %get3A_31 = vector.load %arg3[%get3A_28, %get3A_29, %get3A_30] : memref<20x256x128xf32, #tpu.memory_space<vmem>>, vector<1x256x128xf32>
    %get3A_32 = vector.shape_cast %get3A_31 : vector<1x256x128xf32> to vector<256x128xf32>
    %add3A_33 = arith.addf %get3A_3, %get3A_32 : vector<256x128xf32>
    %jit3A_34 = arith.constant 2.000000e-01 : f32
    %ge3A_35 = arith.constant 0.000000e+00 : f32
    %ge3A_36 = vector.broadcast %ge3A_35 : f32 to vector<256x128xf32>
    %ge3A_37 = arith.cmpf oge, %add3A_33, %ge3A_36 : vector<256x128xf32>
    %mul3A_38 = vector.broadcast %jit3A_34 : f32 to vector<256x128xf32>
    %mul3A_39 = arith.mulf %mul3A_38, %add3A_33 : vector<256x128xf32>
    %select_n3A_40 = arith.select %ge3A_37, %add3A_33, %mul3A_39 : vector<256x128xi1>, vector<256x128xf32>
    %dot_general3A_41 = arith.constant dense<0.000000e+00> : vector<256x128xf32>
    %dot_general3A_42 = tpu.matmul %select_n3A_40, %get3A_6, %dot_general3A_41 {dimension_numbers = #tpu.dot_dimension_numbers<[1], [0], [0], [1], [0, 0, 1, 1], [], []>, transpose_lhs_hint = false} : vector<256x128xf32>, vector<128x128xf32>, vector<256x128xf32> -> vector<256x128xf32>
    %add3A_43 = vector.broadcast %get3A_9 : vector<1x128xf32> to vector<256x128xf32>
    %add3A_44 = arith.addf %dot_general3A_42, %add3A_43 : vector<256x128xf32>
    %jit3A_45 = arith.constant 2.000000e-01 : f32
    %ge3A_46 = arith.constant 0.000000e+00 : f32
    %ge3A_47 = vector.broadcast %ge3A_46 : f32 to vector<256x128xf32>
    %ge3A_48 = arith.cmpf oge, %add3A_44, %ge3A_47 : vector<256x128xf32>
    %mul3A_49 = vector.broadcast %jit3A_45 : f32 to vector<256x128xf32>
    %mul3A_50 = arith.mulf %mul3A_49, %add3A_44 : vector<256x128xf32>
    %select_n3A_51 = arith.select %ge3A_48, %add3A_44, %mul3A_50 : vector<256x128xi1>, vector<256x128xf32>
    %max3A = arith.maximumf %select_n3A_27, %select_n3A_51 : vector<256x128xf32>
    %get3A_52 = arith.constant 2 : index
    %get3A_53 = arith.constant 0 : index
    %get3A_54 = arith.constant 0 : index
    %get3A_55 = vector.load %arg3[%get3A_52, %get3A_53, %get3A_54] : memref<20x256x128xf32, #tpu.memory_space<vmem>>, vector<1x256x128xf32>
    %get3A_56 = vector.shape_cast %get3A_55 : vector<1x256x128xf32> to vector<256x128xf32>
    %add3A_57 = arith.addf %get3A_3, %get3A_56 : vector<256x128xf32>
    %jit3A_58 = arith.constant 2.000000e-01 : f32
    %ge3A_59 = arith.constant 0.000000e+00 : f32
    %ge3A_60 = vector.broadcast %ge3A_59 : f32 to vector<256x128xf32>
    %ge3A_61 = arith.cmpf oge, %add3A_57, %ge3A_60 : vector<256x128xf32>
    %mul3A_62 = vector.broadcast %jit3A_58 : f32 to vector<256x128xf32>
    %mul3A_63 = arith.mulf %mul3A_62, %add3A_57 : vector<256x128xf32>
    %select_n3A_64 = arith.select %ge3A_61, %add3A_57, %mul3A_63 : vector<256x128xi1>, vector<256x128xf32>
    %dot_general3A_65 = arith.constant dense<0.000000e+00> : vector<256x128xf32>
    %dot_general3A_66 = tpu.matmul %select_n3A_64, %get3A_6, %dot_general3A_65 {dimension_numbers = #tpu.dot_dimension_numbers<[1], [0], [0], [1], [0, 0, 1, 1], [], []>, transpose_lhs_hint = false} : vector<256x128xf32>, vector<128x128xf32>, vector<256x128xf32> -> vector<256x128xf32>
    %add3A_67 = vector.broadcast %get3A_9 : vector<1x128xf32> to vector<256x128xf32>
    %add3A_68 = arith.addf %dot_general3A_66, %add3A_67 : vector<256x128xf32>
    %jit3A_69 = arith.constant 2.000000e-01 : f32
    %ge3A_70 = arith.constant 0.000000e+00 : f32
    %ge3A_71 = vector.broadcast %ge3A_70 : f32 to vector<256x128xf32>
    %ge3A_72 = arith.cmpf oge, %add3A_68, %ge3A_71 : vector<256x128xf32>
    %mul3A_73 = vector.broadcast %jit3A_69 : f32 to vector<256x128xf32>
    %mul3A_74 = arith.mulf %mul3A_73, %add3A_68 : vector<256x128xf32>
    %select_n3A_75 = arith.select %ge3A_72, %add3A_68, %mul3A_74 : vector<256x128xi1>, vector<256x128xf32>
    %max3A_76 = arith.maximumf %max3A, %select_n3A_75 : vector<256x128xf32>
    %get3A_77 = arith.constant 3 : index
    %get3A_78 = arith.constant 0 : index
    %get3A_79 = arith.constant 0 : index
    %get3A_80 = vector.load %arg3[%get3A_77, %get3A_78, %get3A_79] : memref<20x256x128xf32, #tpu.memory_space<vmem>>, vector<1x256x128xf32>
    %get3A_81 = vector.shape_cast %get3A_80 : vector<1x256x128xf32> to vector<256x128xf32>
    %add3A_82 = arith.addf %get3A_3, %get3A_81 : vector<256x128xf32>
    %jit3A_83 = arith.constant 2.000000e-01 : f32
    %ge3A_84 = arith.constant 0.000000e+00 : f32
    %ge3A_85 = vector.broadcast %ge3A_84 : f32 to vector<256x128xf32>
    %ge3A_86 = arith.cmpf oge, %add3A_82, %ge3A_85 : vector<256x128xf32>
    %mul3A_87 = vector.broadcast %jit3A_83 : f32 to vector<256x128xf32>
    %mul3A_88 = arith.mulf %mul3A_87, %add3A_82 : vector<256x128xf32>
    %select_n3A_89 = arith.select %ge3A_86, %add3A_82, %mul3A_88 : vector<256x128xi1>, vector<256x128xf32>
    %dot_general3A_90 = arith.constant dense<0.000000e+00> : vector<256x128xf32>
    %dot_general3A_91 = tpu.matmul %select_n3A_89, %get3A_6, %dot_general3A_90 {dimension_numbers = #tpu.dot_dimension_numbers<[1], [0], [0], [1], [0, 0, 1, 1], [], []>, transpose_lhs_hint = false} : vector<256x128xf32>, vector<128x128xf32>, vector<256x128xf32> -> vector<256x128xf32>
    %add3A_92 = vector.broadcast %get3A_9 : vector<1x128xf32> to vector<256x128xf32>
    %add3A_93 = arith.addf %dot_general3A_91, %add3A_92 : vector<256x128xf32>
    %jit3A_94 = arith.constant 2.000000e-01 : f32
    %ge3A_95 = arith.constant 0.000000e+00 : f32
    %ge3A_96 = vector.broadcast %ge3A_95 : f32 to vector<256x128xf32>
    %ge3A_97 = arith.cmpf oge, %add3A_93, %ge3A_96 : vector<256x128xf32>
    %mul3A_98 = vector.broadcast %jit3A_94 : f32 to vector<256x128xf32>
    %mul3A_99 = arith.mulf %mul3A_98, %add3A_93 : vector<256x128xf32>
    %select_n3A_100 = arith.select %ge3A_97, %add3A_93, %mul3A_99 : vector<256x128xi1>, vector<256x128xf32>
    %max3A_101 = arith.maximumf %max3A_76, %select_n3A_100 : vector<256x128xf32>
    %get3A_102 = arith.constant 4 : index
    %get3A_103 = arith.constant 0 : index
    %get3A_104 = arith.constant 0 : index
    %get3A_105 = vector.load %arg3[%get3A_102, %get3A_103, %get3A_104] : memref<20x256x128xf32, #tpu.memory_space<vmem>>, vector<1x256x128xf32>
    %get3A_106 = vector.shape_cast %get3A_105 : vector<1x256x128xf32> to vector<256x128xf32>
    %add3A_107 = arith.addf %get3A_3, %get3A_106 : vector<256x128xf32>
    %jit3A_108 = arith.constant 2.000000e-01 : f32
    %ge3A_109 = arith.constant 0.000000e+00 : f32
    %ge3A_110 = vector.broadcast %ge3A_109 : f32 to vector<256x128xf32>
    %ge3A_111 = arith.cmpf oge, %add3A_107, %ge3A_110 : vector<256x128xf32>
    %mul3A_112 = vector.broadcast %jit3A_108 : f32 to vector<256x128xf32>
    %mul3A_113 = arith.mulf %mul3A_112, %add3A_107 : vector<256x128xf32>
    %select_n3A_114 = arith.select %ge3A_111, %add3A_107, %mul3A_113 : vector<256x128xi1>, vector<256x128xf32>
    %dot_general3A_115 = arith.constant dense<0.000000e+00> : vector<256x128xf32>
    %dot_general3A_116 = tpu.matmul %select_n3A_114, %get3A_6, %dot_general3A_115 {dimension_numbers = #tpu.dot_dimension_numbers<[1], [0], [0], [1], [0, 0, 1, 1], [], []>, transpose_lhs_hint = false} : vector<256x128xf32>, vector<128x128xf32>, vector<256x128xf32> -> vector<256x128xf32>
    %add3A_117 = vector.broadcast %get3A_9 : vector<1x128xf32> to vector<256x128xf32>
    %add3A_118 = arith.addf %dot_general3A_116, %add3A_117 : vector<256x128xf32>
    %jit3A_119 = arith.constant 2.000000e-01 : f32
    %ge3A_120 = arith.constant 0.000000e+00 : f32
    %ge3A_121 = vector.broadcast %ge3A_120 : f32 to vector<256x128xf32>
    %ge3A_122 = arith.cmpf oge, %add3A_118, %ge3A_121 : vector<256x128xf32>
    %mul3A_123 = vector.broadcast %jit3A_119 : f32 to vector<256x128xf32>
    %mul3A_124 = arith.mulf %mul3A_123, %add3A_118 : vector<256x128xf32>
    %select_n3A_125 = arith.select %ge3A_122, %add3A_118, %mul3A_124 : vector<256x128xi1>, vector<256x128xf32>
    %max3A_126 = arith.maximumf %max3A_101, %select_n3A_125 : vector<256x128xf32>
    %get3A_127 = arith.constant 5 : index
    %get3A_128 = arith.constant 0 : index
    %get3A_129 = arith.constant 0 : index
    %get3A_130 = vector.load %arg3[%get3A_127, %get3A_128, %get3A_129] : memref<20x256x128xf32, #tpu.memory_space<vmem>>, vector<1x256x128xf32>
    %get3A_131 = vector.shape_cast %get3A_130 : vector<1x256x128xf32> to vector<256x128xf32>
    %add3A_132 = arith.addf %get3A_3, %get3A_131 : vector<256x128xf32>
    %jit3A_133 = arith.constant 2.000000e-01 : f32
    %ge3A_134 = arith.constant 0.000000e+00 : f32
    %ge3A_135 = vector.broadcast %ge3A_134 : f32 to vector<256x128xf32>
    %ge3A_136 = arith.cmpf oge, %add3A_132, %ge3A_135 : vector<256x128xf32>
    %mul3A_137 = vector.broadcast %jit3A_133 : f32 to vector<256x128xf32>
    %mul3A_138 = arith.mulf %mul3A_137, %add3A_132 : vector<256x128xf32>
    %select_n3A_139 = arith.select %ge3A_136, %add3A_132, %mul3A_138 : vector<256x128xi1>, vector<256x128xf32>
    %dot_general3A_140 = arith.constant dense<0.000000e+00> : vector<256x128xf32>
    %dot_general3A_141 = tpu.matmul %select_n3A_139, %get3A_6, %dot_general3A_140 {dimension_numbers = #tpu.dot_dimension_numbers<[1], [0], [0], [1], [0, 0, 1, 1], [], []>, transpose_lhs_hint = false} : vector<256x128xf32>, vector<128x128xf32>, vector<256x128xf32> -> vector<256x128xf32>
    %add3A_142 = vector.broadcast %get3A_9 : vector<1x128xf32> to vector<256x128xf32>
    %add3A_143 = arith.addf %dot_general3A_141, %add3A_142 : vector<256x128xf32>
    %jit3A_144 = arith.constant 2.000000e-01 : f32
    %ge3A_145 = arith.constant 0.000000e+00 : f32
    %ge3A_146 = vector.broadcast %ge3A_145 : f32 to vector<256x128xf32>
    %ge3A_147 = arith.cmpf oge, %add3A_143, %ge3A_146 : vector<256x128xf32>
    %mul3A_148 = vector.broadcast %jit3A_144 : f32 to vector<256x128xf32>
    %mul3A_149 = arith.mulf %mul3A_148, %add3A_143 : vector<256x128xf32>
    %select_n3A_150 = arith.select %ge3A_147, %add3A_143, %mul3A_149 : vector<256x128xi1>, vector<256x128xf32>
    %max3A_151 = arith.maximumf %max3A_126, %select_n3A_150 : vector<256x128xf32>
    %get3A_152 = arith.constant 6 : index
    %get3A_153 = arith.constant 0 : index
    %get3A_154 = arith.constant 0 : index
    %get3A_155 = vector.load %arg3[%get3A_152, %get3A_153, %get3A_154] : memref<20x256x128xf32, #tpu.memory_space<vmem>>, vector<1x256x128xf32>
    %get3A_156 = vector.shape_cast %get3A_155 : vector<1x256x128xf32> to vector<256x128xf32>
    %add3A_157 = arith.addf %get3A_3, %get3A_156 : vector<256x128xf32>
    %jit3A_158 = arith.constant 2.000000e-01 : f32
    %ge3A_159 = arith.constant 0.000000e+00 : f32
    %ge3A_160 = vector.broadcast %ge3A_159 : f32 to vector<256x128xf32>
    %ge3A_161 = arith.cmpf oge, %add3A_157, %ge3A_160 : vector<256x128xf32>
    %mul3A_162 = vector.broadcast %jit3A_158 : f32 to vector<256x128xf32>
    %mul3A_163 = arith.mulf %mul3A_162, %add3A_157 : vector<256x128xf32>
    %select_n3A_164 = arith.select %ge3A_161, %add3A_157, %mul3A_163 : vector<256x128xi1>, vector<256x128xf32>
    %dot_general3A_165 = arith.constant dense<0.000000e+00> : vector<256x128xf32>
    %dot_general3A_166 = tpu.matmul %select_n3A_164, %get3A_6, %dot_general3A_165 {dimension_numbers = #tpu.dot_dimension_numbers<[1], [0], [0], [1], [0, 0, 1, 1], [], []>, transpose_lhs_hint = false} : vector<256x128xf32>, vector<128x128xf32>, vector<256x128xf32> -> vector<256x128xf32>
    %add3A_167 = vector.broadcast %get3A_9 : vector<1x128xf32> to vector<256x128xf32>
    %add3A_168 = arith.addf %dot_general3A_166, %add3A_167 : vector<256x128xf32>
    %jit3A_169 = arith.constant 2.000000e-01 : f32
    %ge3A_170 = arith.constant 0.000000e+00 : f32
    %ge3A_171 = vector.broadcast %ge3A_170 : f32 to vector<256x128xf32>
    %ge3A_172 = arith.cmpf oge, %add3A_168, %ge3A_171 : vector<256x128xf32>
    %mul3A_173 = vector.broadcast %jit3A_169 : f32 to vector<256x128xf32>
    %mul3A_174 = arith.mulf %mul3A_173, %add3A_168 : vector<256x128xf32>
    %select_n3A_175 = arith.select %ge3A_172, %add3A_168, %mul3A_174 : vector<256x128xi1>, vector<256x128xf32>
    %max3A_176 = arith.maximumf %max3A_151, %select_n3A_175 : vector<256x128xf32>
    %get3A_177 = arith.constant 7 : index
    %get3A_178 = arith.constant 0 : index
    %get3A_179 = arith.constant 0 : index
    %get3A_180 = vector.load %arg3[%get3A_177, %get3A_178, %get3A_179] : memref<20x256x128xf32, #tpu.memory_space<vmem>>, vector<1x256x128xf32>
    %get3A_181 = vector.shape_cast %get3A_180 : vector<1x256x128xf32> to vector<256x128xf32>
    %add3A_182 = arith.addf %get3A_3, %get3A_181 : vector<256x128xf32>
    %jit3A_183 = arith.constant 2.000000e-01 : f32
    %ge3A_184 = arith.constant 0.000000e+00 : f32
    %ge3A_185 = vector.broadcast %ge3A_184 : f32 to vector<256x128xf32>
    %ge3A_186 = arith.cmpf oge, %add3A_182, %ge3A_185 : vector<256x128xf32>
    %mul3A_187 = vector.broadcast %jit3A_183 : f32 to vector<256x128xf32>
    %mul3A_188 = arith.mulf %mul3A_187, %add3A_182 : vector<256x128xf32>
    %select_n3A_189 = arith.select %ge3A_186, %add3A_182, %mul3A_188 : vector<256x128xi1>, vector<256x128xf32>
    %dot_general3A_190 = arith.constant dense<0.000000e+00> : vector<256x128xf32>
    %dot_general3A_191 = tpu.matmul %select_n3A_189, %get3A_6, %dot_general3A_190 {dimension_numbers = #tpu.dot_dimension_numbers<[1], [0], [0], [1], [0, 0, 1, 1], [], []>, transpose_lhs_hint = false} : vector<256x128xf32>, vector<128x128xf32>, vector<256x128xf32> -> vector<256x128xf32>
    %add3A_192 = vector.broadcast %get3A_9 : vector<1x128xf32> to vector<256x128xf32>
    %add3A_193 = arith.addf %dot_general3A_191, %add3A_192 : vector<256x128xf32>
    %jit3A_194 = arith.constant 2.000000e-01 : f32
    %ge3A_195 = arith.constant 0.000000e+00 : f32
    %ge3A_196 = vector.broadcast %ge3A_195 : f32 to vector<256x128xf32>
    %ge3A_197 = arith.cmpf oge, %add3A_193, %ge3A_196 : vector<256x128xf32>
    %mul3A_198 = vector.broadcast %jit3A_194 : f32 to vector<256x128xf32>
    %mul3A_199 = arith.mulf %mul3A_198, %add3A_193 : vector<256x128xf32>
    %select_n3A_200 = arith.select %ge3A_197, %add3A_193, %mul3A_199 : vector<256x128xi1>, vector<256x128xf32>
    %max3A_201 = arith.maximumf %max3A_176, %select_n3A_200 : vector<256x128xf32>
    %get3A_202 = arith.constant 8 : index
    %get3A_203 = arith.constant 0 : index
    %get3A_204 = arith.constant 0 : index
    %get3A_205 = vector.load %arg3[%get3A_202, %get3A_203, %get3A_204] : memref<20x256x128xf32, #tpu.memory_space<vmem>>, vector<1x256x128xf32>
    %get3A_206 = vector.shape_cast %get3A_205 : vector<1x256x128xf32> to vector<256x128xf32>
    %add3A_207 = arith.addf %get3A_3, %get3A_206 : vector<256x128xf32>
    %jit3A_208 = arith.constant 2.000000e-01 : f32
    %ge3A_209 = arith.constant 0.000000e+00 : f32
    %ge3A_210 = vector.broadcast %ge3A_209 : f32 to vector<256x128xf32>
    %ge3A_211 = arith.cmpf oge, %add3A_207, %ge3A_210 : vector<256x128xf32>
    %mul3A_212 = vector.broadcast %jit3A_208 : f32 to vector<256x128xf32>
    %mul3A_213 = arith.mulf %mul3A_212, %add3A_207 : vector<256x128xf32>
    %select_n3A_214 = arith.select %ge3A_211, %add3A_207, %mul3A_213 : vector<256x128xi1>, vector<256x128xf32>
    %dot_general3A_215 = arith.constant dense<0.000000e+00> : vector<256x128xf32>
    %dot_general3A_216 = tpu.matmul %select_n3A_214, %get3A_6, %dot_general3A_215 {dimension_numbers = #tpu.dot_dimension_numbers<[1], [0], [0], [1], [0, 0, 1, 1], [], []>, transpose_lhs_hint = false} : vector<256x128xf32>, vector<128x128xf32>, vector<256x128xf32> -> vector<256x128xf32>
    %add3A_217 = vector.broadcast %get3A_9 : vector<1x128xf32> to vector<256x128xf32>
    %add3A_218 = arith.addf %dot_general3A_216, %add3A_217 : vector<256x128xf32>
    %jit3A_219 = arith.constant 2.000000e-01 : f32
    %ge3A_220 = arith.constant 0.000000e+00 : f32
    %ge3A_221 = vector.broadcast %ge3A_220 : f32 to vector<256x128xf32>
    %ge3A_222 = arith.cmpf oge, %add3A_218, %ge3A_221 : vector<256x128xf32>
    %mul3A_223 = vector.broadcast %jit3A_219 : f32 to vector<256x128xf32>
    %mul3A_224 = arith.mulf %mul3A_223, %add3A_218 : vector<256x128xf32>
    %select_n3A_225 = arith.select %ge3A_222, %add3A_218, %mul3A_224 : vector<256x128xi1>, vector<256x128xf32>
    %max3A_226 = arith.maximumf %max3A_201, %select_n3A_225 : vector<256x128xf32>
    %get3A_227 = arith.constant 9 : index
    %get3A_228 = arith.constant 0 : index
    %get3A_229 = arith.constant 0 : index
    %get3A_230 = vector.load %arg3[%get3A_227, %get3A_228, %get3A_229] : memref<20x256x128xf32, #tpu.memory_space<vmem>>, vector<1x256x128xf32>
    %get3A_231 = vector.shape_cast %get3A_230 : vector<1x256x128xf32> to vector<256x128xf32>
    %add3A_232 = arith.addf %get3A_3, %get3A_231 : vector<256x128xf32>
    %jit3A_233 = arith.constant 2.000000e-01 : f32
    %ge3A_234 = arith.constant 0.000000e+00 : f32
    %ge3A_235 = vector.broadcast %ge3A_234 : f32 to vector<256x128xf32>
    %ge3A_236 = arith.cmpf oge, %add3A_232, %ge3A_235 : vector<256x128xf32>
    %mul3A_237 = vector.broadcast %jit3A_233 : f32 to vector<256x128xf32>
    %mul3A_238 = arith.mulf %mul3A_237, %add3A_232 : vector<256x128xf32>
    %select_n3A_239 = arith.select %ge3A_236, %add3A_232, %mul3A_238 : vector<256x128xi1>, vector<256x128xf32>
    %dot_general3A_240 = arith.constant dense<0.000000e+00> : vector<256x128xf32>
    %dot_general3A_241 = tpu.matmul %select_n3A_239, %get3A_6, %dot_general3A_240 {dimension_numbers = #tpu.dot_dimension_numbers<[1], [0], [0], [1], [0, 0, 1, 1], [], []>, transpose_lhs_hint = false} : vector<256x128xf32>, vector<128x128xf32>, vector<256x128xf32> -> vector<256x128xf32>
    %add3A_242 = vector.broadcast %get3A_9 : vector<1x128xf32> to vector<256x128xf32>
    %add3A_243 = arith.addf %dot_general3A_241, %add3A_242 : vector<256x128xf32>
    %jit3A_244 = arith.constant 2.000000e-01 : f32
    %ge3A_245 = arith.constant 0.000000e+00 : f32
    %ge3A_246 = vector.broadcast %ge3A_245 : f32 to vector<256x128xf32>
    %ge3A_247 = arith.cmpf oge, %add3A_243, %ge3A_246 : vector<256x128xf32>
    %mul3A_248 = vector.broadcast %jit3A_244 : f32 to vector<256x128xf32>
    %mul3A_249 = arith.mulf %mul3A_248, %add3A_243 : vector<256x128xf32>
    %select_n3A_250 = arith.select %ge3A_247, %add3A_243, %mul3A_249 : vector<256x128xi1>, vector<256x128xf32>
    %max3A_251 = arith.maximumf %max3A_226, %select_n3A_250 : vector<256x128xf32>
    %get3A_252 = arith.constant 10 : index
    %get3A_253 = arith.constant 0 : index
    %get3A_254 = arith.constant 0 : index
    %get3A_255 = vector.load %arg3[%get3A_252, %get3A_253, %get3A_254] : memref<20x256x128xf32, #tpu.memory_space<vmem>>, vector<1x256x128xf32>
    %get3A_256 = vector.shape_cast %get3A_255 : vector<1x256x128xf32> to vector<256x128xf32>
    %add3A_257 = arith.addf %get3A_3, %get3A_256 : vector<256x128xf32>
    %jit3A_258 = arith.constant 2.000000e-01 : f32
    %ge3A_259 = arith.constant 0.000000e+00 : f32
    %ge3A_260 = vector.broadcast %ge3A_259 : f32 to vector<256x128xf32>
    %ge3A_261 = arith.cmpf oge, %add3A_257, %ge3A_260 : vector<256x128xf32>
    %mul3A_262 = vector.broadcast %jit3A_258 : f32 to vector<256x128xf32>
    %mul3A_263 = arith.mulf %mul3A_262, %add3A_257 : vector<256x128xf32>
    %select_n3A_264 = arith.select %ge3A_261, %add3A_257, %mul3A_263 : vector<256x128xi1>, vector<256x128xf32>
    %dot_general3A_265 = arith.constant dense<0.000000e+00> : vector<256x128xf32>
    %dot_general3A_266 = tpu.matmul %select_n3A_264, %get3A_6, %dot_general3A_265 {dimension_numbers = #tpu.dot_dimension_numbers<[1], [0], [0], [1], [0, 0, 1, 1], [], []>, transpose_lhs_hint = false} : vector<256x128xf32>, vector<128x128xf32>, vector<256x128xf32> -> vector<256x128xf32>
    %add3A_267 = vector.broadcast %get3A_9 : vector<1x128xf32> to vector<256x128xf32>
    %add3A_268 = arith.addf %dot_general3A_266, %add3A_267 : vector<256x128xf32>
    %jit3A_269 = arith.constant 2.000000e-01 : f32
    %ge3A_270 = arith.constant 0.000000e+00 : f32
    %ge3A_271 = vector.broadcast %ge3A_270 : f32 to vector<256x128xf32>
    %ge3A_272 = arith.cmpf oge, %add3A_268, %ge3A_271 : vector<256x128xf32>
    %mul3A_273 = vector.broadcast %jit3A_269 : f32 to vector<256x128xf32>
    %mul3A_274 = arith.mulf %mul3A_273, %add3A_268 : vector<256x128xf32>
    %select_n3A_275 = arith.select %ge3A_272, %add3A_268, %mul3A_274 : vector<256x128xi1>, vector<256x128xf32>
    %max3A_276 = arith.maximumf %max3A_251, %select_n3A_275 : vector<256x128xf32>
    %get3A_277 = arith.constant 11 : index
    %get3A_278 = arith.constant 0 : index
    %get3A_279 = arith.constant 0 : index
    %get3A_280 = vector.load %arg3[%get3A_277, %get3A_278, %get3A_279] : memref<20x256x128xf32, #tpu.memory_space<vmem>>, vector<1x256x128xf32>
    %get3A_281 = vector.shape_cast %get3A_280 : vector<1x256x128xf32> to vector<256x128xf32>
    %add3A_282 = arith.addf %get3A_3, %get3A_281 : vector<256x128xf32>
    %jit3A_283 = arith.constant 2.000000e-01 : f32
    %ge3A_284 = arith.constant 0.000000e+00 : f32
    %ge3A_285 = vector.broadcast %ge3A_284 : f32 to vector<256x128xf32>
    %ge3A_286 = arith.cmpf oge, %add3A_282, %ge3A_285 : vector<256x128xf32>
    %mul3A_287 = vector.broadcast %jit3A_283 : f32 to vector<256x128xf32>
    %mul3A_288 = arith.mulf %mul3A_287, %add3A_282 : vector<256x128xf32>
    %select_n3A_289 = arith.select %ge3A_286, %add3A_282, %mul3A_288 : vector<256x128xi1>, vector<256x128xf32>
    %dot_general3A_290 = arith.constant dense<0.000000e+00> : vector<256x128xf32>
    %dot_general3A_291 = tpu.matmul %select_n3A_289, %get3A_6, %dot_general3A_290 {dimension_numbers = #tpu.dot_dimension_numbers<[1], [0], [0], [1], [0, 0, 1, 1], [], []>, transpose_lhs_hint = false} : vector<256x128xf32>, vector<128x128xf32>, vector<256x128xf32> -> vector<256x128xf32>
    %add3A_292 = vector.broadcast %get3A_9 : vector<1x128xf32> to vector<256x128xf32>
    %add3A_293 = arith.addf %dot_general3A_291, %add3A_292 : vector<256x128xf32>
    %jit3A_294 = arith.constant 2.000000e-01 : f32
    %ge3A_295 = arith.constant 0.000000e+00 : f32
    %ge3A_296 = vector.broadcast %ge3A_295 : f32 to vector<256x128xf32>
    %ge3A_297 = arith.cmpf oge, %add3A_293, %ge3A_296 : vector<256x128xf32>
    %mul3A_298 = vector.broadcast %jit3A_294 : f32 to vector<256x128xf32>
    %mul3A_299 = arith.mulf %mul3A_298, %add3A_293 : vector<256x128xf32>
    %select_n3A_300 = arith.select %ge3A_297, %add3A_293, %mul3A_299 : vector<256x128xi1>, vector<256x128xf32>
    %max3A_301 = arith.maximumf %max3A_276, %select_n3A_300 : vector<256x128xf32>
    %get3A_302 = arith.constant 12 : index
    %get3A_303 = arith.constant 0 : index
    %get3A_304 = arith.constant 0 : index
    %get3A_305 = vector.load %arg3[%get3A_302, %get3A_303, %get3A_304] : memref<20x256x128xf32, #tpu.memory_space<vmem>>, vector<1x256x128xf32>
    %get3A_306 = vector.shape_cast %get3A_305 : vector<1x256x128xf32> to vector<256x128xf32>
    %add3A_307 = arith.addf %get3A_3, %get3A_306 : vector<256x128xf32>
    %jit3A_308 = arith.constant 2.000000e-01 : f32
    %ge3A_309 = arith.constant 0.000000e+00 : f32
    %ge3A_310 = vector.broadcast %ge3A_309 : f32 to vector<256x128xf32>
    %ge3A_311 = arith.cmpf oge, %add3A_307, %ge3A_310 : vector<256x128xf32>
    %mul3A_312 = vector.broadcast %jit3A_308 : f32 to vector<256x128xf32>
    %mul3A_313 = arith.mulf %mul3A_312, %add3A_307 : vector<256x128xf32>
    %select_n3A_314 = arith.select %ge3A_311, %add3A_307, %mul3A_313 : vector<256x128xi1>, vector<256x128xf32>
    %dot_general3A_315 = arith.constant dense<0.000000e+00> : vector<256x128xf32>
    %dot_general3A_316 = tpu.matmul %select_n3A_314, %get3A_6, %dot_general3A_315 {dimension_numbers = #tpu.dot_dimension_numbers<[1], [0], [0], [1], [0, 0, 1, 1], [], []>, transpose_lhs_hint = false} : vector<256x128xf32>, vector<128x128xf32>, vector<256x128xf32> -> vector<256x128xf32>
    %add3A_317 = vector.broadcast %get3A_9 : vector<1x128xf32> to vector<256x128xf32>
    %add3A_318 = arith.addf %dot_general3A_316, %add3A_317 : vector<256x128xf32>
    %jit3A_319 = arith.constant 2.000000e-01 : f32
    %ge3A_320 = arith.constant 0.000000e+00 : f32
    %ge3A_321 = vector.broadcast %ge3A_320 : f32 to vector<256x128xf32>
    %ge3A_322 = arith.cmpf oge, %add3A_318, %ge3A_321 : vector<256x128xf32>
    %mul3A_323 = vector.broadcast %jit3A_319 : f32 to vector<256x128xf32>
    %mul3A_324 = arith.mulf %mul3A_323, %add3A_318 : vector<256x128xf32>
    %select_n3A_325 = arith.select %ge3A_322, %add3A_318, %mul3A_324 : vector<256x128xi1>, vector<256x128xf32>
    %max3A_326 = arith.maximumf %max3A_301, %select_n3A_325 : vector<256x128xf32>
    %get3A_327 = arith.constant 13 : index
    %get3A_328 = arith.constant 0 : index
    %get3A_329 = arith.constant 0 : index
    %get3A_330 = vector.load %arg3[%get3A_327, %get3A_328, %get3A_329] : memref<20x256x128xf32, #tpu.memory_space<vmem>>, vector<1x256x128xf32>
    %get3A_331 = vector.shape_cast %get3A_330 : vector<1x256x128xf32> to vector<256x128xf32>
    %add3A_332 = arith.addf %get3A_3, %get3A_331 : vector<256x128xf32>
    %jit3A_333 = arith.constant 2.000000e-01 : f32
    %ge3A_334 = arith.constant 0.000000e+00 : f32
    %ge3A_335 = vector.broadcast %ge3A_334 : f32 to vector<256x128xf32>
    %ge3A_336 = arith.cmpf oge, %add3A_332, %ge3A_335 : vector<256x128xf32>
    %mul3A_337 = vector.broadcast %jit3A_333 : f32 to vector<256x128xf32>
    %mul3A_338 = arith.mulf %mul3A_337, %add3A_332 : vector<256x128xf32>
    %select_n3A_339 = arith.select %ge3A_336, %add3A_332, %mul3A_338 : vector<256x128xi1>, vector<256x128xf32>
    %dot_general3A_340 = arith.constant dense<0.000000e+00> : vector<256x128xf32>
    %dot_general3A_341 = tpu.matmul %select_n3A_339, %get3A_6, %dot_general3A_340 {dimension_numbers = #tpu.dot_dimension_numbers<[1], [0], [0], [1], [0, 0, 1, 1], [], []>, transpose_lhs_hint = false} : vector<256x128xf32>, vector<128x128xf32>, vector<256x128xf32> -> vector<256x128xf32>
    %add3A_342 = vector.broadcast %get3A_9 : vector<1x128xf32> to vector<256x128xf32>
    %add3A_343 = arith.addf %dot_general3A_341, %add3A_342 : vector<256x128xf32>
    %jit3A_344 = arith.constant 2.000000e-01 : f32
    %ge3A_345 = arith.constant 0.000000e+00 : f32
    %ge3A_346 = vector.broadcast %ge3A_345 : f32 to vector<256x128xf32>
    %ge3A_347 = arith.cmpf oge, %add3A_343, %ge3A_346 : vector<256x128xf32>
    %mul3A_348 = vector.broadcast %jit3A_344 : f32 to vector<256x128xf32>
    %mul3A_349 = arith.mulf %mul3A_348, %add3A_343 : vector<256x128xf32>
    %select_n3A_350 = arith.select %ge3A_347, %add3A_343, %mul3A_349 : vector<256x128xi1>, vector<256x128xf32>
    %max3A_351 = arith.maximumf %max3A_326, %select_n3A_350 : vector<256x128xf32>
    %get3A_352 = arith.constant 14 : index
    %get3A_353 = arith.constant 0 : index
    %get3A_354 = arith.constant 0 : index
    %get3A_355 = vector.load %arg3[%get3A_352, %get3A_353, %get3A_354] : memref<20x256x128xf32, #tpu.memory_space<vmem>>, vector<1x256x128xf32>
    %get3A_356 = vector.shape_cast %get3A_355 : vector<1x256x128xf32> to vector<256x128xf32>
    %add3A_357 = arith.addf %get3A_3, %get3A_356 : vector<256x128xf32>
    %jit3A_358 = arith.constant 2.000000e-01 : f32
    %ge3A_359 = arith.constant 0.000000e+00 : f32
    %ge3A_360 = vector.broadcast %ge3A_359 : f32 to vector<256x128xf32>
    %ge3A_361 = arith.cmpf oge, %add3A_357, %ge3A_360 : vector<256x128xf32>
    %mul3A_362 = vector.broadcast %jit3A_358 : f32 to vector<256x128xf32>
    %mul3A_363 = arith.mulf %mul3A_362, %add3A_357 : vector<256x128xf32>
    %select_n3A_364 = arith.select %ge3A_361, %add3A_357, %mul3A_363 : vector<256x128xi1>, vector<256x128xf32>
    %dot_general3A_365 = arith.constant dense<0.000000e+00> : vector<256x128xf32>
    %dot_general3A_366 = tpu.matmul %select_n3A_364, %get3A_6, %dot_general3A_365 {dimension_numbers = #tpu.dot_dimension_numbers<[1], [0], [0], [1], [0, 0, 1, 1], [], []>, transpose_lhs_hint = false} : vector<256x128xf32>, vector<128x128xf32>, vector<256x128xf32> -> vector<256x128xf32>
    %add3A_367 = vector.broadcast %get3A_9 : vector<1x128xf32> to vector<256x128xf32>
    %add3A_368 = arith.addf %dot_general3A_366, %add3A_367 : vector<256x128xf32>
    %jit3A_369 = arith.constant 2.000000e-01 : f32
    %ge3A_370 = arith.constant 0.000000e+00 : f32
    %ge3A_371 = vector.broadcast %ge3A_370 : f32 to vector<256x128xf32>
    %ge3A_372 = arith.cmpf oge, %add3A_368, %ge3A_371 : vector<256x128xf32>
    %mul3A_373 = vector.broadcast %jit3A_369 : f32 to vector<256x128xf32>
    %mul3A_374 = arith.mulf %mul3A_373, %add3A_368 : vector<256x128xf32>
    %select_n3A_375 = arith.select %ge3A_372, %add3A_368, %mul3A_374 : vector<256x128xi1>, vector<256x128xf32>
    %max3A_376 = arith.maximumf %max3A_351, %select_n3A_375 : vector<256x128xf32>
    %get3A_377 = arith.constant 15 : index
    %get3A_378 = arith.constant 0 : index
    %get3A_379 = arith.constant 0 : index
    %get3A_380 = vector.load %arg3[%get3A_377, %get3A_378, %get3A_379] : memref<20x256x128xf32, #tpu.memory_space<vmem>>, vector<1x256x128xf32>
    %get3A_381 = vector.shape_cast %get3A_380 : vector<1x256x128xf32> to vector<256x128xf32>
    %add3A_382 = arith.addf %get3A_3, %get3A_381 : vector<256x128xf32>
    %jit3A_383 = arith.constant 2.000000e-01 : f32
    %ge3A_384 = arith.constant 0.000000e+00 : f32
    %ge3A_385 = vector.broadcast %ge3A_384 : f32 to vector<256x128xf32>
    %ge3A_386 = arith.cmpf oge, %add3A_382, %ge3A_385 : vector<256x128xf32>
    %mul3A_387 = vector.broadcast %jit3A_383 : f32 to vector<256x128xf32>
    %mul3A_388 = arith.mulf %mul3A_387, %add3A_382 : vector<256x128xf32>
    %select_n3A_389 = arith.select %ge3A_386, %add3A_382, %mul3A_388 : vector<256x128xi1>, vector<256x128xf32>
    %dot_general3A_390 = arith.constant dense<0.000000e+00> : vector<256x128xf32>
    %dot_general3A_391 = tpu.matmul %select_n3A_389, %get3A_6, %dot_general3A_390 {dimension_numbers = #tpu.dot_dimension_numbers<[1], [0], [0], [1], [0, 0, 1, 1], [], []>, transpose_lhs_hint = false} : vector<256x128xf32>, vector<128x128xf32>, vector<256x128xf32> -> vector<256x128xf32>
    %add3A_392 = vector.broadcast %get3A_9 : vector<1x128xf32> to vector<256x128xf32>
    %add3A_393 = arith.addf %dot_general3A_391, %add3A_392 : vector<256x128xf32>
    %jit3A_394 = arith.constant 2.000000e-01 : f32
    %ge3A_395 = arith.constant 0.000000e+00 : f32
    %ge3A_396 = vector.broadcast %ge3A_395 : f32 to vector<256x128xf32>
    %ge3A_397 = arith.cmpf oge, %add3A_393, %ge3A_396 : vector<256x128xf32>
    %mul3A_398 = vector.broadcast %jit3A_394 : f32 to vector<256x128xf32>
    %mul3A_399 = arith.mulf %mul3A_398, %add3A_393 : vector<256x128xf32>
    %select_n3A_400 = arith.select %ge3A_397, %add3A_393, %mul3A_399 : vector<256x128xi1>, vector<256x128xf32>
    %max3A_401 = arith.maximumf %max3A_376, %select_n3A_400 : vector<256x128xf32>
    %get3A_402 = arith.constant 16 : index
    %get3A_403 = arith.constant 0 : index
    %get3A_404 = arith.constant 0 : index
    %get3A_405 = vector.load %arg3[%get3A_402, %get3A_403, %get3A_404] : memref<20x256x128xf32, #tpu.memory_space<vmem>>, vector<1x256x128xf32>
    %get3A_406 = vector.shape_cast %get3A_405 : vector<1x256x128xf32> to vector<256x128xf32>
    %add3A_407 = arith.addf %get3A_3, %get3A_406 : vector<256x128xf32>
    %jit3A_408 = arith.constant 2.000000e-01 : f32
    %ge3A_409 = arith.constant 0.000000e+00 : f32
    %ge3A_410 = vector.broadcast %ge3A_409 : f32 to vector<256x128xf32>
    %ge3A_411 = arith.cmpf oge, %add3A_407, %ge3A_410 : vector<256x128xf32>
    %mul3A_412 = vector.broadcast %jit3A_408 : f32 to vector<256x128xf32>
    %mul3A_413 = arith.mulf %mul3A_412, %add3A_407 : vector<256x128xf32>
    %select_n3A_414 = arith.select %ge3A_411, %add3A_407, %mul3A_413 : vector<256x128xi1>, vector<256x128xf32>
    %dot_general3A_415 = arith.constant dense<0.000000e+00> : vector<256x128xf32>
    %dot_general3A_416 = tpu.matmul %select_n3A_414, %get3A_6, %dot_general3A_415 {dimension_numbers = #tpu.dot_dimension_numbers<[1], [0], [0], [1], [0, 0, 1, 1], [], []>, transpose_lhs_hint = false} : vector<256x128xf32>, vector<128x128xf32>, vector<256x128xf32> -> vector<256x128xf32>
    %add3A_417 = vector.broadcast %get3A_9 : vector<1x128xf32> to vector<256x128xf32>
    %add3A_418 = arith.addf %dot_general3A_416, %add3A_417 : vector<256x128xf32>
    %jit3A_419 = arith.constant 2.000000e-01 : f32
    %ge3A_420 = arith.constant 0.000000e+00 : f32
    %ge3A_421 = vector.broadcast %ge3A_420 : f32 to vector<256x128xf32>
    %ge3A_422 = arith.cmpf oge, %add3A_418, %ge3A_421 : vector<256x128xf32>
    %mul3A_423 = vector.broadcast %jit3A_419 : f32 to vector<256x128xf32>
    %mul3A_424 = arith.mulf %mul3A_423, %add3A_418 : vector<256x128xf32>
    %select_n3A_425 = arith.select %ge3A_422, %add3A_418, %mul3A_424 : vector<256x128xi1>, vector<256x128xf32>
    %max3A_426 = arith.maximumf %max3A_401, %select_n3A_425 : vector<256x128xf32>
    %get3A_427 = arith.constant 17 : index
    %get3A_428 = arith.constant 0 : index
    %get3A_429 = arith.constant 0 : index
    %get3A_430 = vector.load %arg3[%get3A_427, %get3A_428, %get3A_429] : memref<20x256x128xf32, #tpu.memory_space<vmem>>, vector<1x256x128xf32>
    %get3A_431 = vector.shape_cast %get3A_430 : vector<1x256x128xf32> to vector<256x128xf32>
    %add3A_432 = arith.addf %get3A_3, %get3A_431 : vector<256x128xf32>
    %jit3A_433 = arith.constant 2.000000e-01 : f32
    %ge3A_434 = arith.constant 0.000000e+00 : f32
    %ge3A_435 = vector.broadcast %ge3A_434 : f32 to vector<256x128xf32>
    %ge3A_436 = arith.cmpf oge, %add3A_432, %ge3A_435 : vector<256x128xf32>
    %mul3A_437 = vector.broadcast %jit3A_433 : f32 to vector<256x128xf32>
    %mul3A_438 = arith.mulf %mul3A_437, %add3A_432 : vector<256x128xf32>
    %select_n3A_439 = arith.select %ge3A_436, %add3A_432, %mul3A_438 : vector<256x128xi1>, vector<256x128xf32>
    %dot_general3A_440 = arith.constant dense<0.000000e+00> : vector<256x128xf32>
    %dot_general3A_441 = tpu.matmul %select_n3A_439, %get3A_6, %dot_general3A_440 {dimension_numbers = #tpu.dot_dimension_numbers<[1], [0], [0], [1], [0, 0, 1, 1], [], []>, transpose_lhs_hint = false} : vector<256x128xf32>, vector<128x128xf32>, vector<256x128xf32> -> vector<256x128xf32>
    %add3A_442 = vector.broadcast %get3A_9 : vector<1x128xf32> to vector<256x128xf32>
    %add3A_443 = arith.addf %dot_general3A_441, %add3A_442 : vector<256x128xf32>
    %jit3A_444 = arith.constant 2.000000e-01 : f32
    %ge3A_445 = arith.constant 0.000000e+00 : f32
    %ge3A_446 = vector.broadcast %ge3A_445 : f32 to vector<256x128xf32>
    %ge3A_447 = arith.cmpf oge, %add3A_443, %ge3A_446 : vector<256x128xf32>
    %mul3A_448 = vector.broadcast %jit3A_444 : f32 to vector<256x128xf32>
    %mul3A_449 = arith.mulf %mul3A_448, %add3A_443 : vector<256x128xf32>
    %select_n3A_450 = arith.select %ge3A_447, %add3A_443, %mul3A_449 : vector<256x128xi1>, vector<256x128xf32>
    %max3A_451 = arith.maximumf %max3A_426, %select_n3A_450 : vector<256x128xf32>
    %get3A_452 = arith.constant 18 : index
    %get3A_453 = arith.constant 0 : index
    %get3A_454 = arith.constant 0 : index
    %get3A_455 = vector.load %arg3[%get3A_452, %get3A_453, %get3A_454] : memref<20x256x128xf32, #tpu.memory_space<vmem>>, vector<1x256x128xf32>
    %get3A_456 = vector.shape_cast %get3A_455 : vector<1x256x128xf32> to vector<256x128xf32>
    %add3A_457 = arith.addf %get3A_3, %get3A_456 : vector<256x128xf32>
    %jit3A_458 = arith.constant 2.000000e-01 : f32
    %ge3A_459 = arith.constant 0.000000e+00 : f32
    %ge3A_460 = vector.broadcast %ge3A_459 : f32 to vector<256x128xf32>
    %ge3A_461 = arith.cmpf oge, %add3A_457, %ge3A_460 : vector<256x128xf32>
    %mul3A_462 = vector.broadcast %jit3A_458 : f32 to vector<256x128xf32>
    %mul3A_463 = arith.mulf %mul3A_462, %add3A_457 : vector<256x128xf32>
    %select_n3A_464 = arith.select %ge3A_461, %add3A_457, %mul3A_463 : vector<256x128xi1>, vector<256x128xf32>
    %dot_general3A_465 = arith.constant dense<0.000000e+00> : vector<256x128xf32>
    %dot_general3A_466 = tpu.matmul %select_n3A_464, %get3A_6, %dot_general3A_465 {dimension_numbers = #tpu.dot_dimension_numbers<[1], [0], [0], [1], [0, 0, 1, 1], [], []>, transpose_lhs_hint = false} : vector<256x128xf32>, vector<128x128xf32>, vector<256x128xf32> -> vector<256x128xf32>
    %add3A_467 = vector.broadcast %get3A_9 : vector<1x128xf32> to vector<256x128xf32>
    %add3A_468 = arith.addf %dot_general3A_466, %add3A_467 : vector<256x128xf32>
    %jit3A_469 = arith.constant 2.000000e-01 : f32
    %ge3A_470 = arith.constant 0.000000e+00 : f32
    %ge3A_471 = vector.broadcast %ge3A_470 : f32 to vector<256x128xf32>
    %ge3A_472 = arith.cmpf oge, %add3A_468, %ge3A_471 : vector<256x128xf32>
    %mul3A_473 = vector.broadcast %jit3A_469 : f32 to vector<256x128xf32>
    %mul3A_474 = arith.mulf %mul3A_473, %add3A_468 : vector<256x128xf32>
    %select_n3A_475 = arith.select %ge3A_472, %add3A_468, %mul3A_474 : vector<256x128xi1>, vector<256x128xf32>
    %max3A_476 = arith.maximumf %max3A_451, %select_n3A_475 : vector<256x128xf32>
    %get3A_477 = arith.constant 19 : index
    %get3A_478 = arith.constant 0 : index
    %get3A_479 = arith.constant 0 : index
    %get3A_480 = vector.load %arg3[%get3A_477, %get3A_478, %get3A_479] : memref<20x256x128xf32, #tpu.memory_space<vmem>>, vector<1x256x128xf32>
    %get3A_481 = vector.shape_cast %get3A_480 : vector<1x256x128xf32> to vector<256x128xf32>
    %add3A_482 = arith.addf %get3A_3, %get3A_481 : vector<256x128xf32>
    %jit3A_483 = arith.constant 2.000000e-01 : f32
    %ge3A_484 = arith.constant 0.000000e+00 : f32
    %ge3A_485 = vector.broadcast %ge3A_484 : f32 to vector<256x128xf32>
    %ge3A_486 = arith.cmpf oge, %add3A_482, %ge3A_485 : vector<256x128xf32>
    %mul3A_487 = vector.broadcast %jit3A_483 : f32 to vector<256x128xf32>
    %mul3A_488 = arith.mulf %mul3A_487, %add3A_482 : vector<256x128xf32>
    %select_n3A_489 = arith.select %ge3A_486, %add3A_482, %mul3A_488 : vector<256x128xi1>, vector<256x128xf32>
    %dot_general3A_490 = arith.constant dense<0.000000e+00> : vector<256x128xf32>
    %dot_general3A_491 = tpu.matmul %select_n3A_489, %get3A_6, %dot_general3A_490 {dimension_numbers = #tpu.dot_dimension_numbers<[1], [0], [0], [1], [0, 0, 1, 1], [], []>, transpose_lhs_hint = false} : vector<256x128xf32>, vector<128x128xf32>, vector<256x128xf32> -> vector<256x128xf32>
    %add3A_492 = vector.broadcast %get3A_9 : vector<1x128xf32> to vector<256x128xf32>
    %add3A_493 = arith.addf %dot_general3A_491, %add3A_492 : vector<256x128xf32>
    %jit3A_494 = arith.constant 2.000000e-01 : f32
    %ge3A_495 = arith.constant 0.000000e+00 : f32
    %ge3A_496 = vector.broadcast %ge3A_495 : f32 to vector<256x128xf32>
    %ge3A_497 = arith.cmpf oge, %add3A_493, %ge3A_496 : vector<256x128xf32>
    %mul3A_498 = vector.broadcast %jit3A_494 : f32 to vector<256x128xf32>
    %mul3A_499 = arith.mulf %mul3A_498, %add3A_493 : vector<256x128xf32>
    %select_n3A_500 = arith.select %ge3A_497, %add3A_493, %mul3A_499 : vector<256x128xi1>, vector<256x128xf32>
    %max3A_501 = arith.maximumf %max3A_476, %select_n3A_500 : vector<256x128xf32>
    %get3A_502 = arith.constant 0 : index
    %get3A_503 = arith.constant 0 : index
    %get3A_504 = vector.load %arg6[%get3A_502, %get3A_503] : memref<128x128xf32, #tpu.memory_space<vmem>>, vector<128x128xf32>
    %dot_general3A_505 = arith.constant dense<0.000000e+00> : vector<256x128xf32>
    %dot_general3A_506 = tpu.matmul %max3A_501, %get3A_504, %dot_general3A_505 {dimension_numbers = #tpu.dot_dimension_numbers<[1], [0], [0], [1], [0, 0, 1, 1], [], []>, transpose_lhs_hint = false} : vector<256x128xf32>, vector<128x128xf32>, vector<256x128xf32> -> vector<256x128xf32>
    %get3A_507 = arith.constant 0 : index
    %get3A_508 = arith.constant 0 : index
    %get3A_509 = vector.load %arg7[%get3A_507, %get3A_508] : memref<1x128xf32, #tpu.memory_space<vmem>>, vector<1x128xf32>
    %add3A_510 = vector.broadcast %get3A_509 : vector<1x128xf32> to vector<256x128xf32>
    %add3A_511 = arith.addf %dot_general3A_506, %add3A_510 : vector<256x128xf32>
    %jit3A_512 = arith.constant 2.000000e-01 : f32
    %ge3A_513 = arith.constant 0.000000e+00 : f32
    %ge3A_514 = vector.broadcast %ge3A_513 : f32 to vector<256x128xf32>
    %ge3A_515 = arith.cmpf oge, %add3A_511, %ge3A_514 : vector<256x128xf32>
    %mul3A_516 = vector.broadcast %jit3A_512 : f32 to vector<256x128xf32>
    %mul3A_517 = arith.mulf %mul3A_516, %add3A_511 : vector<256x128xf32>
    %select_n3A_518 = arith.select %ge3A_515, %add3A_511, %mul3A_517 : vector<256x128xi1>, vector<256x128xf32>
    %add3A_519 = arith.addf %select_n3A_518, %max3A_501 : vector<256x128xf32>
    %get3A_520 = arith.constant 0 : index
    %get3A_521 = arith.constant 0 : index
    %get3A_522 = vector.load %arg8[%get3A_520, %get3A_521] : memref<128x128xf32, #tpu.memory_space<vmem>>, vector<128x128xf32>
    %dot_general3A_523 = arith.constant dense<0.000000e+00> : vector<256x128xf32>
    %dot_general3A_524 = tpu.matmul %add3A_519, %get3A_522, %dot_general3A_523 {dimension_numbers = #tpu.dot_dimension_numbers<[1], [0], [0], [1], [0, 0, 1, 1], [], []>, transpose_lhs_hint = false} : vector<256x128xf32>, vector<128x128xf32>, vector<256x128xf32> -> vector<256x128xf32>
    %get3A_525 = arith.constant 0 : index
    %get3A_526 = arith.constant 0 : index
    %get3A_527 = vector.load %arg9[%get3A_525, %get3A_526] : memref<1x128xf32, #tpu.memory_space<vmem>>, vector<1x128xf32>
    %add3A_528 = vector.broadcast %get3A_527 : vector<1x128xf32> to vector<256x128xf32>
    %add3A_529 = arith.addf %dot_general3A_524, %add3A_528 : vector<256x128xf32>
    %jit3A_530 = arith.constant 2.000000e-01 : f32
    %ge3A_531 = arith.constant 0.000000e+00 : f32
    %ge3A_532 = vector.broadcast %ge3A_531 : f32 to vector<256x128xf32>
    %ge3A_533 = arith.cmpf oge, %add3A_529, %ge3A_532 : vector<256x128xf32>
    %mul3A_534 = vector.broadcast %jit3A_530 : f32 to vector<256x128xf32>
    %mul3A_535 = arith.mulf %mul3A_534, %add3A_529 : vector<256x128xf32>
    %select_n3A_536 = arith.select %ge3A_533, %add3A_529, %mul3A_535 : vector<256x128xi1>, vector<256x128xf32>
    %add3A_537 = arith.addf %select_n3A_536, %add3A_519 : vector<256x128xf32>
    %get3A_538 = arith.constant 0 : index
    %get3A_539 = arith.constant 0 : index
    %get3A_540 = vector.load %arg10[%get3A_538, %get3A_539] : memref<256x64xf32, #tpu.memory_space<vmem>>, vector<256x64xf32>
    %slice3A = vector.extract_strided_slice %get3A_540 {offsets = [0, 0], sizes = [128, 64], strides = [1, 1]} : vector<256x64xf32> to vector<128x64xf32>
    %dot_general3A_541 = arith.constant dense<0.000000e+00> : vector<256x64xf32>
    %dot_general3A_542 = tpu.matmul %add3A_519, %slice3A, %dot_general3A_541 {dimension_numbers = #tpu.dot_dimension_numbers<[1], [0], [0], [1], [0, 0, 1, 1], [], []>, transpose_lhs_hint = false} : vector<256x128xf32>, vector<128x64xf32>, vector<256x64xf32> -> vector<256x64xf32>
    %slice3A_543 = vector.extract_strided_slice %get3A_540 {offsets = [128, 0], sizes = [128, 64], strides = [1, 1]} : vector<256x64xf32> to vector<128x64xf32>
    %dot_general3A_544 = arith.constant dense<0.000000e+00> : vector<256x64xf32>
    %dot_general3A_545 = tpu.matmul %add3A_537, %slice3A_543, %dot_general3A_544 {dimension_numbers = #tpu.dot_dimension_numbers<[1], [0], [0], [1], [0, 0, 1, 1], [], []>, transpose_lhs_hint = false} : vector<256x128xf32>, vector<128x64xf32>, vector<256x64xf32> -> vector<256x64xf32>
    %add3A_546 = arith.addf %dot_general3A_542, %dot_general3A_545 : vector<256x64xf32>
    %get3A_547 = arith.constant 0 : index
    %get3A_548 = arith.constant 0 : index
    %get3A_549 = vector.load %arg11[%get3A_547, %get3A_548] : memref<1x64xf32, #tpu.memory_space<vmem>>, vector<1x64xf32>
    %add3A_550 = vector.broadcast %get3A_549 : vector<1x64xf32> to vector<256x64xf32>
    %add3A_551 = arith.addf %add3A_546, %add3A_550 : vector<256x64xf32>
    %max3A_552 = arith.constant 0.000000e+00 : f32
    %max3A_553 = vector.broadcast %max3A_552 : f32 to vector<256x64xf32>
    %max3A_554 = arith.maximumf %add3A_551, %max3A_553 : vector<256x64xf32>
    %swap3A = arith.constant 0 : index
    %swap3A_555 = arith.constant 0 : index
    %swap3A_556 = arith.constant 0 : index
    %swap3A_557 = vector.load %arg15[%swap3A, %swap3A_555, %swap3A_556] : memref<1x256x64xf32, #tpu.memory_space<vmem>>, vector<1x256x64xf32>
    %swap3A_558 = vector.shape_cast %swap3A_557 : vector<1x256x64xf32> to vector<256x64xf32>
    %swap3A_559 = vector.shape_cast %max3A_554 : vector<256x64xf32> to vector<1x256x64xf32>
    tpu.vector_store %arg15[%swap3A, %swap3A_555, %swap3A_556], %swap3A_559 {strides = array<i32>} : memref<1x256x64xf32, #tpu.memory_space<vmem>>, vector<1x256x64xf32>,
    %broadcast_in_dim3A = arith.constant 1.000000e+00 : f32
    %broadcast_in_dim3A_560 = vector.broadcast %broadcast_in_dim3A : f32 to vector<8x64xf32>
    %mul3A_561 = arith.mulf %max3A_554, %max3A_554 : vector<256x64xf32>
    %dot_general3A_562 = arith.constant dense<0.000000e+00> : vector<8x256xf32>
    %dot_general3A_563 = tpu.matmul %broadcast_in_dim3A_560, %mul3A_561, %dot_general3A_562 {dimension_numbers = #tpu.dot_dimension_numbers<[1], [1], [0], [0], [0, 0, 1, 0], [], []>, precision = #tpu.contract_precision<fp32>, transpose_lhs_hint = false} : vector<8x64xf32>, vector<256x64xf32>, vector<8x256xf32> -> vector<8x256xf32>
    %slice3A_564 = vector.extract_strided_slice %dot_general3A_563 {offsets = [0, 0], sizes = [1, 256], strides = [1, 1]} : vector<8x256xf32> to vector<1x256xf32>
    %swap3A_565 = arith.constant 0 : index
    %swap3A_566 = arith.constant 0 : index
    %swap3A_567 = arith.constant 0 : index
    %swap3A_568 = vector.load %arg16[%swap3A_565, %swap3A_566, %swap3A_567] : memref<1x1x256xf32, #tpu.memory_space<vmem>>, vector<1x1x256xf32>
    %swap3A_569 = vector.shape_cast %swap3A_568 : vector<1x1x256xf32> to vector<1x256xf32>
    %swap3A_570 = vector.shape_cast %slice3A_564 : vector<1x256xf32> to vector<1x1x256xf32>
    tpu.vector_store %arg16[%swap3A_565, %swap3A_566, %swap3A_567], %swap3A_570 {strides = array<i32>} : memref<1x1x256xf32, #tpu.memory_space<vmem>>, vector<1x1x256xf32>,
    %get3A_571 = arith.constant 0 : index
    %get3A_572 = arith.constant 0 : index
    %get3A_573 = vector.load %arg12[%get3A_571, %get3A_572] : memref<64x256xf32, #tpu.memory_space<vmem>>, vector<64x256xf32>
    %dot_general3A_574 = arith.constant dense<0.000000e+00> : vector<256x256xf32>
    %dot_general3A_575 = tpu.matmul %max3A_554, %get3A_573, %dot_general3A_574 {dimension_numbers = #tpu.dot_dimension_numbers<[1], [0], [0], [1], [0, 0, 1, 1], [], []>, transpose_lhs_hint = false} : vector<256x64xf32>, vector<64x256xf32>, vector<256x256xf32> -> vector<256x256xf32>
    %get3A_576 = arith.constant 0 : index
    %get3A_577 = arith.constant 0 : index
    %get3A_578 = vector.load %arg13[%get3A_576, %get3A_577] : memref<1x256xf32, #tpu.memory_space<vmem>>, vector<1x256xf32>
    %add3A_579 = vector.broadcast %get3A_578 : vector<1x256xf32> to vector<256x256xf32>
    %add3A_580 = arith.addf %dot_general3A_575, %add3A_579 : vector<256x256xf32>
    %swap3A_581 = arith.constant 0 : index
    %swap3A_582 = arith.constant 0 : index
    %swap3A_583 = arith.constant 0 : index
    %swap3A_584 = vector.load %arg17[%swap3A_581, %swap3A_582, %swap3A_583] : memref<1x256x256xf32, #tpu.memory_space<vmem>>, vector<1x256x256xf32>
    %swap3A_585 = vector.shape_cast %swap3A_584 : vector<1x256x256xf32> to vector<256x256xf32>
    %swap3A_586 = vector.shape_cast %add3A_580 : vector<256x256xf32> to vector<1x256x256xf32>
    tpu.vector_store %arg17[%swap3A_581, %swap3A_582, %swap3A_583], %swap3A_586 {strides = array<i32>} : memref<1x256x256xf32, #tpu.memory_space<vmem>>, vector<1x256x256xf32>,
    %get3A_587 = arith.constant 0 : index
    %get3A_588 = arith.constant 0 : index
    %get3A_589 = vector.load %arg14[%get3A_587, %get3A_588] : memref<64x256xf32, #tpu.memory_space<vmem>>, vector<64x256xf32>
    %dot_general3A_590 = arith.constant dense<0.000000e+00> : vector<256x256xf32>
    %dot_general3A_591 = tpu.matmul %max3A_554, %get3A_589, %dot_general3A_590 {dimension_numbers = #tpu.dot_dimension_numbers<[1], [0], [0], [1], [0, 0, 1, 1], [], []>, transpose_lhs_hint = false} : vector<256x64xf32>, vector<64x256xf32>, vector<256x256xf32> -> vector<256x256xf32>
    %swap3A_592 = arith.constant 0 : index
    %swap3A_593 = arith.constant 0 : index
    %swap3A_594 = vector.load %arg18[%swap3A_592, %swap3A_593] : memref<256x256xf32, #tpu.memory_space<vmem>>, vector<256x256xf32>
    tpu.vector_store %arg18[%swap3A_592, %swap3A_593], %dot_general3A_591 {strides = array<i32>} : memref<256x256xf32, #tpu.memory_space<vmem>>, vector<256x256xf32>,
    return
  }
  func.func @transform_0(%arg0: i32, %arg1: i32) -> (i32, i32, i32) {
    %c0_i32 = arith.constant 0 : i32
    %c0_i32_0 = arith.constant 0 : i32
    return %arg0, %arg1, %c0_i32 : i32, i32, i32
  }
  func.func @transform_1(%arg0: i32, %arg1: i32) -> (i32, i32, i32) {
    %mul3A = arith.constant 16 : i32
    %mul3A_0 = arith.muli %arg0, %mul3A : i32
    %add3A = arith.addi %mul3A_0, %arg1 : i32
    %c0_i32 = arith.constant 0 : i32
    %c0_i32_1 = arith.constant 0 : i32
    %c0_i32_2 = arith.constant 0 : i32
    return %c0_i32, %add3A, %c0_i32_1 : i32, i32, i32
  }
  func.func @transform_2(%arg0: i32, %arg1: i32) -> (i32, i32) {
    %c0_i32 = arith.constant 0 : i32
    %c0_i32_0 = arith.constant 0 : i32
    %c0_i32_1 = arith.constant 0 : i32
    return %c0_i32, %c0_i32_0 : i32, i32
  }
  func.func @transform_3(%arg0: i32, %arg1: i32) -> (i32, i32) {
    %c0_i32 = arith.constant 0 : i32
    %c0_i32_0 = arith.constant 0 : i32
    %c0_i32_1 = arith.constant 0 : i32
    return %c0_i32, %c0_i32_0 : i32, i32
  }
  func.func @transform_4(%arg0: i32, %arg1: i32) -> (i32, i32) {
    %c0_i32 = arith.constant 0 : i32
    %c0_i32_0 = arith.constant 0 : i32
    %c0_i32_1 = arith.constant 0 : i32
    return %c0_i32, %c0_i32_0 : i32, i32
  }
  func.func @transform_5(%arg0: i32, %arg1: i32) -> (i32, i32) {
    %c0_i32 = arith.constant 0 : i32
    %c0_i32_0 = arith.constant 0 : i32
    %c0_i32_1 = arith.constant 0 : i32
    return %c0_i32, %c0_i32_0 : i32, i32
  }
  func.func @transform_6(%arg0: i32, %arg1: i32) -> (i32, i32) {
    %c0_i32 = arith.constant 0 : i32
    %c0_i32_0 = arith.constant 0 : i32
    %c0_i32_1 = arith.constant 0 : i32
    return %c0_i32, %c0_i32_0 : i32, i32
  }
  func.func @transform_7(%arg0: i32, %arg1: i32) -> (i32, i32) {
    %c0_i32 = arith.constant 0 : i32
    %c0_i32_0 = arith.constant 0 : i32
    %c0_i32_1 = arith.constant 0 : i32
    return %c0_i32, %c0_i32_0 : i32, i32
  }
  func.func @transform_8(%arg0: i32, %arg1: i32) -> (i32, i32) {
    %c0_i32 = arith.constant 0 : i32
    %c0_i32_0 = arith.constant 0 : i32
    %c0_i32_1 = arith.constant 0 : i32
    return %c0_i32, %c0_i32_0 : i32, i32
  }
  func.func @transform_9(%arg0: i32, %arg1: i32) -> (i32, i32) {
    %c0_i32 = arith.constant 0 : i32
    %c0_i32_0 = arith.constant 0 : i32
    %c0_i32_1 = arith.constant 0 : i32
    return %c0_i32, %c0_i32_0 : i32, i32
  }
  func.func @transform_10(%arg0: i32, %arg1: i32) -> (i32, i32) {
    %c0_i32 = arith.constant 0 : i32
    %c0_i32_0 = arith.constant 0 : i32
    %c0_i32_1 = arith.constant 0 : i32
    return %c0_i32, %c0_i32_0 : i32, i32
  }
  func.func @transform_11(%arg0: i32, %arg1: i32) -> (i32, i32) {
    %c0_i32 = arith.constant 0 : i32
    %c0_i32_0 = arith.constant 0 : i32
    %c0_i32_1 = arith.constant 0 : i32
    return %c0_i32, %c0_i32_0 : i32, i32
  }
  func.func @transform_12(%arg0: i32, %arg1: i32) -> (i32, i32) {
    %c0_i32 = arith.constant 0 : i32
    %c0_i32_0 = arith.constant 0 : i32
    %c0_i32_1 = arith.constant 0 : i32
    return %c0_i32, %c0_i32_0 : i32, i32
  }
  func.func @transform_13(%arg0: i32, %arg1: i32) -> (i32, i32, i32) {
    %c0_i32 = arith.constant 0 : i32
    %c0_i32_0 = arith.constant 0 : i32
    return %arg0, %arg1, %c0_i32 : i32, i32, i32
  }
  func.func @transform_14(%arg0: i32, %arg1: i32) -> (i32, i32, i32) {
    %c0_i32 = arith.constant 0 : i32
    %c0_i32_0 = arith.constant 0 : i32
    return %arg0, %c0_i32, %arg1 : i32, i32, i32
  }
  func.func @transform_15(%arg0: i32, %arg1: i32) -> (i32, i32, i32) {
    %c0_i32 = arith.constant 0 : i32
    %c0_i32_0 = arith.constant 0 : i32
    return %arg0, %arg1, %c0_i32 : i32, i32, i32
  }
  func.func @transform_16(%arg0: i32, %arg1: i32) -> (i32, i32) {
    %mul3A = arith.constant 16 : i32
    %mul3A_0 = arith.muli %arg0, %mul3A : i32
    %add3A = arith.addi %mul3A_0, %arg1 : i32
    %c0_i32 = arith.constant 0 : i32
    %c0_i32_1 = arith.constant 0 : i32
    return %add3A, %c0_i32 : i32, i32
  }
}

module attributes {stable_mosaic.version = 14 : i64} {
  func.func @_dist_topk_body(%arg0: i32, %arg1: i32, %arg2: memref<1x256x64xf32, #tpu.memory_space<vmem>>, %arg3: memref<1x4096x64xf32, #tpu.memory_space<vmem>>, %arg4: memref<1x1x4096xf32, #tpu.memory_space<vmem>>, %arg5: memref<256x16xi32, #tpu.memory_space<vmem>>) attributes {dimension_semantics = [#tpu.dimension_semantics<parallel>, #tpu.dimension_semantics<parallel>], iteration_bounds = array<i64: 2, 16>, scalar_prefetch = 0 : i64, scratch_operands = 0 : i64, tpu.core_type = #tpu.core_type<tc>, window_params = [{transform_indices = @transform_0, window_bounds = array<i64: 1, 256, 64>}, {transform_indices = @transform_1, window_bounds = array<i64: 1, 4096, 64>}, {transform_indices = @transform_2, window_bounds = array<i64: 1, 1, 4096>}, {transform_indices = @transform_3, window_bounds = array<i64: 256, 16>}]} {
    %get3A = arith.constant 0 : index
    %get3A_0 = arith.constant 0 : index
    %get3A_1 = arith.constant 0 : index
    %get3A_2 = vector.load %arg2[%get3A, %get3A_0, %get3A_1] : memref<1x256x64xf32, #tpu.memory_space<vmem>>, vector<1x256x64xf32>
    %get3A_3 = vector.shape_cast %get3A_2 : vector<1x256x64xf32> to vector<256x64xf32>
    %get3A_4 = arith.constant 0 : index
    %get3A_5 = arith.constant 0 : index
    %get3A_6 = arith.constant 0 : index
    %get3A_7 = vector.load %arg3[%get3A_4, %get3A_5, %get3A_6] : memref<1x4096x64xf32, #tpu.memory_space<vmem>>, vector<1x4096x64xf32>
    %get3A_8 = vector.shape_cast %get3A_7 : vector<1x4096x64xf32> to vector<4096x64xf32>
    %dot_general3A = arith.constant dense<0.000000e+00> : vector<256x4096xf32>
    %dot_general3A_9 = tpu.matmul %get3A_3, %get3A_8, %dot_general3A {dimension_numbers = #tpu.dot_dimension_numbers<[1], [1], [0], [0], [0, 0, 1, 0], [], []>, transpose_lhs_hint = false} : vector<256x64xf32>, vector<4096x64xf32>, vector<256x4096xf32> -> vector<256x4096xf32>
    %mul3A = arith.constant 2.000000e+00 : f32
    %mul3A_10 = vector.broadcast %mul3A : f32 to vector<256x4096xf32>
    %mul3A_11 = arith.mulf %mul3A_10, %dot_general3A_9 : vector<256x4096xf32>
    %get3A_12 = arith.constant 0 : index
    %get3A_13 = arith.constant 0 : index
    %get3A_14 = arith.constant 0 : index
    %get3A_15 = vector.load %arg4[%get3A_12, %get3A_13, %get3A_14] : memref<1x1x4096xf32, #tpu.memory_space<vmem>>, vector<1x1x4096xf32>
    %get3A_16 = vector.shape_cast %get3A_15 : vector<1x1x4096xf32> to vector<1x4096xf32>
    %sub3A = vector.broadcast %get3A_16 : vector<1x4096xf32> to vector<256x4096xf32>
    %sub3A_17 = arith.subf %mul3A_11, %sub3A : vector<256x4096xf32>
    %iota3A = tpu.iota {dimensions = array<i32: 1>} : vector<256x4096xi32>
    %iota3A_18 = tpu.iota {dimensions = array<i32: 1>} : vector<256x16xi32>
    %broadcast_in_dim3A = arith.constant 0 : i32
    %broadcast_in_dim3A_19 = vector.broadcast %broadcast_in_dim3A : i32 to vector<256x16xi32>
    %reduce_max3A = arith.constant dense<0xFF800000> : vector<256xf32>
    %reduce_max3A_20 = vector.multi_reduction <maximumf>, %sub3A_17, %reduce_max3A [1] : vector<256x4096xf32> to vector<256xf32>
    %broadcast_in_dim3A_21 = vector.shape_cast %reduce_max3A_20 : vector<256xf32> to vector<256x1xf32>
    %eq3A = vector.broadcast %broadcast_in_dim3A_21 : vector<256x1xf32> to vector<256x4096xf32>
    %eq3A_22 = arith.cmpf oeq, %sub3A_17, %eq3A : vector<256x4096xf32>
    %jit3A = arith.constant 4096 : i32
    %broadcast_in_dim3A_23 = vector.broadcast %jit3A : i32 to vector<256x4096xi32>
    %select_n3A = arith.select %eq3A_22, %iota3A, %broadcast_in_dim3A_23 : vector<256x4096xi1>, vector<256x4096xi32>
    %reduce_min3A = arith.constant dense<2147483647> : vector<256xi32>
    %reduce_min3A_24 = vector.multi_reduction <minsi>, %select_n3A, %reduce_min3A [1] : vector<256x4096xi32> to vector<256xi32>
    %broadcast_in_dim3A_25 = vector.shape_cast %reduce_min3A_24 : vector<256xi32> to vector<256x1xi32>
    %eq3A_26 = arith.constant 0 : i32
    %eq3A_27 = vector.broadcast %eq3A_26 : i32 to vector<256x16xi32>
    %eq3A_28 = arith.cmpi eq, %iota3A_18, %eq3A_27 : vector<256x16xi32>
    %broadcast_in_dim3A_29 = vector.shape_cast %broadcast_in_dim3A_25 : vector<256x1xi32> to vector<256x1xi32>
    %broadcast_in_dim3A_30 = vector.broadcast %broadcast_in_dim3A_29 : vector<256x1xi32> to vector<256x16xi32>
    %select_n3A_31 = arith.select %eq3A_28, %broadcast_in_dim3A_30, %broadcast_in_dim3A_19 : vector<256x16xi1>, vector<256x16xi32>
    %eq3A_32 = vector.broadcast %broadcast_in_dim3A_25 : vector<256x1xi32> to vector<256x4096xi32>
    %eq3A_33 = arith.cmpi eq, %iota3A, %eq3A_32 : vector<256x4096xi32>
    %jit3A_34 = arith.constant -3.000000e+38 : f32
    %broadcast_in_dim3A_35 = vector.broadcast %jit3A_34 : f32 to vector<256x4096xf32>
    %select_n3A_36 = arith.select %eq3A_33, %broadcast_in_dim3A_35, %sub3A_17 : vector<256x4096xi1>, vector<256x4096xf32>
    %reduce_max3A_37 = arith.constant dense<0xFF800000> : vector<256xf32>
    %reduce_max3A_38 = vector.multi_reduction <maximumf>, %select_n3A_36, %reduce_max3A_37 [1] : vector<256x4096xf32> to vector<256xf32>
    %broadcast_in_dim3A_39 = vector.shape_cast %reduce_max3A_38 : vector<256xf32> to vector<256x1xf32>
    %eq3A_40 = vector.broadcast %broadcast_in_dim3A_39 : vector<256x1xf32> to vector<256x4096xf32>
    %eq3A_41 = arith.cmpf oeq, %select_n3A_36, %eq3A_40 : vector<256x4096xf32>
    %jit3A_42 = arith.constant 4096 : i32
    %broadcast_in_dim3A_43 = vector.broadcast %jit3A_42 : i32 to vector<256x4096xi32>
    %select_n3A_44 = arith.select %eq3A_41, %iota3A, %broadcast_in_dim3A_43 : vector<256x4096xi1>, vector<256x4096xi32>
    %reduce_min3A_45 = arith.constant dense<2147483647> : vector<256xi32>
    %reduce_min3A_46 = vector.multi_reduction <minsi>, %select_n3A_44, %reduce_min3A_45 [1] : vector<256x4096xi32> to vector<256xi32>
    %broadcast_in_dim3A_47 = vector.shape_cast %reduce_min3A_46 : vector<256xi32> to vector<256x1xi32>
    %eq3A_48 = arith.constant 1 : i32
    %eq3A_49 = vector.broadcast %eq3A_48 : i32 to vector<256x16xi32>
    %eq3A_50 = arith.cmpi eq, %iota3A_18, %eq3A_49 : vector<256x16xi32>
    %broadcast_in_dim3A_51 = vector.shape_cast %broadcast_in_dim3A_47 : vector<256x1xi32> to vector<256x1xi32>
    %broadcast_in_dim3A_52 = vector.broadcast %broadcast_in_dim3A_51 : vector<256x1xi32> to vector<256x16xi32>
    %select_n3A_53 = arith.select %eq3A_50, %broadcast_in_dim3A_52, %select_n3A_31 : vector<256x16xi1>, vector<256x16xi32>
    %eq3A_54 = vector.broadcast %broadcast_in_dim3A_47 : vector<256x1xi32> to vector<256x4096xi32>
    %eq3A_55 = arith.cmpi eq, %iota3A, %eq3A_54 : vector<256x4096xi32>
    %jit3A_56 = arith.constant -3.000000e+38 : f32
    %broadcast_in_dim3A_57 = vector.broadcast %jit3A_56 : f32 to vector<256x4096xf32>
    %select_n3A_58 = arith.select %eq3A_55, %broadcast_in_dim3A_57, %select_n3A_36 : vector<256x4096xi1>, vector<256x4096xf32>
    %reduce_max3A_59 = arith.constant dense<0xFF800000> : vector<256xf32>
    %reduce_max3A_60 = vector.multi_reduction <maximumf>, %select_n3A_58, %reduce_max3A_59 [1] : vector<256x4096xf32> to vector<256xf32>
    %broadcast_in_dim3A_61 = vector.shape_cast %reduce_max3A_60 : vector<256xf32> to vector<256x1xf32>
    %eq3A_62 = vector.broadcast %broadcast_in_dim3A_61 : vector<256x1xf32> to vector<256x4096xf32>
    %eq3A_63 = arith.cmpf oeq, %select_n3A_58, %eq3A_62 : vector<256x4096xf32>
    %jit3A_64 = arith.constant 4096 : i32
    %broadcast_in_dim3A_65 = vector.broadcast %jit3A_64 : i32 to vector<256x4096xi32>
    %select_n3A_66 = arith.select %eq3A_63, %iota3A, %broadcast_in_dim3A_65 : vector<256x4096xi1>, vector<256x4096xi32>
    %reduce_min3A_67 = arith.constant dense<2147483647> : vector<256xi32>
    %reduce_min3A_68 = vector.multi_reduction <minsi>, %select_n3A_66, %reduce_min3A_67 [1] : vector<256x4096xi32> to vector<256xi32>
    %broadcast_in_dim3A_69 = vector.shape_cast %reduce_min3A_68 : vector<256xi32> to vector<256x1xi32>
    %eq3A_70 = arith.constant 2 : i32
    %eq3A_71 = vector.broadcast %eq3A_70 : i32 to vector<256x16xi32>
    %eq3A_72 = arith.cmpi eq, %iota3A_18, %eq3A_71 : vector<256x16xi32>
    %broadcast_in_dim3A_73 = vector.shape_cast %broadcast_in_dim3A_69 : vector<256x1xi32> to vector<256x1xi32>
    %broadcast_in_dim3A_74 = vector.broadcast %broadcast_in_dim3A_73 : vector<256x1xi32> to vector<256x16xi32>
    %select_n3A_75 = arith.select %eq3A_72, %broadcast_in_dim3A_74, %select_n3A_53 : vector<256x16xi1>, vector<256x16xi32>
    %eq3A_76 = vector.broadcast %broadcast_in_dim3A_69 : vector<256x1xi32> to vector<256x4096xi32>
    %eq3A_77 = arith.cmpi eq, %iota3A, %eq3A_76 : vector<256x4096xi32>
    %jit3A_78 = arith.constant -3.000000e+38 : f32
    %broadcast_in_dim3A_79 = vector.broadcast %jit3A_78 : f32 to vector<256x4096xf32>
    %select_n3A_80 = arith.select %eq3A_77, %broadcast_in_dim3A_79, %select_n3A_58 : vector<256x4096xi1>, vector<256x4096xf32>
    %reduce_max3A_81 = arith.constant dense<0xFF800000> : vector<256xf32>
    %reduce_max3A_82 = vector.multi_reduction <maximumf>, %select_n3A_80, %reduce_max3A_81 [1] : vector<256x4096xf32> to vector<256xf32>
    %broadcast_in_dim3A_83 = vector.shape_cast %reduce_max3A_82 : vector<256xf32> to vector<256x1xf32>
    %eq3A_84 = vector.broadcast %broadcast_in_dim3A_83 : vector<256x1xf32> to vector<256x4096xf32>
    %eq3A_85 = arith.cmpf oeq, %select_n3A_80, %eq3A_84 : vector<256x4096xf32>
    %jit3A_86 = arith.constant 4096 : i32
    %broadcast_in_dim3A_87 = vector.broadcast %jit3A_86 : i32 to vector<256x4096xi32>
    %select_n3A_88 = arith.select %eq3A_85, %iota3A, %broadcast_in_dim3A_87 : vector<256x4096xi1>, vector<256x4096xi32>
    %reduce_min3A_89 = arith.constant dense<2147483647> : vector<256xi32>
    %reduce_min3A_90 = vector.multi_reduction <minsi>, %select_n3A_88, %reduce_min3A_89 [1] : vector<256x4096xi32> to vector<256xi32>
    %broadcast_in_dim3A_91 = vector.shape_cast %reduce_min3A_90 : vector<256xi32> to vector<256x1xi32>
    %eq3A_92 = arith.constant 3 : i32
    %eq3A_93 = vector.broadcast %eq3A_92 : i32 to vector<256x16xi32>
    %eq3A_94 = arith.cmpi eq, %iota3A_18, %eq3A_93 : vector<256x16xi32>
    %broadcast_in_dim3A_95 = vector.shape_cast %broadcast_in_dim3A_91 : vector<256x1xi32> to vector<256x1xi32>
    %broadcast_in_dim3A_96 = vector.broadcast %broadcast_in_dim3A_95 : vector<256x1xi32> to vector<256x16xi32>
    %select_n3A_97 = arith.select %eq3A_94, %broadcast_in_dim3A_96, %select_n3A_75 : vector<256x16xi1>, vector<256x16xi32>
    %eq3A_98 = vector.broadcast %broadcast_in_dim3A_91 : vector<256x1xi32> to vector<256x4096xi32>
    %eq3A_99 = arith.cmpi eq, %iota3A, %eq3A_98 : vector<256x4096xi32>
    %jit3A_100 = arith.constant -3.000000e+38 : f32
    %broadcast_in_dim3A_101 = vector.broadcast %jit3A_100 : f32 to vector<256x4096xf32>
    %select_n3A_102 = arith.select %eq3A_99, %broadcast_in_dim3A_101, %select_n3A_80 : vector<256x4096xi1>, vector<256x4096xf32>
    %reduce_max3A_103 = arith.constant dense<0xFF800000> : vector<256xf32>
    %reduce_max3A_104 = vector.multi_reduction <maximumf>, %select_n3A_102, %reduce_max3A_103 [1] : vector<256x4096xf32> to vector<256xf32>
    %broadcast_in_dim3A_105 = vector.shape_cast %reduce_max3A_104 : vector<256xf32> to vector<256x1xf32>
    %eq3A_106 = vector.broadcast %broadcast_in_dim3A_105 : vector<256x1xf32> to vector<256x4096xf32>
    %eq3A_107 = arith.cmpf oeq, %select_n3A_102, %eq3A_106 : vector<256x4096xf32>
    %jit3A_108 = arith.constant 4096 : i32
    %broadcast_in_dim3A_109 = vector.broadcast %jit3A_108 : i32 to vector<256x4096xi32>
    %select_n3A_110 = arith.select %eq3A_107, %iota3A, %broadcast_in_dim3A_109 : vector<256x4096xi1>, vector<256x4096xi32>
    %reduce_min3A_111 = arith.constant dense<2147483647> : vector<256xi32>
    %reduce_min3A_112 = vector.multi_reduction <minsi>, %select_n3A_110, %reduce_min3A_111 [1] : vector<256x4096xi32> to vector<256xi32>
    %broadcast_in_dim3A_113 = vector.shape_cast %reduce_min3A_112 : vector<256xi32> to vector<256x1xi32>
    %eq3A_114 = arith.constant 4 : i32
    %eq3A_115 = vector.broadcast %eq3A_114 : i32 to vector<256x16xi32>
    %eq3A_116 = arith.cmpi eq, %iota3A_18, %eq3A_115 : vector<256x16xi32>
    %broadcast_in_dim3A_117 = vector.shape_cast %broadcast_in_dim3A_113 : vector<256x1xi32> to vector<256x1xi32>
    %broadcast_in_dim3A_118 = vector.broadcast %broadcast_in_dim3A_117 : vector<256x1xi32> to vector<256x16xi32>
    %select_n3A_119 = arith.select %eq3A_116, %broadcast_in_dim3A_118, %select_n3A_97 : vector<256x16xi1>, vector<256x16xi32>
    %eq3A_120 = vector.broadcast %broadcast_in_dim3A_113 : vector<256x1xi32> to vector<256x4096xi32>
    %eq3A_121 = arith.cmpi eq, %iota3A, %eq3A_120 : vector<256x4096xi32>
    %jit3A_122 = arith.constant -3.000000e+38 : f32
    %broadcast_in_dim3A_123 = vector.broadcast %jit3A_122 : f32 to vector<256x4096xf32>
    %select_n3A_124 = arith.select %eq3A_121, %broadcast_in_dim3A_123, %select_n3A_102 : vector<256x4096xi1>, vector<256x4096xf32>
    %reduce_max3A_125 = arith.constant dense<0xFF800000> : vector<256xf32>
    %reduce_max3A_126 = vector.multi_reduction <maximumf>, %select_n3A_124, %reduce_max3A_125 [1] : vector<256x4096xf32> to vector<256xf32>
    %broadcast_in_dim3A_127 = vector.shape_cast %reduce_max3A_126 : vector<256xf32> to vector<256x1xf32>
    %eq3A_128 = vector.broadcast %broadcast_in_dim3A_127 : vector<256x1xf32> to vector<256x4096xf32>
    %eq3A_129 = arith.cmpf oeq, %select_n3A_124, %eq3A_128 : vector<256x4096xf32>
    %jit3A_130 = arith.constant 4096 : i32
    %broadcast_in_dim3A_131 = vector.broadcast %jit3A_130 : i32 to vector<256x4096xi32>
    %select_n3A_132 = arith.select %eq3A_129, %iota3A, %broadcast_in_dim3A_131 : vector<256x4096xi1>, vector<256x4096xi32>
    %reduce_min3A_133 = arith.constant dense<2147483647> : vector<256xi32>
    %reduce_min3A_134 = vector.multi_reduction <minsi>, %select_n3A_132, %reduce_min3A_133 [1] : vector<256x4096xi32> to vector<256xi32>
    %broadcast_in_dim3A_135 = vector.shape_cast %reduce_min3A_134 : vector<256xi32> to vector<256x1xi32>
    %eq3A_136 = arith.constant 5 : i32
    %eq3A_137 = vector.broadcast %eq3A_136 : i32 to vector<256x16xi32>
    %eq3A_138 = arith.cmpi eq, %iota3A_18, %eq3A_137 : vector<256x16xi32>
    %broadcast_in_dim3A_139 = vector.shape_cast %broadcast_in_dim3A_135 : vector<256x1xi32> to vector<256x1xi32>
    %broadcast_in_dim3A_140 = vector.broadcast %broadcast_in_dim3A_139 : vector<256x1xi32> to vector<256x16xi32>
    %select_n3A_141 = arith.select %eq3A_138, %broadcast_in_dim3A_140, %select_n3A_119 : vector<256x16xi1>, vector<256x16xi32>
    %eq3A_142 = vector.broadcast %broadcast_in_dim3A_135 : vector<256x1xi32> to vector<256x4096xi32>
    %eq3A_143 = arith.cmpi eq, %iota3A, %eq3A_142 : vector<256x4096xi32>
    %jit3A_144 = arith.constant -3.000000e+38 : f32
    %broadcast_in_dim3A_145 = vector.broadcast %jit3A_144 : f32 to vector<256x4096xf32>
    %select_n3A_146 = arith.select %eq3A_143, %broadcast_in_dim3A_145, %select_n3A_124 : vector<256x4096xi1>, vector<256x4096xf32>
    %reduce_max3A_147 = arith.constant dense<0xFF800000> : vector<256xf32>
    %reduce_max3A_148 = vector.multi_reduction <maximumf>, %select_n3A_146, %reduce_max3A_147 [1] : vector<256x4096xf32> to vector<256xf32>
    %broadcast_in_dim3A_149 = vector.shape_cast %reduce_max3A_148 : vector<256xf32> to vector<256x1xf32>
    %eq3A_150 = vector.broadcast %broadcast_in_dim3A_149 : vector<256x1xf32> to vector<256x4096xf32>
    %eq3A_151 = arith.cmpf oeq, %select_n3A_146, %eq3A_150 : vector<256x4096xf32>
    %jit3A_152 = arith.constant 4096 : i32
    %broadcast_in_dim3A_153 = vector.broadcast %jit3A_152 : i32 to vector<256x4096xi32>
    %select_n3A_154 = arith.select %eq3A_151, %iota3A, %broadcast_in_dim3A_153 : vector<256x4096xi1>, vector<256x4096xi32>
    %reduce_min3A_155 = arith.constant dense<2147483647> : vector<256xi32>
    %reduce_min3A_156 = vector.multi_reduction <minsi>, %select_n3A_154, %reduce_min3A_155 [1] : vector<256x4096xi32> to vector<256xi32>
    %broadcast_in_dim3A_157 = vector.shape_cast %reduce_min3A_156 : vector<256xi32> to vector<256x1xi32>
    %eq3A_158 = arith.constant 6 : i32
    %eq3A_159 = vector.broadcast %eq3A_158 : i32 to vector<256x16xi32>
    %eq3A_160 = arith.cmpi eq, %iota3A_18, %eq3A_159 : vector<256x16xi32>
    %broadcast_in_dim3A_161 = vector.shape_cast %broadcast_in_dim3A_157 : vector<256x1xi32> to vector<256x1xi32>
    %broadcast_in_dim3A_162 = vector.broadcast %broadcast_in_dim3A_161 : vector<256x1xi32> to vector<256x16xi32>
    %select_n3A_163 = arith.select %eq3A_160, %broadcast_in_dim3A_162, %select_n3A_141 : vector<256x16xi1>, vector<256x16xi32>
    %eq3A_164 = vector.broadcast %broadcast_in_dim3A_157 : vector<256x1xi32> to vector<256x4096xi32>
    %eq3A_165 = arith.cmpi eq, %iota3A, %eq3A_164 : vector<256x4096xi32>
    %jit3A_166 = arith.constant -3.000000e+38 : f32
    %broadcast_in_dim3A_167 = vector.broadcast %jit3A_166 : f32 to vector<256x4096xf32>
    %select_n3A_168 = arith.select %eq3A_165, %broadcast_in_dim3A_167, %select_n3A_146 : vector<256x4096xi1>, vector<256x4096xf32>
    %reduce_max3A_169 = arith.constant dense<0xFF800000> : vector<256xf32>
    %reduce_max3A_170 = vector.multi_reduction <maximumf>, %select_n3A_168, %reduce_max3A_169 [1] : vector<256x4096xf32> to vector<256xf32>
    %broadcast_in_dim3A_171 = vector.shape_cast %reduce_max3A_170 : vector<256xf32> to vector<256x1xf32>
    %eq3A_172 = vector.broadcast %broadcast_in_dim3A_171 : vector<256x1xf32> to vector<256x4096xf32>
    %eq3A_173 = arith.cmpf oeq, %select_n3A_168, %eq3A_172 : vector<256x4096xf32>
    %jit3A_174 = arith.constant 4096 : i32
    %broadcast_in_dim3A_175 = vector.broadcast %jit3A_174 : i32 to vector<256x4096xi32>
    %select_n3A_176 = arith.select %eq3A_173, %iota3A, %broadcast_in_dim3A_175 : vector<256x4096xi1>, vector<256x4096xi32>
    %reduce_min3A_177 = arith.constant dense<2147483647> : vector<256xi32>
    %reduce_min3A_178 = vector.multi_reduction <minsi>, %select_n3A_176, %reduce_min3A_177 [1] : vector<256x4096xi32> to vector<256xi32>
    %broadcast_in_dim3A_179 = vector.shape_cast %reduce_min3A_178 : vector<256xi32> to vector<256x1xi32>
    %eq3A_180 = arith.constant 7 : i32
    %eq3A_181 = vector.broadcast %eq3A_180 : i32 to vector<256x16xi32>
    %eq3A_182 = arith.cmpi eq, %iota3A_18, %eq3A_181 : vector<256x16xi32>
    %broadcast_in_dim3A_183 = vector.shape_cast %broadcast_in_dim3A_179 : vector<256x1xi32> to vector<256x1xi32>
    %broadcast_in_dim3A_184 = vector.broadcast %broadcast_in_dim3A_183 : vector<256x1xi32> to vector<256x16xi32>
    %select_n3A_185 = arith.select %eq3A_182, %broadcast_in_dim3A_184, %select_n3A_163 : vector<256x16xi1>, vector<256x16xi32>
    %eq3A_186 = vector.broadcast %broadcast_in_dim3A_179 : vector<256x1xi32> to vector<256x4096xi32>
    %eq3A_187 = arith.cmpi eq, %iota3A, %eq3A_186 : vector<256x4096xi32>
    %jit3A_188 = arith.constant -3.000000e+38 : f32
    %broadcast_in_dim3A_189 = vector.broadcast %jit3A_188 : f32 to vector<256x4096xf32>
    %select_n3A_190 = arith.select %eq3A_187, %broadcast_in_dim3A_189, %select_n3A_168 : vector<256x4096xi1>, vector<256x4096xf32>
    %reduce_max3A_191 = arith.constant dense<0xFF800000> : vector<256xf32>
    %reduce_max3A_192 = vector.multi_reduction <maximumf>, %select_n3A_190, %reduce_max3A_191 [1] : vector<256x4096xf32> to vector<256xf32>
    %broadcast_in_dim3A_193 = vector.shape_cast %reduce_max3A_192 : vector<256xf32> to vector<256x1xf32>
    %eq3A_194 = vector.broadcast %broadcast_in_dim3A_193 : vector<256x1xf32> to vector<256x4096xf32>
    %eq3A_195 = arith.cmpf oeq, %select_n3A_190, %eq3A_194 : vector<256x4096xf32>
    %jit3A_196 = arith.constant 4096 : i32
    %broadcast_in_dim3A_197 = vector.broadcast %jit3A_196 : i32 to vector<256x4096xi32>
    %select_n3A_198 = arith.select %eq3A_195, %iota3A, %broadcast_in_dim3A_197 : vector<256x4096xi1>, vector<256x4096xi32>
    %reduce_min3A_199 = arith.constant dense<2147483647> : vector<256xi32>
    %reduce_min3A_200 = vector.multi_reduction <minsi>, %select_n3A_198, %reduce_min3A_199 [1] : vector<256x4096xi32> to vector<256xi32>
    %broadcast_in_dim3A_201 = vector.shape_cast %reduce_min3A_200 : vector<256xi32> to vector<256x1xi32>
    %eq3A_202 = arith.constant 8 : i32
    %eq3A_203 = vector.broadcast %eq3A_202 : i32 to vector<256x16xi32>
    %eq3A_204 = arith.cmpi eq, %iota3A_18, %eq3A_203 : vector<256x16xi32>
    %broadcast_in_dim3A_205 = vector.shape_cast %broadcast_in_dim3A_201 : vector<256x1xi32> to vector<256x1xi32>
    %broadcast_in_dim3A_206 = vector.broadcast %broadcast_in_dim3A_205 : vector<256x1xi32> to vector<256x16xi32>
    %select_n3A_207 = arith.select %eq3A_204, %broadcast_in_dim3A_206, %select_n3A_185 : vector<256x16xi1>, vector<256x16xi32>
    %eq3A_208 = vector.broadcast %broadcast_in_dim3A_201 : vector<256x1xi32> to vector<256x4096xi32>
    %eq3A_209 = arith.cmpi eq, %iota3A, %eq3A_208 : vector<256x4096xi32>
    %jit3A_210 = arith.constant -3.000000e+38 : f32
    %broadcast_in_dim3A_211 = vector.broadcast %jit3A_210 : f32 to vector<256x4096xf32>
    %select_n3A_212 = arith.select %eq3A_209, %broadcast_in_dim3A_211, %select_n3A_190 : vector<256x4096xi1>, vector<256x4096xf32>
    %reduce_max3A_213 = arith.constant dense<0xFF800000> : vector<256xf32>
    %reduce_max3A_214 = vector.multi_reduction <maximumf>, %select_n3A_212, %reduce_max3A_213 [1] : vector<256x4096xf32> to vector<256xf32>
    %broadcast_in_dim3A_215 = vector.shape_cast %reduce_max3A_214 : vector<256xf32> to vector<256x1xf32>
    %eq3A_216 = vector.broadcast %broadcast_in_dim3A_215 : vector<256x1xf32> to vector<256x4096xf32>
    %eq3A_217 = arith.cmpf oeq, %select_n3A_212, %eq3A_216 : vector<256x4096xf32>
    %jit3A_218 = arith.constant 4096 : i32
    %broadcast_in_dim3A_219 = vector.broadcast %jit3A_218 : i32 to vector<256x4096xi32>
    %select_n3A_220 = arith.select %eq3A_217, %iota3A, %broadcast_in_dim3A_219 : vector<256x4096xi1>, vector<256x4096xi32>
    %reduce_min3A_221 = arith.constant dense<2147483647> : vector<256xi32>
    %reduce_min3A_222 = vector.multi_reduction <minsi>, %select_n3A_220, %reduce_min3A_221 [1] : vector<256x4096xi32> to vector<256xi32>
    %broadcast_in_dim3A_223 = vector.shape_cast %reduce_min3A_222 : vector<256xi32> to vector<256x1xi32>
    %eq3A_224 = arith.constant 9 : i32
    %eq3A_225 = vector.broadcast %eq3A_224 : i32 to vector<256x16xi32>
    %eq3A_226 = arith.cmpi eq, %iota3A_18, %eq3A_225 : vector<256x16xi32>
    %broadcast_in_dim3A_227 = vector.shape_cast %broadcast_in_dim3A_223 : vector<256x1xi32> to vector<256x1xi32>
    %broadcast_in_dim3A_228 = vector.broadcast %broadcast_in_dim3A_227 : vector<256x1xi32> to vector<256x16xi32>
    %select_n3A_229 = arith.select %eq3A_226, %broadcast_in_dim3A_228, %select_n3A_207 : vector<256x16xi1>, vector<256x16xi32>
    %eq3A_230 = vector.broadcast %broadcast_in_dim3A_223 : vector<256x1xi32> to vector<256x4096xi32>
    %eq3A_231 = arith.cmpi eq, %iota3A, %eq3A_230 : vector<256x4096xi32>
    %jit3A_232 = arith.constant -3.000000e+38 : f32
    %broadcast_in_dim3A_233 = vector.broadcast %jit3A_232 : f32 to vector<256x4096xf32>
    %select_n3A_234 = arith.select %eq3A_231, %broadcast_in_dim3A_233, %select_n3A_212 : vector<256x4096xi1>, vector<256x4096xf32>
    %reduce_max3A_235 = arith.constant dense<0xFF800000> : vector<256xf32>
    %reduce_max3A_236 = vector.multi_reduction <maximumf>, %select_n3A_234, %reduce_max3A_235 [1] : vector<256x4096xf32> to vector<256xf32>
    %broadcast_in_dim3A_237 = vector.shape_cast %reduce_max3A_236 : vector<256xf32> to vector<256x1xf32>
    %eq3A_238 = vector.broadcast %broadcast_in_dim3A_237 : vector<256x1xf32> to vector<256x4096xf32>
    %eq3A_239 = arith.cmpf oeq, %select_n3A_234, %eq3A_238 : vector<256x4096xf32>
    %jit3A_240 = arith.constant 4096 : i32
    %broadcast_in_dim3A_241 = vector.broadcast %jit3A_240 : i32 to vector<256x4096xi32>
    %select_n3A_242 = arith.select %eq3A_239, %iota3A, %broadcast_in_dim3A_241 : vector<256x4096xi1>, vector<256x4096xi32>
    %reduce_min3A_243 = arith.constant dense<2147483647> : vector<256xi32>
    %reduce_min3A_244 = vector.multi_reduction <minsi>, %select_n3A_242, %reduce_min3A_243 [1] : vector<256x4096xi32> to vector<256xi32>
    %broadcast_in_dim3A_245 = vector.shape_cast %reduce_min3A_244 : vector<256xi32> to vector<256x1xi32>
    %eq3A_246 = arith.constant 10 : i32
    %eq3A_247 = vector.broadcast %eq3A_246 : i32 to vector<256x16xi32>
    %eq3A_248 = arith.cmpi eq, %iota3A_18, %eq3A_247 : vector<256x16xi32>
    %broadcast_in_dim3A_249 = vector.shape_cast %broadcast_in_dim3A_245 : vector<256x1xi32> to vector<256x1xi32>
    %broadcast_in_dim3A_250 = vector.broadcast %broadcast_in_dim3A_249 : vector<256x1xi32> to vector<256x16xi32>
    %select_n3A_251 = arith.select %eq3A_248, %broadcast_in_dim3A_250, %select_n3A_229 : vector<256x16xi1>, vector<256x16xi32>
    %eq3A_252 = vector.broadcast %broadcast_in_dim3A_245 : vector<256x1xi32> to vector<256x4096xi32>
    %eq3A_253 = arith.cmpi eq, %iota3A, %eq3A_252 : vector<256x4096xi32>
    %jit3A_254 = arith.constant -3.000000e+38 : f32
    %broadcast_in_dim3A_255 = vector.broadcast %jit3A_254 : f32 to vector<256x4096xf32>
    %select_n3A_256 = arith.select %eq3A_253, %broadcast_in_dim3A_255, %select_n3A_234 : vector<256x4096xi1>, vector<256x4096xf32>
    %reduce_max3A_257 = arith.constant dense<0xFF800000> : vector<256xf32>
    %reduce_max3A_258 = vector.multi_reduction <maximumf>, %select_n3A_256, %reduce_max3A_257 [1] : vector<256x4096xf32> to vector<256xf32>
    %broadcast_in_dim3A_259 = vector.shape_cast %reduce_max3A_258 : vector<256xf32> to vector<256x1xf32>
    %eq3A_260 = vector.broadcast %broadcast_in_dim3A_259 : vector<256x1xf32> to vector<256x4096xf32>
    %eq3A_261 = arith.cmpf oeq, %select_n3A_256, %eq3A_260 : vector<256x4096xf32>
    %jit3A_262 = arith.constant 4096 : i32
    %broadcast_in_dim3A_263 = vector.broadcast %jit3A_262 : i32 to vector<256x4096xi32>
    %select_n3A_264 = arith.select %eq3A_261, %iota3A, %broadcast_in_dim3A_263 : vector<256x4096xi1>, vector<256x4096xi32>
    %reduce_min3A_265 = arith.constant dense<2147483647> : vector<256xi32>
    %reduce_min3A_266 = vector.multi_reduction <minsi>, %select_n3A_264, %reduce_min3A_265 [1] : vector<256x4096xi32> to vector<256xi32>
    %broadcast_in_dim3A_267 = vector.shape_cast %reduce_min3A_266 : vector<256xi32> to vector<256x1xi32>
    %eq3A_268 = arith.constant 11 : i32
    %eq3A_269 = vector.broadcast %eq3A_268 : i32 to vector<256x16xi32>
    %eq3A_270 = arith.cmpi eq, %iota3A_18, %eq3A_269 : vector<256x16xi32>
    %broadcast_in_dim3A_271 = vector.shape_cast %broadcast_in_dim3A_267 : vector<256x1xi32> to vector<256x1xi32>
    %broadcast_in_dim3A_272 = vector.broadcast %broadcast_in_dim3A_271 : vector<256x1xi32> to vector<256x16xi32>
    %select_n3A_273 = arith.select %eq3A_270, %broadcast_in_dim3A_272, %select_n3A_251 : vector<256x16xi1>, vector<256x16xi32>
    %mul3A_274 = arith.constant 4096 : i32
    %mul3A_275 = arith.muli %arg0, %mul3A_274 : i32
    %add3A = vector.broadcast %mul3A_275 : i32 to vector<256x16xi32>
    %add3A_276 = arith.addi %select_n3A_273, %add3A : vector<256x16xi32>
    %swap3A = arith.constant 0 : index
    %swap3A_277 = arith.constant 0 : index
    %swap3A_278 = vector.load %arg5[%swap3A, %swap3A_277] : memref<256x16xi32, #tpu.memory_space<vmem>>, vector<256x16xi32>
    tpu.vector_store %arg5[%swap3A, %swap3A_277], %add3A_276 {strides = array<i32>} : memref<256x16xi32, #tpu.memory_space<vmem>>, vector<256x16xi32>,
    return
  }
  func.func @transform_0(%arg0: i32, %arg1: i32) -> (i32, i32, i32) {
    %c0_i32 = arith.constant 0 : i32
    %c0_i32_0 = arith.constant 0 : i32
    return %arg0, %arg1, %c0_i32 : i32, i32, i32
  }
  func.func @transform_1(%arg0: i32, %arg1: i32) -> (i32, i32, i32) {
    %c0_i32 = arith.constant 0 : i32
    %c0_i32_0 = arith.constant 0 : i32
    %c0_i32_1 = arith.constant 0 : i32
    return %arg0, %c0_i32, %c0_i32_0 : i32, i32, i32
  }
  func.func @transform_2(%arg0: i32, %arg1: i32) -> (i32, i32, i32) {
    %c0_i32 = arith.constant 0 : i32
    %c0_i32_0 = arith.constant 0 : i32
    %c0_i32_1 = arith.constant 0 : i32
    return %arg0, %c0_i32, %c0_i32_0 : i32, i32, i32
  }
  func.func @transform_3(%arg0: i32, %arg1: i32) -> (i32, i32) {
    %mul3A = arith.constant 16 : i32
    %mul3A_0 = arith.muli %arg0, %mul3A : i32
    %add3A = arith.addi %mul3A_0, %arg1 : i32
    %c0_i32 = arith.constant 0 : i32
    %c0_i32_1 = arith.constant 0 : i32
    return %add3A, %c0_i32 : i32, i32
  }
}

module attributes {stable_mosaic.version = 14 : i64} {
  func.func @_ec2_body(%arg0: i32, %arg1: i32, %arg2: memref<1x256x256xf32, #tpu.memory_space<vmem>>, %arg3: memref<12x256x256xf32, #tpu.memory_space<vmem>>, %arg4: memref<256x256xf32, #tpu.memory_space<vmem>>, %arg5: memref<1x256xf32, #tpu.memory_space<vmem>>, %arg6: memref<256x64xf32, #tpu.memory_space<vmem>>, %arg7: memref<1x64xf32, #tpu.memory_space<vmem>>, %arg8: memref<64x256xf32, #tpu.memory_space<vmem>>, %arg9: memref<1x256xf32, #tpu.memory_space<vmem>>, %arg10: memref<64x256xf32, #tpu.memory_space<vmem>>, %arg11: memref<1x256x64xf32, #tpu.memory_space<vmem>>, %arg12: memref<1x1x256xf32, #tpu.memory_space<vmem>>, %arg13: memref<1x256x256xf32, #tpu.memory_space<vmem>>, %arg14: memref<256x256xf32, #tpu.memory_space<vmem>>) attributes {dimension_semantics = [#tpu.dimension_semantics<parallel>, #tpu.dimension_semantics<parallel>], iteration_bounds = array<i64: 2, 16>, scalar_prefetch = 0 : i64, scratch_operands = 0 : i64, tpu.core_type = #tpu.core_type<tc>, window_params = [{transform_indices = @transform_0, window_bounds = array<i64: 1, 256, 256>}, {transform_indices = @transform_1, window_bounds = array<i64: 12, 256, 256>}, {pipeline_mode = #tpu.pipeline_mode<synchronous>, transform_indices = @transform_2, window_bounds = array<i64: 256, 256>}, {pipeline_mode = #tpu.pipeline_mode<synchronous>, transform_indices = @transform_3, window_bounds = array<i64: 1, 256>}, {pipeline_mode = #tpu.pipeline_mode<synchronous>, transform_indices = @transform_4, window_bounds = array<i64: 256, 64>}, {pipeline_mode = #tpu.pipeline_mode<synchronous>, transform_indices = @transform_5, window_bounds = array<i64: 1, 64>}, {pipeline_mode = #tpu.pipeline_mode<synchronous>, transform_indices = @transform_6, window_bounds = array<i64: 64, 256>}, {pipeline_mode = #tpu.pipeline_mode<synchronous>, transform_indices = @transform_7, window_bounds = array<i64: 1, 256>}, {pipeline_mode = #tpu.pipeline_mode<synchronous>, transform_indices = @transform_8, window_bounds = array<i64: 64, 256>}, {transform_indices = @transform_9, window_bounds = array<i64: 1, 256, 64>}, {transform_indices = @transform_10, window_bounds = array<i64: 1, 1, 256>}, {transform_indices = @transform_11, window_bounds = array<i64: 1, 256, 256>}, {transform_indices = @transform_12, window_bounds = array<i64: 256, 256>}]} {
    %get3A = arith.constant 0 : index
    %get3A_0 = arith.constant 0 : index
    %get3A_1 = arith.constant 0 : index
    %get3A_2 = vector.load %arg2[%get3A, %get3A_0, %get3A_1] : memref<1x256x256xf32, #tpu.memory_space<vmem>>, vector<1x256x256xf32>
    %get3A_3 = vector.shape_cast %get3A_2 : vector<1x256x256xf32> to vector<256x256xf32>
    %get3A_4 = arith.constant 0 : index
    %get3A_5 = arith.constant 0 : index
    %get3A_6 = vector.load %arg4[%get3A_4, %get3A_5] : memref<256x256xf32, #tpu.memory_space<vmem>>, vector<256x256xf32>
    %get3A_7 = arith.constant 0 : index
    %get3A_8 = arith.constant 0 : index
    %get3A_9 = vector.load %arg5[%get3A_7, %get3A_8] : memref<1x256xf32, #tpu.memory_space<vmem>>, vector<1x256xf32>
    %get3A_10 = arith.constant 0 : index
    %get3A_11 = arith.constant 0 : index
    %get3A_12 = arith.constant 0 : index
    %get3A_13 = vector.load %arg3[%get3A_10, %get3A_11, %get3A_12] : memref<12x256x256xf32, #tpu.memory_space<vmem>>, vector<1x256x256xf32>
    %get3A_14 = vector.shape_cast %get3A_13 : vector<1x256x256xf32> to vector<256x256xf32>
    %add3A = arith.addf %get3A_3, %get3A_14 : vector<256x256xf32>
    %jit3A = arith.constant 2.000000e-01 : f32
    %ge3A = arith.constant 0.000000e+00 : f32
    %ge3A_15 = vector.broadcast %ge3A : f32 to vector<256x256xf32>
    %ge3A_16 = arith.cmpf oge, %add3A, %ge3A_15 : vector<256x256xf32>
    %mul3A = vector.broadcast %jit3A : f32 to vector<256x256xf32>
    %mul3A_17 = arith.mulf %mul3A, %add3A : vector<256x256xf32>
    %select_n3A = arith.select %ge3A_16, %add3A, %mul3A_17 : vector<256x256xi1>, vector<256x256xf32>
    %dot_general3A = arith.constant dense<0.000000e+00> : vector<256x256xf32>
    %dot_general3A_18 = tpu.matmul %select_n3A, %get3A_6, %dot_general3A {dimension_numbers = #tpu.dot_dimension_numbers<[1], [0], [0], [1], [0, 0, 1, 1], [], []>, transpose_lhs_hint = false} : vector<256x256xf32>, vector<256x256xf32>, vector<256x256xf32> -> vector<256x256xf32>
    %add3A_19 = vector.broadcast %get3A_9 : vector<1x256xf32> to vector<256x256xf32>
    %add3A_20 = arith.addf %dot_general3A_18, %add3A_19 : vector<256x256xf32>
    %jit3A_21 = arith.constant 2.000000e-01 : f32
    %ge3A_22 = arith.constant 0.000000e+00 : f32
    %ge3A_23 = vector.broadcast %ge3A_22 : f32 to vector<256x256xf32>
    %ge3A_24 = arith.cmpf oge, %add3A_20, %ge3A_23 : vector<256x256xf32>
    %mul3A_25 = vector.broadcast %jit3A_21 : f32 to vector<256x256xf32>
    %mul3A_26 = arith.mulf %mul3A_25, %add3A_20 : vector<256x256xf32>
    %select_n3A_27 = arith.select %ge3A_24, %add3A_20, %mul3A_26 : vector<256x256xi1>, vector<256x256xf32>
    %get3A_28 = arith.constant 1 : index
    %get3A_29 = arith.constant 0 : index
    %get3A_30 = arith.constant 0 : index
    %get3A_31 = vector.load %arg3[%get3A_28, %get3A_29, %get3A_30] : memref<12x256x256xf32, #tpu.memory_space<vmem>>, vector<1x256x256xf32>
    %get3A_32 = vector.shape_cast %get3A_31 : vector<1x256x256xf32> to vector<256x256xf32>
    %add3A_33 = arith.addf %get3A_3, %get3A_32 : vector<256x256xf32>
    %jit3A_34 = arith.constant 2.000000e-01 : f32
    %ge3A_35 = arith.constant 0.000000e+00 : f32
    %ge3A_36 = vector.broadcast %ge3A_35 : f32 to vector<256x256xf32>
    %ge3A_37 = arith.cmpf oge, %add3A_33, %ge3A_36 : vector<256x256xf32>
    %mul3A_38 = vector.broadcast %jit3A_34 : f32 to vector<256x256xf32>
    %mul3A_39 = arith.mulf %mul3A_38, %add3A_33 : vector<256x256xf32>
    %select_n3A_40 = arith.select %ge3A_37, %add3A_33, %mul3A_39 : vector<256x256xi1>, vector<256x256xf32>
    %dot_general3A_41 = arith.constant dense<0.000000e+00> : vector<256x256xf32>
    %dot_general3A_42 = tpu.matmul %select_n3A_40, %get3A_6, %dot_general3A_41 {dimension_numbers = #tpu.dot_dimension_numbers<[1], [0], [0], [1], [0, 0, 1, 1], [], []>, transpose_lhs_hint = false} : vector<256x256xf32>, vector<256x256xf32>, vector<256x256xf32> -> vector<256x256xf32>
    %add3A_43 = vector.broadcast %get3A_9 : vector<1x256xf32> to vector<256x256xf32>
    %add3A_44 = arith.addf %dot_general3A_42, %add3A_43 : vector<256x256xf32>
    %jit3A_45 = arith.constant 2.000000e-01 : f32
    %ge3A_46 = arith.constant 0.000000e+00 : f32
    %ge3A_47 = vector.broadcast %ge3A_46 : f32 to vector<256x256xf32>
    %ge3A_48 = arith.cmpf oge, %add3A_44, %ge3A_47 : vector<256x256xf32>
    %mul3A_49 = vector.broadcast %jit3A_45 : f32 to vector<256x256xf32>
    %mul3A_50 = arith.mulf %mul3A_49, %add3A_44 : vector<256x256xf32>
    %select_n3A_51 = arith.select %ge3A_48, %add3A_44, %mul3A_50 : vector<256x256xi1>, vector<256x256xf32>
    %max3A = arith.maximumf %select_n3A_27, %select_n3A_51 : vector<256x256xf32>
    %get3A_52 = arith.constant 2 : index
    %get3A_53 = arith.constant 0 : index
    %get3A_54 = arith.constant 0 : index
    %get3A_55 = vector.load %arg3[%get3A_52, %get3A_53, %get3A_54] : memref<12x256x256xf32, #tpu.memory_space<vmem>>, vector<1x256x256xf32>
    %get3A_56 = vector.shape_cast %get3A_55 : vector<1x256x256xf32> to vector<256x256xf32>
    %add3A_57 = arith.addf %get3A_3, %get3A_56 : vector<256x256xf32>
    %jit3A_58 = arith.constant 2.000000e-01 : f32
    %ge3A_59 = arith.constant 0.000000e+00 : f32
    %ge3A_60 = vector.broadcast %ge3A_59 : f32 to vector<256x256xf32>
    %ge3A_61 = arith.cmpf oge, %add3A_57, %ge3A_60 : vector<256x256xf32>
    %mul3A_62 = vector.broadcast %jit3A_58 : f32 to vector<256x256xf32>
    %mul3A_63 = arith.mulf %mul3A_62, %add3A_57 : vector<256x256xf32>
    %select_n3A_64 = arith.select %ge3A_61, %add3A_57, %mul3A_63 : vector<256x256xi1>, vector<256x256xf32>
    %dot_general3A_65 = arith.constant dense<0.000000e+00> : vector<256x256xf32>
    %dot_general3A_66 = tpu.matmul %select_n3A_64, %get3A_6, %dot_general3A_65 {dimension_numbers = #tpu.dot_dimension_numbers<[1], [0], [0], [1], [0, 0, 1, 1], [], []>, transpose_lhs_hint = false} : vector<256x256xf32>, vector<256x256xf32>, vector<256x256xf32> -> vector<256x256xf32>
    %add3A_67 = vector.broadcast %get3A_9 : vector<1x256xf32> to vector<256x256xf32>
    %add3A_68 = arith.addf %dot_general3A_66, %add3A_67 : vector<256x256xf32>
    %jit3A_69 = arith.constant 2.000000e-01 : f32
    %ge3A_70 = arith.constant 0.000000e+00 : f32
    %ge3A_71 = vector.broadcast %ge3A_70 : f32 to vector<256x256xf32>
    %ge3A_72 = arith.cmpf oge, %add3A_68, %ge3A_71 : vector<256x256xf32>
    %mul3A_73 = vector.broadcast %jit3A_69 : f32 to vector<256x256xf32>
    %mul3A_74 = arith.mulf %mul3A_73, %add3A_68 : vector<256x256xf32>
    %select_n3A_75 = arith.select %ge3A_72, %add3A_68, %mul3A_74 : vector<256x256xi1>, vector<256x256xf32>
    %max3A_76 = arith.maximumf %max3A, %select_n3A_75 : vector<256x256xf32>
    %get3A_77 = arith.constant 3 : index
    %get3A_78 = arith.constant 0 : index
    %get3A_79 = arith.constant 0 : index
    %get3A_80 = vector.load %arg3[%get3A_77, %get3A_78, %get3A_79] : memref<12x256x256xf32, #tpu.memory_space<vmem>>, vector<1x256x256xf32>
    %get3A_81 = vector.shape_cast %get3A_80 : vector<1x256x256xf32> to vector<256x256xf32>
    %add3A_82 = arith.addf %get3A_3, %get3A_81 : vector<256x256xf32>
    %jit3A_83 = arith.constant 2.000000e-01 : f32
    %ge3A_84 = arith.constant 0.000000e+00 : f32
    %ge3A_85 = vector.broadcast %ge3A_84 : f32 to vector<256x256xf32>
    %ge3A_86 = arith.cmpf oge, %add3A_82, %ge3A_85 : vector<256x256xf32>
    %mul3A_87 = vector.broadcast %jit3A_83 : f32 to vector<256x256xf32>
    %mul3A_88 = arith.mulf %mul3A_87, %add3A_82 : vector<256x256xf32>
    %select_n3A_89 = arith.select %ge3A_86, %add3A_82, %mul3A_88 : vector<256x256xi1>, vector<256x256xf32>
    %dot_general3A_90 = arith.constant dense<0.000000e+00> : vector<256x256xf32>
    %dot_general3A_91 = tpu.matmul %select_n3A_89, %get3A_6, %dot_general3A_90 {dimension_numbers = #tpu.dot_dimension_numbers<[1], [0], [0], [1], [0, 0, 1, 1], [], []>, transpose_lhs_hint = false} : vector<256x256xf32>, vector<256x256xf32>, vector<256x256xf32> -> vector<256x256xf32>
    %add3A_92 = vector.broadcast %get3A_9 : vector<1x256xf32> to vector<256x256xf32>
    %add3A_93 = arith.addf %dot_general3A_91, %add3A_92 : vector<256x256xf32>
    %jit3A_94 = arith.constant 2.000000e-01 : f32
    %ge3A_95 = arith.constant 0.000000e+00 : f32
    %ge3A_96 = vector.broadcast %ge3A_95 : f32 to vector<256x256xf32>
    %ge3A_97 = arith.cmpf oge, %add3A_93, %ge3A_96 : vector<256x256xf32>
    %mul3A_98 = vector.broadcast %jit3A_94 : f32 to vector<256x256xf32>
    %mul3A_99 = arith.mulf %mul3A_98, %add3A_93 : vector<256x256xf32>
    %select_n3A_100 = arith.select %ge3A_97, %add3A_93, %mul3A_99 : vector<256x256xi1>, vector<256x256xf32>
    %max3A_101 = arith.maximumf %max3A_76, %select_n3A_100 : vector<256x256xf32>
    %get3A_102 = arith.constant 4 : index
    %get3A_103 = arith.constant 0 : index
    %get3A_104 = arith.constant 0 : index
    %get3A_105 = vector.load %arg3[%get3A_102, %get3A_103, %get3A_104] : memref<12x256x256xf32, #tpu.memory_space<vmem>>, vector<1x256x256xf32>
    %get3A_106 = vector.shape_cast %get3A_105 : vector<1x256x256xf32> to vector<256x256xf32>
    %add3A_107 = arith.addf %get3A_3, %get3A_106 : vector<256x256xf32>
    %jit3A_108 = arith.constant 2.000000e-01 : f32
    %ge3A_109 = arith.constant 0.000000e+00 : f32
    %ge3A_110 = vector.broadcast %ge3A_109 : f32 to vector<256x256xf32>
    %ge3A_111 = arith.cmpf oge, %add3A_107, %ge3A_110 : vector<256x256xf32>
    %mul3A_112 = vector.broadcast %jit3A_108 : f32 to vector<256x256xf32>
    %mul3A_113 = arith.mulf %mul3A_112, %add3A_107 : vector<256x256xf32>
    %select_n3A_114 = arith.select %ge3A_111, %add3A_107, %mul3A_113 : vector<256x256xi1>, vector<256x256xf32>
    %dot_general3A_115 = arith.constant dense<0.000000e+00> : vector<256x256xf32>
    %dot_general3A_116 = tpu.matmul %select_n3A_114, %get3A_6, %dot_general3A_115 {dimension_numbers = #tpu.dot_dimension_numbers<[1], [0], [0], [1], [0, 0, 1, 1], [], []>, transpose_lhs_hint = false} : vector<256x256xf32>, vector<256x256xf32>, vector<256x256xf32> -> vector<256x256xf32>
    %add3A_117 = vector.broadcast %get3A_9 : vector<1x256xf32> to vector<256x256xf32>
    %add3A_118 = arith.addf %dot_general3A_116, %add3A_117 : vector<256x256xf32>
    %jit3A_119 = arith.constant 2.000000e-01 : f32
    %ge3A_120 = arith.constant 0.000000e+00 : f32
    %ge3A_121 = vector.broadcast %ge3A_120 : f32 to vector<256x256xf32>
    %ge3A_122 = arith.cmpf oge, %add3A_118, %ge3A_121 : vector<256x256xf32>
    %mul3A_123 = vector.broadcast %jit3A_119 : f32 to vector<256x256xf32>
    %mul3A_124 = arith.mulf %mul3A_123, %add3A_118 : vector<256x256xf32>
    %select_n3A_125 = arith.select %ge3A_122, %add3A_118, %mul3A_124 : vector<256x256xi1>, vector<256x256xf32>
    %max3A_126 = arith.maximumf %max3A_101, %select_n3A_125 : vector<256x256xf32>
    %get3A_127 = arith.constant 5 : index
    %get3A_128 = arith.constant 0 : index
    %get3A_129 = arith.constant 0 : index
    %get3A_130 = vector.load %arg3[%get3A_127, %get3A_128, %get3A_129] : memref<12x256x256xf32, #tpu.memory_space<vmem>>, vector<1x256x256xf32>
    %get3A_131 = vector.shape_cast %get3A_130 : vector<1x256x256xf32> to vector<256x256xf32>
    %add3A_132 = arith.addf %get3A_3, %get3A_131 : vector<256x256xf32>
    %jit3A_133 = arith.constant 2.000000e-01 : f32
    %ge3A_134 = arith.constant 0.000000e+00 : f32
    %ge3A_135 = vector.broadcast %ge3A_134 : f32 to vector<256x256xf32>
    %ge3A_136 = arith.cmpf oge, %add3A_132, %ge3A_135 : vector<256x256xf32>
    %mul3A_137 = vector.broadcast %jit3A_133 : f32 to vector<256x256xf32>
    %mul3A_138 = arith.mulf %mul3A_137, %add3A_132 : vector<256x256xf32>
    %select_n3A_139 = arith.select %ge3A_136, %add3A_132, %mul3A_138 : vector<256x256xi1>, vector<256x256xf32>
    %dot_general3A_140 = arith.constant dense<0.000000e+00> : vector<256x256xf32>
    %dot_general3A_141 = tpu.matmul %select_n3A_139, %get3A_6, %dot_general3A_140 {dimension_numbers = #tpu.dot_dimension_numbers<[1], [0], [0], [1], [0, 0, 1, 1], [], []>, transpose_lhs_hint = false} : vector<256x256xf32>, vector<256x256xf32>, vector<256x256xf32> -> vector<256x256xf32>
    %add3A_142 = vector.broadcast %get3A_9 : vector<1x256xf32> to vector<256x256xf32>
    %add3A_143 = arith.addf %dot_general3A_141, %add3A_142 : vector<256x256xf32>
    %jit3A_144 = arith.constant 2.000000e-01 : f32
    %ge3A_145 = arith.constant 0.000000e+00 : f32
    %ge3A_146 = vector.broadcast %ge3A_145 : f32 to vector<256x256xf32>
    %ge3A_147 = arith.cmpf oge, %add3A_143, %ge3A_146 : vector<256x256xf32>
    %mul3A_148 = vector.broadcast %jit3A_144 : f32 to vector<256x256xf32>
    %mul3A_149 = arith.mulf %mul3A_148, %add3A_143 : vector<256x256xf32>
    %select_n3A_150 = arith.select %ge3A_147, %add3A_143, %mul3A_149 : vector<256x256xi1>, vector<256x256xf32>
    %max3A_151 = arith.maximumf %max3A_126, %select_n3A_150 : vector<256x256xf32>
    %get3A_152 = arith.constant 6 : index
    %get3A_153 = arith.constant 0 : index
    %get3A_154 = arith.constant 0 : index
    %get3A_155 = vector.load %arg3[%get3A_152, %get3A_153, %get3A_154] : memref<12x256x256xf32, #tpu.memory_space<vmem>>, vector<1x256x256xf32>
    %get3A_156 = vector.shape_cast %get3A_155 : vector<1x256x256xf32> to vector<256x256xf32>
    %add3A_157 = arith.addf %get3A_3, %get3A_156 : vector<256x256xf32>
    %jit3A_158 = arith.constant 2.000000e-01 : f32
    %ge3A_159 = arith.constant 0.000000e+00 : f32
    %ge3A_160 = vector.broadcast %ge3A_159 : f32 to vector<256x256xf32>
    %ge3A_161 = arith.cmpf oge, %add3A_157, %ge3A_160 : vector<256x256xf32>
    %mul3A_162 = vector.broadcast %jit3A_158 : f32 to vector<256x256xf32>
    %mul3A_163 = arith.mulf %mul3A_162, %add3A_157 : vector<256x256xf32>
    %select_n3A_164 = arith.select %ge3A_161, %add3A_157, %mul3A_163 : vector<256x256xi1>, vector<256x256xf32>
    %dot_general3A_165 = arith.constant dense<0.000000e+00> : vector<256x256xf32>
    %dot_general3A_166 = tpu.matmul %select_n3A_164, %get3A_6, %dot_general3A_165 {dimension_numbers = #tpu.dot_dimension_numbers<[1], [0], [0], [1], [0, 0, 1, 1], [], []>, transpose_lhs_hint = false} : vector<256x256xf32>, vector<256x256xf32>, vector<256x256xf32> -> vector<256x256xf32>
    %add3A_167 = vector.broadcast %get3A_9 : vector<1x256xf32> to vector<256x256xf32>
    %add3A_168 = arith.addf %dot_general3A_166, %add3A_167 : vector<256x256xf32>
    %jit3A_169 = arith.constant 2.000000e-01 : f32
    %ge3A_170 = arith.constant 0.000000e+00 : f32
    %ge3A_171 = vector.broadcast %ge3A_170 : f32 to vector<256x256xf32>
    %ge3A_172 = arith.cmpf oge, %add3A_168, %ge3A_171 : vector<256x256xf32>
    %mul3A_173 = vector.broadcast %jit3A_169 : f32 to vector<256x256xf32>
    %mul3A_174 = arith.mulf %mul3A_173, %add3A_168 : vector<256x256xf32>
    %select_n3A_175 = arith.select %ge3A_172, %add3A_168, %mul3A_174 : vector<256x256xi1>, vector<256x256xf32>
    %max3A_176 = arith.maximumf %max3A_151, %select_n3A_175 : vector<256x256xf32>
    %get3A_177 = arith.constant 7 : index
    %get3A_178 = arith.constant 0 : index
    %get3A_179 = arith.constant 0 : index
    %get3A_180 = vector.load %arg3[%get3A_177, %get3A_178, %get3A_179] : memref<12x256x256xf32, #tpu.memory_space<vmem>>, vector<1x256x256xf32>
    %get3A_181 = vector.shape_cast %get3A_180 : vector<1x256x256xf32> to vector<256x256xf32>
    %add3A_182 = arith.addf %get3A_3, %get3A_181 : vector<256x256xf32>
    %jit3A_183 = arith.constant 2.000000e-01 : f32
    %ge3A_184 = arith.constant 0.000000e+00 : f32
    %ge3A_185 = vector.broadcast %ge3A_184 : f32 to vector<256x256xf32>
    %ge3A_186 = arith.cmpf oge, %add3A_182, %ge3A_185 : vector<256x256xf32>
    %mul3A_187 = vector.broadcast %jit3A_183 : f32 to vector<256x256xf32>
    %mul3A_188 = arith.mulf %mul3A_187, %add3A_182 : vector<256x256xf32>
    %select_n3A_189 = arith.select %ge3A_186, %add3A_182, %mul3A_188 : vector<256x256xi1>, vector<256x256xf32>
    %dot_general3A_190 = arith.constant dense<0.000000e+00> : vector<256x256xf32>
    %dot_general3A_191 = tpu.matmul %select_n3A_189, %get3A_6, %dot_general3A_190 {dimension_numbers = #tpu.dot_dimension_numbers<[1], [0], [0], [1], [0, 0, 1, 1], [], []>, transpose_lhs_hint = false} : vector<256x256xf32>, vector<256x256xf32>, vector<256x256xf32> -> vector<256x256xf32>
    %add3A_192 = vector.broadcast %get3A_9 : vector<1x256xf32> to vector<256x256xf32>
    %add3A_193 = arith.addf %dot_general3A_191, %add3A_192 : vector<256x256xf32>
    %jit3A_194 = arith.constant 2.000000e-01 : f32
    %ge3A_195 = arith.constant 0.000000e+00 : f32
    %ge3A_196 = vector.broadcast %ge3A_195 : f32 to vector<256x256xf32>
    %ge3A_197 = arith.cmpf oge, %add3A_193, %ge3A_196 : vector<256x256xf32>
    %mul3A_198 = vector.broadcast %jit3A_194 : f32 to vector<256x256xf32>
    %mul3A_199 = arith.mulf %mul3A_198, %add3A_193 : vector<256x256xf32>
    %select_n3A_200 = arith.select %ge3A_197, %add3A_193, %mul3A_199 : vector<256x256xi1>, vector<256x256xf32>
    %max3A_201 = arith.maximumf %max3A_176, %select_n3A_200 : vector<256x256xf32>
    %get3A_202 = arith.constant 8 : index
    %get3A_203 = arith.constant 0 : index
    %get3A_204 = arith.constant 0 : index
    %get3A_205 = vector.load %arg3[%get3A_202, %get3A_203, %get3A_204] : memref<12x256x256xf32, #tpu.memory_space<vmem>>, vector<1x256x256xf32>
    %get3A_206 = vector.shape_cast %get3A_205 : vector<1x256x256xf32> to vector<256x256xf32>
    %add3A_207 = arith.addf %get3A_3, %get3A_206 : vector<256x256xf32>
    %jit3A_208 = arith.constant 2.000000e-01 : f32
    %ge3A_209 = arith.constant 0.000000e+00 : f32
    %ge3A_210 = vector.broadcast %ge3A_209 : f32 to vector<256x256xf32>
    %ge3A_211 = arith.cmpf oge, %add3A_207, %ge3A_210 : vector<256x256xf32>
    %mul3A_212 = vector.broadcast %jit3A_208 : f32 to vector<256x256xf32>
    %mul3A_213 = arith.mulf %mul3A_212, %add3A_207 : vector<256x256xf32>
    %select_n3A_214 = arith.select %ge3A_211, %add3A_207, %mul3A_213 : vector<256x256xi1>, vector<256x256xf32>
    %dot_general3A_215 = arith.constant dense<0.000000e+00> : vector<256x256xf32>
    %dot_general3A_216 = tpu.matmul %select_n3A_214, %get3A_6, %dot_general3A_215 {dimension_numbers = #tpu.dot_dimension_numbers<[1], [0], [0], [1], [0, 0, 1, 1], [], []>, transpose_lhs_hint = false} : vector<256x256xf32>, vector<256x256xf32>, vector<256x256xf32> -> vector<256x256xf32>
    %add3A_217 = vector.broadcast %get3A_9 : vector<1x256xf32> to vector<256x256xf32>
    %add3A_218 = arith.addf %dot_general3A_216, %add3A_217 : vector<256x256xf32>
    %jit3A_219 = arith.constant 2.000000e-01 : f32
    %ge3A_220 = arith.constant 0.000000e+00 : f32
    %ge3A_221 = vector.broadcast %ge3A_220 : f32 to vector<256x256xf32>
    %ge3A_222 = arith.cmpf oge, %add3A_218, %ge3A_221 : vector<256x256xf32>
    %mul3A_223 = vector.broadcast %jit3A_219 : f32 to vector<256x256xf32>
    %mul3A_224 = arith.mulf %mul3A_223, %add3A_218 : vector<256x256xf32>
    %select_n3A_225 = arith.select %ge3A_222, %add3A_218, %mul3A_224 : vector<256x256xi1>, vector<256x256xf32>
    %max3A_226 = arith.maximumf %max3A_201, %select_n3A_225 : vector<256x256xf32>
    %get3A_227 = arith.constant 9 : index
    %get3A_228 = arith.constant 0 : index
    %get3A_229 = arith.constant 0 : index
    %get3A_230 = vector.load %arg3[%get3A_227, %get3A_228, %get3A_229] : memref<12x256x256xf32, #tpu.memory_space<vmem>>, vector<1x256x256xf32>
    %get3A_231 = vector.shape_cast %get3A_230 : vector<1x256x256xf32> to vector<256x256xf32>
    %add3A_232 = arith.addf %get3A_3, %get3A_231 : vector<256x256xf32>
    %jit3A_233 = arith.constant 2.000000e-01 : f32
    %ge3A_234 = arith.constant 0.000000e+00 : f32
    %ge3A_235 = vector.broadcast %ge3A_234 : f32 to vector<256x256xf32>
    %ge3A_236 = arith.cmpf oge, %add3A_232, %ge3A_235 : vector<256x256xf32>
    %mul3A_237 = vector.broadcast %jit3A_233 : f32 to vector<256x256xf32>
    %mul3A_238 = arith.mulf %mul3A_237, %add3A_232 : vector<256x256xf32>
    %select_n3A_239 = arith.select %ge3A_236, %add3A_232, %mul3A_238 : vector<256x256xi1>, vector<256x256xf32>
    %dot_general3A_240 = arith.constant dense<0.000000e+00> : vector<256x256xf32>
    %dot_general3A_241 = tpu.matmul %select_n3A_239, %get3A_6, %dot_general3A_240 {dimension_numbers = #tpu.dot_dimension_numbers<[1], [0], [0], [1], [0, 0, 1, 1], [], []>, transpose_lhs_hint = false} : vector<256x256xf32>, vector<256x256xf32>, vector<256x256xf32> -> vector<256x256xf32>
    %add3A_242 = vector.broadcast %get3A_9 : vector<1x256xf32> to vector<256x256xf32>
    %add3A_243 = arith.addf %dot_general3A_241, %add3A_242 : vector<256x256xf32>
    %jit3A_244 = arith.constant 2.000000e-01 : f32
    %ge3A_245 = arith.constant 0.000000e+00 : f32
    %ge3A_246 = vector.broadcast %ge3A_245 : f32 to vector<256x256xf32>
    %ge3A_247 = arith.cmpf oge, %add3A_243, %ge3A_246 : vector<256x256xf32>
    %mul3A_248 = vector.broadcast %jit3A_244 : f32 to vector<256x256xf32>
    %mul3A_249 = arith.mulf %mul3A_248, %add3A_243 : vector<256x256xf32>
    %select_n3A_250 = arith.select %ge3A_247, %add3A_243, %mul3A_249 : vector<256x256xi1>, vector<256x256xf32>
    %max3A_251 = arith.maximumf %max3A_226, %select_n3A_250 : vector<256x256xf32>
    %get3A_252 = arith.constant 10 : index
    %get3A_253 = arith.constant 0 : index
    %get3A_254 = arith.constant 0 : index
    %get3A_255 = vector.load %arg3[%get3A_252, %get3A_253, %get3A_254] : memref<12x256x256xf32, #tpu.memory_space<vmem>>, vector<1x256x256xf32>
    %get3A_256 = vector.shape_cast %get3A_255 : vector<1x256x256xf32> to vector<256x256xf32>
    %add3A_257 = arith.addf %get3A_3, %get3A_256 : vector<256x256xf32>
    %jit3A_258 = arith.constant 2.000000e-01 : f32
    %ge3A_259 = arith.constant 0.000000e+00 : f32
    %ge3A_260 = vector.broadcast %ge3A_259 : f32 to vector<256x256xf32>
    %ge3A_261 = arith.cmpf oge, %add3A_257, %ge3A_260 : vector<256x256xf32>
    %mul3A_262 = vector.broadcast %jit3A_258 : f32 to vector<256x256xf32>
    %mul3A_263 = arith.mulf %mul3A_262, %add3A_257 : vector<256x256xf32>
    %select_n3A_264 = arith.select %ge3A_261, %add3A_257, %mul3A_263 : vector<256x256xi1>, vector<256x256xf32>
    %dot_general3A_265 = arith.constant dense<0.000000e+00> : vector<256x256xf32>
    %dot_general3A_266 = tpu.matmul %select_n3A_264, %get3A_6, %dot_general3A_265 {dimension_numbers = #tpu.dot_dimension_numbers<[1], [0], [0], [1], [0, 0, 1, 1], [], []>, transpose_lhs_hint = false} : vector<256x256xf32>, vector<256x256xf32>, vector<256x256xf32> -> vector<256x256xf32>
    %add3A_267 = vector.broadcast %get3A_9 : vector<1x256xf32> to vector<256x256xf32>
    %add3A_268 = arith.addf %dot_general3A_266, %add3A_267 : vector<256x256xf32>
    %jit3A_269 = arith.constant 2.000000e-01 : f32
    %ge3A_270 = arith.constant 0.000000e+00 : f32
    %ge3A_271 = vector.broadcast %ge3A_270 : f32 to vector<256x256xf32>
    %ge3A_272 = arith.cmpf oge, %add3A_268, %ge3A_271 : vector<256x256xf32>
    %mul3A_273 = vector.broadcast %jit3A_269 : f32 to vector<256x256xf32>
    %mul3A_274 = arith.mulf %mul3A_273, %add3A_268 : vector<256x256xf32>
    %select_n3A_275 = arith.select %ge3A_272, %add3A_268, %mul3A_274 : vector<256x256xi1>, vector<256x256xf32>
    %max3A_276 = arith.maximumf %max3A_251, %select_n3A_275 : vector<256x256xf32>
    %get3A_277 = arith.constant 11 : index
    %get3A_278 = arith.constant 0 : index
    %get3A_279 = arith.constant 0 : index
    %get3A_280 = vector.load %arg3[%get3A_277, %get3A_278, %get3A_279] : memref<12x256x256xf32, #tpu.memory_space<vmem>>, vector<1x256x256xf32>
    %get3A_281 = vector.shape_cast %get3A_280 : vector<1x256x256xf32> to vector<256x256xf32>
    %add3A_282 = arith.addf %get3A_3, %get3A_281 : vector<256x256xf32>
    %jit3A_283 = arith.constant 2.000000e-01 : f32
    %ge3A_284 = arith.constant 0.000000e+00 : f32
    %ge3A_285 = vector.broadcast %ge3A_284 : f32 to vector<256x256xf32>
    %ge3A_286 = arith.cmpf oge, %add3A_282, %ge3A_285 : vector<256x256xf32>
    %mul3A_287 = vector.broadcast %jit3A_283 : f32 to vector<256x256xf32>
    %mul3A_288 = arith.mulf %mul3A_287, %add3A_282 : vector<256x256xf32>
    %select_n3A_289 = arith.select %ge3A_286, %add3A_282, %mul3A_288 : vector<256x256xi1>, vector<256x256xf32>
    %dot_general3A_290 = arith.constant dense<0.000000e+00> : vector<256x256xf32>
    %dot_general3A_291 = tpu.matmul %select_n3A_289, %get3A_6, %dot_general3A_290 {dimension_numbers = #tpu.dot_dimension_numbers<[1], [0], [0], [1], [0, 0, 1, 1], [], []>, transpose_lhs_hint = false} : vector<256x256xf32>, vector<256x256xf32>, vector<256x256xf32> -> vector<256x256xf32>
    %add3A_292 = vector.broadcast %get3A_9 : vector<1x256xf32> to vector<256x256xf32>
    %add3A_293 = arith.addf %dot_general3A_291, %add3A_292 : vector<256x256xf32>
    %jit3A_294 = arith.constant 2.000000e-01 : f32
    %ge3A_295 = arith.constant 0.000000e+00 : f32
    %ge3A_296 = vector.broadcast %ge3A_295 : f32 to vector<256x256xf32>
    %ge3A_297 = arith.cmpf oge, %add3A_293, %ge3A_296 : vector<256x256xf32>
    %mul3A_298 = vector.broadcast %jit3A_294 : f32 to vector<256x256xf32>
    %mul3A_299 = arith.mulf %mul3A_298, %add3A_293 : vector<256x256xf32>
    %select_n3A_300 = arith.select %ge3A_297, %add3A_293, %mul3A_299 : vector<256x256xi1>, vector<256x256xf32>
    %max3A_301 = arith.maximumf %max3A_276, %select_n3A_300 : vector<256x256xf32>
    %get3A_302 = arith.constant 0 : index
    %get3A_303 = arith.constant 0 : index
    %get3A_304 = vector.load %arg6[%get3A_302, %get3A_303] : memref<256x64xf32, #tpu.memory_space<vmem>>, vector<256x64xf32>
    %dot_general3A_305 = arith.constant dense<0.000000e+00> : vector<256x64xf32>
    %dot_general3A_306 = tpu.matmul %max3A_301, %get3A_304, %dot_general3A_305 {dimension_numbers = #tpu.dot_dimension_numbers<[1], [0], [0], [1], [0, 0, 1, 1], [], []>, transpose_lhs_hint = false} : vector<256x256xf32>, vector<256x64xf32>, vector<256x64xf32> -> vector<256x64xf32>
    %get3A_307 = arith.constant 0 : index
    %get3A_308 = arith.constant 0 : index
    %get3A_309 = vector.load %arg7[%get3A_307, %get3A_308] : memref<1x64xf32, #tpu.memory_space<vmem>>, vector<1x64xf32>
    %add3A_310 = vector.broadcast %get3A_309 : vector<1x64xf32> to vector<256x64xf32>
    %add3A_311 = arith.addf %dot_general3A_306, %add3A_310 : vector<256x64xf32>
    %max3A_312 = arith.constant 0.000000e+00 : f32
    %max3A_313 = vector.broadcast %max3A_312 : f32 to vector<256x64xf32>
    %max3A_314 = arith.maximumf %add3A_311, %max3A_313 : vector<256x64xf32>
    %swap3A = arith.constant 0 : index
    %swap3A_315 = arith.constant 0 : index
    %swap3A_316 = arith.constant 0 : index
    %swap3A_317 = vector.load %arg11[%swap3A, %swap3A_315, %swap3A_316] : memref<1x256x64xf32, #tpu.memory_space<vmem>>, vector<1x256x64xf32>
    %swap3A_318 = vector.shape_cast %swap3A_317 : vector<1x256x64xf32> to vector<256x64xf32>
    %swap3A_319 = vector.shape_cast %max3A_314 : vector<256x64xf32> to vector<1x256x64xf32>
    tpu.vector_store %arg11[%swap3A, %swap3A_315, %swap3A_316], %swap3A_319 {strides = array<i32>} : memref<1x256x64xf32, #tpu.memory_space<vmem>>, vector<1x256x64xf32>,
    %broadcast_in_dim3A = arith.constant 1.000000e+00 : f32
    %broadcast_in_dim3A_320 = vector.broadcast %broadcast_in_dim3A : f32 to vector<8x64xf32>
    %mul3A_321 = arith.mulf %max3A_314, %max3A_314 : vector<256x64xf32>
    %dot_general3A_322 = arith.constant dense<0.000000e+00> : vector<8x256xf32>
    %dot_general3A_323 = tpu.matmul %broadcast_in_dim3A_320, %mul3A_321, %dot_general3A_322 {dimension_numbers = #tpu.dot_dimension_numbers<[1], [1], [0], [0], [0, 0, 1, 0], [], []>, precision = #tpu.contract_precision<fp32>, transpose_lhs_hint = false} : vector<8x64xf32>, vector<256x64xf32>, vector<8x256xf32> -> vector<8x256xf32>
    %slice3A = vector.extract_strided_slice %dot_general3A_323 {offsets = [0, 0], sizes = [1, 256], strides = [1, 1]} : vector<8x256xf32> to vector<1x256xf32>
    %swap3A_324 = arith.constant 0 : index
    %swap3A_325 = arith.constant 0 : index
    %swap3A_326 = arith.constant 0 : index
    %swap3A_327 = vector.load %arg12[%swap3A_324, %swap3A_325, %swap3A_326] : memref<1x1x256xf32, #tpu.memory_space<vmem>>, vector<1x1x256xf32>
    %swap3A_328 = vector.shape_cast %swap3A_327 : vector<1x1x256xf32> to vector<1x256xf32>
    %swap3A_329 = vector.shape_cast %slice3A : vector<1x256xf32> to vector<1x1x256xf32>
    tpu.vector_store %arg12[%swap3A_324, %swap3A_325, %swap3A_326], %swap3A_329 {strides = array<i32>} : memref<1x1x256xf32, #tpu.memory_space<vmem>>, vector<1x1x256xf32>,
    %get3A_330 = arith.constant 0 : index
    %get3A_331 = arith.constant 0 : index
    %get3A_332 = vector.load %arg8[%get3A_330, %get3A_331] : memref<64x256xf32, #tpu.memory_space<vmem>>, vector<64x256xf32>
    %dot_general3A_333 = arith.constant dense<0.000000e+00> : vector<256x256xf32>
    %dot_general3A_334 = tpu.matmul %max3A_314, %get3A_332, %dot_general3A_333 {dimension_numbers = #tpu.dot_dimension_numbers<[1], [0], [0], [1], [0, 0, 1, 1], [], []>, transpose_lhs_hint = false} : vector<256x64xf32>, vector<64x256xf32>, vector<256x256xf32> -> vector<256x256xf32>
    %get3A_335 = arith.constant 0 : index
    %get3A_336 = arith.constant 0 : index
    %get3A_337 = vector.load %arg9[%get3A_335, %get3A_336] : memref<1x256xf32, #tpu.memory_space<vmem>>, vector<1x256xf32>
    %add3A_338 = vector.broadcast %get3A_337 : vector<1x256xf32> to vector<256x256xf32>
    %add3A_339 = arith.addf %dot_general3A_334, %add3A_338 : vector<256x256xf32>
    %swap3A_340 = arith.constant 0 : index
    %swap3A_341 = arith.constant 0 : index
    %swap3A_342 = arith.constant 0 : index
    %swap3A_343 = vector.load %arg13[%swap3A_340, %swap3A_341, %swap3A_342] : memref<1x256x256xf32, #tpu.memory_space<vmem>>, vector<1x256x256xf32>
    %swap3A_344 = vector.shape_cast %swap3A_343 : vector<1x256x256xf32> to vector<256x256xf32>
    %swap3A_345 = vector.shape_cast %add3A_339 : vector<256x256xf32> to vector<1x256x256xf32>
    tpu.vector_store %arg13[%swap3A_340, %swap3A_341, %swap3A_342], %swap3A_345 {strides = array<i32>} : memref<1x256x256xf32, #tpu.memory_space<vmem>>, vector<1x256x256xf32>,
    %get3A_346 = arith.constant 0 : index
    %get3A_347 = arith.constant 0 : index
    %get3A_348 = vector.load %arg10[%get3A_346, %get3A_347] : memref<64x256xf32, #tpu.memory_space<vmem>>, vector<64x256xf32>
    %dot_general3A_349 = arith.constant dense<0.000000e+00> : vector<256x256xf32>
    %dot_general3A_350 = tpu.matmul %max3A_314, %get3A_348, %dot_general3A_349 {dimension_numbers = #tpu.dot_dimension_numbers<[1], [0], [0], [1], [0, 0, 1, 1], [], []>, transpose_lhs_hint = false} : vector<256x64xf32>, vector<64x256xf32>, vector<256x256xf32> -> vector<256x256xf32>
    %swap3A_351 = arith.constant 0 : index
    %swap3A_352 = arith.constant 0 : index
    %swap3A_353 = vector.load %arg14[%swap3A_351, %swap3A_352] : memref<256x256xf32, #tpu.memory_space<vmem>>, vector<256x256xf32>
    tpu.vector_store %arg14[%swap3A_351, %swap3A_352], %dot_general3A_350 {strides = array<i32>} : memref<256x256xf32, #tpu.memory_space<vmem>>, vector<256x256xf32>,
    return
  }
  func.func @transform_0(%arg0: i32, %arg1: i32) -> (i32, i32, i32) {
    %c0_i32 = arith.constant 0 : i32
    %c0_i32_0 = arith.constant 0 : i32
    return %arg0, %arg1, %c0_i32 : i32, i32, i32
  }
  func.func @transform_1(%arg0: i32, %arg1: i32) -> (i32, i32, i32) {
    %mul3A = arith.constant 16 : i32
    %mul3A_0 = arith.muli %arg0, %mul3A : i32
    %add3A = arith.addi %mul3A_0, %arg1 : i32
    %c0_i32 = arith.constant 0 : i32
    %c0_i32_1 = arith.constant 0 : i32
    %c0_i32_2 = arith.constant 0 : i32
    return %c0_i32, %add3A, %c0_i32_1 : i32, i32, i32
  }
  func.func @transform_2(%arg0: i32, %arg1: i32) -> (i32, i32) {
    %c0_i32 = arith.constant 0 : i32
    %c0_i32_0 = arith.constant 0 : i32
    %c0_i32_1 = arith.constant 0 : i32
    return %c0_i32, %c0_i32_0 : i32, i32
  }
  func.func @transform_3(%arg0: i32, %arg1: i32) -> (i32, i32) {
    %c0_i32 = arith.constant 0 : i32
    %c0_i32_0 = arith.constant 0 : i32
    %c0_i32_1 = arith.constant 0 : i32
    return %c0_i32, %c0_i32_0 : i32, i32
  }
  func.func @transform_4(%arg0: i32, %arg1: i32) -> (i32, i32) {
    %c0_i32 = arith.constant 0 : i32
    %c0_i32_0 = arith.constant 0 : i32
    %c0_i32_1 = arith.constant 0 : i32
    return %c0_i32, %c0_i32_0 : i32, i32
  }
  func.func @transform_5(%arg0: i32, %arg1: i32) -> (i32, i32) {
    %c0_i32 = arith.constant 0 : i32
    %c0_i32_0 = arith.constant 0 : i32
    %c0_i32_1 = arith.constant 0 : i32
    return %c0_i32, %c0_i32_0 : i32, i32
  }
  func.func @transform_6(%arg0: i32, %arg1: i32) -> (i32, i32) {
    %c0_i32 = arith.constant 0 : i32
    %c0_i32_0 = arith.constant 0 : i32
    %c0_i32_1 = arith.constant 0 : i32
    return %c0_i32, %c0_i32_0 : i32, i32
  }
  func.func @transform_7(%arg0: i32, %arg1: i32) -> (i32, i32) {
    %c0_i32 = arith.constant 0 : i32
    %c0_i32_0 = arith.constant 0 : i32
    %c0_i32_1 = arith.constant 0 : i32
    return %c0_i32, %c0_i32_0 : i32, i32
  }
  func.func @transform_8(%arg0: i32, %arg1: i32) -> (i32, i32) {
    %c0_i32 = arith.constant 0 : i32
    %c0_i32_0 = arith.constant 0 : i32
    %c0_i32_1 = arith.constant 0 : i32
    return %c0_i32, %c0_i32_0 : i32, i32
  }
  func.func @transform_9(%arg0: i32, %arg1: i32) -> (i32, i32, i32) {
    %c0_i32 = arith.constant 0 : i32
    %c0_i32_0 = arith.constant 0 : i32
    return %arg0, %arg1, %c0_i32 : i32, i32, i32
  }
  func.func @transform_10(%arg0: i32, %arg1: i32) -> (i32, i32, i32) {
    %c0_i32 = arith.constant 0 : i32
    %c0_i32_0 = arith.constant 0 : i32
    return %arg0, %c0_i32, %arg1 : i32, i32, i32
  }
  func.func @transform_11(%arg0: i32, %arg1: i32) -> (i32, i32, i32) {
    %c0_i32 = arith.constant 0 : i32
    %c0_i32_0 = arith.constant 0 : i32
    return %arg0, %arg1, %c0_i32 : i32, i32, i32
  }
  func.func @transform_12(%arg0: i32, %arg1: i32) -> (i32, i32) {
    %mul3A = arith.constant 16 : i32
    %mul3A_0 = arith.muli %arg0, %mul3A : i32
    %add3A = arith.addi %mul3A_0, %arg1 : i32
    %c0_i32 = arith.constant 0 : i32
    %c0_i32_1 = arith.constant 0 : i32
    return %add3A, %c0_i32 : i32, i32
  }
}

module attributes {stable_mosaic.version = 14 : i64} {
  func.func @_dist_topk_body(%arg0: i32, %arg1: i32, %arg2: memref<1x256x64xf32, #tpu.memory_space<vmem>>, %arg3: memref<1x4096x64xf32, #tpu.memory_space<vmem>>, %arg4: memref<1x1x4096xf32, #tpu.memory_space<vmem>>, %arg5: memref<256x8xi32, #tpu.memory_space<vmem>>) attributes {dimension_semantics = [#tpu.dimension_semantics<parallel>, #tpu.dimension_semantics<parallel>], iteration_bounds = array<i64: 2, 16>, scalar_prefetch = 0 : i64, scratch_operands = 0 : i64, tpu.core_type = #tpu.core_type<tc>, window_params = [{transform_indices = @transform_0, window_bounds = array<i64: 1, 256, 64>}, {transform_indices = @transform_1, window_bounds = array<i64: 1, 4096, 64>}, {transform_indices = @transform_2, window_bounds = array<i64: 1, 1, 4096>}, {transform_indices = @transform_3, window_bounds = array<i64: 256, 8>}]} {
    %get3A = arith.constant 0 : index
    %get3A_0 = arith.constant 0 : index
    %get3A_1 = arith.constant 0 : index
    %get3A_2 = vector.load %arg2[%get3A, %get3A_0, %get3A_1] : memref<1x256x64xf32, #tpu.memory_space<vmem>>, vector<1x256x64xf32>
    %get3A_3 = vector.shape_cast %get3A_2 : vector<1x256x64xf32> to vector<256x64xf32>
    %get3A_4 = arith.constant 0 : index
    %get3A_5 = arith.constant 0 : index
    %get3A_6 = arith.constant 0 : index
    %get3A_7 = vector.load %arg3[%get3A_4, %get3A_5, %get3A_6] : memref<1x4096x64xf32, #tpu.memory_space<vmem>>, vector<1x4096x64xf32>
    %get3A_8 = vector.shape_cast %get3A_7 : vector<1x4096x64xf32> to vector<4096x64xf32>
    %dot_general3A = arith.constant dense<0.000000e+00> : vector<256x4096xf32>
    %dot_general3A_9 = tpu.matmul %get3A_3, %get3A_8, %dot_general3A {dimension_numbers = #tpu.dot_dimension_numbers<[1], [1], [0], [0], [0, 0, 1, 0], [], []>, transpose_lhs_hint = false} : vector<256x64xf32>, vector<4096x64xf32>, vector<256x4096xf32> -> vector<256x4096xf32>
    %mul3A = arith.constant 2.000000e+00 : f32
    %mul3A_10 = vector.broadcast %mul3A : f32 to vector<256x4096xf32>
    %mul3A_11 = arith.mulf %mul3A_10, %dot_general3A_9 : vector<256x4096xf32>
    %get3A_12 = arith.constant 0 : index
    %get3A_13 = arith.constant 0 : index
    %get3A_14 = arith.constant 0 : index
    %get3A_15 = vector.load %arg4[%get3A_12, %get3A_13, %get3A_14] : memref<1x1x4096xf32, #tpu.memory_space<vmem>>, vector<1x1x4096xf32>
    %get3A_16 = vector.shape_cast %get3A_15 : vector<1x1x4096xf32> to vector<1x4096xf32>
    %sub3A = vector.broadcast %get3A_16 : vector<1x4096xf32> to vector<256x4096xf32>
    %sub3A_17 = arith.subf %mul3A_11, %sub3A : vector<256x4096xf32>
    %iota3A = tpu.iota {dimensions = array<i32: 1>} : vector<256x4096xi32>
    %iota3A_18 = tpu.iota {dimensions = array<i32: 1>} : vector<256x8xi32>
    %broadcast_in_dim3A = arith.constant 0 : i32
    %broadcast_in_dim3A_19 = vector.broadcast %broadcast_in_dim3A : i32 to vector<256x8xi32>
    %reduce_max3A = arith.constant dense<0xFF800000> : vector<256xf32>
    %reduce_max3A_20 = vector.multi_reduction <maximumf>, %sub3A_17, %reduce_max3A [1] : vector<256x4096xf32> to vector<256xf32>
    %broadcast_in_dim3A_21 = vector.shape_cast %reduce_max3A_20 : vector<256xf32> to vector<256x1xf32>
    %eq3A = vector.broadcast %broadcast_in_dim3A_21 : vector<256x1xf32> to vector<256x4096xf32>
    %eq3A_22 = arith.cmpf oeq, %sub3A_17, %eq3A : vector<256x4096xf32>
    %jit3A = arith.constant 4096 : i32
    %broadcast_in_dim3A_23 = vector.broadcast %jit3A : i32 to vector<256x4096xi32>
    %select_n3A = arith.select %eq3A_22, %iota3A, %broadcast_in_dim3A_23 : vector<256x4096xi1>, vector<256x4096xi32>
    %reduce_min3A = arith.constant dense<2147483647> : vector<256xi32>
    %reduce_min3A_24 = vector.multi_reduction <minsi>, %select_n3A, %reduce_min3A [1] : vector<256x4096xi32> to vector<256xi32>
    %broadcast_in_dim3A_25 = vector.shape_cast %reduce_min3A_24 : vector<256xi32> to vector<256x1xi32>
    %eq3A_26 = arith.constant 0 : i32
    %eq3A_27 = vector.broadcast %eq3A_26 : i32 to vector<256x8xi32>
    %eq3A_28 = arith.cmpi eq, %iota3A_18, %eq3A_27 : vector<256x8xi32>
    %broadcast_in_dim3A_29 = vector.shape_cast %broadcast_in_dim3A_25 : vector<256x1xi32> to vector<256x1xi32>
    %broadcast_in_dim3A_30 = vector.broadcast %broadcast_in_dim3A_29 : vector<256x1xi32> to vector<256x8xi32>
    %select_n3A_31 = arith.select %eq3A_28, %broadcast_in_dim3A_30, %broadcast_in_dim3A_19 : vector<256x8xi1>, vector<256x8xi32>
    %eq3A_32 = vector.broadcast %broadcast_in_dim3A_25 : vector<256x1xi32> to vector<256x4096xi32>
    %eq3A_33 = arith.cmpi eq, %iota3A, %eq3A_32 : vector<256x4096xi32>
    %jit3A_34 = arith.constant -3.000000e+38 : f32
    %broadcast_in_dim3A_35 = vector.broadcast %jit3A_34 : f32 to vector<256x4096xf32>
    %select_n3A_36 = arith.select %eq3A_33, %broadcast_in_dim3A_35, %sub3A_17 : vector<256x4096xi1>, vector<256x4096xf32>
    %reduce_max3A_37 = arith.constant dense<0xFF800000> : vector<256xf32>
    %reduce_max3A_38 = vector.multi_reduction <maximumf>, %select_n3A_36, %reduce_max3A_37 [1] : vector<256x4096xf32> to vector<256xf32>
    %broadcast_in_dim3A_39 = vector.shape_cast %reduce_max3A_38 : vector<256xf32> to vector<256x1xf32>
    %eq3A_40 = vector.broadcast %broadcast_in_dim3A_39 : vector<256x1xf32> to vector<256x4096xf32>
    %eq3A_41 = arith.cmpf oeq, %select_n3A_36, %eq3A_40 : vector<256x4096xf32>
    %jit3A_42 = arith.constant 4096 : i32
    %broadcast_in_dim3A_43 = vector.broadcast %jit3A_42 : i32 to vector<256x4096xi32>
    %select_n3A_44 = arith.select %eq3A_41, %iota3A, %broadcast_in_dim3A_43 : vector<256x4096xi1>, vector<256x4096xi32>
    %reduce_min3A_45 = arith.constant dense<2147483647> : vector<256xi32>
    %reduce_min3A_46 = vector.multi_reduction <minsi>, %select_n3A_44, %reduce_min3A_45 [1] : vector<256x4096xi32> to vector<256xi32>
    %broadcast_in_dim3A_47 = vector.shape_cast %reduce_min3A_46 : vector<256xi32> to vector<256x1xi32>
    %eq3A_48 = arith.constant 1 : i32
    %eq3A_49 = vector.broadcast %eq3A_48 : i32 to vector<256x8xi32>
    %eq3A_50 = arith.cmpi eq, %iota3A_18, %eq3A_49 : vector<256x8xi32>
    %broadcast_in_dim3A_51 = vector.shape_cast %broadcast_in_dim3A_47 : vector<256x1xi32> to vector<256x1xi32>
    %broadcast_in_dim3A_52 = vector.broadcast %broadcast_in_dim3A_51 : vector<256x1xi32> to vector<256x8xi32>
    %select_n3A_53 = arith.select %eq3A_50, %broadcast_in_dim3A_52, %select_n3A_31 : vector<256x8xi1>, vector<256x8xi32>
    %eq3A_54 = vector.broadcast %broadcast_in_dim3A_47 : vector<256x1xi32> to vector<256x4096xi32>
    %eq3A_55 = arith.cmpi eq, %iota3A, %eq3A_54 : vector<256x4096xi32>
    %jit3A_56 = arith.constant -3.000000e+38 : f32
    %broadcast_in_dim3A_57 = vector.broadcast %jit3A_56 : f32 to vector<256x4096xf32>
    %select_n3A_58 = arith.select %eq3A_55, %broadcast_in_dim3A_57, %select_n3A_36 : vector<256x4096xi1>, vector<256x4096xf32>
    %reduce_max3A_59 = arith.constant dense<0xFF800000> : vector<256xf32>
    %reduce_max3A_60 = vector.multi_reduction <maximumf>, %select_n3A_58, %reduce_max3A_59 [1] : vector<256x4096xf32> to vector<256xf32>
    %broadcast_in_dim3A_61 = vector.shape_cast %reduce_max3A_60 : vector<256xf32> to vector<256x1xf32>
    %eq3A_62 = vector.broadcast %broadcast_in_dim3A_61 : vector<256x1xf32> to vector<256x4096xf32>
    %eq3A_63 = arith.cmpf oeq, %select_n3A_58, %eq3A_62 : vector<256x4096xf32>
    %jit3A_64 = arith.constant 4096 : i32
    %broadcast_in_dim3A_65 = vector.broadcast %jit3A_64 : i32 to vector<256x4096xi32>
    %select_n3A_66 = arith.select %eq3A_63, %iota3A, %broadcast_in_dim3A_65 : vector<256x4096xi1>, vector<256x4096xi32>
    %reduce_min3A_67 = arith.constant dense<2147483647> : vector<256xi32>
    %reduce_min3A_68 = vector.multi_reduction <minsi>, %select_n3A_66, %reduce_min3A_67 [1] : vector<256x4096xi32> to vector<256xi32>
    %broadcast_in_dim3A_69 = vector.shape_cast %reduce_min3A_68 : vector<256xi32> to vector<256x1xi32>
    %eq3A_70 = arith.constant 2 : i32
    %eq3A_71 = vector.broadcast %eq3A_70 : i32 to vector<256x8xi32>
    %eq3A_72 = arith.cmpi eq, %iota3A_18, %eq3A_71 : vector<256x8xi32>
    %broadcast_in_dim3A_73 = vector.shape_cast %broadcast_in_dim3A_69 : vector<256x1xi32> to vector<256x1xi32>
    %broadcast_in_dim3A_74 = vector.broadcast %broadcast_in_dim3A_73 : vector<256x1xi32> to vector<256x8xi32>
    %select_n3A_75 = arith.select %eq3A_72, %broadcast_in_dim3A_74, %select_n3A_53 : vector<256x8xi1>, vector<256x8xi32>
    %eq3A_76 = vector.broadcast %broadcast_in_dim3A_69 : vector<256x1xi32> to vector<256x4096xi32>
    %eq3A_77 = arith.cmpi eq, %iota3A, %eq3A_76 : vector<256x4096xi32>
    %jit3A_78 = arith.constant -3.000000e+38 : f32
    %broadcast_in_dim3A_79 = vector.broadcast %jit3A_78 : f32 to vector<256x4096xf32>
    %select_n3A_80 = arith.select %eq3A_77, %broadcast_in_dim3A_79, %select_n3A_58 : vector<256x4096xi1>, vector<256x4096xf32>
    %reduce_max3A_81 = arith.constant dense<0xFF800000> : vector<256xf32>
    %reduce_max3A_82 = vector.multi_reduction <maximumf>, %select_n3A_80, %reduce_max3A_81 [1] : vector<256x4096xf32> to vector<256xf32>
    %broadcast_in_dim3A_83 = vector.shape_cast %reduce_max3A_82 : vector<256xf32> to vector<256x1xf32>
    %eq3A_84 = vector.broadcast %broadcast_in_dim3A_83 : vector<256x1xf32> to vector<256x4096xf32>
    %eq3A_85 = arith.cmpf oeq, %select_n3A_80, %eq3A_84 : vector<256x4096xf32>
    %jit3A_86 = arith.constant 4096 : i32
    %broadcast_in_dim3A_87 = vector.broadcast %jit3A_86 : i32 to vector<256x4096xi32>
    %select_n3A_88 = arith.select %eq3A_85, %iota3A, %broadcast_in_dim3A_87 : vector<256x4096xi1>, vector<256x4096xi32>
    %reduce_min3A_89 = arith.constant dense<2147483647> : vector<256xi32>
    %reduce_min3A_90 = vector.multi_reduction <minsi>, %select_n3A_88, %reduce_min3A_89 [1] : vector<256x4096xi32> to vector<256xi32>
    %broadcast_in_dim3A_91 = vector.shape_cast %reduce_min3A_90 : vector<256xi32> to vector<256x1xi32>
    %eq3A_92 = arith.constant 3 : i32
    %eq3A_93 = vector.broadcast %eq3A_92 : i32 to vector<256x8xi32>
    %eq3A_94 = arith.cmpi eq, %iota3A_18, %eq3A_93 : vector<256x8xi32>
    %broadcast_in_dim3A_95 = vector.shape_cast %broadcast_in_dim3A_91 : vector<256x1xi32> to vector<256x1xi32>
    %broadcast_in_dim3A_96 = vector.broadcast %broadcast_in_dim3A_95 : vector<256x1xi32> to vector<256x8xi32>
    %select_n3A_97 = arith.select %eq3A_94, %broadcast_in_dim3A_96, %select_n3A_75 : vector<256x8xi1>, vector<256x8xi32>
    %mul3A_98 = arith.constant 4096 : i32
    %mul3A_99 = arith.muli %arg0, %mul3A_98 : i32
    %add3A = vector.broadcast %mul3A_99 : i32 to vector<256x8xi32>
    %add3A_100 = arith.addi %select_n3A_97, %add3A : vector<256x8xi32>
    %swap3A = arith.constant 0 : index
    %swap3A_101 = arith.constant 0 : index
    %swap3A_102 = vector.load %arg5[%swap3A, %swap3A_101] : memref<256x8xi32, #tpu.memory_space<vmem>>, vector<256x8xi32>
    tpu.vector_store %arg5[%swap3A, %swap3A_101], %add3A_100 {strides = array<i32>} : memref<256x8xi32, #tpu.memory_space<vmem>>, vector<256x8xi32>,
    return
  }
  func.func @transform_0(%arg0: i32, %arg1: i32) -> (i32, i32, i32) {
    %c0_i32 = arith.constant 0 : i32
    %c0_i32_0 = arith.constant 0 : i32
    return %arg0, %arg1, %c0_i32 : i32, i32, i32
  }
  func.func @transform_1(%arg0: i32, %arg1: i32) -> (i32, i32, i32) {
    %c0_i32 = arith.constant 0 : i32
    %c0_i32_0 = arith.constant 0 : i32
    %c0_i32_1 = arith.constant 0 : i32
    return %arg0, %c0_i32, %c0_i32_0 : i32, i32, i32
  }
  func.func @transform_2(%arg0: i32, %arg1: i32) -> (i32, i32, i32) {
    %c0_i32 = arith.constant 0 : i32
    %c0_i32_0 = arith.constant 0 : i32
    %c0_i32_1 = arith.constant 0 : i32
    return %arg0, %c0_i32, %c0_i32_0 : i32, i32, i32
  }
  func.func @transform_3(%arg0: i32, %arg1: i32) -> (i32, i32) {
    %mul3A = arith.constant 16 : i32
    %mul3A_0 = arith.muli %arg0, %mul3A : i32
    %add3A = arith.addi %mul3A_0, %arg1 : i32
    %c0_i32 = arith.constant 0 : i32
    %c0_i32_1 = arith.constant 0 : i32
    return %add3A, %c0_i32 : i32, i32
  }
}

module attributes {stable_mosaic.version = 14 : i64} {
  func.func @_ec3_body(%arg0: i32, %arg1: i32, %arg2: memref<1x256x256xf32, #tpu.memory_space<vmem>>, %arg3: memref<4x256x256xf32, #tpu.memory_space<vmem>>, %arg4: memref<256x256xf32, #tpu.memory_space<vmem>>, %arg5: memref<1x256xf32, #tpu.memory_space<vmem>>, %arg6: memref<256x12xf32, #tpu.memory_space<vmem>>, %arg7: memref<1x12xf32, #tpu.memory_space<vmem>>, %arg8: memref<12x24xf32, #tpu.memory_space<vmem>>, %arg9: memref<1x24xf32, #tpu.memory_space<vmem>>, %arg10: memref<24x24xf32, #tpu.memory_space<vmem>>, %arg11: memref<1x24xf32, #tpu.memory_space<vmem>>, %arg12: memref<1x256x24xf32, #tpu.memory_space<vmem>>, %arg13: memref<1x256x24xf32, #tpu.memory_space<vmem>>, %arg14: memref<1x256x24xf32, #tpu.memory_space<vmem>>) attributes {dimension_semantics = [#tpu.dimension_semantics<parallel>, #tpu.dimension_semantics<parallel>], iteration_bounds = array<i64: 2, 16>, scalar_prefetch = 0 : i64, scratch_operands = 0 : i64, tpu.core_type = #tpu.core_type<tc>, window_params = [{transform_indices = @transform_0, window_bounds = array<i64: 1, 256, 256>}, {transform_indices = @transform_1, window_bounds = array<i64: 4, 256, 256>}, {pipeline_mode = #tpu.pipeline_mode<synchronous>, transform_indices = @transform_2, window_bounds = array<i64: 256, 256>}, {pipeline_mode = #tpu.pipeline_mode<synchronous>, transform_indices = @transform_3, window_bounds = array<i64: 1, 256>}, {pipeline_mode = #tpu.pipeline_mode<synchronous>, transform_indices = @transform_4, window_bounds = array<i64: 256, 12>}, {pipeline_mode = #tpu.pipeline_mode<synchronous>, transform_indices = @transform_5, window_bounds = array<i64: 1, 12>}, {pipeline_mode = #tpu.pipeline_mode<synchronous>, transform_indices = @transform_6, window_bounds = array<i64: 12, 24>}, {pipeline_mode = #tpu.pipeline_mode<synchronous>, transform_indices = @transform_7, window_bounds = array<i64: 1, 24>}, {pipeline_mode = #tpu.pipeline_mode<synchronous>, transform_indices = @transform_8, window_bounds = array<i64: 24, 24>}, {pipeline_mode = #tpu.pipeline_mode<synchronous>, transform_indices = @transform_9, window_bounds = array<i64: 1, 24>}, {transform_indices = @transform_10, window_bounds = array<i64: 1, 256, 24>}, {transform_indices = @transform_11, window_bounds = array<i64: 1, 256, 24>}, {transform_indices = @transform_12, window_bounds = array<i64: 1, 256, 24>}]} {
    %get3A = arith.constant 0 : index
    %get3A_0 = arith.constant 0 : index
    %get3A_1 = arith.constant 0 : index
    %get3A_2 = vector.load %arg2[%get3A, %get3A_0, %get3A_1] : memref<1x256x256xf32, #tpu.memory_space<vmem>>, vector<1x256x256xf32>
    %get3A_3 = vector.shape_cast %get3A_2 : vector<1x256x256xf32> to vector<256x256xf32>
    %get3A_4 = arith.constant 0 : index
    %get3A_5 = arith.constant 0 : index
    %get3A_6 = vector.load %arg4[%get3A_4, %get3A_5] : memref<256x256xf32, #tpu.memory_space<vmem>>, vector<256x256xf32>
    %get3A_7 = arith.constant 0 : index
    %get3A_8 = arith.constant 0 : index
    %get3A_9 = vector.load %arg5[%get3A_7, %get3A_8] : memref<1x256xf32, #tpu.memory_space<vmem>>, vector<1x256xf32>
    %get3A_10 = arith.constant 0 : index
    %get3A_11 = arith.constant 0 : index
    %get3A_12 = arith.constant 0 : index
    %get3A_13 = vector.load %arg3[%get3A_10, %get3A_11, %get3A_12] : memref<4x256x256xf32, #tpu.memory_space<vmem>>, vector<1x256x256xf32>
    %get3A_14 = vector.shape_cast %get3A_13 : vector<1x256x256xf32> to vector<256x256xf32>
    %add3A = arith.addf %get3A_3, %get3A_14 : vector<256x256xf32>
    %jit3A = arith.constant 2.000000e-01 : f32
    %ge3A = arith.constant 0.000000e+00 : f32
    %ge3A_15 = vector.broadcast %ge3A : f32 to vector<256x256xf32>
    %ge3A_16 = arith.cmpf oge, %add3A, %ge3A_15 : vector<256x256xf32>
    %mul3A = vector.broadcast %jit3A : f32 to vector<256x256xf32>
    %mul3A_17 = arith.mulf %mul3A, %add3A : vector<256x256xf32>
    %select_n3A = arith.select %ge3A_16, %add3A, %mul3A_17 : vector<256x256xi1>, vector<256x256xf32>
    %dot_general3A = arith.constant dense<0.000000e+00> : vector<256x256xf32>
    %dot_general3A_18 = tpu.matmul %select_n3A, %get3A_6, %dot_general3A {dimension_numbers = #tpu.dot_dimension_numbers<[1], [0], [0], [1], [0, 0, 1, 1], [], []>, transpose_lhs_hint = false} : vector<256x256xf32>, vector<256x256xf32>, vector<256x256xf32> -> vector<256x256xf32>
    %add3A_19 = vector.broadcast %get3A_9 : vector<1x256xf32> to vector<256x256xf32>
    %add3A_20 = arith.addf %dot_general3A_18, %add3A_19 : vector<256x256xf32>
    %jit3A_21 = arith.constant 2.000000e-01 : f32
    %ge3A_22 = arith.constant 0.000000e+00 : f32
    %ge3A_23 = vector.broadcast %ge3A_22 : f32 to vector<256x256xf32>
    %ge3A_24 = arith.cmpf oge, %add3A_20, %ge3A_23 : vector<256x256xf32>
    %mul3A_25 = vector.broadcast %jit3A_21 : f32 to vector<256x256xf32>
    %mul3A_26 = arith.mulf %mul3A_25, %add3A_20 : vector<256x256xf32>
    %select_n3A_27 = arith.select %ge3A_24, %add3A_20, %mul3A_26 : vector<256x256xi1>, vector<256x256xf32>
    %get3A_28 = arith.constant 1 : index
    %get3A_29 = arith.constant 0 : index
    %get3A_30 = arith.constant 0 : index
    %get3A_31 = vector.load %arg3[%get3A_28, %get3A_29, %get3A_30] : memref<4x256x256xf32, #tpu.memory_space<vmem>>, vector<1x256x256xf32>
    %get3A_32 = vector.shape_cast %get3A_31 : vector<1x256x256xf32> to vector<256x256xf32>
    %add3A_33 = arith.addf %get3A_3, %get3A_32 : vector<256x256xf32>
    %jit3A_34 = arith.constant 2.000000e-01 : f32
    %ge3A_35 = arith.constant 0.000000e+00 : f32
    %ge3A_36 = vector.broadcast %ge3A_35 : f32 to vector<256x256xf32>
    %ge3A_37 = arith.cmpf oge, %add3A_33, %ge3A_36 : vector<256x256xf32>
    %mul3A_38 = vector.broadcast %jit3A_34 : f32 to vector<256x256xf32>
    %mul3A_39 = arith.mulf %mul3A_38, %add3A_33 : vector<256x256xf32>
    %select_n3A_40 = arith.select %ge3A_37, %add3A_33, %mul3A_39 : vector<256x256xi1>, vector<256x256xf32>
    %dot_general3A_41 = arith.constant dense<0.000000e+00> : vector<256x256xf32>
    %dot_general3A_42 = tpu.matmul %select_n3A_40, %get3A_6, %dot_general3A_41 {dimension_numbers = #tpu.dot_dimension_numbers<[1], [0], [0], [1], [0, 0, 1, 1], [], []>, transpose_lhs_hint = false} : vector<256x256xf32>, vector<256x256xf32>, vector<256x256xf32> -> vector<256x256xf32>
    %add3A_43 = vector.broadcast %get3A_9 : vector<1x256xf32> to vector<256x256xf32>
    %add3A_44 = arith.addf %dot_general3A_42, %add3A_43 : vector<256x256xf32>
    %jit3A_45 = arith.constant 2.000000e-01 : f32
    %ge3A_46 = arith.constant 0.000000e+00 : f32
    %ge3A_47 = vector.broadcast %ge3A_46 : f32 to vector<256x256xf32>
    %ge3A_48 = arith.cmpf oge, %add3A_44, %ge3A_47 : vector<256x256xf32>
    %mul3A_49 = vector.broadcast %jit3A_45 : f32 to vector<256x256xf32>
    %mul3A_50 = arith.mulf %mul3A_49, %add3A_44 : vector<256x256xf32>
    %select_n3A_51 = arith.select %ge3A_48, %add3A_44, %mul3A_50 : vector<256x256xi1>, vector<256x256xf32>
    %max3A = arith.maximumf %select_n3A_27, %select_n3A_51 : vector<256x256xf32>
    %get3A_52 = arith.constant 2 : index
    %get3A_53 = arith.constant 0 : index
    %get3A_54 = arith.constant 0 : index
    %get3A_55 = vector.load %arg3[%get3A_52, %get3A_53, %get3A_54] : memref<4x256x256xf32, #tpu.memory_space<vmem>>, vector<1x256x256xf32>
    %get3A_56 = vector.shape_cast %get3A_55 : vector<1x256x256xf32> to vector<256x256xf32>
    %add3A_57 = arith.addf %get3A_3, %get3A_56 : vector<256x256xf32>
    %jit3A_58 = arith.constant 2.000000e-01 : f32
    %ge3A_59 = arith.constant 0.000000e+00 : f32
    %ge3A_60 = vector.broadcast %ge3A_59 : f32 to vector<256x256xf32>
    %ge3A_61 = arith.cmpf oge, %add3A_57, %ge3A_60 : vector<256x256xf32>
    %mul3A_62 = vector.broadcast %jit3A_58 : f32 to vector<256x256xf32>
    %mul3A_63 = arith.mulf %mul3A_62, %add3A_57 : vector<256x256xf32>
    %select_n3A_64 = arith.select %ge3A_61, %add3A_57, %mul3A_63 : vector<256x256xi1>, vector<256x256xf32>
    %dot_general3A_65 = arith.constant dense<0.000000e+00> : vector<256x256xf32>
    %dot_general3A_66 = tpu.matmul %select_n3A_64, %get3A_6, %dot_general3A_65 {dimension_numbers = #tpu.dot_dimension_numbers<[1], [0], [0], [1], [0, 0, 1, 1], [], []>, transpose_lhs_hint = false} : vector<256x256xf32>, vector<256x256xf32>, vector<256x256xf32> -> vector<256x256xf32>
    %add3A_67 = vector.broadcast %get3A_9 : vector<1x256xf32> to vector<256x256xf32>
    %add3A_68 = arith.addf %dot_general3A_66, %add3A_67 : vector<256x256xf32>
    %jit3A_69 = arith.constant 2.000000e-01 : f32
    %ge3A_70 = arith.constant 0.000000e+00 : f32
    %ge3A_71 = vector.broadcast %ge3A_70 : f32 to vector<256x256xf32>
    %ge3A_72 = arith.cmpf oge, %add3A_68, %ge3A_71 : vector<256x256xf32>
    %mul3A_73 = vector.broadcast %jit3A_69 : f32 to vector<256x256xf32>
    %mul3A_74 = arith.mulf %mul3A_73, %add3A_68 : vector<256x256xf32>
    %select_n3A_75 = arith.select %ge3A_72, %add3A_68, %mul3A_74 : vector<256x256xi1>, vector<256x256xf32>
    %max3A_76 = arith.maximumf %max3A, %select_n3A_75 : vector<256x256xf32>
    %get3A_77 = arith.constant 3 : index
    %get3A_78 = arith.constant 0 : index
    %get3A_79 = arith.constant 0 : index
    %get3A_80 = vector.load %arg3[%get3A_77, %get3A_78, %get3A_79] : memref<4x256x256xf32, #tpu.memory_space<vmem>>, vector<1x256x256xf32>
    %get3A_81 = vector.shape_cast %get3A_80 : vector<1x256x256xf32> to vector<256x256xf32>
    %add3A_82 = arith.addf %get3A_3, %get3A_81 : vector<256x256xf32>
    %jit3A_83 = arith.constant 2.000000e-01 : f32
    %ge3A_84 = arith.constant 0.000000e+00 : f32
    %ge3A_85 = vector.broadcast %ge3A_84 : f32 to vector<256x256xf32>
    %ge3A_86 = arith.cmpf oge, %add3A_82, %ge3A_85 : vector<256x256xf32>
    %mul3A_87 = vector.broadcast %jit3A_83 : f32 to vector<256x256xf32>
    %mul3A_88 = arith.mulf %mul3A_87, %add3A_82 : vector<256x256xf32>
    %select_n3A_89 = arith.select %ge3A_86, %add3A_82, %mul3A_88 : vector<256x256xi1>, vector<256x256xf32>
    %dot_general3A_90 = arith.constant dense<0.000000e+00> : vector<256x256xf32>
    %dot_general3A_91 = tpu.matmul %select_n3A_89, %get3A_6, %dot_general3A_90 {dimension_numbers = #tpu.dot_dimension_numbers<[1], [0], [0], [1], [0, 0, 1, 1], [], []>, transpose_lhs_hint = false} : vector<256x256xf32>, vector<256x256xf32>, vector<256x256xf32> -> vector<256x256xf32>
    %add3A_92 = vector.broadcast %get3A_9 : vector<1x256xf32> to vector<256x256xf32>
    %add3A_93 = arith.addf %dot_general3A_91, %add3A_92 : vector<256x256xf32>
    %jit3A_94 = arith.constant 2.000000e-01 : f32
    %ge3A_95 = arith.constant 0.000000e+00 : f32
    %ge3A_96 = vector.broadcast %ge3A_95 : f32 to vector<256x256xf32>
    %ge3A_97 = arith.cmpf oge, %add3A_93, %ge3A_96 : vector<256x256xf32>
    %mul3A_98 = vector.broadcast %jit3A_94 : f32 to vector<256x256xf32>
    %mul3A_99 = arith.mulf %mul3A_98, %add3A_93 : vector<256x256xf32>
    %select_n3A_100 = arith.select %ge3A_97, %add3A_93, %mul3A_99 : vector<256x256xi1>, vector<256x256xf32>
    %max3A_101 = arith.maximumf %max3A_76, %select_n3A_100 : vector<256x256xf32>
    %get3A_102 = arith.constant 0 : index
    %get3A_103 = arith.constant 0 : index
    %get3A_104 = vector.load %arg6[%get3A_102, %get3A_103] : memref<256x12xf32, #tpu.memory_space<vmem>>, vector<256x12xf32>
    %dot_general3A_105 = arith.constant dense<0.000000e+00> : vector<256x12xf32>
    %dot_general3A_106 = tpu.matmul %max3A_101, %get3A_104, %dot_general3A_105 {dimension_numbers = #tpu.dot_dimension_numbers<[1], [0], [0], [1], [0, 0, 1, 1], [], []>, transpose_lhs_hint = false} : vector<256x256xf32>, vector<256x12xf32>, vector<256x12xf32> -> vector<256x12xf32>
    %get3A_107 = arith.constant 0 : index
    %get3A_108 = arith.constant 0 : index
    %get3A_109 = vector.load %arg7[%get3A_107, %get3A_108] : memref<1x12xf32, #tpu.memory_space<vmem>>, vector<1x12xf32>
    %add3A_110 = vector.broadcast %get3A_109 : vector<1x12xf32> to vector<256x12xf32>
    %add3A_111 = arith.addf %dot_general3A_106, %add3A_110 : vector<256x12xf32>
    %max3A_112 = arith.constant 0.000000e+00 : f32
    %max3A_113 = vector.broadcast %max3A_112 : f32 to vector<256x12xf32>
    %max3A_114 = arith.maximumf %add3A_111, %max3A_113 : vector<256x12xf32>
    %get3A_115 = arith.constant 0 : index
    %get3A_116 = arith.constant 0 : index
    %get3A_117 = vector.load %arg8[%get3A_115, %get3A_116] : memref<12x24xf32, #tpu.memory_space<vmem>>, vector<12x24xf32>
    %dot_general3A_118 = arith.constant dense<0.000000e+00> : vector<256x24xf32>
    %dot_general3A_119 = tpu.matmul %max3A_114, %get3A_117, %dot_general3A_118 {dimension_numbers = #tpu.dot_dimension_numbers<[1], [0], [0], [1], [0, 0, 1, 1], [], []>, transpose_lhs_hint = false} : vector<256x12xf32>, vector<12x24xf32>, vector<256x24xf32> -> vector<256x24xf32>
    %get3A_120 = arith.constant 0 : index
    %get3A_121 = arith.constant 0 : index
    %get3A_122 = vector.load %arg9[%get3A_120, %get3A_121] : memref<1x24xf32, #tpu.memory_space<vmem>>, vector<1x24xf32>
    %add3A_123 = vector.broadcast %get3A_122 : vector<1x24xf32> to vector<256x24xf32>
    %add3A_124 = arith.addf %dot_general3A_119, %add3A_123 : vector<256x24xf32>
    %max3A_125 = arith.constant 0.000000e+00 : f32
    %max3A_126 = vector.broadcast %max3A_125 : f32 to vector<256x24xf32>
    %max3A_127 = arith.maximumf %add3A_124, %max3A_126 : vector<256x24xf32>
    %get3A_128 = arith.constant 0 : index
    %get3A_129 = arith.constant 0 : index
    %get3A_130 = vector.load %arg10[%get3A_128, %get3A_129] : memref<24x24xf32, #tpu.memory_space<vmem>>, vector<24x24xf32>
    %dot_general3A_131 = arith.constant dense<0.000000e+00> : vector<256x24xf32>
    %dot_general3A_132 = tpu.matmul %max3A_127, %get3A_130, %dot_general3A_131 {dimension_numbers = #tpu.dot_dimension_numbers<[1], [0], [0], [1], [0, 0, 1, 1], [], []>, transpose_lhs_hint = false} : vector<256x24xf32>, vector<24x24xf32>, vector<256x24xf32> -> vector<256x24xf32>
    %get3A_133 = arith.constant 0 : index
    %get3A_134 = arith.constant 0 : index
    %get3A_135 = vector.load %arg11[%get3A_133, %get3A_134] : memref<1x24xf32, #tpu.memory_space<vmem>>, vector<1x24xf32>
    %add3A_136 = vector.broadcast %get3A_135 : vector<1x24xf32> to vector<256x24xf32>
    %add3A_137 = arith.addf %dot_general3A_132, %add3A_136 : vector<256x24xf32>
    %swap3A = arith.constant 0 : index
    %swap3A_138 = arith.constant 0 : index
    %swap3A_139 = arith.constant 0 : index
    %swap3A_140 = vector.load %arg14[%swap3A, %swap3A_138, %swap3A_139] : memref<1x256x24xf32, #tpu.memory_space<vmem>>, vector<1x256x24xf32>
    %swap3A_141 = vector.shape_cast %swap3A_140 : vector<1x256x24xf32> to vector<256x24xf32>
    %swap3A_142 = vector.shape_cast %add3A_137 : vector<256x24xf32> to vector<1x256x24xf32>
    tpu.vector_store %arg14[%swap3A, %swap3A_138, %swap3A_139], %swap3A_142 {strides = array<i32>} : memref<1x256x24xf32, #tpu.memory_space<vmem>>, vector<1x256x24xf32>,
    %get3A_143 = arith.constant 0 : index
    %get3A_144 = arith.constant 0 : index
    %get3A_145 = arith.constant 0 : index
    %get3A_146 = vector.load %arg12[%get3A_143, %get3A_144, %get3A_145] : memref<1x256x24xf32, #tpu.memory_space<vmem>>, vector<1x256x24xf32>
    %get3A_147 = vector.shape_cast %get3A_146 : vector<1x256x24xf32> to vector<256x24xf32>
    %add3A_148 = arith.addf %get3A_147, %add3A_137 : vector<256x24xf32>
    %swap3A_149 = arith.constant 0 : index
    %swap3A_150 = arith.constant 0 : index
    %swap3A_151 = arith.constant 0 : index
    %swap3A_152 = vector.load %arg13[%swap3A_149, %swap3A_150, %swap3A_151] : memref<1x256x24xf32, #tpu.memory_space<vmem>>, vector<1x256x24xf32>
    %swap3A_153 = vector.shape_cast %swap3A_152 : vector<1x256x24xf32> to vector<256x24xf32>
    %swap3A_154 = vector.shape_cast %add3A_148 : vector<256x24xf32> to vector<1x256x24xf32>
    tpu.vector_store %arg13[%swap3A_149, %swap3A_150, %swap3A_151], %swap3A_154 {strides = array<i32>} : memref<1x256x24xf32, #tpu.memory_space<vmem>>, vector<1x256x24xf32>,
    return
  }
  func.func @transform_0(%arg0: i32, %arg1: i32) -> (i32, i32, i32) {
    %c0_i32 = arith.constant 0 : i32
    %c0_i32_0 = arith.constant 0 : i32
    return %arg0, %arg1, %c0_i32 : i32, i32, i32
  }
  func.func @transform_1(%arg0: i32, %arg1: i32) -> (i32, i32, i32) {
    %mul3A = arith.constant 16 : i32
    %mul3A_0 = arith.muli %arg0, %mul3A : i32
    %add3A = arith.addi %mul3A_0, %arg1 : i32
    %c0_i32 = arith.constant 0 : i32
    %c0_i32_1 = arith.constant 0 : i32
    %c0_i32_2 = arith.constant 0 : i32
    return %c0_i32, %add3A, %c0_i32_1 : i32, i32, i32
  }
  func.func @transform_2(%arg0: i32, %arg1: i32) -> (i32, i32) {
    %c0_i32 = arith.constant 0 : i32
    %c0_i32_0 = arith.constant 0 : i32
    %c0_i32_1 = arith.constant 0 : i32
    return %c0_i32, %c0_i32_0 : i32, i32
  }
  func.func @transform_3(%arg0: i32, %arg1: i32) -> (i32, i32) {
    %c0_i32 = arith.constant 0 : i32
    %c0_i32_0 = arith.constant 0 : i32
    %c0_i32_1 = arith.constant 0 : i32
    return %c0_i32, %c0_i32_0 : i32, i32
  }
  func.func @transform_4(%arg0: i32, %arg1: i32) -> (i32, i32) {
    %c0_i32 = arith.constant 0 : i32
    %c0_i32_0 = arith.constant 0 : i32
    %c0_i32_1 = arith.constant 0 : i32
    return %c0_i32, %c0_i32_0 : i32, i32
  }
  func.func @transform_5(%arg0: i32, %arg1: i32) -> (i32, i32) {
    %c0_i32 = arith.constant 0 : i32
    %c0_i32_0 = arith.constant 0 : i32
    %c0_i32_1 = arith.constant 0 : i32
    return %c0_i32, %c0_i32_0 : i32, i32
  }
  func.func @transform_6(%arg0: i32, %arg1: i32) -> (i32, i32) {
    %c0_i32 = arith.constant 0 : i32
    %c0_i32_0 = arith.constant 0 : i32
    %c0_i32_1 = arith.constant 0 : i32
    return %c0_i32, %c0_i32_0 : i32, i32
  }
  func.func @transform_7(%arg0: i32, %arg1: i32) -> (i32, i32) {
    %c0_i32 = arith.constant 0 : i32
    %c0_i32_0 = arith.constant 0 : i32
    %c0_i32_1 = arith.constant 0 : i32
    return %c0_i32, %c0_i32_0 : i32, i32
  }
  func.func @transform_8(%arg0: i32, %arg1: i32) -> (i32, i32) {
    %c0_i32 = arith.constant 0 : i32
    %c0_i32_0 = arith.constant 0 : i32
    %c0_i32_1 = arith.constant 0 : i32
    return %c0_i32, %c0_i32_0 : i32, i32
  }
  func.func @transform_9(%arg0: i32, %arg1: i32) -> (i32, i32) {
    %c0_i32 = arith.constant 0 : i32
    %c0_i32_0 = arith.constant 0 : i32
    %c0_i32_1 = arith.constant 0 : i32
    return %c0_i32, %c0_i32_0 : i32, i32
  }
  func.func @transform_10(%arg0: i32, %arg1: i32) -> (i32, i32, i32) {
    %c0_i32 = arith.constant 0 : i32
    %c0_i32_0 = arith.constant 0 : i32
    return %arg0, %arg1, %c0_i32 : i32, i32, i32
  }
  func.func @transform_11(%arg0: i32, %arg1: i32) -> (i32, i32, i32) {
    %c0_i32 = arith.constant 0 : i32
    %c0_i32_0 = arith.constant 0 : i32
    return %arg0, %arg1, %c0_i32 : i32, i32, i32
  }
  func.func @transform_12(%arg0: i32, %arg1: i32) -> (i32, i32, i32) {
    %c0_i32 = arith.constant 0 : i32
    %c0_i32_0 = arith.constant 0 : i32
    return %arg0, %arg1, %c0_i32 : i32, i32, i32
  }
}

</mosaic_0001>

<sc_bundles>
// kernel: kernel.12.cloned.1.call-start
scs
__scs_entry_jumppad:
0x0: {  	(pc) =	sbr.rel $0x88, $3  }
0x1: {  	(tag) =	ssettag $0x0;
	lr =	simm.s32 $0x1  }
0x2: {  	[smem:$0x3F85] =	sst lr;
	_ =	strace $0xD0000000  }
0x3: {  	_ = 	snop  }
0x4: {  	_ = 	snop  }
0x5: {  	_ = 	snop  }
0x6: {  	_ = 	snop  }
0x7: {  	_ = 	snop  }
__scs_overlays_trampoline_lowered:
0x8: {  	[smem:$0x3F94] =	sst s0  }
0x9: {  	[smem:$0x3F95] =	sst s1  }
0xa: {  	[smem:$0x3F96] =	sst s2  }
0xb: {  	[smem:$0x3F97] =	sst s3  }
0xc: {  	[smem:$0x3F98] =	sst s4  }
0xd: {  	[smem:$0x3F99] =	sst s5  }
0xe: {  	[smem:$0x3F9A] =	sst s6  }
0xf: {  	[smem:$0x3F9B] =	sst s7  }
0x10: {  	[smem:$0x3F9C] =	sst s8  }
0x11: {  	[smem:$0x3F9D] =	sst s9;
	s0 =	simm.s32 @!p0 $0x0  }
0x12: {  	s1 =	sld [smem:$0x3F83];
	s0 =	simm.s32 @p0 $0x1  }
0x13: {  	[smem:$0x3F9E] =	sst s0;
	s0 =	simm.s32 @!p1 $0x0  }
0x14: {  	s2 =	sld [smem:$0x3F82];
	s0 =	simm.s32 @p1 $0x1  }
0x15: {  	[smem:$0x3F9F] =	sst s0;
	s0 =	simm.s32 @!p2 $0x0  }
0x16: {  	s3 =	sld [smem:$0x3FDB];
	s0 =	simm.s32 @p2 $0x1  }
0x17: {  	s4 =	simm.s32 $0x1BF5;
	[smem:$0x3FA1] =	sst s0  }
0x18: {  	s0 =	sld [smem:$0x3F84];
	_ =	swait.ge [sflag:s4], $0x0  }
0x19: {  	s7 =	sld [smem:$0x3F85]  }
0x1a: {  	s8 =	sadd.s32 $0xFFFFE003, lr  }
0x1b: {  	s9 =	sadd.s32 $0xFFFFFEF7, lr;
	s5 =	simm.s32 $0xFFFFFFFF;
	p2 =	slt.u32 s8, $0xFFFFF086  }
0x1c: {  	p1 =	slt.u32 s9, $0xF7A;
	s5 =	simm.s32 @!p2 $0x0  }
0x1d: {  	s5 =	simm.s32 @p1 $0x1;
	p0 =	seq.s32 s7, s2  }
0x1e: {  	s7 =	smul.u32 @!p0 $0xF7A, s2;
	p2 =	seq.s32 @!p0 s5, $0x0  }
0x1f: {  	s9 =	smul.u32 $0xF7A, s1;
	s8 =	simm.s32 @!p0 $0x1BF5;
	p2 =	por !p2, p0  }
0x20: {  	[sflag:s8] =	ssyncset.s32 @!p0 $0xFFFFF086;
	s6 =	sadd.s32 @!p0 s3, s7;
	s7 =	simm.s32 @!p0 $0x108  }
0x21: {  	s3 =	sadd.s32 s3, s9;
	s6 =	sadd.s32 @!p0 $0x88, s6;
	s7 =	simm.s32 @p2 $0x1082  }
0x22: {  	[simem:s7], [sflag:s8] =	dma.local @!p0 [hbm:s6], $0xF7A  }
0x23: {  	s9 =	sor.u32 $0xD0000000, s2;
	s6 =	simm.s32 $0x108;
	_ =	swait.ge @!p0 [sflag:s8], $0x0  }
0x24: {  	s3 =	sadd.s32 $0x88, s3;
	s6 =	simm.s32 @!p1 $0x1082;
	[sflag:s4] =	ssyncset.s32 $0xFFFFF086  }
0x25: {  	[simem:s6], [sflag:s4] =	dma.local [hbm:s3], $0xF7A  }
0x26: {  	[smem:$0x3F85] =	sst s1;
	(tag) =	ssettag s2;
	_ =	strace s9  }
0x27: {  	s1 =	sld [smem:$0x3F95]  }
0x28: {  	s2 =	sld [smem:$0x3F96]  }
0x29: {  	s4 =	sld [smem:$0x3F98]  }
0x2a: {  	p0 =	seq.s32 s5, $0x0;
	s5 =	sld [smem:$0x3F99]  }
0x2b: {  	s6 =	sld [smem:$0x3F9A]  }
0x2c: {  	s7 =	sld [smem:$0x3F9B]  }
0x2d: {  	s3 =	simm.s32 $0x108;
	s8 =	sld [smem:$0x3F9C]  }
0x2e: {  	s3 =	simm.s32 @!p0 $0x1082;
	s9 =	sld [smem:$0x3F9D]  }
0x2f: {  	lr =	sadd.s32 s0, s3;
	s0 =	sld [smem:$0x3F94]  }
0x30: {  	s3 =	sld [smem:$0x3F97]  }
0x31: {  	[smem:$0x3FA0] =	sst s10  }
0x32: {  	s10 =	sld [smem:$0x3F9E];
	_ =	sdelay $0x3  }
0x33: {  	p0 =	seq.s32 s10, $0x1;
	s10 =	sld [smem:$0x3FA0];
	_ =	sdelay $0x3  }
0x34: {  	[smem:$0x3FA0] =	sst s10  }
0x35: {  	s10 =	sld [smem:$0x3F9F];
	_ =	sdelay $0x3  }
0x36: {  	p1 =	seq.s32 s10, $0x1;
	s10 =	sld [smem:$0x3FA0];
	_ =	sdelay $0x3  }
0x37: {  	[smem:$0x3FA0] =	sst s10  }
0x38: {  	s10 =	sld [smem:$0x3FA1]  }
0x39: {  	_ = 	snop;
	(pc) =	sbr.ind lr, $3  }
0x3a: {  	_ = 	snop  }
0x3b: {  	_ = 	snop  }
0x3c: {  	p2 =	seq.s32 s10, $0x1;
	s10 =	sld [smem:$0x3FA0]  }
0x3d: {  	_ =	shalt  }
0x3e: {  	_ =	shalt  }
0x3f: {  	_ =	shalt  }
0x40: {  	_ =	shalt  }
0x41: {  	_ =	shalt  }
0x42: {  	_ =	shalt  }
0x43: {  	_ =	shalt  }
0x44: {  	_ =	shalt  }
0x45: {  	_ =	shalt  }
0x46: {  	_ =	shalt  }
0x47: {  	_ =	shalt  }
0x48: {  	_ =	shalt  }
0x49: {  	_ =	shalt  }
0x4a: {  	_ =	shalt  }
0x4b: {  	_ =	shalt  }
0x4c: {  	_ =	shalt  }
0x4d: {  	_ =	shalt  }
0x4e: {  	_ =	shalt  }
0x4f: {  	_ =	shalt  }
0x50: {  	_ =	shalt  }
0x51: {  	_ =	shalt  }
0x52: {  	_ =	shalt  }
0x53: {  	_ =	shalt  }
0x54: {  	_ =	shalt  }
0x55: {  	_ =	shalt  }
0x56: {  	_ =	shalt  }
0x57: {  	_ =	shalt  }
0x58: {  	_ =	shalt  }
0x59: {  	_ =	shalt  }
0x5a: {  	_ =	shalt  }
0x5b: {  	_ =	shalt  }
0x5c: {  	_ =	shalt  }
0x5d: {  	_ =	shalt  }
0x5e: {  	_ =	shalt  }
0x5f: {  	_ =	shalt  }
0x60: {  	_ =	shalt  }
0x61: {  	_ =	shalt  }
0x62: {  	_ =	shalt  }
0x63: {  	_ =	shalt  }
0x64: {  	_ =	shalt  }
0x65: {  	_ =	shalt  }
0x66: {  	_ =	shalt  }
0x67: {  	_ =	shalt  }
0x68: {  	_ =	shalt  }
0x69: {  	_ =	shalt  }
0x6a: {  	_ =	shalt  }
0x6b: {  	_ =	shalt  }
0x6c: {  	_ =	shalt  }
0x6d: {  	_ =	shalt  }
0x6e: {  	_ =	shalt  }
0x6f: {  	_ =	shalt  }
0x70: {  	_ =	shalt  }
0x71: {  	_ =	shalt  }
0x72: {  	_ =	shalt  }
0x73: {  	_ =	shalt  }
0x74: {  	_ =	shalt  }
0x75: {  	_ =	shalt  }
0x76: {  	_ =	shalt  }
0x77: {  	_ =	shalt  }
0x78: {  	_ =	shalt  }
0x79: {  	_ =	shalt  }
0x7a: {  	_ =	shalt  }
0x7b: {  	_ =	shalt  }
0x7c: {  	_ =	shalt  }
0x7d: {  	_ =	shalt  }
0x7e: {  	_ =	shalt  }
0x7f: {  	_ =	shalt  }
0x80: {  	_ =	shalt  }
0x81: {  	_ =	shalt  }
0x82: {  	_ =	shalt  }
0x83: {  	_ =	shalt  }
0x84: {  	_ =	shalt  }
0x85: {  	_ =	shalt  }
0x86: {  	_ =	shalt  }
0x87: {  	_ =	shalt  }
.Lfunc_end0:
.L_simem_size_0:
called_computation_lowered:
.L_overlay_start_0:
0x88: {  	s2 =	sld [smem:$0x3FD9]  }
0x89: {  	s3 =	sld [smem:$0x3FFE];
	_ =	sdelay $0x1  }
0x8a: {  	s1 =	srdreg.scid  }
0x8b: {  	s0 =	sand.u32 $0x1, s1  }
0x8c: {  	s14 =	sshll.u32 s0, $0xA;
	s2 =	sadd.s32 s3, s2  }
0x8d: {  	s2 =	sadd.s32 s2, s14  }
0x8e: {  	[smem:$0x3FAC] =	sst s2  }
0x8f: {  	_ = 	snop  }
0x90: {  	s2 =	sld [smem:$0x3FD0];
	_ =	sdelay $0x2  }
0x91: {  	s15 =	simm.s32 $0xA;
	s4 =	simm.s32 $0x10  }
0x92: {  	[smem:s4], [sflag:s15] =	dma.local [hbm:s2], $0x1  }
0x93: {  	_ =	swait.eq [sflag:s15], $0x1  }
0x94: {  	[sflag:s15] =	ssyncset.done $0x0  }
0x95: {  	[sflag:s15] =	ssyncadd.s32 $0xFFFFFFFF  }
0x96: {  	s16 =	sld [smem:$0x11];
	(tm) =	ssettm $0x1  }
0x97: {  	s17 =	sld [smem:$0x3FFB];
	_ =	sdelay $0x3  }
0x98: {  	_ =	strace s17  }
0x99: {  	s3 =	sld [smem:$0x3FFC];
	_ =	sdelay $0x3  }
0x9a: {  	_ =	strace s3  }
0x9b: {  	s3 =	sld [smem:$0x3FFD];
	_ =	sdelay $0x3  }
0x9c: {  	_ =	strace s3  }
0x9d: {  	_ =	strace $0x8FFFFFFF  }
0x9e: {  	s18 =	sld [smem:$0x3FDB];
	_ =	sdelay $0x1  }
0x9f: {  	s19 =	simm.s32 $_scs_section_size  }
0xa0: {  	s5 =	simm.s32 $_size__tile_overlayer_lowered;
	s6 =	simm.s32 $_tile_overlayer_lowered  }
0xa1: {  	s22 =	simm.s32 $0x1BFF;
	s21 =	sshll.u32 s6, $0x1;
	s3 =	sadd.s32 s19, s18  }
0xa2: {  	s7 =	simm.s32 $0x0;
	s20 =	sshll.u32 s5, $0x1;
	s5 =	sadd.s32 s21, s3  }
0xa3: {  	[timem:s7], [sflag:s22] =	dma.local [hbm:s5], s20  }
0xa4: {  	_ =	swait.ge [sflag:s22], s20  }
0xa5: {  	s4 =	ssub.s32 $0x0, s20;
	[sflag:s22] =	ssyncset.done $0x0  }
0xa6: {  	[sflag:s22] =	ssyncadd.s32 s4;
	_ =	sdelay $0x1  }
0xa7: {  	s23 =	simm.s32 $0x1B8B  }
0xa8: {  	_ =	swait.ge [sflag:s23], $0x1  }
0xa9: {  	[sflag:s23] =	ssyncset.done $0x0  }
0xaa: {  	s25 =	simm.s32 $0x1B8E;
	s24 =	sld [smem:$0x3FFE];
	[sflag:s23] =	ssyncadd.s32 $0xFFFFFFFF  }
0xab: {  	s26 =	simm.s32 $execute0_lowered;
	[smem:$0x3FD2] =	sst s25  }
0xac: {  	s5 =	sshll.u32 s26, $0x1;
	_ =	strace $0x80000046;
	[dreg:$0x1] =	wrdreg $0xFFFFFFFF  }
0xad: {  	s28 =	simm.s32 $_size_execute0_lowered;
	s3 =	sadd.s32 s3, s5;
	[dreg:$0x0] =	wrdreg $0x0  }
0xae: {  	s5 =	sshll.u32 s28, $0x1;
	[dreg:$0x2] =	wrdreg s3  }
0xaf: {  	[dreg:$0x3] =	wrdreg s5  }
0xb0: {  	[dreg:$0x4] =	wrdreg $0xC0  }
0xb1: {  	_ =	task [dreg:s7], $0x5FFFF  }
0xb2: {  	[dreg:$0x1] =	wrdreg $0xFFFFFFFF  }
0xb3: {  	[dreg:$0x0] =	wrdreg $0x60  }
0xb4: {  	[dreg:$0x2] =	wrdreg s24  }
0xb5: {  	[dreg:$0x3] =	wrdreg s16  }
0xb6: {  	[dreg:$0x4] =	wrdreg $0x9  }
0xb7: {  	_ =	task.clear_ibuf [dreg:s7], $0x5FFFF;
	_ =	strace $0x90000046  }
0xb8: {  	s29 =	simm.s32 $0x9;
	_ =	strace $0x8000004F  }
0xb9: {  	_ =	swait.ge [sflag:s29], $0x1  }
0xba: {  	[sflag:s29] =	ssyncadd.s32 $0xFFFFFFFF  }
0xbb: {  	_ =	strace $0x9000004F  }
0xbc: {  	_ =	sfence  }
0xbd: {  	s30 =	sld [smem:$0x0];
	_ =	sdelay $0x2  }
0xbe: {  	s31 =	sshll.u32 s1, $0xD;
	s1 =	sshrl.u32 s1, $0x2  }
0xbf: {  	s3 =	sand.u32 $0x4000, s31;
	s1 =	sadd.s32 s1, s30  }
0xc0: {  	s0 =	sor.u32 s3, s0;
	s1 =	sshll.u32 s1, $0x11  }
0xc1: {  	s0 =	sor.u32 s1, s0  }
0xc2: {  	s0 =	sadd.s32 $0x8F2B, s0  }
0xc3: {  	[sflag:s0] =	ssyncadd.remote.s32 $0x1  }
0xc4: {  	_ =	sfence.sel $0xFFFF  }
0xc5: {  	[dreg:$0x0] =	wrdreg $0xFFFFFFFF;
	(pc) =	sbr.abs _section_cstart, $3  }
0xc6: {  	[dreg:$0x1] =	wrdreg $0xFFFFFFFF  }
0xc7: {  	_ =	task.clear_ibuf [dreg:s7], $0x2FFFF;
	_ =	strace $0x9FFFFFFF  }
0xc8: {  	(tm) =	ssettm $0x7FFFFFFF  }
0xc9: {  	_ =	shalt  }
tec
execute0_lowered:
.L_overlay_start_1:
0x0: {  	(tag) =	ssettag $0x1  }
0x1: {  	s4 =	rddreg [dreg:$0x0]  }
0x2: {  	s1 =	rddreg [dreg:$0x1]  }
0x3: {  	s0 =	rddreg [dreg:$0x2];
	s2 =	simm.s32 $0x0  }
0x4: {  	s3 =	srdreg.scid;
	s31 =	simm.s32 $0x80;
	s9 =	simm.s32 $0x4  }
0x5: {  	s10 =	simm.s32 $0x0;
	[smem:$0x7FF] =	sst s2;
	s5 =	sand.u32 $0x1, s3  }
0x6: {  	s6 =	sadd.s32 $0x5800, s4;
	s3 =	stileid.u32;
	s4 =	sadd.s32 $0x25800, s4  }
0x7: {  	_ =	strace $0x80000047;
	s7 =	sshll.u32 s5, $0x4;
	s5 =	ssub.s32 $0x2, s5  }
0x8: {  	[dreg:$0x3] =	wrdreg s6;
	s29 =	sor.u32 s3, s7;
	s30 =	sshrl.u32 s5, $0x1  }
0x9: {  	[dreg:$0x5] =	wrdreg s4;
	s8 =	smul.u32 $0x280, s29;
	s7 =	ssub.s32 s5, s30  }
0xa: {  	[dreg:$0x4] =	wrdreg s31;
	s4 =	smul.u32 $0x28, s29;
	s6 =	smax.u32 s7, $0x1  }
0xb: {  	s7 =	simm.s32 $0x1;
	s5 =	sadd.s32 s1, s8;
	s8 =	simm.s32 $0x5  }
.LBB2_1:
0xc: {  	_ =	strace $0x80000048;
	s11 =	simm.s32 $0x1;
	p0 =	por $0x0, $0x0  }
0xd: {  	[tilespmem:s2], [sflag:$0x1] =	stream.linear.gather [hbm4b:s5+s2], $0x80, $0x200038;
	[tilespmem:$0x8100] =	vst v63  }
0xe: {  	s11 =	simm.s32 @p0 $0x0  }
0xf: {  	p4 =	por $0x1, $0x1;
	s20 =	sand.u32 $0x1, s2;
	p1 =	sne.s32 s11, $0x0  }
0x10: {  	p2 =	por $0x1, $0x1;
	s18 =	simm.s32 $0x26;
	p0 =	por !p4, !p1  }
0x11: {  	s16 =	simm.s32 $0x0;
	p5 =	por $0x0, $0x0;
	p0 =	por !p0, !p0  }
0x12: {  	s23 =	sadd.s32 $0x0, s4;
	s30 =	sadd.s32 $0x1, s20;
	s12 =	sadd.s32 @p0 s4, s11  }
0x13: {  	_ =	strace $0x90000048;
	s13 =	sand.u32 @p0 $0x1, s7;
	s12 =	sshll.u32 @p0 s12, $0x4  }
0x14: {  	_ =	strace @p0 $0x80000049;
	s15 =	simm.s32 @p0 $0x0;
	s12 =	sand.u32 @p0 $0x1FFFFFF0, s12  }
0x15: {  	s14 =	sshll.u32 @p0 s13, $0x7;
	s13 =	sadd.s32 @p0 $0x1, s13;
	s12 =	sadd.s32 @p0 s1, s12  }
0x16: {  	[tilespmem:s14], [sflag:s13] =	stream.linear.gather @p0 [hbm4b:s12+s15], $0x80, $0x200038;
	[tilespmem:$0x8100] =	vst v63  }
0x17: {  	p3 =	por p2, p2;
	s21 =	sshll.u32 s20, $0xE;
	_ =	strace @p0 $0x90000049  }
0x18: {  	s16 =	sand.u32 $0x80, s16;
	p2 =	por p5, p5;
	_ =	strace $0x8000004A  }
0x19: {  	s17 =	sadd.s32 $0x1, s11;
	s22 =	sor.u32 $0x100, s21;
	_ =	swait.ge [sflag:s30], $0x80  }
0x1a: {  	s21 =	simm.s32 $0x1;
	p6 =	por p1, p1;
	[sflag:s30] =	ssyncset.done $0x0  }
0x1b: {  	p1 =	por p3, p3;
	p4 =	por $0x1, $0x1;
	[sflag:s30] =	ssyncadd.s32 $0xFFFFFF80  }
0x1c: {  	s12 =	simm.s32 $0x27;
	s15 =	sand.u32 @!p3 $0x1, s2;
	_ =	strace $0x9000004A  }
0x1d: {  	s13 =	simm.s32 $0x1;
	p3 =	seq.s32 s17, $0x28;
	_ =	strace $0x8000004B  }
0x1e: {  	s13 =	simm.s32 @!p0 $0x0;
	s17 =	simm.s32 @p3 $0x0;
	s19 =	rddreg [dreg:$0x4]  }
0x1f: {  	p0 =	por $0x0, $0x0;
	s14 =	sadd.s32 $0x1, s13;
	s31 =	rddreg [dreg:$0x3]  }
0x20: {  	[tilespmem:s22], [sflag:$0x5] =	stream.indirect.gather [hbm4b:s31+s19], $0x80, s16, s19, $0x2000b8;
	[tilespmem:$0x8100] =	vst v63  }
0x21: {  	p3 =	sne.s32 s11, s17;
	s21 =	simm.s32 @!p0 $0x0;
	_ =	swait.ge [sflag:s8], $0x4000  }
0x22: {  	p5 =	por !p4, !p3;
	p4 =	por $0x0, $0x0;
	[sflag:s8] =	ssyncset.done $0x0  }
0x23: {  	s13 =	simm.s32 $0x0;
	p6 =	por p4, p6;
	[sflag:s8] =	ssyncadd.s32 $0xFFFFC000  }
0x24: {  	s16 =	simm.s32 $0x0;
	s19 =	simm.s32 $0x0;
	_ =	strace $0x9000004B  }
.LBB2_2:
0x25: {  	_ =	strace @p6 $0x8000004C;
	s13 =	sadd.s32 s21, s13;
	s21 =	smov.u32 s12  }
0x26: {  	s12 =	smov.u32 s18;
	s18 =	sadd.s32 $0xFFFFFFFF, s18;
	p0 =	por p3, p3  }
0x27: {  	s28 =	sshll.u32 @p6 s23, $0xB;
	s20 =	sadd.s32 @p6 $0x3, s20;
	s24 =	simm.s32 @!p0 $0x0  }
0x28: {  	s25 =	rddreg [dreg:$0x5];
	s28 =	sand.u32 @p6 $0x1FFFF800, s28;
	s24 =	simm.s32 @p0 $0x1  }
0x29: {  	s25 =	sadd.s32 @p6 s25, s28;
	s28 =	simm.s32 @p6 $0x0;
	p0 =	sne.s32 s18, $0x0  }
0x2a: {  	[hbm4b:s25+s28] =	stream.linear.scatter @p6 [tilespmem:s22], [sflag:s20], $0x4000, $0x200038;
	[tilespmem:$0x8100] =	vst v63  }
0x2b: {  	s20 =	sadd.s32 @!p1 $0x3, s15;
	s15 =	simm.s32 @!p0 $0x0  }
0x2c: {  	s26 =	simm.s32 $0x1;
	[smem:$0x7FC] =	sst s24;
	s15 =	simm.s32 @p0 $0x1  }
0x2d: {  	s26 =	simm.s32 @!p6 $0x0;
	_ =	strace @p6 $0x9000004C;
	[smem:$0x7FD] =	sst s15  }
0x2e: {  	p5 =	por !p5, !p5;
	s19 =	sadd.s32 s26, s19;
	_ =	strace @!p1 $0x8000004D  }
0x2f: {  	s24 =	sand.u32 @!p2 $0x1, s13;
	s22 =	sand.u32 @p5 $0x1, s14;
	_ =	swait.ge @!p1 [sflag:s20], $0x4000  }
0x30: {  	s15 =	smov.u32 s24;
	s24 =	sadd.s32 @p5 s4, s17;
	[sflag:s20] =	ssyncset.done @!p1 $0x0  }
0x31: {  	s25 =	sshll.u32 @p5 s22, $0x7;
	s24 =	sshll.u32 @p5 s24, $0x4;
	[sflag:s20] =	ssyncadd.s32 @!p1 $0xFFFFC000  }
0x32: {  	s20 =	sadd.s32 @p5 $0x1, s22;
	s22 =	sand.u32 @p5 $0x1FFFFFF0, s24;
	_ =	strace @!p1 $0x9000004D  }
0x33: {  	s24 =	simm.s32 @p5 $0x0;
	s22 =	sadd.s32 @p5 s1, s22;
	_ =	strace @p5 $0x80000049  }
0x34: {  	[tilespmem:s25], [sflag:s20] =	stream.linear.gather @p5 [hbm4b:s22+s24], $0x80, $0x200038;
	[tilespmem:$0x8100] =	vst v63  }
0x35: {  	s16 =	sadd.s32 s26, s16;
	s26 =	sand.u32 $0x1, s19;
	_ =	strace @p5 $0x90000049  }
0x36: {  	s24 =	sadd.s32 $0x1, s26;
	_ =	strace $0x8000004A  }
0x37: {  	_ =	swait.ge [sflag:s24], $0x80  }
0x38: {  	[sflag:s24] =	ssyncset.done $0x0  }
0x39: {  	s20 =	simm.s32 $0x1;
	[sflag:s24] =	ssyncadd.s32 $0xFFFFFF80  }
0x3a: {  	s20 =	simm.s32 @!p5 $0x0;
	_ =	strace $0x9000004A  }
0x3b: {  	s14 =	sadd.s32 s20, s14;
	s20 =	sand.u32 $0x1, s16;
	_ =	strace $0x8000004B  }
0x3c: {  	s29 =	sshll.u32 s19, $0x7;
	s25 =	sshll.u32 s20, $0xE;
	s26 =	rddreg [dreg:$0x4]  }
0x3d: {  	s29 =	sand.u32 $0x80, s29;
	s22 =	sor.u32 $0x100, s25;
	s30 =	rddreg [dreg:$0x3]  }
0x3e: {  	[tilespmem:s22], [sflag:$0x5] =	stream.indirect.gather [hbm4b:s30+s26], $0x80, s29, s26, $0x2000b8;
	[tilespmem:$0x8100] =	vst v63  }
0x3f: {  	_ =	swait.ge [sflag:s8], $0x4000  }
0x40: {  	s31 =	sadd.s32 $0x1, s17;
	[sflag:s8] =	ssyncset.done $0x0  }
0x41: {  	s23 =	sadd.s32 s4, s11;
	s11 =	smov.u32 s17;
	[sflag:s8] =	ssyncadd.s32 $0xFFFFC000  }
0x42: {  	p3 =	seq.s32 s31, $0x28;
	s17 =	smov.u32 s31;
	_ =	strace $0x9000004B  }
0x43: {  	s17 =	simm.s32 @p3 $0x0;
	s31 =	sld [smem:$0x7FD]  }
0x44: {  	p6 =	sne.s32 s12, $0x1;
	p0 =	sne.s32 s21, $0x28;
	p3 =	sne.s32 s11, s17  }
0x45: {  	p5 =	por !p6, !p3;
	p6 =	seq.s32 s21, $0x1;
	s21 =	simm.s32 $0x1  }
0x46: {  	s21 =	simm.s32 @!p0 $0x0;
	p0 =	seq.s32 s31, $0x1  }
.Ltmp0:
0x47: {  	s30 =	sld [smem:$0x7FC];
	(pc) =	sbr.rel @p0 .LBB2_2-.Ltmp0, $4  }
0x48: {  	_ = 	snop  }
0x49: {  	p4 =	seq.s32 s12, $0x28  }
0x4a: {  	p1 =	por p2, p2;
	p2 =	por p4, p4;
	p4 =	seq.s32 s30, $0x1  }
0x4b: {  	p6 =	por p6, p4  }
0x4c: {  	_ =	strace @p6 $0x8000004C;
	s23 =	sshll.u32 @p6 s23, $0xB  }
0x4d: {  	s18 =	rddreg [dreg:$0x5];
	s23 =	sand.u32 @p6 $0x1FFFF800, s23  }
0x4e: {  	s20 =	sadd.s32 @p6 $0x3, s20;
	s18 =	sadd.s32 @p6 s18, s23;
	s23 =	simm.s32 @p6 $0x0  }
0x4f: {  	[hbm4b:s18+s23] =	stream.linear.scatter @p6 [tilespmem:s22], [sflag:s20], $0x4000, $0x200038;
	[tilespmem:$0x8100] =	vst v63  }
0x50: {  	p0 =	por !p5, !p5;
	_ =	strace @p6 $0x9000004C  }
0x51: {  	s15 =	sadd.s32 @!p1 $0x3, s15;
	s17 =	sadd.s32 @p0 s4, s17;
	_ =	strace @!p1 $0x8000004D  }
0x52: {  	s14 =	sand.u32 @p0 $0x1, s14;
	s17 =	sshll.u32 @p0 s17, $0x4;
	_ =	swait.ge @!p1 [sflag:s15], $0x4000  }
0x53: {  	s18 =	simm.s32 $0x1;
	s20 =	sshll.u32 @p0 s14, $0x7;
	[sflag:s15] =	ssyncset.done @!p1 $0x0  }
0x54: {  	s14 =	sadd.s32 @p0 $0x1, s14;
	s18 =	simm.s32 @!p6 $0x0;
	[sflag:s15] =	ssyncadd.s32 @!p1 $0xFFFFC000  }
0x55: {  	s19 =	sadd.s32 s18, s19;
	s15 =	sand.u32 @p0 $0x1FFFFFF0, s17;
	_ =	strace @!p1 $0x9000004D  }
0x56: {  	s17 =	simm.s32 @p0 $0x0;
	s15 =	sadd.s32 @p0 s1, s15;
	_ =	strace @p0 $0x80000049  }
0x57: {  	[tilespmem:s20], [sflag:s14] =	stream.linear.gather @p0 [hbm4b:s15+s17], $0x80, $0x200038;
	[tilespmem:$0x8100] =	vst v63  }
0x58: {  	s25 =	sand.u32 $0x1, s19;
	_ =	strace @p0 $0x90000049  }
0x59: {  	s14 =	sadd.s32 $0x1, s25;
	_ =	strace $0x8000004A  }
0x5a: {  	_ =	swait.ge [sflag:s14], $0x80  }
0x5b: {  	[sflag:s14] =	ssyncset.done $0x0  }
0x5c: {  	[sflag:s14] =	ssyncadd.s32 $0xFFFFFF80  }
0x5d: {  	s26 =	sadd.s32 s18, s16;
	_ =	strace $0x9000004A  }
0x5e: {  	s14 =	sand.u32 $0x1, s26;
	_ =	strace $0x8000004B  }
0x5f: {  	s30 =	sshll.u32 s19, $0x7;
	s31 =	sshll.u32 s14, $0xE;
	s28 =	rddreg [dreg:$0x4]  }
0x60: {  	s17 =	sand.u32 $0x80, s30;
	s18 =	sor.u32 $0x100, s31;
	s29 =	rddreg [dreg:$0x3]  }
0x61: {  	[tilespmem:s18], [sflag:$0x5] =	stream.indirect.gather [hbm4b:s29+s28], $0x80, s17, s28, $0x2000b8;
	[tilespmem:$0x8100] =	vst v63  }
0x62: {  	_ =	swait.ge [sflag:s8], $0x4000  }
0x63: {  	[sflag:s8] =	ssyncset.done $0x0  }
0x64: {  	p5 =	por p3, p3;
	p6 =	seq.s32 s12, $0x1;
	[sflag:s8] =	ssyncadd.s32 $0xFFFFC000  }
0x65: {  	s11 =	sadd.s32 s4, s11;
	p0 =	por p6, p5;
	_ =	strace $0x9000004B  }
0x66: {  	s11 =	sshll.u32 @p0 s11, $0xB;
	_ =	strace @p0 $0x8000004C  }
0x67: {  	s13 =	sadd.s32 s21, s13;
	s11 =	sand.u32 @p0 $0x1FFFF800, s11;
	s12 =	rddreg [dreg:$0x5]  }
0x68: {  	s14 =	sadd.s32 @p0 $0x3, s14;
	s11 =	sadd.s32 @p0 s12, s11;
	s12 =	simm.s32 @p0 $0x0  }
0x69: {  	[hbm4b:s11+s12] =	stream.linear.scatter @p0 [tilespmem:s18], [sflag:s14], $0x4000, $0x200038;
	[tilespmem:$0x8100] =	vst v63  }
0x6a: {  	p1 =	por p2, p2;
	s11 =	sand.u32 @!p2 $0x1, s13;
	_ =	strace @p0 $0x9000004C  }
0x6b: {  	s11 =	sadd.s32 @!p1 $0x3, s11;
	_ =	strace @!p1 $0x8000004D  }
0x6c: {  	_ =	swait.ge @!p1 [sflag:s11], $0x4000  }
0x6d: {  	[sflag:s11] =	ssyncset.done @!p1 $0x0  }
0x6e: {  	s10 =	sadd.s32 $0x1, s10;
	[sflag:s11] =	ssyncadd.s32 @!p1 $0xFFFFC000  }
0x6f: {  	p0 =	sne.s32 s10, s6;
	_ =	strace @!p1 $0x9000004D  }
.Ltmp1:
0x70: {  	_ =	strace $0x8000004E;
	(pc) =	sbr.rel @p0 .LBB2_1-.Ltmp1, $4  }
0x71: {  	_ =	swait.ge [sflag:s9], $0x4000  }
0x72: {  	[sflag:s9] =	ssyncset.done $0x0  }
0x73: {  	[sflag:s9] =	ssyncadd.s32 $0xFFFFC000  }
0x74: {  	_ =	strace $0x9000004E  }
0x75: {  	_ =	sfence.sel $0x180000  }
0x76: {  	[bflag:$0x0] =	sbarrier.arrive $0xFFFF  }
0x77: {  	p0 =	sne.s32 s3, $0x0;
	_ =	strace $0x90000047  }
0x78: {  	s0 =	sadd.s32 @!p0 $0x100000, s0;
	[bflag:$0x2] =	sbarrier.arrive $0xFFFF  }
0x79: {  	[sflag:s0] =	ssyncadd.tile.s32 @!p0 $0x1;
	_ =	shalt  }
.Lfunc_end2:
_tile_overlayer_lowered:
.L_overlay_start_2:
0x7a: {  	(tag) =	ssettag $0x2  }
0x7b: {  	s0 =	rddreg [dreg:$0x0];
	s2 =	stileid.u32  }
0x7c: {  	s1 =	rddreg [dreg:$0x1];
	p0 =	sne.s32 s2, $0x0  }
0x7d: {  	s3 =	rddreg [dreg:$0x2];
	[bflag:$0x3] =	sbarrier.arrive $0xFFFF;
	s2 =	simm.s32 @!p0 $0x1C01  }
0x7e: {  	[timem:s3], [sflag:s2] =	dma.local @!p0 [hbm:s0], s1  }
0x7f: {  	s0 =	simm.s32 @!p0 $0x1  }
0x80: {  	_ =	swait.ge @!p0 [sflag:s0], s1  }
0x81: {  	s1 =	ssub.s32 @!p0 $0x0, s1;
	[sflag:s0] =	ssyncset.done @!p0 $0x0  }
0x82: {  	[sflag:s0] =	ssyncadd.s32 @!p0 s1  }
0x83: {  	[bflag:$0x3] =	sbarrier.arrive $0xFFFF  }
0x84: {  	_ =	shalt  }

// kernel: kernel.15.cloned.1.call-start
scs
__scs_entry_jumppad:
0x0: {  	(pc) =	sbr.rel $0x88, $3  }
0x1: {  	(tag) =	ssettag $0x0;
	lr =	simm.s32 $0x1  }
0x2: {  	[smem:$0x3F85] =	sst lr;
	_ =	strace $0xD0000000  }
0x3: {  	_ = 	snop  }
0x4: {  	_ = 	snop  }
0x5: {  	_ = 	snop  }
0x6: {  	_ = 	snop  }
0x7: {  	_ = 	snop  }
__scs_overlays_trampoline_lowered:
0x8: {  	[smem:$0x3F94] =	sst s0  }
0x9: {  	[smem:$0x3F95] =	sst s1  }
0xa: {  	[smem:$0x3F96] =	sst s2  }
0xb: {  	[smem:$0x3F97] =	sst s3  }
0xc: {  	[smem:$0x3F98] =	sst s4  }
0xd: {  	[smem:$0x3F99] =	sst s5  }
0xe: {  	[smem:$0x3F9A] =	sst s6  }
0xf: {  	[smem:$0x3F9B] =	sst s7  }
0x10: {  	[smem:$0x3F9C] =	sst s8  }
0x11: {  	[smem:$0x3F9D] =	sst s9;
	s0 =	simm.s32 @!p0 $0x0  }
0x12: {  	s1 =	sld [smem:$0x3F83];
	s0 =	simm.s32 @p0 $0x1  }
0x13: {  	[smem:$0x3F9E] =	sst s0;
	s0 =	simm.s32 @!p1 $0x0  }
0x14: {  	s2 =	sld [smem:$0x3F82];
	s0 =	simm.s32 @p1 $0x1  }
0x15: {  	[smem:$0x3F9F] =	sst s0;
	s0 =	simm.s32 @!p2 $0x0  }
0x16: {  	s3 =	sld [smem:$0x3FDB];
	s0 =	simm.s32 @p2 $0x1  }
0x17: {  	s4 =	simm.s32 $0x1BF5;
	[smem:$0x3FA1] =	sst s0  }
0x18: {  	s0 =	sld [smem:$0x3F84];
	_ =	swait.ge [sflag:s4], $0x0  }
0x19: {  	s7 =	sld [smem:$0x3F85]  }
0x1a: {  	s8 =	sadd.s32 $0xFFFFE003, lr  }
0x1b: {  	s9 =	sadd.s32 $0xFFFFFEF7, lr;
	s5 =	simm.s32 $0xFFFFFFFF;
	p2 =	slt.u32 s8, $0xFFFFF086  }
0x1c: {  	p1 =	slt.u32 s9, $0xF7A;
	s5 =	simm.s32 @!p2 $0x0  }
0x1d: {  	s5 =	simm.s32 @p1 $0x1;
	p0 =	seq.s32 s7, s2  }
0x1e: {  	s7 =	smul.u32 @!p0 $0xF7A, s2;
	p2 =	seq.s32 @!p0 s5, $0x0  }
0x1f: {  	s9 =	smul.u32 $0xF7A, s1;
	s8 =	simm.s32 @!p0 $0x1BF5;
	p2 =	por !p2, p0  }
0x20: {  	[sflag:s8] =	ssyncset.s32 @!p0 $0xFFFFF086;
	s6 =	sadd.s32 @!p0 s3, s7;
	s7 =	simm.s32 @!p0 $0x108  }
0x21: {  	s3 =	sadd.s32 s3, s9;
	s6 =	sadd.s32 @!p0 $0x88, s6;
	s7 =	simm.s32 @p2 $0x1082  }
0x22: {  	[simem:s7], [sflag:s8] =	dma.local @!p0 [hbm:s6], $0xF7A  }
0x23: {  	s9 =	sor.u32 $0xD0000000, s2;
	s6 =	simm.s32 $0x108;
	_ =	swait.ge @!p0 [sflag:s8], $0x0  }
0x24: {  	s3 =	sadd.s32 $0x88, s3;
	s6 =	simm.s32 @!p1 $0x1082;
	[sflag:s4] =	ssyncset.s32 $0xFFFFF086  }
0x25: {  	[simem:s6], [sflag:s4] =	dma.local [hbm:s3], $0xF7A  }
0x26: {  	[smem:$0x3F85] =	sst s1;
	(tag) =	ssettag s2;
	_ =	strace s9  }
0x27: {  	s1 =	sld [smem:$0x3F95]  }
0x28: {  	s2 =	sld [smem:$0x3F96]  }
0x29: {  	s4 =	sld [smem:$0x3F98]  }
0x2a: {  	p0 =	seq.s32 s5, $0x0;
	s5 =	sld [smem:$0x3F99]  }
0x2b: {  	s6 =	sld [smem:$0x3F9A]  }
0x2c: {  	s7 =	sld [smem:$0x3F9B]  }
0x2d: {  	s3 =	simm.s32 $0x108;
	s8 =	sld [smem:$0x3F9C]  }
0x2e: {  	s3 =	simm.s32 @!p0 $0x1082;
	s9 =	sld [smem:$0x3F9D]  }
0x2f: {  	lr =	sadd.s32 s0, s3;
	s0 =	sld [smem:$0x3F94]  }
0x30: {  	s3 =	sld [smem:$0x3F97]  }
0x31: {  	[smem:$0x3FA0] =	sst s10  }
0x32: {  	s10 =	sld [smem:$0x3F9E];
	_ =	sdelay $0x3  }
0x33: {  	p0 =	seq.s32 s10, $0x1;
	s10 =	sld [smem:$0x3FA0];
	_ =	sdelay $0x3  }
0x34: {  	[smem:$0x3FA0] =	sst s10  }
0x35: {  	s10 =	sld [smem:$0x3F9F];
	_ =	sdelay $0x3  }
0x36: {  	p1 =	seq.s32 s10, $0x1;
	s10 =	sld [smem:$0x3FA0];
	_ =	sdelay $0x3  }
0x37: {  	[smem:$0x3FA0] =	sst s10  }
0x38: {  	s10 =	sld [smem:$0x3FA1]  }
0x39: {  	_ = 	snop;
	(pc) =	sbr.ind lr, $3  }
0x3a: {  	_ = 	snop  }
0x3b: {  	_ = 	snop  }
0x3c: {  	p2 =	seq.s32 s10, $0x1;
	s10 =	sld [smem:$0x3FA0]  }
0x3d: {  	_ =	shalt  }
0x3e: {  	_ =	shalt  }
0x3f: {  	_ =	shalt  }
0x40: {  	_ =	shalt  }
0x41: {  	_ =	shalt  }
0x42: {  	_ =	shalt  }
0x43: {  	_ =	shalt  }
0x44: {  	_ =	shalt  }
0x45: {  	_ =	shalt  }
0x46: {  	_ =	shalt  }
0x47: {  	_ =	shalt  }
0x48: {  	_ =	shalt  }
0x49: {  	_ =	shalt  }
0x4a: {  	_ =	shalt  }
0x4b: {  	_ =	shalt  }
0x4c: {  	_ =	shalt  }
0x4d: {  	_ =	shalt  }
0x4e: {  	_ =	shalt  }
0x4f: {  	_ =	shalt  }
0x50: {  	_ =	shalt  }
0x51: {  	_ =	shalt  }
0x52: {  	_ =	shalt  }
0x53: {  	_ =	shalt  }
0x54: {  	_ =	shalt  }
0x55: {  	_ =	shalt  }
0x56: {  	_ =	shalt  }
0x57: {  	_ =	shalt  }
0x58: {  	_ =	shalt  }
0x59: {  	_ =	shalt  }
0x5a: {  	_ =	shalt  }
0x5b: {  	_ =	shalt  }
0x5c: {  	_ =	shalt  }
0x5d: {  	_ =	shalt  }
0x5e: {  	_ =	shalt  }
0x5f: {  	_ =	shalt  }
0x60: {  	_ =	shalt  }
0x61: {  	_ =	shalt  }
0x62: {  	_ =	shalt  }
0x63: {  	_ =	shalt  }
0x64: {  	_ =	shalt  }
0x65: {  	_ =	shalt  }
0x66: {  	_ =	shalt  }
0x67: {  	_ =	shalt  }
0x68: {  	_ =	shalt  }
0x69: {  	_ =	shalt  }
0x6a: {  	_ =	shalt  }
0x6b: {  	_ =	shalt  }
0x6c: {  	_ =	shalt  }
0x6d: {  	_ =	shalt  }
0x6e: {  	_ =	shalt  }
0x6f: {  	_ =	shalt  }
0x70: {  	_ =	shalt  }
0x71: {  	_ =	shalt  }
0x72: {  	_ =	shalt  }
0x73: {  	_ =	shalt  }
0x74: {  	_ =	shalt  }
0x75: {  	_ =	shalt  }
0x76: {  	_ =	shalt  }
0x77: {  	_ =	shalt  }
0x78: {  	_ =	shalt  }
0x79: {  	_ =	shalt  }
0x7a: {  	_ =	shalt  }
0x7b: {  	_ =	shalt  }
0x7c: {  	_ =	shalt  }
0x7d: {  	_ =	shalt  }
0x7e: {  	_ =	shalt  }
0x7f: {  	_ =	shalt  }
0x80: {  	_ =	shalt  }
0x81: {  	_ =	shalt  }
0x82: {  	_ =	shalt  }
0x83: {  	_ =	shalt  }
0x84: {  	_ =	shalt  }
0x85: {  	_ =	shalt  }
0x86: {  	_ =	shalt  }
0x87: {  	_ =	shalt  }
.Lfunc_end0:
.L_simem_size_0:
called_computation.1_lowered:
.L_overlay_start_0:
0x88: {  	s2 =	sld [smem:$0x3FD9]  }
0x89: {  	s3 =	sld [smem:$0x3FFE];
	_ =	sdelay $0x1  }
0x8a: {  	s1 =	srdreg.scid  }
0x8b: {  	s0 =	sand.u32 $0x1, s1  }
0x8c: {  	s14 =	sshll.u32 s0, $0xA;
	s2 =	sadd.s32 s3, s2  }
0x8d: {  	s2 =	sadd.s32 s2, s14  }
0x8e: {  	[smem:$0x3FAC] =	sst s2  }
0x8f: {  	_ = 	snop  }
0x90: {  	s2 =	sld [smem:$0x3FD0];
	_ =	sdelay $0x2  }
0x91: {  	s15 =	simm.s32 $0xA;
	s4 =	simm.s32 $0x10  }
0x92: {  	[smem:s4], [sflag:s15] =	dma.local [hbm:s2], $0x1  }
0x93: {  	_ =	swait.eq [sflag:s15], $0x1  }
0x94: {  	[sflag:s15] =	ssyncset.done $0x0  }
0x95: {  	[sflag:s15] =	ssyncadd.s32 $0xFFFFFFFF  }
0x96: {  	s16 =	sld [smem:$0x11];
	(tm) =	ssettm $0x1  }
0x97: {  	s17 =	sld [smem:$0x3FFB];
	_ =	sdelay $0x3  }
0x98: {  	_ =	strace s17  }
0x99: {  	s3 =	sld [smem:$0x3FFC];
	_ =	sdelay $0x3  }
0x9a: {  	_ =	strace s3  }
0x9b: {  	s3 =	sld [smem:$0x3FFD];
	_ =	sdelay $0x3  }
0x9c: {  	_ =	strace s3  }
0x9d: {  	_ =	strace $0x8FFFFFFF  }
0x9e: {  	s18 =	sld [smem:$0x3FDB];
	_ =	sdelay $0x1  }
0x9f: {  	s19 =	simm.s32 $_scs_section_size  }
0xa0: {  	s5 =	simm.s32 $_size__tile_overlayer_lowered;
	s6 =	simm.s32 $_tile_overlayer_lowered  }
0xa1: {  	s22 =	simm.s32 $0x1BFF;
	s21 =	sshll.u32 s6, $0x1;
	s3 =	sadd.s32 s19, s18  }
0xa2: {  	s7 =	simm.s32 $0x0;
	s20 =	sshll.u32 s5, $0x1;
	s5 =	sadd.s32 s21, s3  }
0xa3: {  	[timem:s7], [sflag:s22] =	dma.local [hbm:s5], s20  }
0xa4: {  	_ =	swait.ge [sflag:s22], s20  }
0xa5: {  	s4 =	ssub.s32 $0x0, s20;
	[sflag:s22] =	ssyncset.done $0x0  }
0xa6: {  	[sflag:s22] =	ssyncadd.s32 s4;
	_ =	sdelay $0x1  }
0xa7: {  	s23 =	simm.s32 $0x1B8B  }
0xa8: {  	_ =	swait.ge [sflag:s23], $0x1  }
0xa9: {  	[sflag:s23] =	ssyncset.done $0x0  }
0xaa: {  	s25 =	simm.s32 $0x1B8E;
	s24 =	sld [smem:$0x3FFE];
	[sflag:s23] =	ssyncadd.s32 $0xFFFFFFFF  }
0xab: {  	s26 =	simm.s32 $execute0_lowered;
	[smem:$0x3FD2] =	sst s25  }
0xac: {  	s5 =	sshll.u32 s26, $0x1;
	_ =	strace $0x80000050;
	[dreg:$0x1] =	wrdreg $0xFFFFFFFF  }
0xad: {  	s28 =	simm.s32 $_size_execute0_lowered;
	s3 =	sadd.s32 s3, s5;
	[dreg:$0x0] =	wrdreg $0x0  }
0xae: {  	s5 =	sshll.u32 s28, $0x1;
	[dreg:$0x2] =	wrdreg s3  }
0xaf: {  	[dreg:$0x3] =	wrdreg s5  }
0xb0: {  	[dreg:$0x4] =	wrdreg $0xC0  }
0xb1: {  	_ =	task [dreg:s7], $0x5FFFF  }
0xb2: {  	[dreg:$0x1] =	wrdreg $0xFFFFFFFF  }
0xb3: {  	[dreg:$0x0] =	wrdreg $0x60  }
0xb4: {  	[dreg:$0x2] =	wrdreg s24  }
0xb5: {  	[dreg:$0x3] =	wrdreg s16  }
0xb6: {  	[dreg:$0x4] =	wrdreg $0x9  }
0xb7: {  	_ =	task.clear_ibuf [dreg:s7], $0x5FFFF;
	_ =	strace $0x90000050  }
0xb8: {  	s29 =	simm.s32 $0x9;
	_ =	strace $0x80000059  }
0xb9: {  	_ =	swait.ge [sflag:s29], $0x1  }
0xba: {  	[sflag:s29] =	ssyncadd.s32 $0xFFFFFFFF  }
0xbb: {  	_ =	strace $0x90000059  }
0xbc: {  	_ =	sfence  }
0xbd: {  	s30 =	sld [smem:$0x0];
	_ =	sdelay $0x2  }
0xbe: {  	s31 =	sshll.u32 s1, $0xD;
	s1 =	sshrl.u32 s1, $0x2  }
0xbf: {  	s3 =	sand.u32 $0x4000, s31;
	s1 =	sadd.s32 s1, s30  }
0xc0: {  	s0 =	sor.u32 s3, s0;
	s1 =	sshll.u32 s1, $0x11  }
0xc1: {  	s0 =	sor.u32 s1, s0  }
0xc2: {  	s0 =	sadd.s32 $0x8F2B, s0  }
0xc3: {  	[sflag:s0] =	ssyncadd.remote.s32 $0x1  }
0xc4: {  	_ =	sfence.sel $0xFFFF  }
0xc5: {  	[dreg:$0x0] =	wrdreg $0xFFFFFFFF;
	(pc) =	sbr.abs _section_cstart, $3  }
0xc6: {  	[dreg:$0x1] =	wrdreg $0xFFFFFFFF  }
0xc7: {  	_ =	task.clear_ibuf [dreg:s7], $0x2FFFF;
	_ =	strace $0x9FFFFFFF  }
0xc8: {  	(tm) =	ssettm $0x7FFFFFFF  }
0xc9: {  	_ =	shalt  }
tec
execute0_lowered:
.L_overlay_start_1:
0x0: {  	(tag) =	ssettag $0x1  }
0x1: {  	s4 =	rddreg [dreg:$0x0]  }
0x2: {  	s1 =	rddreg [dreg:$0x1];
	s2 =	srdreg.scid  }
0x3: {  	s0 =	rddreg [dreg:$0x2];
	s3 =	simm.s32 $0x0;
	s10 =	simm.s32 $0x0  }
0x4: {  	s5 =	sand.u32 $0x1, s2;
	[smem:$0x7FF] =	sst s3;
	s2 =	stileid.u32  }
0x5: {  	s7 =	sadd.s32 $0x2E5800, s4;
	s4 =	sadd.s32 $0x2A5800, s4;
	s6 =	sshll.u32 s5, $0x4  }
0x6: {  	_ =	strace $0x80000051;
	s5 =	ssub.s32 $0x2, s5;
	s6 =	sor.u32 s2, s6  }
0x7: {  	v2 =	vlaneseq.u32;
	[dreg:$0x3] =	wrdreg s7;
	s8 =	sshrl.u32 s5, $0x1;
	s9 =	smul.u32 $0x180, s6  }
0x8: {  	vm0 =	vmmov $0xffff;
	v1 =	vshrl.u32 v2, $0x3;
	s31 =	ssub.s32 s5, s8;
	s5 =	smul.u32 $0x18, s6;
	s8 =	simm.s32 $0x5  }
0x9: {  	v0 =	vand.u32 $0x7, v2;
	v2 =	vor.u32 $0x8, v2;
	v1 =	vmul.u32 $0x8, v1;
	s7 =	smax.u32 s31, $0x1;
	s6 =	sadd.s32 s1, s9;
	s9 =	simm.s32 $0x4  }
.LBB2_1:
0xa: {  	_ =	strace $0x80000052;
	s11 =	simm.s32 $0x18  }
0xb: {  	s12 =	simm.s32 $0x0;
	s13 =	simm.s32 $0x0;
	s14 =	simm.s32 $0x0  }
0xc: {  	[tilespmem:s3], [sflag:$0x1] =	stream.linear.gather [hbm4b:s6+s3], $0x80, $0x200038;
	[tilespmem:$0x10100] =	vst v63  }
0xd: {  	s15 =	simm.s32 $0x0;
	s16 =	simm.s32 $0x1;
	_ =	strace $0x90000052  }
.LBB2_2:
0xe: {  	s17 =	smov.u32 s12;
	s12 =	sadd.s32 $0x1, s12  }
0xf: {  	p0 =	seq.s32 s12, $0x18  }
0x10: {  	s12 =	simm.s32 @p0 $0x0  }
0x11: {  	p6 =	sne.s32 s11, $0x1;
	p1 =	sne.s32 s17, s12  }
0x12: {  	p0 =	por !p6, !p1  }
0x13: {  	p0 =	por !p0, !p0  }
0x14: {  	s18 =	sadd.s32 @p0 s5, s12  }
0x15: {  	s19 =	sand.u32 @p0 $0x1, s16;
	s18 =	sshll.u32 @p0 s18, $0x4  }
0x16: {  	_ =	strace @p0 $0x80000053;
	s21 =	simm.s32 @p0 $0x0;
	s18 =	sand.u32 @p0 $0x1FFFFFF0, s18  }
0x17: {  	s20 =	sshll.u32 @p0 s19, $0x7;
	s19 =	sadd.s32 @p0 $0x1, s19;
	s18 =	sadd.s32 @p0 s1, s18  }
0x18: {  	[tilespmem:s20], [sflag:s19] =	stream.linear.gather @p0 [hbm4b:s18+s21], $0x80, $0x200038;
	[tilespmem:$0x10100] =	vst v63  }
0x19: {  	s24 =	sand.u32 $0x1, s15;
	_ =	strace @p0 $0x90000053  }
0x1a: {  	s18 =	sadd.s32 $0x1, s24;
	_ =	strace $0x80000054  }
0x1b: {  	_ =	swait.ge [sflag:s18], $0x80  }
0x1c: {  	[sflag:s18] =	ssyncset.done $0x0  }
0x1d: {  	[sflag:s18] =	ssyncadd.s32 $0xFFFFFF80  }
0x1e: {  	s25 =	sshll.u32 s15, $0x7;
	_ =	strace $0x90000054  }
0x1f: {  	s21 =	sand.u32 $0x80, s25;
	_ =	strace $0x80000055  }
0x20: {  	v3 =	vld [tilespmem:s21+$0x0];
	_ =	sdelay $0x4  }
0x21: {  	v4 =	vshll.u32 v3, $0x1  }
0x22: {  	v3 =	vand.u32 $0x7, v3;
	v4 =	vand.u32 $0xFFFFFFF0, v4  }
0x23: {  	v3 =	vor.u32 v3, v4  }
0x24: {  	v4 =	vperm.xlane v3, v0;
	_ =	sdelay $0x1  }
0x25: {  	v3 =	vperm.xlane v3, v2;
	v4 =	vadd.s32 v1, v4;
	_ =	sdelay $0x1  }
0x26: {  	s18 =	sand.u32 $0x1, s14;
	v3 =	vadd.s32 v1, v3  }
0x27: {  	s20 =	sshll.u32 s18, $0xF  }
0x28: {  	s19 =	sor.u32 $0x100, s20  }
0x29: {  	[tilespmem:s19], [sflag:$0x5] =	stream.indirect_vreg.gather [hbm4b:s4+s3], $0x80, v4, vm0, $0x2000b8;
	[tilespmem:$0x10100] =	vst v63  }
0x2a: {  	s22 =	sor.u32 $0x900, s20  }
0x2b: {  	[tilespmem:s22], [sflag:$0x5] =	stream.indirect_vreg.gather [hbm4b:s4+s3], $0x80, v3, vm0, $0x2000b8;
	[tilespmem:$0x10100] =	vst v63  }
0x2c: {  	v3 =	vld [tilespmem:s21+$0x10];
	_ =	sdelay $0x4  }
0x2d: {  	v57 =	vshll.u32 v3, $0x1  }
0x2e: {  	v3 =	vand.u32 $0x7, v3;
	v4 =	vand.u32 $0xFFFFFFF0, v57  }
0x2f: {  	v3 =	vor.u32 v3, v4  }
0x30: {  	v4 =	vperm.xlane v3, v0;
	_ =	sdelay $0x1  }
0x31: {  	v3 =	vperm.xlane v3, v2;
	v4 =	vadd.s32 v1, v4;
	_ =	sdelay $0x1  }
0x32: {  	v3 =	vadd.s32 v1, v3;
	_ =	sdelay $0x1  }
0x33: {  	s26 =	sor.u32 $0x1100, s20  }
0x34: {  	[tilespmem:s26], [sflag:$0x5] =	stream.indirect_vreg.gather [hbm4b:s4+s3], $0x80, v4, vm0, $0x2000b8;
	[tilespmem:$0x10100] =	vst v63  }
0x35: {  	s28 =	sor.u32 $0x1900, s20  }
0x36: {  	[tilespmem:s28], [sflag:$0x5] =	stream.indirect_vreg.gather [hbm4b:s4+s3], $0x80, v3, vm0, $0x2000b8;
	[tilespmem:$0x10100] =	vst v63  }
0x37: {  	v3 =	vld [tilespmem:s21+$0x20];
	_ =	sdelay $0x4  }
0x38: {  	v58 =	vshll.u32 v3, $0x1  }
0x39: {  	v3 =	vand.u32 $0x7, v3;
	v4 =	vand.u32 $0xFFFFFFF0, v58  }
0x3a: {  	v3 =	vor.u32 v3, v4  }
0x3b: {  	v4 =	vperm.xlane v3, v0;
	_ =	sdelay $0x1  }
0x3c: {  	v3 =	vperm.xlane v3, v2;
	v4 =	vadd.s32 v1, v4;
	_ =	sdelay $0x1  }
0x3d: {  	v3 =	vadd.s32 v1, v3;
	_ =	sdelay $0x1  }
0x3e: {  	s29 =	sor.u32 $0x2100, s20  }
0x3f: {  	[tilespmem:s29], [sflag:$0x5] =	stream.indirect_vreg.gather [hbm4b:s4+s3], $0x80, v4, vm0, $0x2000b8;
	[tilespmem:$0x10100] =	vst v63  }
0x40: {  	s30 =	sor.u32 $0x2900, s20  }
0x41: {  	[tilespmem:s30], [sflag:$0x5] =	stream.indirect_vreg.gather [hbm4b:s4+s3], $0x80, v3, vm0, $0x2000b8;
	[tilespmem:$0x10100] =	vst v63  }
0x42: {  	v3 =	vld [tilespmem:s21+$0x30];
	_ =	sdelay $0x4  }
0x43: {  	v59 =	vshll.u32 v3, $0x1  }
0x44: {  	v3 =	vand.u32 $0x7, v3;
	v4 =	vand.u32 $0xFFFFFFF0, v59  }
0x45: {  	v3 =	vor.u32 v3, v4  }
0x46: {  	v4 =	vperm.xlane v3, v0;
	_ =	sdelay $0x1  }
0x47: {  	v3 =	vperm.xlane v3, v2;
	v4 =	vadd.s32 v1, v4;
	_ =	sdelay $0x1  }
0x48: {  	v3 =	vadd.s32 v1, v3;
	_ =	sdelay $0x1  }
0x49: {  	s31 =	sor.u32 $0x3100, s20  }
0x4a: {  	[tilespmem:s31], [sflag:$0x5] =	stream.indirect_vreg.gather [hbm4b:s4+s3], $0x80, v4, vm0, $0x2000b8;
	[tilespmem:$0x10100] =	vst v63  }
0x4b: {  	s23 =	sor.u32 $0x3900, s20  }
0x4c: {  	[tilespmem:s23], [sflag:$0x5] =	stream.indirect_vreg.gather [hbm4b:s4+s3], $0x80, v3, vm0, $0x2000b8;
	[tilespmem:$0x10100] =	vst v63  }
0x4d: {  	v3 =	vld [tilespmem:s21+$0x40];
	_ =	sdelay $0x4  }
0x4e: {  	v60 =	vshll.u32 v3, $0x1  }
0x4f: {  	v3 =	vand.u32 $0x7, v3;
	v4 =	vand.u32 $0xFFFFFFF0, v60  }
0x50: {  	v3 =	vor.u32 v3, v4  }
0x51: {  	v4 =	vperm.xlane v3, v0;
	_ =	sdelay $0x1  }
0x52: {  	v3 =	vperm.xlane v3, v2;
	v4 =	vadd.s32 v1, v4;
	_ =	sdelay $0x1  }
0x53: {  	v3 =	vadd.s32 v1, v3;
	_ =	sdelay $0x1  }
0x54: {  	s24 =	sor.u32 $0x4100, s20  }
0x55: {  	[tilespmem:s24], [sflag:$0x5] =	stream.indirect_vreg.gather [hbm4b:s4+s3], $0x80, v4, vm0, $0x2000b8;
	[tilespmem:$0x10100] =	vst v63  }
0x56: {  	s25 =	sor.u32 $0x4900, s20  }
0x57: {  	[tilespmem:s25], [sflag:$0x5] =	stream.indirect_vreg.gather [hbm4b:s4+s3], $0x80, v3, vm0, $0x2000b8;
	[tilespmem:$0x10100] =	vst v63  }
0x58: {  	v3 =	vld [tilespmem:s21+$0x50];
	_ =	sdelay $0x4  }
0x59: {  	v61 =	vshll.u32 v3, $0x1  }
0x5a: {  	v3 =	vand.u32 $0x7, v3;
	v4 =	vand.u32 $0xFFFFFFF0, v61  }
0x5b: {  	v3 =	vor.u32 v3, v4  }
0x5c: {  	v4 =	vperm.xlane v3, v0;
	_ =	sdelay $0x1  }
0x5d: {  	v3 =	vperm.xlane v3, v2;
	v4 =	vadd.s32 v1, v4;
	_ =	sdelay $0x1  }
0x5e: {  	v3 =	vadd.s32 v1, v3;
	_ =	sdelay $0x1  }
0x5f: {  	s26 =	sor.u32 $0x5100, s20  }
0x60: {  	[tilespmem:s26], [sflag:$0x5] =	stream.indirect_vreg.gather [hbm4b:s4+s3], $0x80, v4, vm0, $0x2000b8;
	[tilespmem:$0x10100] =	vst v63  }
0x61: {  	s28 =	sor.u32 $0x5900, s20  }
0x62: {  	[tilespmem:s28], [sflag:$0x5] =	stream.indirect_vreg.gather [hbm4b:s4+s3], $0x80, v3, vm0, $0x2000b8;
	[tilespmem:$0x10100] =	vst v63  }
0x63: {  	v3 =	vld [tilespmem:s21+$0x60];
	_ =	sdelay $0x4  }
0x64: {  	v62 =	vshll.u32 v3, $0x1  }
0x65: {  	v3 =	vand.u32 $0x7, v3;
	v4 =	vand.u32 $0xFFFFFFF0, v62  }
0x66: {  	v3 =	vor.u32 v3, v4  }
0x67: {  	v4 =	vperm.xlane v3, v0;
	_ =	sdelay $0x1  }
0x68: {  	v3 =	vperm.xlane v3, v2;
	v4 =	vadd.s32 v1, v4;
	_ =	sdelay $0x1  }
0x69: {  	v3 =	vadd.s32 v1, v3;
	_ =	sdelay $0x1  }
0x6a: {  	s29 =	sor.u32 $0x6100, s20  }
0x6b: {  	[tilespmem:s29], [sflag:$0x5] =	stream.indirect_vreg.gather [hbm4b:s4+s3], $0x80, v4, vm0, $0x2000b8;
	[tilespmem:$0x10100] =	vst v63  }
0x6c: {  	s30 =	sor.u32 $0x6900, s20  }
0x6d: {  	[tilespmem:s30], [sflag:$0x5] =	stream.indirect_vreg.gather [hbm4b:s4+s3], $0x80, v3, vm0, $0x2000b8;
	[tilespmem:$0x10100] =	vst v63  }
0x6e: {  	v3 =	vld [tilespmem:s21+$0x70];
	_ =	sdelay $0x4  }
0x6f: {  	v63 =	vshll.u32 v3, $0x1  }
0x70: {  	v3 =	vand.u32 $0x7, v3;
	v4 =	vand.u32 $0xFFFFFFF0, v63  }
0x71: {  	v3 =	vor.u32 v3, v4  }
0x72: {  	v4 =	vperm.xlane v3, v0;
	_ =	sdelay $0x1  }
0x73: {  	v3 =	vperm.xlane v3, v2;
	v4 =	vadd.s32 v1, v4;
	_ =	sdelay $0x1  }
0x74: {  	v3 =	vadd.s32 v1, v3;
	_ =	sdelay $0x1  }
0x75: {  	s31 =	sor.u32 $0x7100, s20  }
0x76: {  	[tilespmem:s31], [sflag:$0x5] =	stream.indirect_vreg.gather [hbm4b:s4+s3], $0x80, v4, vm0, $0x2000b8;
	[tilespmem:$0x10100] =	vst v63  }
0x77: {  	s20 =	sor.u32 $0x7900, s20  }
0x78: {  	[tilespmem:s20], [sflag:$0x5] =	stream.indirect_vreg.gather [hbm4b:s4+s3], $0x80, v3, vm0, $0x2000b8;
	[tilespmem:$0x10100] =	vst v63  }
0x79: {  	_ =	swait.ge [sflag:s8], $0x8000  }
0x7a: {  	p2 =	seq.s32 s11, $0x1;
	[sflag:s8] =	ssyncset.done $0x0  }
0x7b: {  	s17 =	sadd.s32 s5, s17;
	p1 =	por p2, p1;
	[sflag:s8] =	ssyncadd.s32 $0xFFFF8000  }
0x7c: {  	s17 =	sshll.u32 @p1 s17, $0xC;
	_ =	strace $0x90000055  }
0x7d: {  	s17 =	sand.u32 @p1 $0x1FFFF000, s17;
	s21 =	simm.s32 $0x1;
	_ =	strace @p1 $0x80000056  }
0x7e: {  	s18 =	sadd.s32 @p1 $0x3, s18;
	s21 =	simm.s32 @!p0 $0x0;
	s20 =	rddreg [dreg:$0x3]  }
0x7f: {  	p0 =	seq.s32 s11, $0x18;
	s17 =	sadd.s32 @p1 s20, s17;
	s20 =	simm.s32 @p1 $0x0  }
0x80: {  	[hbm4b:s17+s20] =	stream.linear.scatter @p1 [tilespmem:s19], [sflag:s18], $0x8000, $0x200038;
	[tilespmem:$0x10100] =	vst v63  }
0x81: {  	s17 =	simm.s32 $0x1;
	s19 =	simm.s32 $0x1;
	_ =	strace @p1 $0x90000056  }
0x82: {  	s17 =	simm.s32 @!p1 $0x0;
	p1 =	sne.s32 s11, $0x18;
	s11 =	sadd.s32 $0xFFFFFFFF, s11  }
0x83: {  	s18 =	sand.u32 @!p0 $0x1, s13;
	s19 =	simm.s32 @!p1 $0x0;
	p1 =	sne.s32 s11, $0x0  }
.Ltmp0:
0x84: {  	s18 =	sadd.s32 @!p0 $0x3, s18;
	_ =	strace @!p0 $0x80000057;
	(pc) =	sbr.rel @p1 .LBB2_2-.Ltmp0, $4  }
0x85: {  	_ =	swait.ge @!p0 [sflag:s18], $0x8000  }
0x86: {  	[sflag:s18] =	ssyncset.done @!p0 $0x0  }
0x87: {  	s16 =	sadd.s32 s21, s16;
	s14 =	sadd.s32 s17, s14;
	[sflag:s18] =	ssyncadd.s32 @!p0 $0xFFFF8000  }
0x88: {  	s15 =	sadd.s32 s17, s15;
	s13 =	sadd.s32 s19, s13;
	_ =	strace @!p0 $0x90000057  }
0x89: {  	s10 =	sadd.s32 $0x1, s10  }
0x8a: {  	p0 =	sne.s32 s10, s7  }
.Ltmp1:
0x8b: {  	_ =	strace $0x80000058;
	(pc) =	sbr.rel @p0 .LBB2_1-.Ltmp1, $4  }
0x8c: {  	_ =	swait.ge [sflag:s9], $0x8000  }
0x8d: {  	[sflag:s9] =	ssyncset.done $0x0  }
0x8e: {  	[sflag:s9] =	ssyncadd.s32 $0xFFFF8000  }
0x8f: {  	_ =	strace $0x90000058  }
0x90: {  	_ =	sfence.sel $0x180000  }
0x91: {  	[bflag:$0x0] =	sbarrier.arrive $0xFFFF  }
0x92: {  	p0 =	sne.s32 s2, $0x0;
	_ =	strace $0x90000051  }
0x93: {  	s0 =	sadd.s32 @!p0 $0x100000, s0;
	[bflag:$0x2] =	sbarrier.arrive $0xFFFF  }
0x94: {  	[sflag:s0] =	ssyncadd.tile.s32 @!p0 $0x1;
	_ =	shalt  }
.Lfunc_end2:
_tile_overlayer_lowered:
.L_overlay_start_2:
0x95: {  	(tag) =	ssettag $0x2  }
0x96: {  	s0 =	rddreg [dreg:$0x0];
	s2 =	stileid.u32  }
0x97: {  	s1 =	rddreg [dreg:$0x1];
	p0 =	sne.s32 s2, $0x0  }
0x98: {  	s3 =	rddreg [dreg:$0x2];
	[bflag:$0x3] =	sbarrier.arrive $0xFFFF;
	s2 =	simm.s32 @!p0 $0x1C01  }
0x99: {  	[timem:s3], [sflag:s2] =	dma.local @!p0 [hbm:s0], s1  }
0x9a: {  	s0 =	simm.s32 @!p0 $0x1  }
0x9b: {  	_ =	swait.ge @!p0 [sflag:s0], s1  }
0x9c: {  	s1 =	ssub.s32 @!p0 $0x0, s1;
	[sflag:s0] =	ssyncset.done @!p0 $0x0  }
0x9d: {  	[sflag:s0] =	ssyncadd.s32 @!p0 s1  }
0x9e: {  	[bflag:$0x3] =	sbarrier.arrive $0xFFFF  }
0x9f: {  	_ =	shalt  }

// kernel: kernel.18.cloned.1.call-start
scs
__scs_entry_jumppad:
0x0: {  	(pc) =	sbr.rel $0x88, $3  }
0x1: {  	(tag) =	ssettag $0x0;
	lr =	simm.s32 $0x1  }
0x2: {  	[smem:$0x3F85] =	sst lr;
	_ =	strace $0xD0000000  }
0x3: {  	_ = 	snop  }
0x4: {  	_ = 	snop  }
0x5: {  	_ = 	snop  }
0x6: {  	_ = 	snop  }
0x7: {  	_ = 	snop  }
__scs_overlays_trampoline_lowered:
0x8: {  	[smem:$0x3F94] =	sst s0  }
0x9: {  	[smem:$0x3F95] =	sst s1  }
0xa: {  	[smem:$0x3F96] =	sst s2  }
0xb: {  	[smem:$0x3F97] =	sst s3  }
0xc: {  	[smem:$0x3F98] =	sst s4  }
0xd: {  	[smem:$0x3F99] =	sst s5  }
0xe: {  	[smem:$0x3F9A] =	sst s6  }
0xf: {  	[smem:$0x3F9B] =	sst s7  }
0x10: {  	[smem:$0x3F9C] =	sst s8  }
0x11: {  	[smem:$0x3F9D] =	sst s9;
	s0 =	simm.s32 @!p0 $0x0  }
0x12: {  	s1 =	sld [smem:$0x3F83];
	s0 =	simm.s32 @p0 $0x1  }
0x13: {  	[smem:$0x3F9E] =	sst s0;
	s0 =	simm.s32 @!p1 $0x0  }
0x14: {  	s2 =	sld [smem:$0x3F82];
	s0 =	simm.s32 @p1 $0x1  }
0x15: {  	[smem:$0x3F9F] =	sst s0;
	s0 =	simm.s32 @!p2 $0x0  }
0x16: {  	s3 =	sld [smem:$0x3FDB];
	s0 =	simm.s32 @p2 $0x1  }
0x17: {  	s4 =	simm.s32 $0x1BF5;
	[smem:$0x3FA1] =	sst s0  }
0x18: {  	s0 =	sld [smem:$0x3F84];
	_ =	swait.ge [sflag:s4], $0x0  }
0x19: {  	s7 =	sld [smem:$0x3F85]  }
0x1a: {  	s8 =	sadd.s32 $0xFFFFE003, lr  }
0x1b: {  	s9 =	sadd.s32 $0xFFFFFEF7, lr;
	s5 =	simm.s32 $0xFFFFFFFF;
	p2 =	slt.u32 s8, $0xFFFFF086  }
0x1c: {  	p1 =	slt.u32 s9, $0xF7A;
	s5 =	simm.s32 @!p2 $0x0  }
0x1d: {  	s5 =	simm.s32 @p1 $0x1;
	p0 =	seq.s32 s7, s2  }
0x1e: {  	s7 =	smul.u32 @!p0 $0xF7A, s2;
	p2 =	seq.s32 @!p0 s5, $0x0  }
0x1f: {  	s9 =	smul.u32 $0xF7A, s1;
	s8 =	simm.s32 @!p0 $0x1BF5;
	p2 =	por !p2, p0  }
0x20: {  	[sflag:s8] =	ssyncset.s32 @!p0 $0xFFFFF086;
	s6 =	sadd.s32 @!p0 s3, s7;
	s7 =	simm.s32 @!p0 $0x108  }
0x21: {  	s3 =	sadd.s32 s3, s9;
	s6 =	sadd.s32 @!p0 $0x88, s6;
	s7 =	simm.s32 @p2 $0x1082  }
0x22: {  	[simem:s7], [sflag:s8] =	dma.local @!p0 [hbm:s6], $0xF7A  }
0x23: {  	s9 =	sor.u32 $0xD0000000, s2;
	s6 =	simm.s32 $0x108;
	_ =	swait.ge @!p0 [sflag:s8], $0x0  }
0x24: {  	s3 =	sadd.s32 $0x88, s3;
	s6 =	simm.s32 @!p1 $0x1082;
	[sflag:s4] =	ssyncset.s32 $0xFFFFF086  }
0x25: {  	[simem:s6], [sflag:s4] =	dma.local [hbm:s3], $0xF7A  }
0x26: {  	[smem:$0x3F85] =	sst s1;
	(tag) =	ssettag s2;
	_ =	strace s9  }
0x27: {  	s1 =	sld [smem:$0x3F95]  }
0x28: {  	s2 =	sld [smem:$0x3F96]  }
0x29: {  	s4 =	sld [smem:$0x3F98]  }
0x2a: {  	p0 =	seq.s32 s5, $0x0;
	s5 =	sld [smem:$0x3F99]  }
0x2b: {  	s6 =	sld [smem:$0x3F9A]  }
0x2c: {  	s7 =	sld [smem:$0x3F9B]  }
0x2d: {  	s3 =	simm.s32 $0x108;
	s8 =	sld [smem:$0x3F9C]  }
0x2e: {  	s3 =	simm.s32 @!p0 $0x1082;
	s9 =	sld [smem:$0x3F9D]  }
0x2f: {  	lr =	sadd.s32 s0, s3;
	s0 =	sld [smem:$0x3F94]  }
0x30: {  	s3 =	sld [smem:$0x3F97]  }
0x31: {  	[smem:$0x3FA0] =	sst s10  }
0x32: {  	s10 =	sld [smem:$0x3F9E];
	_ =	sdelay $0x3  }
0x33: {  	p0 =	seq.s32 s10, $0x1;
	s10 =	sld [smem:$0x3FA0];
	_ =	sdelay $0x3  }
0x34: {  	[smem:$0x3FA0] =	sst s10  }
0x35: {  	s10 =	sld [smem:$0x3F9F];
	_ =	sdelay $0x3  }
0x36: {  	p1 =	seq.s32 s10, $0x1;
	s10 =	sld [smem:$0x3FA0];
	_ =	sdelay $0x3  }
0x37: {  	[smem:$0x3FA0] =	sst s10  }
0x38: {  	s10 =	sld [smem:$0x3FA1]  }
0x39: {  	_ = 	snop;
	(pc) =	sbr.ind lr, $3  }
0x3a: {  	_ = 	snop  }
0x3b: {  	_ = 	snop  }
0x3c: {  	p2 =	seq.s32 s10, $0x1;
	s10 =	sld [smem:$0x3FA0]  }
0x3d: {  	_ =	shalt  }
0x3e: {  	_ =	shalt  }
0x3f: {  	_ =	shalt  }
0x40: {  	_ =	shalt  }
0x41: {  	_ =	shalt  }
0x42: {  	_ =	shalt  }
0x43: {  	_ =	shalt  }
0x44: {  	_ =	shalt  }
0x45: {  	_ =	shalt  }
0x46: {  	_ =	shalt  }
0x47: {  	_ =	shalt  }
0x48: {  	_ =	shalt  }
0x49: {  	_ =	shalt  }
0x4a: {  	_ =	shalt  }
0x4b: {  	_ =	shalt  }
0x4c: {  	_ =	shalt  }
0x4d: {  	_ =	shalt  }
0x4e: {  	_ =	shalt  }
0x4f: {  	_ =	shalt  }
0x50: {  	_ =	shalt  }
0x51: {  	_ =	shalt  }
0x52: {  	_ =	shalt  }
0x53: {  	_ =	shalt  }
0x54: {  	_ =	shalt  }
0x55: {  	_ =	shalt  }
0x56: {  	_ =	shalt  }
0x57: {  	_ =	shalt  }
0x58: {  	_ =	shalt  }
0x59: {  	_ =	shalt  }
0x5a: {  	_ =	shalt  }
0x5b: {  	_ =	shalt  }
0x5c: {  	_ =	shalt  }
0x5d: {  	_ =	shalt  }
0x5e: {  	_ =	shalt  }
0x5f: {  	_ =	shalt  }
0x60: {  	_ =	shalt  }
0x61: {  	_ =	shalt  }
0x62: {  	_ =	shalt  }
0x63: {  	_ =	shalt  }
0x64: {  	_ =	shalt  }
0x65: {  	_ =	shalt  }
0x66: {  	_ =	shalt  }
0x67: {  	_ =	shalt  }
0x68: {  	_ =	shalt  }
0x69: {  	_ =	shalt  }
0x6a: {  	_ =	shalt  }
0x6b: {  	_ =	shalt  }
0x6c: {  	_ =	shalt  }
0x6d: {  	_ =	shalt  }
0x6e: {  	_ =	shalt  }
0x6f: {  	_ =	shalt  }
0x70: {  	_ =	shalt  }
0x71: {  	_ =	shalt  }
0x72: {  	_ =	shalt  }
0x73: {  	_ =	shalt  }
0x74: {  	_ =	shalt  }
0x75: {  	_ =	shalt  }
0x76: {  	_ =	shalt  }
0x77: {  	_ =	shalt  }
0x78: {  	_ =	shalt  }
0x79: {  	_ =	shalt  }
0x7a: {  	_ =	shalt  }
0x7b: {  	_ =	shalt  }
0x7c: {  	_ =	shalt  }
0x7d: {  	_ =	shalt  }
0x7e: {  	_ =	shalt  }
0x7f: {  	_ =	shalt  }
0x80: {  	_ =	shalt  }
0x81: {  	_ =	shalt  }
0x82: {  	_ =	shalt  }
0x83: {  	_ =	shalt  }
0x84: {  	_ =	shalt  }
0x85: {  	_ =	shalt  }
0x86: {  	_ =	shalt  }
0x87: {  	_ =	shalt  }
.Lfunc_end0:
.L_simem_size_0:
called_computation.2_lowered:
.L_overlay_start_0:
0x88: {  	s2 =	sld [smem:$0x3FD9]  }
0x89: {  	s3 =	sld [smem:$0x3FFE];
	_ =	sdelay $0x1  }
0x8a: {  	s1 =	srdreg.scid  }
0x8b: {  	s0 =	sand.u32 $0x1, s1  }
0x8c: {  	s14 =	sshll.u32 s0, $0xA;
	s2 =	sadd.s32 s3, s2  }
0x8d: {  	s2 =	sadd.s32 s2, s14  }
0x8e: {  	[smem:$0x3FAC] =	sst s2  }
0x8f: {  	_ = 	snop  }
0x90: {  	s2 =	sld [smem:$0x3FD0];
	_ =	sdelay $0x2  }
0x91: {  	s15 =	simm.s32 $0xA;
	s4 =	simm.s32 $0x10  }
0x92: {  	[smem:s4], [sflag:s15] =	dma.local [hbm:s2], $0x1  }
0x93: {  	_ =	swait.eq [sflag:s15], $0x1  }
0x94: {  	[sflag:s15] =	ssyncset.done $0x0  }
0x95: {  	[sflag:s15] =	ssyncadd.s32 $0xFFFFFFFF  }
0x96: {  	s16 =	sld [smem:$0x11];
	(tm) =	ssettm $0x1  }
0x97: {  	s17 =	sld [smem:$0x3FFB];
	_ =	sdelay $0x3  }
0x98: {  	_ =	strace s17  }
0x99: {  	s3 =	sld [smem:$0x3FFC];
	_ =	sdelay $0x3  }
0x9a: {  	_ =	strace s3  }
0x9b: {  	s3 =	sld [smem:$0x3FFD];
	_ =	sdelay $0x3  }
0x9c: {  	_ =	strace s3  }
0x9d: {  	_ =	strace $0x8FFFFFFF  }
0x9e: {  	s18 =	sld [smem:$0x3FDB];
	_ =	sdelay $0x1  }
0x9f: {  	s19 =	simm.s32 $_scs_section_size  }
0xa0: {  	s5 =	simm.s32 $_size__tile_overlayer_lowered;
	s6 =	simm.s32 $_tile_overlayer_lowered  }
0xa1: {  	s22 =	simm.s32 $0x1BFF;
	s21 =	sshll.u32 s6, $0x1;
	s3 =	sadd.s32 s19, s18  }
0xa2: {  	s7 =	simm.s32 $0x0;
	s20 =	sshll.u32 s5, $0x1;
	s5 =	sadd.s32 s21, s3  }
0xa3: {  	[timem:s7], [sflag:s22] =	dma.local [hbm:s5], s20  }
0xa4: {  	_ =	swait.ge [sflag:s22], s20  }
0xa5: {  	s4 =	ssub.s32 $0x0, s20;
	[sflag:s22] =	ssyncset.done $0x0  }
0xa6: {  	[sflag:s22] =	ssyncadd.s32 s4;
	_ =	sdelay $0x1  }
0xa7: {  	s23 =	simm.s32 $0x1B8B  }
0xa8: {  	_ =	swait.ge [sflag:s23], $0x1  }
0xa9: {  	[sflag:s23] =	ssyncset.done $0x0  }
0xaa: {  	s25 =	simm.s32 $0x1B8E;
	s24 =	sld [smem:$0x3FFE];
	[sflag:s23] =	ssyncadd.s32 $0xFFFFFFFF  }
0xab: {  	s26 =	simm.s32 $execute0_lowered;
	[smem:$0x3FD2] =	sst s25  }
0xac: {  	s5 =	sshll.u32 s26, $0x1;
	_ =	strace $0x8000005A;
	[dreg:$0x1] =	wrdreg $0xFFFFFFFF  }
0xad: {  	s28 =	simm.s32 $_size_execute0_lowered;
	s3 =	sadd.s32 s3, s5;
	[dreg:$0x0] =	wrdreg $0x0  }
0xae: {  	s5 =	sshll.u32 s28, $0x1;
	[dreg:$0x2] =	wrdreg s3  }
0xaf: {  	[dreg:$0x3] =	wrdreg s5  }
0xb0: {  	[dreg:$0x4] =	wrdreg $0xC0  }
0xb1: {  	_ =	task [dreg:s7], $0x5FFFF  }
0xb2: {  	[dreg:$0x1] =	wrdreg $0xFFFFFFFF  }
0xb3: {  	[dreg:$0x0] =	wrdreg $0x60  }
0xb4: {  	[dreg:$0x2] =	wrdreg s24  }
0xb5: {  	[dreg:$0x3] =	wrdreg s16  }
0xb6: {  	[dreg:$0x4] =	wrdreg $0x9  }
0xb7: {  	_ =	task.clear_ibuf [dreg:s7], $0x5FFFF;
	_ =	strace $0x9000005A  }
0xb8: {  	s29 =	simm.s32 $0x9;
	_ =	strace $0x80000063  }
0xb9: {  	_ =	swait.ge [sflag:s29], $0x1  }
0xba: {  	[sflag:s29] =	ssyncadd.s32 $0xFFFFFFFF  }
0xbb: {  	_ =	strace $0x90000063  }
0xbc: {  	_ =	sfence  }
0xbd: {  	s30 =	sld [smem:$0x0];
	_ =	sdelay $0x2  }
0xbe: {  	s31 =	sshll.u32 s1, $0xD;
	s1 =	sshrl.u32 s1, $0x2  }
0xbf: {  	s3 =	sand.u32 $0x4000, s31;
	s1 =	sadd.s32 s1, s30  }
0xc0: {  	s0 =	sor.u32 s3, s0;
	s1 =	sshll.u32 s1, $0x11  }
0xc1: {  	s0 =	sor.u32 s1, s0  }
0xc2: {  	s0 =	sadd.s32 $0x8F2B, s0  }
0xc3: {  	[sflag:s0] =	ssyncadd.remote.s32 $0x1  }
0xc4: {  	_ =	sfence.sel $0xFFFF  }
0xc5: {  	[dreg:$0x0] =	wrdreg $0xFFFFFFFF;
	(pc) =	sbr.abs _section_cstart, $3  }
0xc6: {  	[dreg:$0x1] =	wrdreg $0xFFFFFFFF  }
0xc7: {  	_ =	task.clear_ibuf [dreg:s7], $0x2FFFF;
	_ =	strace $0x9FFFFFFF  }
0xc8: {  	(tm) =	ssettm $0x7FFFFFFF  }
0xc9: {  	_ =	shalt  }
tec
execute0_lowered:
.L_overlay_start_1:
0x0: {  	(tag) =	ssettag $0x1  }
0x1: {  	s5 =	rddreg [dreg:$0x0]  }
0x2: {  	s1 =	rddreg [dreg:$0x1]  }
0x3: {  	s0 =	rddreg [dreg:$0x2]  }
0x4: {  	s2 =	simm.s32 $0x0;
	s3 =	srdreg.scid;
	s9 =	simm.s32 $0x4  }
0x5: {  	s10 =	simm.s32 $0x0;
	[smem:$0x7FF] =	sst s2;
	s4 =	sadd.s32 $0x5800, s5  }
0x6: {  	s6 =	sand.u32 $0x1, s3;
	s3 =	stileid.u32;
	s5 =	sadd.s32 $0x45800, s5  }
0x7: {  	_ =	strace $0x8000005B;
	s7 =	ssub.s32 $0x2, s6;
	s6 =	sshll.u32 s6, $0x4  }
0x8: {  	v2 =	vlaneseq.u32;
	[dreg:$0x3] =	wrdreg s5;
	s8 =	sshrl.u32 s7, $0x1;
	s6 =	sor.u32 s3, s6  }
0x9: {  	vm0 =	vmmov $0xffff;
	v1 =	vshrl.u32 v2, $0x3;
	s7 =	ssub.s32 s7, s8;
	s31 =	sshll.u32 s6, $0x7;
	s5 =	sshll.u32 s6, $0x3  }
0xa: {  	v0 =	vand.u32 $0x7, v2;
	v2 =	vor.u32 $0x8, v2;
	v1 =	vmul.u32 $0x8, v1;
	s8 =	simm.s32 $0x5;
	s6 =	sadd.s32 s1, s31;
	s7 =	smax.u32 s7, $0x1  }
.LBB2_1:
0xb: {  	_ =	strace $0x8000005C;
	s11 =	simm.s32 $0x8  }
0xc: {  	s12 =	simm.s32 $0x0;
	s13 =	simm.s32 $0x0;
	s14 =	simm.s32 $0x0  }
0xd: {  	[tilespmem:s2], [sflag:$0x1] =	stream.linear.gather [hbm4b:s6+s2], $0x80, $0x200038;
	[tilespmem:$0x10100] =	vst v63  }
0xe: {  	s15 =	simm.s32 $0x0;
	s16 =	simm.s32 $0x1;
	_ =	strace $0x9000005C  }
.LBB2_2:
0xf: {  	s17 =	smov.u32 s12;
	s12 =	sadd.s32 $0x1, s12  }
0x10: {  	p0 =	seq.s32 s12, $0x8  }
0x11: {  	s12 =	simm.s32 @p0 $0x0  }
0x12: {  	p6 =	sne.s32 s11, $0x1;
	p1 =	sne.s32 s17, s12  }
0x13: {  	p0 =	por !p6, !p1  }
0x14: {  	p0 =	por !p0, !p0  }
0x15: {  	s18 =	sadd.s32 @p0 s5, s12  }
0x16: {  	s19 =	sand.u32 @p0 $0x1, s16;
	s18 =	sshll.u32 @p0 s18, $0x4  }
0x17: {  	_ =	strace @p0 $0x8000005D;
	s21 =	simm.s32 @p0 $0x0;
	s18 =	sand.u32 @p0 $0x1FFFFFF0, s18  }
0x18: {  	s20 =	sshll.u32 @p0 s19, $0x7;
	s19 =	sadd.s32 @p0 $0x1, s19;
	s18 =	sadd.s32 @p0 s1, s18  }
0x19: {  	[tilespmem:s20], [sflag:s19] =	stream.linear.gather @p0 [hbm4b:s18+s21], $0x80, $0x200038;
	[tilespmem:$0x10100] =	vst v63  }
0x1a: {  	s24 =	sand.u32 $0x1, s15;
	_ =	strace @p0 $0x9000005D  }
0x1b: {  	s18 =	sadd.s32 $0x1, s24;
	_ =	strace $0x8000005E  }
0x1c: {  	_ =	swait.ge [sflag:s18], $0x80  }
0x1d: {  	[sflag:s18] =	ssyncset.done $0x0  }
0x1e: {  	[sflag:s18] =	ssyncadd.s32 $0xFFFFFF80  }
0x1f: {  	s25 =	sshll.u32 s15, $0x7;
	_ =	strace $0x9000005E  }
0x20: {  	s21 =	sand.u32 $0x80, s25;
	_ =	strace $0x8000005F  }
0x21: {  	v3 =	vld [tilespmem:s21+$0x0];
	_ =	sdelay $0x4  }
0x22: {  	v4 =	vshll.u32 v3, $0x1  }
0x23: {  	v3 =	vand.u32 $0x7, v3;
	v4 =	vand.u32 $0xFFFFFFF0, v4  }
0x24: {  	v3 =	vor.u32 v3, v4  }
0x25: {  	v4 =	vperm.xlane v3, v0;
	_ =	sdelay $0x1  }
0x26: {  	v3 =	vperm.xlane v3, v2;
	v4 =	vadd.s32 v1, v4;
	_ =	sdelay $0x1  }
0x27: {  	s18 =	sand.u32 $0x1, s14;
	v3 =	vadd.s32 v1, v3  }
0x28: {  	s20 =	sshll.u32 s18, $0xF  }
0x29: {  	s19 =	sor.u32 $0x100, s20  }
0x2a: {  	[tilespmem:s19], [sflag:$0x5] =	stream.indirect_vreg.gather [hbm4b:s4+s2], $0x80, v4, vm0, $0x2000b8;
	[tilespmem:$0x10100] =	vst v63  }
0x2b: {  	s22 =	sor.u32 $0x900, s20  }
0x2c: {  	[tilespmem:s22], [sflag:$0x5] =	stream.indirect_vreg.gather [hbm4b:s4+s2], $0x80, v3, vm0, $0x2000b8;
	[tilespmem:$0x10100] =	vst v63  }
0x2d: {  	v3 =	vld [tilespmem:s21+$0x10];
	_ =	sdelay $0x4  }
0x2e: {  	v57 =	vshll.u32 v3, $0x1  }
0x2f: {  	v3 =	vand.u32 $0x7, v3;
	v4 =	vand.u32 $0xFFFFFFF0, v57  }
0x30: {  	v3 =	vor.u32 v3, v4  }
0x31: {  	v4 =	vperm.xlane v3, v0;
	_ =	sdelay $0x1  }
0x32: {  	v3 =	vperm.xlane v3, v2;
	v4 =	vadd.s32 v1, v4;
	_ =	sdelay $0x1  }
0x33: {  	v3 =	vadd.s32 v1, v3;
	_ =	sdelay $0x1  }
0x34: {  	s26 =	sor.u32 $0x1100, s20  }
0x35: {  	[tilespmem:s26], [sflag:$0x5] =	stream.indirect_vreg.gather [hbm4b:s4+s2], $0x80, v4, vm0, $0x2000b8;
	[tilespmem:$0x10100] =	vst v63  }
0x36: {  	s28 =	sor.u32 $0x1900, s20  }
0x37: {  	[tilespmem:s28], [sflag:$0x5] =	stream.indirect_vreg.gather [hbm4b:s4+s2], $0x80, v3, vm0, $0x2000b8;
	[tilespmem:$0x10100] =	vst v63  }
0x38: {  	v3 =	vld [tilespmem:s21+$0x20];
	_ =	sdelay $0x4  }
0x39: {  	v58 =	vshll.u32 v3, $0x1  }
0x3a: {  	v3 =	vand.u32 $0x7, v3;
	v4 =	vand.u32 $0xFFFFFFF0, v58  }
0x3b: {  	v3 =	vor.u32 v3, v4  }
0x3c: {  	v4 =	vperm.xlane v3, v0;
	_ =	sdelay $0x1  }
0x3d: {  	v3 =	vperm.xlane v3, v2;
	v4 =	vadd.s32 v1, v4;
	_ =	sdelay $0x1  }
0x3e: {  	v3 =	vadd.s32 v1, v3;
	_ =	sdelay $0x1  }
0x3f: {  	s29 =	sor.u32 $0x2100, s20  }
0x40: {  	[tilespmem:s29], [sflag:$0x5] =	stream.indirect_vreg.gather [hbm4b:s4+s2], $0x80, v4, vm0, $0x2000b8;
	[tilespmem:$0x10100] =	vst v63  }
0x41: {  	s30 =	sor.u32 $0x2900, s20  }
0x42: {  	[tilespmem:s30], [sflag:$0x5] =	stream.indirect_vreg.gather [hbm4b:s4+s2], $0x80, v3, vm0, $0x2000b8;
	[tilespmem:$0x10100] =	vst v63  }
0x43: {  	v3 =	vld [tilespmem:s21+$0x30];
	_ =	sdelay $0x4  }
0x44: {  	v59 =	vshll.u32 v3, $0x1  }
0x45: {  	v3 =	vand.u32 $0x7, v3;
	v4 =	vand.u32 $0xFFFFFFF0, v59  }
0x46: {  	v3 =	vor.u32 v3, v4  }
0x47: {  	v4 =	vperm.xlane v3, v0;
	_ =	sdelay $0x1  }
0x48: {  	v3 =	vperm.xlane v3, v2;
	v4 =	vadd.s32 v1, v4;
	_ =	sdelay $0x1  }
0x49: {  	v3 =	vadd.s32 v1, v3;
	_ =	sdelay $0x1  }
0x4a: {  	s31 =	sor.u32 $0x3100, s20  }
0x4b: {  	[tilespmem:s31], [sflag:$0x5] =	stream.indirect_vreg.gather [hbm4b:s4+s2], $0x80, v4, vm0, $0x2000b8;
	[tilespmem:$0x10100] =	vst v63  }
0x4c: {  	s23 =	sor.u32 $0x3900, s20  }
0x4d: {  	[tilespmem:s23], [sflag:$0x5] =	stream.indirect_vreg.gather [hbm4b:s4+s2], $0x80, v3, vm0, $0x2000b8;
	[tilespmem:$0x10100] =	vst v63  }
0x4e: {  	v3 =	vld [tilespmem:s21+$0x40];
	_ =	sdelay $0x4  }
0x4f: {  	v60 =	vshll.u32 v3, $0x1  }
0x50: {  	v3 =	vand.u32 $0x7, v3;
	v4 =	vand.u32 $0xFFFFFFF0, v60  }
0x51: {  	v3 =	vor.u32 v3, v4  }
0x52: {  	v4 =	vperm.xlane v3, v0;
	_ =	sdelay $0x1  }
0x53: {  	v3 =	vperm.xlane v3, v2;
	v4 =	vadd.s32 v1, v4;
	_ =	sdelay $0x1  }
0x54: {  	v3 =	vadd.s32 v1, v3;
	_ =	sdelay $0x1  }
0x55: {  	s24 =	sor.u32 $0x4100, s20  }
0x56: {  	[tilespmem:s24], [sflag:$0x5] =	stream.indirect_vreg.gather [hbm4b:s4+s2], $0x80, v4, vm0, $0x2000b8;
	[tilespmem:$0x10100] =	vst v63  }
0x57: {  	s25 =	sor.u32 $0x4900, s20  }
0x58: {  	[tilespmem:s25], [sflag:$0x5] =	stream.indirect_vreg.gather [hbm4b:s4+s2], $0x80, v3, vm0, $0x2000b8;
	[tilespmem:$0x10100] =	vst v63  }
0x59: {  	v3 =	vld [tilespmem:s21+$0x50];
	_ =	sdelay $0x4  }
0x5a: {  	v61 =	vshll.u32 v3, $0x1  }
0x5b: {  	v3 =	vand.u32 $0x7, v3;
	v4 =	vand.u32 $0xFFFFFFF0, v61  }
0x5c: {  	v3 =	vor.u32 v3, v4  }
0x5d: {  	v4 =	vperm.xlane v3, v0;
	_ =	sdelay $0x1  }
0x5e: {  	v3 =	vperm.xlane v3, v2;
	v4 =	vadd.s32 v1, v4;
	_ =	sdelay $0x1  }
0x5f: {  	v3 =	vadd.s32 v1, v3;
	_ =	sdelay $0x1  }
0x60: {  	s26 =	sor.u32 $0x5100, s20  }
0x61: {  	[tilespmem:s26], [sflag:$0x5] =	stream.indirect_vreg.gather [hbm4b:s4+s2], $0x80, v4, vm0, $0x2000b8;
	[tilespmem:$0x10100] =	vst v63  }
0x62: {  	s28 =	sor.u32 $0x5900, s20  }
0x63: {  	[tilespmem:s28], [sflag:$0x5] =	stream.indirect_vreg.gather [hbm4b:s4+s2], $0x80, v3, vm0, $0x2000b8;
	[tilespmem:$0x10100] =	vst v63  }
0x64: {  	v3 =	vld [tilespmem:s21+$0x60];
	_ =	sdelay $0x4  }
0x65: {  	v62 =	vshll.u32 v3, $0x1  }
0x66: {  	v3 =	vand.u32 $0x7, v3;
	v4 =	vand.u32 $0xFFFFFFF0, v62  }
0x67: {  	v3 =	vor.u32 v3, v4  }
0x68: {  	v4 =	vperm.xlane v3, v0;
	_ =	sdelay $0x1  }
0x69: {  	v3 =	vperm.xlane v3, v2;
	v4 =	vadd.s32 v1, v4;
	_ =	sdelay $0x1  }
0x6a: {  	v3 =	vadd.s32 v1, v3;
	_ =	sdelay $0x1  }
0x6b: {  	s29 =	sor.u32 $0x6100, s20  }
0x6c: {  	[tilespmem:s29], [sflag:$0x5] =	stream.indirect_vreg.gather [hbm4b:s4+s2], $0x80, v4, vm0, $0x2000b8;
	[tilespmem:$0x10100] =	vst v63  }
0x6d: {  	s30 =	sor.u32 $0x6900, s20  }
0x6e: {  	[tilespmem:s30], [sflag:$0x5] =	stream.indirect_vreg.gather [hbm4b:s4+s2], $0x80, v3, vm0, $0x2000b8;
	[tilespmem:$0x10100] =	vst v63  }
0x6f: {  	v3 =	vld [tilespmem:s21+$0x70];
	_ =	sdelay $0x4  }
0x70: {  	v63 =	vshll.u32 v3, $0x1  }
0x71: {  	v3 =	vand.u32 $0x7, v3;
	v4 =	vand.u32 $0xFFFFFFF0, v63  }
0x72: {  	v3 =	vor.u32 v3, v4  }
0x73: {  	v4 =	vperm.xlane v3, v0;
	_ =	sdelay $0x1  }
0x74: {  	v3 =	vperm.xlane v3, v2;
	v4 =	vadd.s32 v1, v4;
	_ =	sdelay $0x1  }
0x75: {  	v3 =	vadd.s32 v1, v3;
	_ =	sdelay $0x1  }
0x76: {  	s31 =	sor.u32 $0x7100, s20  }
0x77: {  	[tilespmem:s31], [sflag:$0x5] =	stream.indirect_vreg.gather [hbm4b:s4+s2], $0x80, v4, vm0, $0x2000b8;
	[tilespmem:$0x10100] =	vst v63  }
0x78: {  	s20 =	sor.u32 $0x7900, s20  }
0x79: {  	[tilespmem:s20], [sflag:$0x5] =	stream.indirect_vreg.gather [hbm4b:s4+s2], $0x80, v3, vm0, $0x2000b8;
	[tilespmem:$0x10100] =	vst v63  }
0x7a: {  	_ =	swait.ge [sflag:s8], $0x8000  }
0x7b: {  	p2 =	seq.s32 s11, $0x1;
	[sflag:s8] =	ssyncset.done $0x0  }
0x7c: {  	s17 =	sadd.s32 s5, s17;
	p1 =	por p2, p1;
	[sflag:s8] =	ssyncadd.s32 $0xFFFF8000  }
0x7d: {  	s17 =	sshll.u32 @p1 s17, $0xC;
	_ =	strace $0x9000005F  }
0x7e: {  	s17 =	sand.u32 @p1 $0x1FFFF000, s17;
	s21 =	simm.s32 $0x1;
	_ =	strace @p1 $0x80000060  }
0x7f: {  	s18 =	sadd.s32 @p1 $0x3, s18;
	s21 =	simm.s32 @!p0 $0x0;
	s20 =	rddreg [dreg:$0x3]  }
0x80: {  	p0 =	seq.s32 s11, $0x8;
	s17 =	sadd.s32 @p1 s20, s17;
	s20 =	simm.s32 @p1 $0x0  }
0x81: {  	[hbm4b:s17+s20] =	stream.linear.scatter @p1 [tilespmem:s19], [sflag:s18], $0x8000, $0x200038;
	[tilespmem:$0x10100] =	vst v63  }
0x82: {  	s17 =	simm.s32 $0x1;
	s19 =	simm.s32 $0x1;
	_ =	strace @p1 $0x90000060  }
0x83: {  	s17 =	simm.s32 @!p1 $0x0;
	p1 =	sne.s32 s11, $0x8;
	s11 =	sadd.s32 $0xFFFFFFFF, s11  }
0x84: {  	s18 =	sand.u32 @!p0 $0x1, s13;
	s19 =	simm.s32 @!p1 $0x0;
	p1 =	sne.s32 s11, $0x0  }
.Ltmp0:
0x85: {  	s18 =	sadd.s32 @!p0 $0x3, s18;
	_ =	strace @!p0 $0x80000061;
	(pc) =	sbr.rel @p1 .LBB2_2-.Ltmp0, $4  }
0x86: {  	_ =	swait.ge @!p0 [sflag:s18], $0x8000  }
0x87: {  	[sflag:s18] =	ssyncset.done @!p0 $0x0  }
0x88: {  	s16 =	sadd.s32 s21, s16;
	s14 =	sadd.s32 s17, s14;
	[sflag:s18] =	ssyncadd.s32 @!p0 $0xFFFF8000  }
0x89: {  	s15 =	sadd.s32 s17, s15;
	s13 =	sadd.s32 s19, s13;
	_ =	strace @!p0 $0x90000061  }
0x8a: {  	s10 =	sadd.s32 $0x1, s10  }
0x8b: {  	p0 =	sne.s32 s10, s7  }
.Ltmp1:
0x8c: {  	_ =	strace $0x80000062;
	(pc) =	sbr.rel @p0 .LBB2_1-.Ltmp1, $4  }
0x8d: {  	_ =	swait.ge [sflag:s9], $0x8000  }
0x8e: {  	[sflag:s9] =	ssyncset.done $0x0  }
0x8f: {  	[sflag:s9] =	ssyncadd.s32 $0xFFFF8000  }
0x90: {  	_ =	strace $0x90000062  }
0x91: {  	_ =	sfence.sel $0x180000  }
0x92: {  	[bflag:$0x0] =	sbarrier.arrive $0xFFFF  }
0x93: {  	p0 =	sne.s32 s3, $0x0;
	_ =	strace $0x9000005B  }
0x94: {  	s0 =	sadd.s32 @!p0 $0x100000, s0;
	[bflag:$0x2] =	sbarrier.arrive $0xFFFF  }
0x95: {  	[sflag:s0] =	ssyncadd.tile.s32 @!p0 $0x1;
	_ =	shalt  }
.Lfunc_end2:
_tile_overlayer_lowered:
.L_overlay_start_2:
0x96: {  	(tag) =	ssettag $0x2  }
0x97: {  	s0 =	rddreg [dreg:$0x0];
	s2 =	stileid.u32  }
0x98: {  	s1 =	rddreg [dreg:$0x1];
	p0 =	sne.s32 s2, $0x0  }
0x99: {  	s3 =	rddreg [dreg:$0x2];
	[bflag:$0x3] =	sbarrier.arrive $0xFFFF;
	s2 =	simm.s32 @!p0 $0x1C01  }
0x9a: {  	[timem:s3], [sflag:s2] =	dma.local @!p0 [hbm:s0], s1  }
0x9b: {  	s0 =	simm.s32 @!p0 $0x1  }
0x9c: {  	_ =	swait.ge @!p0 [sflag:s0], s1  }
0x9d: {  	s1 =	ssub.s32 @!p0 $0x0, s1;
	[sflag:s0] =	ssyncset.done @!p0 $0x0  }
0x9e: {  	[sflag:s0] =	ssyncadd.s32 @!p0 s1  }
0x9f: {  	[bflag:$0x3] =	sbarrier.arrive $0xFFFF  }
0xa0: {  	_ =	shalt  }

</sc_bundles>
